<compile_context>
chip_gen: v7x
topology: tpu7x:2x2x1
jax: 0.10.2.dev20260603
libtpu: 0.0.44.dev20260713+nightly
codegen_flags: <defaults>
</compile_context>

<pallas_src>
import functools

import jax
import jax.numpy as jnp
from jax import lax
from jax.experimental import pallas as pl
from jax.experimental.pallas import tpu as pltpu
from jax.experimental.pallas import tpu_sc as plsc

VOCAB = 100000
EMB = 64
B = 4096
L = 200

NW = 32
BG = B // NW
NB = B // 128
NE = EMB // 8
K = 4
NIT = L // K


def _body(xt_hbm, emb_hbm, posx_hbm, out_hbm,
          idx0, idx1, rowsa0, rowsa1, rowsb0, rowsb1, posx0, posx1,
          sem_i0, sem_i1, sem_g0, sem_g1, sem_s0, sem_s1):
    idx_v = (idx0, idx1)
    rows_a = (rowsa0, rowsa1)
    rows_b = (rowsb0, rowsb1)
    posx_v = (posx0, posx1)
    sem_i = (sem_i0, sem_i1)
    sem_g = (sem_g0, sem_g1)
    sem_s = (sem_s0, sem_s1)

    sid = lax.axis_index("s")
    g = sid * 2 + lax.axis_index("c")

    def idx_load(m, b):
        pltpu.async_copy(
            xt_hbm.at[pl.ds(m * K, K), pl.ds(g * 128, 128)], idx_v[b], sem_i[b])

    def posx_load(m, b):
        pltpu.async_copy(posx_hbm.at[pl.ds(m * K, K)], posx_v[b], sem_i[b])

    def wait_idx(b):
        pltpu.make_async_copy(
            xt_hbm.at[pl.ds(0, K), pl.ds(0, 128)], idx_v[b], sem_i[b]).wait()
        pltpu.make_async_copy(posx_hbm.at[pl.ds(0, K)], posx_v[b], sem_i[b]).wait()

    def gather(b):
        for li in range(K):
            pltpu.async_copy(
                emb_hbm.at[idx_v[b].at[li]], rows_a[b].at[li], sem_g[b])

    def wait_gather(b):
        for li in range(K):
            pltpu.make_async_copy(
                emb_hbm.at[idx_v[b].at[li]], rows_a[b].at[li], sem_g[b]).wait()

    def store(l, b):
        pltpu.async_copy(
            rows_b[b].at[:, :, pl.ds(0, 128)], out_hbm.at[l, :, g], sem_s[b])

    def wait_store(b):
        pltpu.make_async_copy(
            rows_b[b].at[:, :, pl.ds(0, 128)], out_hbm.at[0, :, 0], sem_s[b]
        ).wait()

    pltpu.async_copy(out_hbm.at[0, :, g], rows_b[0].at[:, :, pl.ds(0, 128)], sem_s[0])
    pltpu.async_copy(out_hbm.at[0, :, g], rows_b[1].at[:, :, pl.ds(0, 128)], sem_s[1])

    idx_load(0, 0)
    posx_load(0, 0)
    idx_load(1, 1)
    posx_load(1, 1)
    wait_idx(0)
    gather(0)

    @pl.loop(0, NIT, step=2)
    def _pos(t):
        for db in range(2):
            m = t + db
            b = db
            o = 1 - db

            wait_gather(b)
            idx_load(lax.min(m + 2, NIT - 1), b)
            wait_idx(o)
            gather(o)

            lanes = lax.iota(jnp.int32, 16)
            d0c = [(lanes + e0 * 16) // 8 for e0 in range(EMB // 16)]
            d1c = [lax.rem(lanes + e0 * 16, 8) for e0 in range(EMB // 16)]
            for li in range(K):
                sb = li % 2
                wait_store(sb)
                pvecs = [
                    posx_v[b][li, pl.ds(e0 * 16, 16)]
                    for e0 in range(EMB // 16)
                ]

                @plsc.parallel_loop(0, 128, unroll=8)
                def _tok(tok, li=li, sb=sb, pvecs=pvecs):
                    blv = lanes * 0 + tok
                    for e0 in range(EMB // 16):
                        v = rows_a[b][li, tok, pl.ds(e0 * 16, 16)]
                        plsc.store_scatter(
                            rows_b[sb], [d0c[e0], d1c[e0], blv], v + pvecs[e0])

                store(m * K + li, sb)
            posx_load(lax.min(m + 2, NIT - 1), b)

    wait_idx(1)
    wait_gather(0)
    wait_store(0)
    wait_store(1)


@jax.jit
def kernel(x, emb_table, pos_table):
    xt = x.T
    posx = pos_table[:L]

    mesh = plsc.VectorSubcoreMesh(core_axis_name="c", subcore_axis_name="s")
    out5 = pl.kernel(
        _body,
        out_type=jax.ShapeDtypeStruct((L, NE, NB, 8, 128), jnp.float32),
        mesh=mesh,
        compiler_params=pltpu.CompilerParams(use_tc_tiling_on_sc=False, needs_layout_passes=False),
        scratch_types=[
            pltpu.VMEM((K, 128), jnp.int32),
            pltpu.VMEM((K, 128), jnp.int32),
            pltpu.VMEM((K, 128, EMB), jnp.float32),
            pltpu.VMEM((K, 128, EMB), jnp.float32),
            pltpu.VMEM((NE, 8, 137), jnp.float32),
            pltpu.VMEM((NE, 8, 137), jnp.float32),
            pltpu.VMEM((K, EMB), jnp.float32),
            pltpu.VMEM((K, EMB), jnp.float32),
            pltpu.SemaphoreType.DMA,
            pltpu.SemaphoreType.DMA,
            pltpu.SemaphoreType.DMA,
            pltpu.SemaphoreType.DMA,
            pltpu.SemaphoreType.DMA,
            pltpu.SemaphoreType.DMA,
        ],
    )(xt, emb_table, posx)
    return out5.transpose(2, 4, 0, 1, 3).reshape(B, L, EMB)

# --- scband reference (transcript-rebuilt; emitter-appended) ---
"""Pipeline reference for scband-text-token-embedding-1099511627936 (READ-ONLY COPY).

The authoritative reference and input builder live on the scoring server;
editing this copy changes nothing except your own understanding.
"""

import jax, jax.numpy as jnp
import numpy as np

VOCAB = 100000
EMB = 64
MAX_LEN = 256
B = 4096
L = 200

def setup_inputs(seed: int = 0) -> dict:
    key = jax.random.key(seed)
    k1, k2, k3 = jax.random.split(key, 3)
    x = jax.random.randint(k1, (B, L), 0, VOCAB, dtype=jnp.int64) if jax.config.jax_enable_x64 else jax.random.randint(k1, (B, L), 0, VOCAB, dtype=jnp.int32)
    emb_table = jax.random.normal(k2, (VOCAB, EMB), dtype=jnp.float32)
    pos_table = jax.random.normal(k3, (MAX_LEN, EMB), dtype=jnp.float32)
    return {"x": x, "emb_table": emb_table, "pos_table": pos_table}

def reference(x, emb_table, pos_table):
    # token embedding lookup: B x L -> B x L x EMB
    x_emb = jnp.take(emb_table, x, axis=0)
    # positional embedding for positions 0..L-1, broadcast over batch
    pos_ids = jnp.arange(x.shape[1])
    x_pos_emb = jnp.take(pos_table, pos_ids, axis=0)
    x_emb = x_emb + x_pos_emb[None, :, :]
    return x_emb

if __name__ == "__main__":
    import jax
    _d = setup_inputs()
    print(jax.jit(kernel)(*tuple(_d.values())))

</pallas_src>

<mosaic_0001>
#map = affine_map<(d0, d1) -> (0, 0)>
#map1 = affine_map<(d0, d1) -> (0, 0, 0, 0, 0)>
module attributes {stable_mosaic.version = 14 : i64} {
  func.func @_body(%arg0: i32, %arg1: i32, %arg2: memref<200x4096xi32, #tpu.memory_space<hbm>>, %arg3: memref<100000x64xf32, #tpu.memory_space<hbm>>, %arg4: memref<200x64xf32, #tpu.memory_space<hbm>>, %arg5: memref<200x8x32x8x128xf32, #tpu.memory_space<hbm>>, %arg6: memref<4x128xi32, #tpu.memory_space<vmem>>, %arg7: memref<4x128xi32, #tpu.memory_space<vmem>>, %arg8: memref<4x128x64xf32, #tpu.memory_space<vmem>>, %arg9: memref<4x128x64xf32, #tpu.memory_space<vmem>>, %arg10: memref<8x8x137xf32, #tpu.memory_space<vmem>>, %arg11: memref<8x8x137xf32, #tpu.memory_space<vmem>>, %arg12: memref<4x64xf32, #tpu.memory_space<vmem>>, %arg13: memref<4x64xf32, #tpu.memory_space<vmem>>, %arg14: memref<!tpu.dma_semaphore, #tpu.memory_space<semaphore_mem>>, %arg15: memref<!tpu.dma_semaphore, #tpu.memory_space<semaphore_mem>>, %arg16: memref<!tpu.dma_semaphore, #tpu.memory_space<semaphore_mem>>, %arg17: memref<!tpu.dma_semaphore, #tpu.memory_space<semaphore_mem>>, %arg18: memref<!tpu.dma_semaphore, #tpu.memory_space<semaphore_mem>>, %arg19: memref<!tpu.dma_semaphore, #tpu.memory_space<semaphore_mem>>) attributes {dimension_semantics = [#tpu.dimension_semantics<core_parallel>, #tpu.dimension_semantics<subcore_parallel>], iteration_bounds = array<i64: 2, 16>, scalar_prefetch = 0 : i64, scratch_operands = 14 : i64, tpu.core_type = #tpu.core_type<sc_vector_subcore>, window_params = [{transform_indices = #map}, {transform_indices = #map}, {transform_indices = #map}, {transform_indices = #map1}]} {
    %mul3A = arith.constant 2 : i32
    %mul3A_0 = arith.muli %arg1, %mul3A : i32
    %add3A = arith.addi %mul3A_0, %arg0 : i32
    %dma_start3A = arith.constant 0 : i32
    %dma_start3A_1 = arith.constant 0 : i32
    %dma_start3A_2 = arith.constant 0 : i32
    %dma_start3A_3 = arith.constant 0 : i32
    %dma_start3A_4 = tpu.memref_slice %arg10[%dma_start3A_1, %dma_start3A_2, %dma_start3A_3] : memref<8x8x137xf32, #tpu.memory_space<vmem>> -> memref<8x8x128xf32, #tpu.memory_space<vmem>>
    %dma_start3A_5 = arith.constant 0 : i32
    %dma_start3A_6 = arith.constant 0 : i32
    %dma_start3A_7 = arith.constant 0 : i32
    %dma_start3A_8 = tpu.memref_slice %arg5[%dma_start3A, %dma_start3A_5, %add3A, %dma_start3A_6, %dma_start3A_7] : memref<200x8x32x8x128xf32, #tpu.memory_space<hbm>> -> memref<1x8x1x8x128xf32, #tpu.memory_space<hbm>>
    %dma_start3A_9 = tpu.memref_squeeze %dma_start3A_8 : memref<1x8x1x8x128xf32, #tpu.memory_space<hbm>> -> memref<8x8x128xf32, #tpu.memory_space<hbm>>
    %dma_start3A_10 = arith.constant 0 : i32
    %dma_start3A_11 = arith.constant 0 : i32
    %dma_start3A_12 = arith.constant 0 : i32
    %dma_start3A_13 = tpu.memref_slice %arg10[%dma_start3A_10, %dma_start3A_11, %dma_start3A_12] : memref<8x8x137xf32, #tpu.memory_space<vmem>> -> memref<8x8x128xf32, #tpu.memory_space<vmem>>
    %dma_start3A_14 = arith.constant 0 : i32
    %dma_start3A_15 = arith.constant 0 : i32
    %dma_start3A_16 = arith.constant 0 : i32
    %dma_start3A_17 = tpu.memref_slice %arg5[%dma_start3A, %dma_start3A_14, %add3A, %dma_start3A_15, %dma_start3A_16] : memref<200x8x32x8x128xf32, #tpu.memory_space<hbm>> -> memref<1x8x1x8x128xf32, #tpu.memory_space<hbm>>
    %dma_start3A_18 = tpu.memref_squeeze %dma_start3A_17 : memref<1x8x1x8x128xf32, #tpu.memory_space<hbm>> -> memref<8x8x128xf32, #tpu.memory_space<hbm>>
    tpu.enqueue_dma source(%dma_start3A_18 : memref<8x8x128xf32, #tpu.memory_space<hbm>>) target(%dma_start3A_13 : memref<8x8x128xf32, #tpu.memory_space<vmem>>) target_semaphore(%arg18 : memref<!tpu.dma_semaphore, #tpu.memory_space<semaphore_mem>>)
    %dma_start3A_19 = arith.constant 0 : i32
    %dma_start3A_20 = arith.constant 0 : i32
    %dma_start3A_21 = arith.constant 0 : i32
    %dma_start3A_22 = arith.constant 0 : i32
    %dma_start3A_23 = tpu.memref_slice %arg11[%dma_start3A_20, %dma_start3A_21, %dma_start3A_22] : memref<8x8x137xf32, #tpu.memory_space<vmem>> -> memref<8x8x128xf32, #tpu.memory_space<vmem>>
    %dma_start3A_24 = arith.constant 0 : i32
    %dma_start3A_25 = arith.constant 0 : i32
    %dma_start3A_26 = arith.constant 0 : i32
    %dma_start3A_27 = tpu.memref_slice %arg5[%dma_start3A_19, %dma_start3A_24, %add3A, %dma_start3A_25, %dma_start3A_26] : memref<200x8x32x8x128xf32, #tpu.memory_space<hbm>> -> memref<1x8x1x8x128xf32, #tpu.memory_space<hbm>>
    %dma_start3A_28 = tpu.memref_squeeze %dma_start3A_27 : memref<1x8x1x8x128xf32, #tpu.memory_space<hbm>> -> memref<8x8x128xf32, #tpu.memory_space<hbm>>
    %dma_start3A_29 = arith.constant 0 : i32
    %dma_start3A_30 = arith.constant 0 : i32
    %dma_start3A_31 = arith.constant 0 : i32
    %dma_start3A_32 = tpu.memref_slice %arg11[%dma_start3A_29, %dma_start3A_30, %dma_start3A_31] : memref<8x8x137xf32, #tpu.memory_space<vmem>> -> memref<8x8x128xf32, #tpu.memory_space<vmem>>
    %dma_start3A_33 = arith.constant 0 : i32
    %dma_start3A_34 = arith.constant 0 : i32
    %dma_start3A_35 = arith.constant 0 : i32
    %dma_start3A_36 = tpu.memref_slice %arg5[%dma_start3A_19, %dma_start3A_33, %add3A, %dma_start3A_34, %dma_start3A_35] : memref<200x8x32x8x128xf32, #tpu.memory_space<hbm>> -> memref<1x8x1x8x128xf32, #tpu.memory_space<hbm>>
    %dma_start3A_37 = tpu.memref_squeeze %dma_start3A_36 : memref<1x8x1x8x128xf32, #tpu.memory_space<hbm>> -> memref<8x8x128xf32, #tpu.memory_space<hbm>>
    tpu.enqueue_dma source(%dma_start3A_37 : memref<8x8x128xf32, #tpu.memory_space<hbm>>) target(%dma_start3A_32 : memref<8x8x128xf32, #tpu.memory_space<vmem>>) target_semaphore(%arg19 : memref<!tpu.dma_semaphore, #tpu.memory_space<semaphore_mem>>)
    %mul3A_38 = arith.constant 128 : i32
    %mul3A_39 = arith.muli %add3A, %mul3A_38 : i32
    %dma_start3A_40 = arith.constant 0 : i32
    %dma_start3A_41 = tpu.memref_slice %arg2[%dma_start3A_40, %mul3A_39] : memref<200x4096xi32, #tpu.memory_space<hbm>> -> memref<4x128xi32, #tpu.memory_space<hbm>>
    %dma_start3A_42 = arith.constant 0 : i32
    %dma_start3A_43 = tpu.memref_slice %arg2[%dma_start3A_42, %mul3A_39] : memref<200x4096xi32, #tpu.memory_space<hbm>> -> memref<4x128xi32, #tpu.memory_space<hbm>>
    tpu.enqueue_dma source(%dma_start3A_43 : memref<4x128xi32, #tpu.memory_space<hbm>>) target(%arg6 : memref<4x128xi32, #tpu.memory_space<vmem>>) target_semaphore(%arg14 : memref<!tpu.dma_semaphore, #tpu.memory_space<semaphore_mem>>)
    %dma_start3A_44 = arith.constant 0 : i32
    %dma_start3A_45 = arith.constant 0 : i32
    %dma_start3A_46 = tpu.memref_slice %arg4[%dma_start3A_44, %dma_start3A_45] : memref<200x64xf32, #tpu.memory_space<hbm>> -> memref<4x64xf32, #tpu.memory_space<hbm>>
    %dma_start3A_47 = arith.constant 0 : i32
    %dma_start3A_48 = arith.constant 0 : i32
    %dma_start3A_49 = tpu.memref_slice %arg4[%dma_start3A_47, %dma_start3A_48] : memref<200x64xf32, #tpu.memory_space<hbm>> -> memref<4x64xf32, #tpu.memory_space<hbm>>
    tpu.enqueue_dma source(%dma_start3A_49 : memref<4x64xf32, #tpu.memory_space<hbm>>) target(%arg12 : memref<4x64xf32, #tpu.memory_space<vmem>>) target_semaphore(%arg14 : memref<!tpu.dma_semaphore, #tpu.memory_space<semaphore_mem>>)
    %mul3A_50 = arith.constant 128 : i32
    %mul3A_51 = arith.muli %add3A, %mul3A_50 : i32
    %dma_start3A_52 = arith.constant 4 : i32
    %dma_start3A_53 = tpu.memref_slice %arg2[%dma_start3A_52, %mul3A_51] : memref<200x4096xi32, #tpu.memory_space<hbm>> -> memref<4x128xi32, #tpu.memory_space<hbm>>
    %dma_start3A_54 = arith.constant 4 : i32
    %dma_start3A_55 = tpu.memref_slice %arg2[%dma_start3A_54, %mul3A_51] : memref<200x4096xi32, #tpu.memory_space<hbm>> -> memref<4x128xi32, #tpu.memory_space<hbm>>
    tpu.enqueue_dma source(%dma_start3A_55 : memref<4x128xi32, #tpu.memory_space<hbm>>) target(%arg7 : memref<4x128xi32, #tpu.memory_space<vmem>>) target_semaphore(%arg15 : memref<!tpu.dma_semaphore, #tpu.memory_space<semaphore_mem>>)
    %dma_start3A_56 = arith.constant 4 : i32
    %dma_start3A_57 = arith.constant 0 : i32
    %dma_start3A_58 = tpu.memref_slice %arg4[%dma_start3A_56, %dma_start3A_57] : memref<200x64xf32, #tpu.memory_space<hbm>> -> memref<4x64xf32, #tpu.memory_space<hbm>>
    %dma_start3A_59 = arith.constant 4 : i32
    %dma_start3A_60 = arith.constant 0 : i32
    %dma_start3A_61 = tpu.memref_slice %arg4[%dma_start3A_59, %dma_start3A_60] : memref<200x64xf32, #tpu.memory_space<hbm>> -> memref<4x64xf32, #tpu.memory_space<hbm>>
    tpu.enqueue_dma source(%dma_start3A_61 : memref<4x64xf32, #tpu.memory_space<hbm>>) target(%arg13 : memref<4x64xf32, #tpu.memory_space<vmem>>) target_semaphore(%arg15 : memref<!tpu.dma_semaphore, #tpu.memory_space<semaphore_mem>>)
    %dma_wait3A = arith.constant 0 : i32
    %dma_wait3A_62 = arith.constant 0 : i32
    %dma_wait3A_63 = tpu.memref_slice %arg2[%dma_wait3A, %dma_wait3A_62] : memref<200x4096xi32, #tpu.memory_space<hbm>> -> memref<4x128xi32, #tpu.memory_space<hbm>>
    %dma_wait3A_64 = arith.constant 0 : i32
    %dma_wait3A_65 = arith.constant 0 : i32
    %dma_wait3A_66 = tpu.memref_slice %arg2[%dma_wait3A_64, %dma_wait3A_65] : memref<200x4096xi32, #tpu.memory_space<hbm>> -> memref<4x128xi32, #tpu.memory_space<hbm>>
    tpu.wait_dma2 semaphore(%arg14 : memref<!tpu.dma_semaphore, #tpu.memory_space<semaphore_mem>>) src(%dma_wait3A_66 : memref<4x128xi32, #tpu.memory_space<hbm>>) dst(%arg6 : memref<4x128xi32, #tpu.memory_space<vmem>>)
    %dma_wait3A_67 = arith.constant 0 : i32
    %dma_wait3A_68 = arith.constant 0 : i32
    %dma_wait3A_69 = tpu.memref_slice %arg4[%dma_wait3A_67, %dma_wait3A_68] : memref<200x64xf32, #tpu.memory_space<hbm>> -> memref<4x64xf32, #tpu.memory_space<hbm>>
    %dma_wait3A_70 = arith.constant 0 : i32
    %dma_wait3A_71 = arith.constant 0 : i32
    %dma_wait3A_72 = tpu.memref_slice %arg4[%dma_wait3A_70, %dma_wait3A_71] : memref<200x64xf32, #tpu.memory_space<hbm>> -> memref<4x64xf32, #tpu.memory_space<hbm>>
    tpu.wait_dma2 semaphore(%arg14 : memref<!tpu.dma_semaphore, #tpu.memory_space<semaphore_mem>>) src(%dma_wait3A_72 : memref<4x64xf32, #tpu.memory_space<hbm>>) dst(%arg12 : memref<4x64xf32, #tpu.memory_space<vmem>>)
    %dma_start3A_73 = arith.constant 0 : i32
    %dma_start3A_74 = arith.constant 0 : i32
    %dma_start3A_75 = arith.constant 0 : i32
    %dma_start3A_76 = arith.constant 0 : i32
    %dma_start3A_77 = tpu.memref_slice %arg8[%dma_start3A_74, %dma_start3A_75, %dma_start3A_76] : memref<4x128x64xf32, #tpu.memory_space<vmem>> -> memref<1x128x64xf32, #tpu.memory_space<vmem>>
    %dma_start3A_78 = tpu.memref_squeeze %dma_start3A_77 : memref<1x128x64xf32, #tpu.memory_space<vmem>> -> memref<128x64xf32, #tpu.memory_space<vmem>>
    %dma_start3A_79 = arith.constant 0 : i32
    %dma_start3A_80 = tpu.memref_slice %arg6[%dma_start3A_73, %dma_start3A_79] : memref<4x128xi32, #tpu.memory_space<vmem>> -> memref<1x128xi32, #tpu.memory_space<vmem>>
    %dma_start3A_81 = tpu.memref_squeeze %dma_start3A_80 : memref<1x128xi32, #tpu.memory_space<vmem>> -> memref<128xi32, #tpu.memory_space<vmem>>
    %dma_start3A_82 = arith.constant 0 : i32
    %dma_start3A_83 = arith.constant 0 : i32
    %dma_start3A_84 = tpu.memref_slice %arg3[%dma_start3A_82, %dma_start3A_83] : memref<100000x64xf32, #tpu.memory_space<hbm>> -> memref<100000x64xf32, #tpu.memory_space<hbm>>
    tpu.enqueue_indirect_dma source(%dma_start3A_84 : memref<100000x64xf32, #tpu.memory_space<hbm>>) target(%dma_start3A_78 : memref<128x64xf32, #tpu.memory_space<vmem>>) offsets(%dma_start3A_81 : memref<128xi32, #tpu.memory_space<vmem>>) semaphore(%arg16 : memref<!tpu.dma_semaphore, #tpu.memory_space<semaphore_mem>>)
    %dma_start3A_85 = arith.constant 1 : i32
    %dma_start3A_86 = arith.constant 1 : i32
    %dma_start3A_87 = arith.constant 0 : i32
    %dma_start3A_88 = arith.constant 0 : i32
    %dma_start3A_89 = tpu.memref_slice %arg8[%dma_start3A_86, %dma_start3A_87, %dma_start3A_88] : memref<4x128x64xf32, #tpu.memory_space<vmem>> -> memref<1x128x64xf32, #tpu.memory_space<vmem>>
    %dma_start3A_90 = tpu.memref_squeeze %dma_start3A_89 : memref<1x128x64xf32, #tpu.memory_space<vmem>> -> memref<128x64xf32, #tpu.memory_space<vmem>>
    %dma_start3A_91 = arith.constant 0 : i32
    %dma_start3A_92 = tpu.memref_slice %arg6[%dma_start3A_85, %dma_start3A_91] : memref<4x128xi32, #tpu.memory_space<vmem>> -> memref<1x128xi32, #tpu.memory_space<vmem>>
    %dma_start3A_93 = tpu.memref_squeeze %dma_start3A_92 : memref<1x128xi32, #tpu.memory_space<vmem>> -> memref<128xi32, #tpu.memory_space<vmem>>
    %dma_start3A_94 = arith.constant 0 : i32
    %dma_start3A_95 = arith.constant 0 : i32
    %dma_start3A_96 = tpu.memref_slice %arg3[%dma_start3A_94, %dma_start3A_95] : memref<100000x64xf32, #tpu.memory_space<hbm>> -> memref<100000x64xf32, #tpu.memory_space<hbm>>
    tpu.enqueue_indirect_dma source(%dma_start3A_96 : memref<100000x64xf32, #tpu.memory_space<hbm>>) target(%dma_start3A_90 : memref<128x64xf32, #tpu.memory_space<vmem>>) offsets(%dma_start3A_93 : memref<128xi32, #tpu.memory_space<vmem>>) semaphore(%arg16 : memref<!tpu.dma_semaphore, #tpu.memory_space<semaphore_mem>>)
    %dma_start3A_97 = arith.constant 2 : i32
    %dma_start3A_98 = arith.constant 2 : i32
    %dma_start3A_99 = arith.constant 0 : i32
    %dma_start3A_100 = arith.constant 0 : i32
    %dma_start3A_101 = tpu.memref_slice %arg8[%dma_start3A_98, %dma_start3A_99, %dma_start3A_100] : memref<4x128x64xf32, #tpu.memory_space<vmem>> -> memref<1x128x64xf32, #tpu.memory_space<vmem>>
    %dma_start3A_102 = tpu.memref_squeeze %dma_start3A_101 : memref<1x128x64xf32, #tpu.memory_space<vmem>> -> memref<128x64xf32, #tpu.memory_space<vmem>>
    %dma_start3A_103 = arith.constant 0 : i32
    %dma_start3A_104 = tpu.memref_slice %arg6[%dma_start3A_97, %dma_start3A_103] : memref<4x128xi32, #tpu.memory_space<vmem>> -> memref<1x128xi32, #tpu.memory_space<vmem>>
    %dma_start3A_105 = tpu.memref_squeeze %dma_start3A_104 : memref<1x128xi32, #tpu.memory_space<vmem>> -> memref<128xi32, #tpu.memory_space<vmem>>
    %dma_start3A_106 = arith.constant 0 : i32
    %dma_start3A_107 = arith.constant 0 : i32
    %dma_start3A_108 = tpu.memref_slice %arg3[%dma_start3A_106, %dma_start3A_107] : memref<100000x64xf32, #tpu.memory_space<hbm>> -> memref<100000x64xf32, #tpu.memory_space<hbm>>
    tpu.enqueue_indirect_dma source(%dma_start3A_108 : memref<100000x64xf32, #tpu.memory_space<hbm>>) target(%dma_start3A_102 : memref<128x64xf32, #tpu.memory_space<vmem>>) offsets(%dma_start3A_105 : memref<128xi32, #tpu.memory_space<vmem>>) semaphore(%arg16 : memref<!tpu.dma_semaphore, #tpu.memory_space<semaphore_mem>>)
    %dma_start3A_109 = arith.constant 3 : i32
    %dma_start3A_110 = arith.constant 3 : i32
    %dma_start3A_111 = arith.constant 0 : i32
    %dma_start3A_112 = arith.constant 0 : i32
    %dma_start3A_113 = tpu.memref_slice %arg8[%dma_start3A_110, %dma_start3A_111, %dma_start3A_112] : memref<4x128x64xf32, #tpu.memory_space<vmem>> -> memref<1x128x64xf32, #tpu.memory_space<vmem>>
    %dma_start3A_114 = tpu.memref_squeeze %dma_start3A_113 : memref<1x128x64xf32, #tpu.memory_space<vmem>> -> memref<128x64xf32, #tpu.memory_space<vmem>>
    %dma_start3A_115 = arith.constant 0 : i32
    %dma_start3A_116 = tpu.memref_slice %arg6[%dma_start3A_109, %dma_start3A_115] : memref<4x128xi32, #tpu.memory_space<vmem>> -> memref<1x128xi32, #tpu.memory_space<vmem>>
    %dma_start3A_117 = tpu.memref_squeeze %dma_start3A_116 : memref<1x128xi32, #tpu.memory_space<vmem>> -> memref<128xi32, #tpu.memory_space<vmem>>
    %dma_start3A_118 = arith.constant 0 : i32
    %dma_start3A_119 = arith.constant 0 : i32
    %dma_start3A_120 = tpu.memref_slice %arg3[%dma_start3A_118, %dma_start3A_119] : memref<100000x64xf32, #tpu.memory_space<hbm>> -> memref<100000x64xf32, #tpu.memory_space<hbm>>
    tpu.enqueue_indirect_dma source(%dma_start3A_120 : memref<100000x64xf32, #tpu.memory_space<hbm>>) target(%dma_start3A_114 : memref<128x64xf32, #tpu.memory_space<vmem>>) offsets(%dma_start3A_117 : memref<128xi32, #tpu.memory_space<vmem>>) semaphore(%arg16 : memref<!tpu.dma_semaphore, #tpu.memory_space<semaphore_mem>>)
    %scan3A = arith.constant 0 : i32
    %scan3A_121 = arith.constant 25 : i32
    %scan3A_122 = arith.addi %scan3A, %scan3A_121 : i32
    %scan3A_123 = arith.constant 1 : i32
    scf.for %scan3A_225 = %scan3A to %scan3A_122 step %scan3A_123  : i32 {
      %mul3A_226 = arith.constant 2 : i32
      %mul3A_227 = arith.muli %scan3A_225, %mul3A_226 : i32
      %add3A_228 = arith.constant 0 : i32
      %add3A_229 = arith.addi %add3A_228, %mul3A_227 : i32
      %add3A_230 = arith.constant 0 : i32
      %add3A_231 = arith.addi %add3A_229, %add3A_230 : i32
      %dma_wait3A_232 = arith.constant 0 : i32
      %dma_wait3A_233 = arith.constant 0 : i32
      %dma_wait3A_234 = arith.constant 0 : i32
      %dma_wait3A_235 = arith.constant 0 : i32
      %dma_wait3A_236 = tpu.memref_slice %arg8[%dma_wait3A_233, %dma_wait3A_234, %dma_wait3A_235] : memref<4x128x64xf32, #tpu.memory_space<vmem>> -> memref<1x128x64xf32, #tpu.memory_space<vmem>>
      %dma_wait3A_237 = tpu.memref_squeeze %dma_wait3A_236 : memref<1x128x64xf32, #tpu.memory_space<vmem>> -> memref<128x64xf32, #tpu.memory_space<vmem>>
      %dma_wait3A_238 = arith.constant 0 : i32
      %dma_wait3A_239 = tpu.memref_slice %arg6[%dma_wait3A_232, %dma_wait3A_238] : memref<4x128xi32, #tpu.memory_space<vmem>> -> memref<1x128xi32, #tpu.memory_space<vmem>>
      %dma_wait3A_240 = tpu.memref_squeeze %dma_wait3A_239 : memref<1x128xi32, #tpu.memory_space<vmem>> -> memref<128xi32, #tpu.memory_space<vmem>>
      %dma_wait3A_241 = arith.constant 0 : i32
      %dma_wait3A_242 = arith.constant 0 : i32
      %dma_wait3A_243 = tpu.memref_slice %arg3[%dma_wait3A_241, %dma_wait3A_242] : memref<100000x64xf32, #tpu.memory_space<hbm>> -> memref<100000x64xf32, #tpu.memory_space<hbm>>
      tpu.wait_indirect_dma semaphore(%arg16 : memref<!tpu.dma_semaphore, #tpu.memory_space<semaphore_mem>>) src(%dma_wait3A_243 : memref<100000x64xf32, #tpu.memory_space<hbm>>) dst(%dma_wait3A_237 : memref<128x64xf32, #tpu.memory_space<vmem>>)
      %dma_wait3A_244 = arith.constant 1 : i32
      %dma_wait3A_245 = arith.constant 1 : i32
      %dma_wait3A_246 = arith.constant 0 : i32
      %dma_wait3A_247 = arith.constant 0 : i32
      %dma_wait3A_248 = tpu.memref_slice %arg8[%dma_wait3A_245, %dma_wait3A_246, %dma_wait3A_247] : memref<4x128x64xf32, #tpu.memory_space<vmem>> -> memref<1x128x64xf32, #tpu.memory_space<vmem>>
      %dma_wait3A_249 = tpu.memref_squeeze %dma_wait3A_248 : memref<1x128x64xf32, #tpu.memory_space<vmem>> -> memref<128x64xf32, #tpu.memory_space<vmem>>
      %dma_wait3A_250 = arith.constant 0 : i32
      %dma_wait3A_251 = tpu.memref_slice %arg6[%dma_wait3A_244, %dma_wait3A_250] : memref<4x128xi32, #tpu.memory_space<vmem>> -> memref<1x128xi32, #tpu.memory_space<vmem>>
      %dma_wait3A_252 = tpu.memref_squeeze %dma_wait3A_251 : memref<1x128xi32, #tpu.memory_space<vmem>> -> memref<128xi32, #tpu.memory_space<vmem>>
      %dma_wait3A_253 = arith.constant 0 : i32
      %dma_wait3A_254 = arith.constant 0 : i32
      %dma_wait3A_255 = tpu.memref_slice %arg3[%dma_wait3A_253, %dma_wait3A_254] : memref<100000x64xf32, #tpu.memory_space<hbm>> -> memref<100000x64xf32, #tpu.memory_space<hbm>>
      tpu.wait_indirect_dma semaphore(%arg16 : memref<!tpu.dma_semaphore, #tpu.memory_space<semaphore_mem>>) src(%dma_wait3A_255 : memref<100000x64xf32, #tpu.memory_space<hbm>>) dst(%dma_wait3A_249 : memref<128x64xf32, #tpu.memory_space<vmem>>)
      %dma_wait3A_256 = arith.constant 2 : i32
      %dma_wait3A_257 = arith.constant 2 : i32
      %dma_wait3A_258 = arith.constant 0 : i32
      %dma_wait3A_259 = arith.constant 0 : i32
      %dma_wait3A_260 = tpu.memref_slice %arg8[%dma_wait3A_257, %dma_wait3A_258, %dma_wait3A_259] : memref<4x128x64xf32, #tpu.memory_space<vmem>> -> memref<1x128x64xf32, #tpu.memory_space<vmem>>
      %dma_wait3A_261 = tpu.memref_squeeze %dma_wait3A_260 : memref<1x128x64xf32, #tpu.memory_space<vmem>> -> memref<128x64xf32, #tpu.memory_space<vmem>>
      %dma_wait3A_262 = arith.constant 0 : i32
      %dma_wait3A_263 = tpu.memref_slice %arg6[%dma_wait3A_256, %dma_wait3A_262] : memref<4x128xi32, #tpu.memory_space<vmem>> -> memref<1x128xi32, #tpu.memory_space<vmem>>
      %dma_wait3A_264 = tpu.memref_squeeze %dma_wait3A_263 : memref<1x128xi32, #tpu.memory_space<vmem>> -> memref<128xi32, #tpu.memory_space<vmem>>
      %dma_wait3A_265 = arith.constant 0 : i32
      %dma_wait3A_266 = arith.constant 0 : i32
      %dma_wait3A_267 = tpu.memref_slice %arg3[%dma_wait3A_265, %dma_wait3A_266] : memref<100000x64xf32, #tpu.memory_space<hbm>> -> memref<100000x64xf32, #tpu.memory_space<hbm>>
      tpu.wait_indirect_dma semaphore(%arg16 : memref<!tpu.dma_semaphore, #tpu.memory_space<semaphore_mem>>) src(%dma_wait3A_267 : memref<100000x64xf32, #tpu.memory_space<hbm>>) dst(%dma_wait3A_261 : memref<128x64xf32, #tpu.memory_space<vmem>>)
      %dma_wait3A_268 = arith.constant 3 : i32
      %dma_wait3A_269 = arith.constant 3 : i32
      %dma_wait3A_270 = arith.constant 0 : i32
      %dma_wait3A_271 = arith.constant 0 : i32
      %dma_wait3A_272 = tpu.memref_slice %arg8[%dma_wait3A_269, %dma_wait3A_270, %dma_wait3A_271] : memref<4x128x64xf32, #tpu.memory_space<vmem>> -> memref<1x128x64xf32, #tpu.memory_space<vmem>>
      %dma_wait3A_273 = tpu.memref_squeeze %dma_wait3A_272 : memref<1x128x64xf32, #tpu.memory_space<vmem>> -> memref<128x64xf32, #tpu.memory_space<vmem>>
      %dma_wait3A_274 = arith.constant 0 : i32
      %dma_wait3A_275 = tpu.memref_slice %arg6[%dma_wait3A_268, %dma_wait3A_274] : memref<4x128xi32, #tpu.memory_space<vmem>> -> memref<1x128xi32, #tpu.memory_space<vmem>>
      %dma_wait3A_276 = tpu.memref_squeeze %dma_wait3A_275 : memref<1x128xi32, #tpu.memory_space<vmem>> -> memref<128xi32, #tpu.memory_space<vmem>>
      %dma_wait3A_277 = arith.constant 0 : i32
      %dma_wait3A_278 = arith.constant 0 : i32
      %dma_wait3A_279 = tpu.memref_slice %arg3[%dma_wait3A_277, %dma_wait3A_278] : memref<100000x64xf32, #tpu.memory_space<hbm>> -> memref<100000x64xf32, #tpu.memory_space<hbm>>
      tpu.wait_indirect_dma semaphore(%arg16 : memref<!tpu.dma_semaphore, #tpu.memory_space<semaphore_mem>>) src(%dma_wait3A_279 : memref<100000x64xf32, #tpu.memory_space<hbm>>) dst(%dma_wait3A_273 : memref<128x64xf32, #tpu.memory_space<vmem>>)
      %add3A_280 = arith.constant 2 : i32
      %add3A_281 = arith.addi %add3A_231, %add3A_280 : i32
      %min3A = arith.constant 49 : i32
      %min3A_282 = arith.minsi %add3A_281, %min3A : i32
      %mul3A_283 = arith.constant 4 : i32
      %mul3A_284 = arith.muli %min3A_282, %mul3A_283 : i32
      %mul3A_285 = arith.constant 128 : i32
      %mul3A_286 = arith.muli %add3A, %mul3A_285 : i32
      %dma_start3A_287 = tpu.memref_slice %arg2[%mul3A_284, %mul3A_286] : memref<200x4096xi32, #tpu.memory_space<hbm>> -> memref<4x128xi32, #tpu.memory_space<hbm>>
      %dma_start3A_288 = tpu.memref_slice %arg2[%mul3A_284, %mul3A_286] : memref<200x4096xi32, #tpu.memory_space<hbm>> -> memref<4x128xi32, #tpu.memory_space<hbm>>
      tpu.enqueue_dma source(%dma_start3A_288 : memref<4x128xi32, #tpu.memory_space<hbm>>) target(%arg6 : memref<4x128xi32, #tpu.memory_space<vmem>>) target_semaphore(%arg14 : memref<!tpu.dma_semaphore, #tpu.memory_space<semaphore_mem>>)
      %dma_wait3A_289 = arith.constant 0 : i32
      %dma_wait3A_290 = arith.constant 0 : i32
      %dma_wait3A_291 = tpu.memref_slice %arg2[%dma_wait3A_289, %dma_wait3A_290] : memref<200x4096xi32, #tpu.memory_space<hbm>> -> memref<4x128xi32, #tpu.memory_space<hbm>>
      %dma_wait3A_292 = arith.constant 0 : i32
      %dma_wait3A_293 = arith.constant 0 : i32
      %dma_wait3A_294 = tpu.memref_slice %arg2[%dma_wait3A_292, %dma_wait3A_293] : memref<200x4096xi32, #tpu.memory_space<hbm>> -> memref<4x128xi32, #tpu.memory_space<hbm>>
      tpu.wait_dma2 semaphore(%arg15 : memref<!tpu.dma_semaphore, #tpu.memory_space<semaphore_mem>>) src(%dma_wait3A_294 : memref<4x128xi32, #tpu.memory_space<hbm>>) dst(%arg7 : memref<4x128xi32, #tpu.memory_space<vmem>>)
      %dma_wait3A_295 = arith.constant 0 : i32
      %dma_wait3A_296 = arith.constant 0 : i32
      %dma_wait3A_297 = tpu.memref_slice %arg4[%dma_wait3A_295, %dma_wait3A_296] : memref<200x64xf32, #tpu.memory_space<hbm>> -> memref<4x64xf32, #tpu.memory_space<hbm>>
      %dma_wait3A_298 = arith.constant 0 : i32
      %dma_wait3A_299 = arith.constant 0 : i32
      %dma_wait3A_300 = tpu.memref_slice %arg4[%dma_wait3A_298, %dma_wait3A_299] : memref<200x64xf32, #tpu.memory_space<hbm>> -> memref<4x64xf32, #tpu.memory_space<hbm>>
      tpu.wait_dma2 semaphore(%arg15 : memref<!tpu.dma_semaphore, #tpu.memory_space<semaphore_mem>>) src(%dma_wait3A_300 : memref<4x64xf32, #tpu.memory_space<hbm>>) dst(%arg13 : memref<4x64xf32, #tpu.memory_space<vmem>>)
      %dma_start3A_301 = arith.constant 0 : i32
      %dma_start3A_302 = arith.constant 0 : i32
      %dma_start3A_303 = arith.constant 0 : i32
      %dma_start3A_304 = arith.constant 0 : i32
      %dma_start3A_305 = tpu.memref_slice %arg9[%dma_start3A_302, %dma_start3A_303, %dma_start3A_304] : memref<4x128x64xf32, #tpu.memory_space<vmem>> -> memref<1x128x64xf32, #tpu.memory_space<vmem>>
      %dma_start3A_306 = tpu.memref_squeeze %dma_start3A_305 : memref<1x128x64xf32, #tpu.memory_space<vmem>> -> memref<128x64xf32, #tpu.memory_space<vmem>>
      %dma_start3A_307 = arith.constant 0 : i32
      %dma_start3A_308 = tpu.memref_slice %arg7[%dma_start3A_301, %dma_start3A_307] : memref<4x128xi32, #tpu.memory_space<vmem>> -> memref<1x128xi32, #tpu.memory_space<vmem>>
      %dma_start3A_309 = tpu.memref_squeeze %dma_start3A_308 : memref<1x128xi32, #tpu.memory_space<vmem>> -> memref<128xi32, #tpu.memory_space<vmem>>
      %dma_start3A_310 = arith.constant 0 : i32
      %dma_start3A_311 = arith.constant 0 : i32
      %dma_start3A_312 = tpu.memref_slice %arg3[%dma_start3A_310, %dma_start3A_311] : memref<100000x64xf32, #tpu.memory_space<hbm>> -> memref<100000x64xf32, #tpu.memory_space<hbm>>
      tpu.enqueue_indirect_dma source(%dma_start3A_312 : memref<100000x64xf32, #tpu.memory_space<hbm>>) target(%dma_start3A_306 : memref<128x64xf32, #tpu.memory_space<vmem>>) offsets(%dma_start3A_309 : memref<128xi32, #tpu.memory_space<vmem>>) semaphore(%arg17 : memref<!tpu.dma_semaphore, #tpu.memory_space<semaphore_mem>>)
      %dma_start3A_313 = arith.constant 1 : i32
      %dma_start3A_314 = arith.constant 1 : i32
      %dma_start3A_315 = arith.constant 0 : i32
      %dma_start3A_316 = arith.constant 0 : i32
      %dma_start3A_317 = tpu.memref_slice %arg9[%dma_start3A_314, %dma_start3A_315, %dma_start3A_316] : memref<4x128x64xf32, #tpu.memory_space<vmem>> -> memref<1x128x64xf32, #tpu.memory_space<vmem>>
      %dma_start3A_318 = tpu.memref_squeeze %dma_start3A_317 : memref<1x128x64xf32, #tpu.memory_space<vmem>> -> memref<128x64xf32, #tpu.memory_space<vmem>>
      %dma_start3A_319 = arith.constant 0 : i32
      %dma_start3A_320 = tpu.memref_slice %arg7[%dma_start3A_313, %dma_start3A_319] : memref<4x128xi32, #tpu.memory_space<vmem>> -> memref<1x128xi32, #tpu.memory_space<vmem>>
      %dma_start3A_321 = tpu.memref_squeeze %dma_start3A_320 : memref<1x128xi32, #tpu.memory_space<vmem>> -> memref<128xi32, #tpu.memory_space<vmem>>
      %dma_start3A_322 = arith.constant 0 : i32
      %dma_start3A_323 = arith.constant 0 : i32
      %dma_start3A_324 = tpu.memref_slice %arg3[%dma_start3A_322, %dma_start3A_323] : memref<100000x64xf32, #tpu.memory_space<hbm>> -> memref<100000x64xf32, #tpu.memory_space<hbm>>
      tpu.enqueue_indirect_dma source(%dma_start3A_324 : memref<100000x64xf32, #tpu.memory_space<hbm>>) target(%dma_start3A_318 : memref<128x64xf32, #tpu.memory_space<vmem>>) offsets(%dma_start3A_321 : memref<128xi32, #tpu.memory_space<vmem>>) semaphore(%arg17 : memref<!tpu.dma_semaphore, #tpu.memory_space<semaphore_mem>>)
      %dma_start3A_325 = arith.constant 2 : i32
      %dma_start3A_326 = arith.constant 2 : i32
      %dma_start3A_327 = arith.constant 0 : i32
      %dma_start3A_328 = arith.constant 0 : i32
      %dma_start3A_329 = tpu.memref_slice %arg9[%dma_start3A_326, %dma_start3A_327, %dma_start3A_328] : memref<4x128x64xf32, #tpu.memory_space<vmem>> -> memref<1x128x64xf32, #tpu.memory_space<vmem>>
      %dma_start3A_330 = tpu.memref_squeeze %dma_start3A_329 : memref<1x128x64xf32, #tpu.memory_space<vmem>> -> memref<128x64xf32, #tpu.memory_space<vmem>>
      %dma_start3A_331 = arith.constant 0 : i32
      %dma_start3A_332 = tpu.memref_slice %arg7[%dma_start3A_325, %dma_start3A_331] : memref<4x128xi32, #tpu.memory_space<vmem>> -> memref<1x128xi32, #tpu.memory_space<vmem>>
      %dma_start3A_333 = tpu.memref_squeeze %dma_start3A_332 : memref<1x128xi32, #tpu.memory_space<vmem>> -> memref<128xi32, #tpu.memory_space<vmem>>
      %dma_start3A_334 = arith.constant 0 : i32
      %dma_start3A_335 = arith.constant 0 : i32
      %dma_start3A_336 = tpu.memref_slice %arg3[%dma_start3A_334, %dma_start3A_335] : memref<100000x64xf32, #tpu.memory_space<hbm>> -> memref<100000x64xf32, #tpu.memory_space<hbm>>
      tpu.enqueue_indirect_dma source(%dma_start3A_336 : memref<100000x64xf32, #tpu.memory_space<hbm>>) target(%dma_start3A_330 : memref<128x64xf32, #tpu.memory_space<vmem>>) offsets(%dma_start3A_333 : memref<128xi32, #tpu.memory_space<vmem>>) semaphore(%arg17 : memref<!tpu.dma_semaphore, #tpu.memory_space<semaphore_mem>>)
      %dma_start3A_337 = arith.constant 3 : i32
      %dma_start3A_338 = arith.constant 3 : i32
      %dma_start3A_339 = arith.constant 0 : i32
      %dma_start3A_340 = arith.constant 0 : i32
      %dma_start3A_341 = tpu.memref_slice %arg9[%dma_start3A_338, %dma_start3A_339, %dma_start3A_340] : memref<4x128x64xf32, #tpu.memory_space<vmem>> -> memref<1x128x64xf32, #tpu.memory_space<vmem>>
      %dma_start3A_342 = tpu.memref_squeeze %dma_start3A_341 : memref<1x128x64xf32, #tpu.memory_space<vmem>> -> memref<128x64xf32, #tpu.memory_space<vmem>>
      %dma_start3A_343 = arith.constant 0 : i32
      %dma_start3A_344 = tpu.memref_slice %arg7[%dma_start3A_337, %dma_start3A_343] : memref<4x128xi32, #tpu.memory_space<vmem>> -> memref<1x128xi32, #tpu.memory_space<vmem>>
      %dma_start3A_345 = tpu.memref_squeeze %dma_start3A_344 : memref<1x128xi32, #tpu.memory_space<vmem>> -> memref<128xi32, #tpu.memory_space<vmem>>
      %dma_start3A_346 = arith.constant 0 : i32
      %dma_start3A_347 = arith.constant 0 : i32
      %dma_start3A_348 = tpu.memref_slice %arg3[%dma_start3A_346, %dma_start3A_347] : memref<100000x64xf32, #tpu.memory_space<hbm>> -> memref<100000x64xf32, #tpu.memory_space<hbm>>
      tpu.enqueue_indirect_dma source(%dma_start3A_348 : memref<100000x64xf32, #tpu.memory_space<hbm>>) target(%dma_start3A_342 : memref<128x64xf32, #tpu.memory_space<vmem>>) offsets(%dma_start3A_345 : memref<128xi32, #tpu.memory_space<vmem>>) semaphore(%arg17 : memref<!tpu.dma_semaphore, #tpu.memory_space<semaphore_mem>>)
      %iota3A = tpu.iota {dimensions = array<i32: 0>} : vector<16xi32>
      %add3A_349 = arith.constant 0 : i32
      %add3A_350 = vector.broadcast %add3A_349 : i32 to vector<16xi32>
      %add3A_351 = arith.addi %iota3A, %add3A_350 : vector<16xi32>
      %jit3A = arith.constant 8 : i32
      %div3A = vector.broadcast %jit3A : i32 to vector<16xi32>
      %div3A_352 = arith.divsi %add3A_351, %div3A : vector<16xi32>
      %sign3A = arith.constant 0 : i32
      %sign3A_353 = vector.broadcast %sign3A : i32 to vector<16xi32>
      %sign3A_354 = arith.cmpi sgt, %add3A_351, %sign3A_353 : vector<16xi32>
      %sign3A_355 = arith.extui %sign3A_354 : vector<16xi1> to vector<16xi32>
      %sign3A_356 = arith.constant 0 : i32
      %sign3A_357 = vector.broadcast %sign3A_356 : i32 to vector<16xi32>
      %sign3A_358 = arith.cmpi slt, %add3A_351, %sign3A_357 : vector<16xi32>
      %sign3A_359 = arith.extui %sign3A_358 : vector<16xi1> to vector<16xi32>
      %sign3A_360 = arith.subi %sign3A_355, %sign3A_359 : vector<16xi32>
      %sign3A_361 = arith.constant 0 : i32
      %sign3A_362 = arith.cmpi sgt, %jit3A, %sign3A_361 : i32
      %sign3A_363 = arith.extui %sign3A_362 : i1 to i32
      %sign3A_364 = arith.constant 0 : i32
      %sign3A_365 = arith.cmpi slt, %jit3A, %sign3A_364 : i32
      %sign3A_366 = arith.extui %sign3A_365 : i1 to i32
      %sign3A_367 = arith.subi %sign3A_363, %sign3A_366 : i32
      %ne3A = vector.broadcast %sign3A_367 : i32 to vector<16xi32>
      %ne3A_368 = arith.cmpi ne, %sign3A_360, %ne3A : vector<16xi32>
      %rem3A = vector.broadcast %jit3A : i32 to vector<16xi32>
      %rem3A_369 = arith.remsi %add3A_351, %rem3A : vector<16xi32>
      %ne3A_370 = arith.constant 0 : i32
      %ne3A_371 = vector.broadcast %ne3A_370 : i32 to vector<16xi32>
      %ne3A_372 = arith.cmpi ne, %rem3A_369, %ne3A_371 : vector<16xi32>
      %and3A = arith.andi %ne3A_368, %ne3A_372 : vector<16xi1>
      %sub3A = arith.constant 1 : i32
      %sub3A_373 = vector.broadcast %sub3A : i32 to vector<16xi32>
      %sub3A_374 = arith.subi %div3A_352, %sub3A_373 : vector<16xi32>
      %select_n3A = arith.select %and3A, %sub3A_374, %div3A_352 : vector<16xi1>, vector<16xi32>
      %add3A_375 = arith.constant 16 : i32
      %add3A_376 = vector.broadcast %add3A_375 : i32 to vector<16xi32>
      %add3A_377 = arith.addi %iota3A, %add3A_376 : vector<16xi32>
      %jit3A_378 = arith.constant 8 : i32
      %div3A_379 = vector.broadcast %jit3A_378 : i32 to vector<16xi32>
      %div3A_380 = arith.divsi %add3A_377, %div3A_379 : vector<16xi32>
      %sign3A_381 = arith.constant 0 : i32
      %sign3A_382 = vector.broadcast %sign3A_381 : i32 to vector<16xi32>
      %sign3A_383 = arith.cmpi sgt, %add3A_377, %sign3A_382 : vector<16xi32>
      %sign3A_384 = arith.extui %sign3A_383 : vector<16xi1> to vector<16xi32>
      %sign3A_385 = arith.constant 0 : i32
      %sign3A_386 = vector.broadcast %sign3A_385 : i32 to vector<16xi32>
      %sign3A_387 = arith.cmpi slt, %add3A_377, %sign3A_386 : vector<16xi32>
      %sign3A_388 = arith.extui %sign3A_387 : vector<16xi1> to vector<16xi32>
      %sign3A_389 = arith.subi %sign3A_384, %sign3A_388 : vector<16xi32>
      %sign3A_390 = arith.constant 0 : i32
      %sign3A_391 = arith.cmpi sgt, %jit3A_378, %sign3A_390 : i32
      %sign3A_392 = arith.extui %sign3A_391 : i1 to i32
      %sign3A_393 = arith.constant 0 : i32
      %sign3A_394 = arith.cmpi slt, %jit3A_378, %sign3A_393 : i32
      %sign3A_395 = arith.extui %sign3A_394 : i1 to i32
      %sign3A_396 = arith.subi %sign3A_392, %sign3A_395 : i32
      %ne3A_397 = vector.broadcast %sign3A_396 : i32 to vector<16xi32>
      %ne3A_398 = arith.cmpi ne, %sign3A_389, %ne3A_397 : vector<16xi32>
      %rem3A_399 = vector.broadcast %jit3A_378 : i32 to vector<16xi32>
      %rem3A_400 = arith.remsi %add3A_377, %rem3A_399 : vector<16xi32>
      %ne3A_401 = arith.constant 0 : i32
      %ne3A_402 = vector.broadcast %ne3A_401 : i32 to vector<16xi32>
      %ne3A_403 = arith.cmpi ne, %rem3A_400, %ne3A_402 : vector<16xi32>
      %and3A_404 = arith.andi %ne3A_398, %ne3A_403 : vector<16xi1>
      %sub3A_405 = arith.constant 1 : i32
      %sub3A_406 = vector.broadcast %sub3A_405 : i32 to vector<16xi32>
      %sub3A_407 = arith.subi %div3A_380, %sub3A_406 : vector<16xi32>
      %select_n3A_408 = arith.select %and3A_404, %sub3A_407, %div3A_380 : vector<16xi1>, vector<16xi32>
      %add3A_409 = arith.constant 32 : i32
      %add3A_410 = vector.broadcast %add3A_409 : i32 to vector<16xi32>
      %add3A_411 = arith.addi %iota3A, %add3A_410 : vector<16xi32>
      %jit3A_412 = arith.constant 8 : i32
      %div3A_413 = vector.broadcast %jit3A_412 : i32 to vector<16xi32>
      %div3A_414 = arith.divsi %add3A_411, %div3A_413 : vector<16xi32>
      %sign3A_415 = arith.constant 0 : i32
      %sign3A_416 = vector.broadcast %sign3A_415 : i32 to vector<16xi32>
      %sign3A_417 = arith.cmpi sgt, %add3A_411, %sign3A_416 : vector<16xi32>
      %sign3A_418 = arith.extui %sign3A_417 : vector<16xi1> to vector<16xi32>
      %sign3A_419 = arith.constant 0 : i32
      %sign3A_420 = vector.broadcast %sign3A_419 : i32 to vector<16xi32>
      %sign3A_421 = arith.cmpi slt, %add3A_411, %sign3A_420 : vector<16xi32>
      %sign3A_422 = arith.extui %sign3A_421 : vector<16xi1> to vector<16xi32>
      %sign3A_423 = arith.subi %sign3A_418, %sign3A_422 : vector<16xi32>
      %sign3A_424 = arith.constant 0 : i32
      %sign3A_425 = arith.cmpi sgt, %jit3A_412, %sign3A_424 : i32
      %sign3A_426 = arith.extui %sign3A_425 : i1 to i32
      %sign3A_427 = arith.constant 0 : i32
      %sign3A_428 = arith.cmpi slt, %jit3A_412, %sign3A_427 : i32
      %sign3A_429 = arith.extui %sign3A_428 : i1 to i32
      %sign3A_430 = arith.subi %sign3A_426, %sign3A_429 : i32
      %ne3A_431 = vector.broadcast %sign3A_430 : i32 to vector<16xi32>
      %ne3A_432 = arith.cmpi ne, %sign3A_423, %ne3A_431 : vector<16xi32>
      %rem3A_433 = vector.broadcast %jit3A_412 : i32 to vector<16xi32>
      %rem3A_434 = arith.remsi %add3A_411, %rem3A_433 : vector<16xi32>
      %ne3A_435 = arith.constant 0 : i32
      %ne3A_436 = vector.broadcast %ne3A_435 : i32 to vector<16xi32>
      %ne3A_437 = arith.cmpi ne, %rem3A_434, %ne3A_436 : vector<16xi32>
      %and3A_438 = arith.andi %ne3A_432, %ne3A_437 : vector<16xi1>
      %sub3A_439 = arith.constant 1 : i32
      %sub3A_440 = vector.broadcast %sub3A_439 : i32 to vector<16xi32>
      %sub3A_441 = arith.subi %div3A_414, %sub3A_440 : vector<16xi32>
      %select_n3A_442 = arith.select %and3A_438, %sub3A_441, %div3A_414 : vector<16xi1>, vector<16xi32>
      %add3A_443 = arith.constant 48 : i32
      %add3A_444 = vector.broadcast %add3A_443 : i32 to vector<16xi32>
      %add3A_445 = arith.addi %iota3A, %add3A_444 : vector<16xi32>
      %jit3A_446 = arith.constant 8 : i32
      %div3A_447 = vector.broadcast %jit3A_446 : i32 to vector<16xi32>
      %div3A_448 = arith.divsi %add3A_445, %div3A_447 : vector<16xi32>
      %sign3A_449 = arith.constant 0 : i32
      %sign3A_450 = vector.broadcast %sign3A_449 : i32 to vector<16xi32>
      %sign3A_451 = arith.cmpi sgt, %add3A_445, %sign3A_450 : vector<16xi32>
      %sign3A_452 = arith.extui %sign3A_451 : vector<16xi1> to vector<16xi32>
      %sign3A_453 = arith.constant 0 : i32
      %sign3A_454 = vector.broadcast %sign3A_453 : i32 to vector<16xi32>
      %sign3A_455 = arith.cmpi slt, %add3A_445, %sign3A_454 : vector<16xi32>
      %sign3A_456 = arith.extui %sign3A_455 : vector<16xi1> to vector<16xi32>
      %sign3A_457 = arith.subi %sign3A_452, %sign3A_456 : vector<16xi32>
      %sign3A_458 = arith.constant 0 : i32
      %sign3A_459 = arith.cmpi sgt, %jit3A_446, %sign3A_458 : i32
      %sign3A_460 = arith.extui %sign3A_459 : i1 to i32
      %sign3A_461 = arith.constant 0 : i32
      %sign3A_462 = arith.cmpi slt, %jit3A_446, %sign3A_461 : i32
      %sign3A_463 = arith.extui %sign3A_462 : i1 to i32
      %sign3A_464 = arith.subi %sign3A_460, %sign3A_463 : i32
      %ne3A_465 = vector.broadcast %sign3A_464 : i32 to vector<16xi32>
      %ne3A_466 = arith.cmpi ne, %sign3A_457, %ne3A_465 : vector<16xi32>
      %rem3A_467 = vector.broadcast %jit3A_446 : i32 to vector<16xi32>
      %rem3A_468 = arith.remsi %add3A_445, %rem3A_467 : vector<16xi32>
      %ne3A_469 = arith.constant 0 : i32
      %ne3A_470 = vector.broadcast %ne3A_469 : i32 to vector<16xi32>
      %ne3A_471 = arith.cmpi ne, %rem3A_468, %ne3A_470 : vector<16xi32>
      %and3A_472 = arith.andi %ne3A_466, %ne3A_471 : vector<16xi1>
      %sub3A_473 = arith.constant 1 : i32
      %sub3A_474 = vector.broadcast %sub3A_473 : i32 to vector<16xi32>
      %sub3A_475 = arith.subi %div3A_448, %sub3A_474 : vector<16xi32>
      %select_n3A_476 = arith.select %and3A_472, %sub3A_475, %div3A_448 : vector<16xi1>, vector<16xi32>
      %add3A_477 = arith.constant 0 : i32
      %add3A_478 = vector.broadcast %add3A_477 : i32 to vector<16xi32>
      %add3A_479 = arith.addi %iota3A, %add3A_478 : vector<16xi32>
      %rem3A_480 = arith.constant 8 : i32
      %rem3A_481 = vector.broadcast %rem3A_480 : i32 to vector<16xi32>
      %rem3A_482 = arith.remsi %add3A_479, %rem3A_481 : vector<16xi32>
      %add3A_483 = arith.constant 16 : i32
      %add3A_484 = vector.broadcast %add3A_483 : i32 to vector<16xi32>
      %add3A_485 = arith.addi %iota3A, %add3A_484 : vector<16xi32>
      %rem3A_486 = arith.constant 8 : i32
      %rem3A_487 = vector.broadcast %rem3A_486 : i32 to vector<16xi32>
      %rem3A_488 = arith.remsi %add3A_485, %rem3A_487 : vector<16xi32>
      %add3A_489 = arith.constant 32 : i32
      %add3A_490 = vector.broadcast %add3A_489 : i32 to vector<16xi32>
      %add3A_491 = arith.addi %iota3A, %add3A_490 : vector<16xi32>
      %rem3A_492 = arith.constant 8 : i32
      %rem3A_493 = vector.broadcast %rem3A_492 : i32 to vector<16xi32>
      %rem3A_494 = arith.remsi %add3A_491, %rem3A_493 : vector<16xi32>
      %add3A_495 = arith.constant 48 : i32
      %add3A_496 = vector.broadcast %add3A_495 : i32 to vector<16xi32>
      %add3A_497 = arith.addi %iota3A, %add3A_496 : vector<16xi32>
      %rem3A_498 = arith.constant 8 : i32
      %rem3A_499 = vector.broadcast %rem3A_498 : i32 to vector<16xi32>
      %rem3A_500 = arith.remsi %add3A_497, %rem3A_499 : vector<16xi32>
      %dma_wait3A_501 = arith.constant 0 : i32
      %dma_wait3A_502 = arith.constant 0 : i32
      %dma_wait3A_503 = arith.constant 0 : i32
      %dma_wait3A_504 = arith.constant 0 : i32
      %dma_wait3A_505 = arith.constant 0 : i32
      %dma_wait3A_506 = tpu.memref_slice %arg10[%dma_wait3A_503, %dma_wait3A_504, %dma_wait3A_505] : memref<8x8x137xf32, #tpu.memory_space<vmem>> -> memref<8x8x128xf32, #tpu.memory_space<vmem>>
      %dma_wait3A_507 = arith.constant 0 : i32
      %dma_wait3A_508 = arith.constant 0 : i32
      %dma_wait3A_509 = arith.constant 0 : i32
      %dma_wait3A_510 = tpu.memref_slice %arg5[%dma_wait3A_501, %dma_wait3A_507, %dma_wait3A_502, %dma_wait3A_508, %dma_wait3A_509] : memref<200x8x32x8x128xf32, #tpu.memory_space<hbm>> -> memref<1x8x1x8x128xf32, #tpu.memory_space<hbm>>
      %dma_wait3A_511 = tpu.memref_squeeze %dma_wait3A_510 : memref<1x8x1x8x128xf32, #tpu.memory_space<hbm>> -> memref<8x8x128xf32, #tpu.memory_space<hbm>>
      %dma_wait3A_512 = arith.constant 0 : i32
      %dma_wait3A_513 = arith.constant 0 : i32
      %dma_wait3A_514 = arith.constant 0 : i32
      %dma_wait3A_515 = tpu.memref_slice %arg5[%dma_wait3A_501, %dma_wait3A_512, %dma_wait3A_502, %dma_wait3A_513, %dma_wait3A_514] : memref<200x8x32x8x128xf32, #tpu.memory_space<hbm>> -> memref<1x8x1x8x128xf32, #tpu.memory_space<hbm>>
      %dma_wait3A_516 = tpu.memref_squeeze %dma_wait3A_515 : memref<1x8x1x8x128xf32, #tpu.memory_space<hbm>> -> memref<8x8x128xf32, #tpu.memory_space<hbm>>
      %dma_wait3A_517 = arith.constant 0 : i32
      %dma_wait3A_518 = arith.constant 0 : i32
      %dma_wait3A_519 = arith.constant 0 : i32
      %dma_wait3A_520 = tpu.memref_slice %arg10[%dma_wait3A_517, %dma_wait3A_518, %dma_wait3A_519] : memref<8x8x137xf32, #tpu.memory_space<vmem>> -> memref<8x8x128xf32, #tpu.memory_space<vmem>>
      tpu.wait_dma2 semaphore(%arg18 : memref<!tpu.dma_semaphore, #tpu.memory_space<semaphore_mem>>) src(%dma_wait3A_520 : memref<8x8x128xf32, #tpu.memory_space<vmem>>) dst(%dma_wait3A_516 : memref<8x8x128xf32, #tpu.memory_space<hbm>>)
      %get3A = arith.constant 0 : i32
      %get3A_521 = arith.index_cast %get3A : i32 to index
      %get3A_522 = arith.constant 0 : index
      %get3A_523 = tpu.vector_load %arg12[%get3A_521, %get3A_522] {strides = array<i32>} : memref<4x64xf32, #tpu.memory_space<vmem>>, vector<16xf32>,
      %get3A_524 = arith.constant 0 : i32
      %get3A_525 = arith.index_cast %get3A_524 : i32 to index
      %get3A_526 = arith.constant 16 : index
      %get3A_527 = tpu.vector_load %arg12[%get3A_525, %get3A_526] {strides = array<i32>} : memref<4x64xf32, #tpu.memory_space<vmem>>, vector<16xf32>,
      %get3A_528 = arith.constant 0 : i32
      %get3A_529 = arith.index_cast %get3A_528 : i32 to index
      %get3A_530 = arith.constant 32 : index
      %get3A_531 = tpu.vector_load %arg12[%get3A_529, %get3A_530] {strides = array<i32>} : memref<4x64xf32, #tpu.memory_space<vmem>>, vector<16xf32>,
      %get3A_532 = arith.constant 0 : i32
      %get3A_533 = arith.index_cast %get3A_532 : i32 to index
      %get3A_534 = arith.constant 48 : index
      %get3A_535 = tpu.vector_load %arg12[%get3A_533, %get3A_534] {strides = array<i32>} : memref<4x64xf32, #tpu.memory_space<vmem>>, vector<16xf32>,
      %parallel_loop3A = arith.constant 0 : i32
      %parallel_loop3A_536 = arith.constant 128 : i32
      %parallel_loop3A_537 = arith.constant 1 : i32
      scf.for %parallel_loop3A_1288 = %parallel_loop3A to %parallel_loop3A_536 step %parallel_loop3A_537  : i32 {
        %parallel_loop3A_1289 = arith.constant 0 : i32
        %parallel_loop3A_1290 = vector.broadcast %parallel_loop3A_1289 : i32 to vector<16xi32>
        %parallel_loop3A_1291 = arith.muli %iota3A, %parallel_loop3A_1290 : vector<16xi32>
        %parallel_loop3A_1292 = vector.broadcast %parallel_loop3A_1288 : i32 to vector<16xi32>
        %parallel_loop3A_1293 = arith.addi %parallel_loop3A_1291, %parallel_loop3A_1292 : vector<16xi32>
        %parallel_loop3A_1294 = arith.constant 0 : i32
        %parallel_loop3A_1295 = arith.index_cast %parallel_loop3A_1294 : i32 to index
        %parallel_loop3A_1296 = arith.index_cast %parallel_loop3A_1288 : i32 to index
        %parallel_loop3A_1297 = arith.constant 0 : index
        %parallel_loop3A_1298 = tpu.vector_load %arg8[%parallel_loop3A_1295, %parallel_loop3A_1296, %parallel_loop3A_1297] {strides = array<i32>} : memref<4x128x64xf32, #tpu.memory_space<vmem>>, vector<16xf32>,
        %parallel_loop3A_1299 = arith.addf %parallel_loop3A_1298, %get3A_523 : vector<16xf32>
        tpu.vector_store_idx %arg10[%select_n3A, %rem3A_482, %parallel_loop3A_1293], %parallel_loop3A_1299 : memref<8x8x137xf32, #tpu.memory_space<vmem>>[vector<16xi32>, vector<16xi32>, vector<16xi32>], vector<16xf32>,
        %parallel_loop3A_1300 = arith.constant 0 : i32
        %parallel_loop3A_1301 = arith.index_cast %parallel_loop3A_1300 : i32 to index
        %parallel_loop3A_1302 = arith.index_cast %parallel_loop3A_1288 : i32 to index
        %parallel_loop3A_1303 = arith.constant 16 : index
        %parallel_loop3A_1304 = tpu.vector_load %arg8[%parallel_loop3A_1301, %parallel_loop3A_1302, %parallel_loop3A_1303] {strides = array<i32>} : memref<4x128x64xf32, #tpu.memory_space<vmem>>, vector<16xf32>,
        %parallel_loop3A_1305 = arith.addf %parallel_loop3A_1304, %get3A_527 : vector<16xf32>
        tpu.vector_store_idx %arg10[%select_n3A_408, %rem3A_488, %parallel_loop3A_1293], %parallel_loop3A_1305 : memref<8x8x137xf32, #tpu.memory_space<vmem>>[vector<16xi32>, vector<16xi32>, vector<16xi32>], vector<16xf32>,
        %parallel_loop3A_1306 = arith.constant 0 : i32
        %parallel_loop3A_1307 = arith.index_cast %parallel_loop3A_1306 : i32 to index
        %parallel_loop3A_1308 = arith.index_cast %parallel_loop3A_1288 : i32 to index
        %parallel_loop3A_1309 = arith.constant 32 : index
        %parallel_loop3A_1310 = tpu.vector_load %arg8[%parallel_loop3A_1307, %parallel_loop3A_1308, %parallel_loop3A_1309] {strides = array<i32>} : memref<4x128x64xf32, #tpu.memory_space<vmem>>, vector<16xf32>,
        %parallel_loop3A_1311 = arith.addf %parallel_loop3A_1310, %get3A_531 : vector<16xf32>
        tpu.vector_store_idx %arg10[%select_n3A_442, %rem3A_494, %parallel_loop3A_1293], %parallel_loop3A_1311 : memref<8x8x137xf32, #tpu.memory_space<vmem>>[vector<16xi32>, vector<16xi32>, vector<16xi32>], vector<16xf32>,
        %parallel_loop3A_1312 = arith.constant 0 : i32
        %parallel_loop3A_1313 = arith.index_cast %parallel_loop3A_1312 : i32 to index
        %parallel_loop3A_1314 = arith.index_cast %parallel_loop3A_1288 : i32 to index
        %parallel_loop3A_1315 = arith.constant 48 : index
        %parallel_loop3A_1316 = tpu.vector_load %arg8[%parallel_loop3A_1313, %parallel_loop3A_1314, %parallel_loop3A_1315] {strides = array<i32>} : memref<4x128x64xf32, #tpu.memory_space<vmem>>, vector<16xf32>,
        %parallel_loop3A_1317 = arith.addf %parallel_loop3A_1316, %get3A_535 : vector<16xf32>
        tpu.vector_store_idx %arg10[%select_n3A_476, %rem3A_500, %parallel_loop3A_1293], %parallel_loop3A_1317 : memref<8x8x137xf32, #tpu.memory_space<vmem>>[vector<16xi32>, vector<16xi32>, vector<16xi32>], vector<16xf32>,
      } {sc.loop_unroll_factor = 8 : i64, sc.parallel_access}
      %mul3A_538 = arith.constant 4 : i32
      %mul3A_539 = arith.muli %add3A_231, %mul3A_538 : i32
      %add3A_540 = arith.constant 0 : i32
      %add3A_541 = arith.addi %mul3A_539, %add3A_540 : i32
      %dma_start3A_542 = arith.constant 0 : i32
      %dma_start3A_543 = arith.constant 0 : i32
      %dma_start3A_544 = arith.constant 0 : i32
      %dma_start3A_545 = tpu.memref_slice %arg10[%dma_start3A_542, %dma_start3A_543, %dma_start3A_544] : memref<8x8x137xf32, #tpu.memory_space<vmem>> -> memref<8x8x128xf32, #tpu.memory_space<vmem>>
      %dma_start3A_546 = arith.constant 0 : i32
      %dma_start3A_547 = arith.constant 0 : i32
      %dma_start3A_548 = arith.constant 0 : i32
      %dma_start3A_549 = tpu.memref_slice %arg5[%add3A_541, %dma_start3A_546, %add3A, %dma_start3A_547, %dma_start3A_548] : memref<200x8x32x8x128xf32, #tpu.memory_space<hbm>> -> memref<1x8x1x8x128xf32, #tpu.memory_space<hbm>>
      %dma_start3A_550 = tpu.memref_squeeze %dma_start3A_549 : memref<1x8x1x8x128xf32, #tpu.memory_space<hbm>> -> memref<8x8x128xf32, #tpu.memory_space<hbm>>
      %dma_start3A_551 = arith.constant 0 : i32
      %dma_start3A_552 = arith.constant 0 : i32
      %dma_start3A_553 = arith.constant 0 : i32
      %dma_start3A_554 = tpu.memref_slice %arg5[%add3A_541, %dma_start3A_551, %add3A, %dma_start3A_552, %dma_start3A_553] : memref<200x8x32x8x128xf32, #tpu.memory_space<hbm>> -> memref<1x8x1x8x128xf32, #tpu.memory_space<hbm>>
      %dma_start3A_555 = tpu.memref_squeeze %dma_start3A_554 : memref<1x8x1x8x128xf32, #tpu.memory_space<hbm>> -> memref<8x8x128xf32, #tpu.memory_space<hbm>>
      %dma_start3A_556 = arith.constant 0 : i32
      %dma_start3A_557 = arith.constant 0 : i32
      %dma_start3A_558 = arith.constant 0 : i32
      %dma_start3A_559 = tpu.memref_slice %arg10[%dma_start3A_556, %dma_start3A_557, %dma_start3A_558] : memref<8x8x137xf32, #tpu.memory_space<vmem>> -> memref<8x8x128xf32, #tpu.memory_space<vmem>>
      tpu.enqueue_dma source(%dma_start3A_559 : memref<8x8x128xf32, #tpu.memory_space<vmem>>) target(%dma_start3A_555 : memref<8x8x128xf32, #tpu.memory_space<hbm>>) target_semaphore(%arg18 : memref<!tpu.dma_semaphore, #tpu.memory_space<semaphore_mem>>)
      %dma_wait3A_560 = arith.constant 0 : i32
      %dma_wait3A_561 = arith.constant 0 : i32
      %dma_wait3A_562 = arith.constant 0 : i32
      %dma_wait3A_563 = arith.constant 0 : i32
      %dma_wait3A_564 = arith.constant 0 : i32
      %dma_wait3A_565 = tpu.memref_slice %arg11[%dma_wait3A_562, %dma_wait3A_563, %dma_wait3A_564] : memref<8x8x137xf32, #tpu.memory_space<vmem>> -> memref<8x8x128xf32, #tpu.memory_space<vmem>>
      %dma_wait3A_566 = arith.constant 0 : i32
      %dma_wait3A_567 = arith.constant 0 : i32
      %dma_wait3A_568 = arith.constant 0 : i32
      %dma_wait3A_569 = tpu.memref_slice %arg5[%dma_wait3A_560, %dma_wait3A_566, %dma_wait3A_561, %dma_wait3A_567, %dma_wait3A_568] : memref<200x8x32x8x128xf32, #tpu.memory_space<hbm>> -> memref<1x8x1x8x128xf32, #tpu.memory_space<hbm>>
      %dma_wait3A_570 = tpu.memref_squeeze %dma_wait3A_569 : memref<1x8x1x8x128xf32, #tpu.memory_space<hbm>> -> memref<8x8x128xf32, #tpu.memory_space<hbm>>
      %dma_wait3A_571 = arith.constant 0 : i32
      %dma_wait3A_572 = arith.constant 0 : i32
      %dma_wait3A_573 = arith.constant 0 : i32
      %dma_wait3A_574 = tpu.memref_slice %arg5[%dma_wait3A_560, %dma_wait3A_571, %dma_wait3A_561, %dma_wait3A_572, %dma_wait3A_573] : memref<200x8x32x8x128xf32, #tpu.memory_space<hbm>> -> memref<1x8x1x8x128xf32, #tpu.memory_space<hbm>>
      %dma_wait3A_575 = tpu.memref_squeeze %dma_wait3A_574 : memref<1x8x1x8x128xf32, #tpu.memory_space<hbm>> -> memref<8x8x128xf32, #tpu.memory_space<hbm>>
      %dma_wait3A_576 = arith.constant 0 : i32
      %dma_wait3A_577 = arith.constant 0 : i32
      %dma_wait3A_578 = arith.constant 0 : i32
      %dma_wait3A_579 = tpu.memref_slice %arg11[%dma_wait3A_576, %dma_wait3A_577, %dma_wait3A_578] : memref<8x8x137xf32, #tpu.memory_space<vmem>> -> memref<8x8x128xf32, #tpu.memory_space<vmem>>
      tpu.wait_dma2 semaphore(%arg19 : memref<!tpu.dma_semaphore, #tpu.memory_space<semaphore_mem>>) src(%dma_wait3A_579 : memref<8x8x128xf32, #tpu.memory_space<vmem>>) dst(%dma_wait3A_575 : memref<8x8x128xf32, #tpu.memory_space<hbm>>)
      %get3A_580 = arith.constant 1 : i32
      %get3A_581 = arith.index_cast %get3A_580 : i32 to index
      %get3A_582 = arith.constant 0 : index
      %get3A_583 = tpu.vector_load %arg12[%get3A_581, %get3A_582] {strides = array<i32>} : memref<4x64xf32, #tpu.memory_space<vmem>>, vector<16xf32>,
      %get3A_584 = arith.constant 1 : i32
      %get3A_585 = arith.index_cast %get3A_584 : i32 to index
      %get3A_586 = arith.constant 16 : index
      %get3A_587 = tpu.vector_load %arg12[%get3A_585, %get3A_586] {strides = array<i32>} : memref<4x64xf32, #tpu.memory_space<vmem>>, vector<16xf32>,
      %get3A_588 = arith.constant 1 : i32
      %get3A_589 = arith.index_cast %get3A_588 : i32 to index
      %get3A_590 = arith.constant 32 : index
      %get3A_591 = tpu.vector_load %arg12[%get3A_589, %get3A_590] {strides = array<i32>} : memref<4x64xf32, #tpu.memory_space<vmem>>, vector<16xf32>,
      %get3A_592 = arith.constant 1 : i32
      %get3A_593 = arith.index_cast %get3A_592 : i32 to index
      %get3A_594 = arith.constant 48 : index
      %get3A_595 = tpu.vector_load %arg12[%get3A_593, %get3A_594] {strides = array<i32>} : memref<4x64xf32, #tpu.memory_space<vmem>>, vector<16xf32>,
      %parallel_loop3A_596 = arith.constant 0 : i32
      %parallel_loop3A_597 = arith.constant 128 : i32
      %parallel_loop3A_598 = arith.constant 1 : i32
      scf.for %parallel_loop3A_1288 = %parallel_loop3A_596 to %parallel_loop3A_597 step %parallel_loop3A_598  : i32 {
        %parallel_loop3A_1289 = arith.constant 0 : i32
        %parallel_loop3A_1290 = vector.broadcast %parallel_loop3A_1289 : i32 to vector<16xi32>
        %parallel_loop3A_1291 = arith.muli %iota3A, %parallel_loop3A_1290 : vector<16xi32>
        %parallel_loop3A_1292 = vector.broadcast %parallel_loop3A_1288 : i32 to vector<16xi32>
        %parallel_loop3A_1293 = arith.addi %parallel_loop3A_1291, %parallel_loop3A_1292 : vector<16xi32>
        %parallel_loop3A_1294 = arith.constant 1 : i32
        %parallel_loop3A_1295 = arith.index_cast %parallel_loop3A_1294 : i32 to index
        %parallel_loop3A_1296 = arith.index_cast %parallel_loop3A_1288 : i32 to index
        %parallel_loop3A_1297 = arith.constant 0 : index
        %parallel_loop3A_1298 = tpu.vector_load %arg8[%parallel_loop3A_1295, %parallel_loop3A_1296, %parallel_loop3A_1297] {strides = array<i32>} : memref<4x128x64xf32, #tpu.memory_space<vmem>>, vector<16xf32>,
        %parallel_loop3A_1299 = arith.addf %parallel_loop3A_1298, %get3A_583 : vector<16xf32>
        tpu.vector_store_idx %arg11[%select_n3A, %rem3A_482, %parallel_loop3A_1293], %parallel_loop3A_1299 : memref<8x8x137xf32, #tpu.memory_space<vmem>>[vector<16xi32>, vector<16xi32>, vector<16xi32>], vector<16xf32>,
        %parallel_loop3A_1300 = arith.constant 1 : i32
        %parallel_loop3A_1301 = arith.index_cast %parallel_loop3A_1300 : i32 to index
        %parallel_loop3A_1302 = arith.index_cast %parallel_loop3A_1288 : i32 to index
        %parallel_loop3A_1303 = arith.constant 16 : index
        %parallel_loop3A_1304 = tpu.vector_load %arg8[%parallel_loop3A_1301, %parallel_loop3A_1302, %parallel_loop3A_1303] {strides = array<i32>} : memref<4x128x64xf32, #tpu.memory_space<vmem>>, vector<16xf32>,
        %parallel_loop3A_1305 = arith.addf %parallel_loop3A_1304, %get3A_587 : vector<16xf32>
        tpu.vector_store_idx %arg11[%select_n3A_408, %rem3A_488, %parallel_loop3A_1293], %parallel_loop3A_1305 : memref<8x8x137xf32, #tpu.memory_space<vmem>>[vector<16xi32>, vector<16xi32>, vector<16xi32>], vector<16xf32>,
        %parallel_loop3A_1306 = arith.constant 1 : i32
        %parallel_loop3A_1307 = arith.index_cast %parallel_loop3A_1306 : i32 to index
        %parallel_loop3A_1308 = arith.index_cast %parallel_loop3A_1288 : i32 to index
        %parallel_loop3A_1309 = arith.constant 32 : index
        %parallel_loop3A_1310 = tpu.vector_load %arg8[%parallel_loop3A_1307, %parallel_loop3A_1308, %parallel_loop3A_1309] {strides = array<i32>} : memref<4x128x64xf32, #tpu.memory_space<vmem>>, vector<16xf32>,
        %parallel_loop3A_1311 = arith.addf %parallel_loop3A_1310, %get3A_591 : vector<16xf32>
        tpu.vector_store_idx %arg11[%select_n3A_442, %rem3A_494, %parallel_loop3A_1293], %parallel_loop3A_1311 : memref<8x8x137xf32, #tpu.memory_space<vmem>>[vector<16xi32>, vector<16xi32>, vector<16xi32>], vector<16xf32>,
        %parallel_loop3A_1312 = arith.constant 1 : i32
        %parallel_loop3A_1313 = arith.index_cast %parallel_loop3A_1312 : i32 to index
        %parallel_loop3A_1314 = arith.index_cast %parallel_loop3A_1288 : i32 to index
        %parallel_loop3A_1315 = arith.constant 48 : index
        %parallel_loop3A_1316 = tpu.vector_load %arg8[%parallel_loop3A_1313, %parallel_loop3A_1314, %parallel_loop3A_1315] {strides = array<i32>} : memref<4x128x64xf32, #tpu.memory_space<vmem>>, vector<16xf32>,
        %parallel_loop3A_1317 = arith.addf %parallel_loop3A_1316, %get3A_595 : vector<16xf32>
        tpu.vector_store_idx %arg11[%select_n3A_476, %rem3A_500, %parallel_loop3A_1293], %parallel_loop3A_1317 : memref<8x8x137xf32, #tpu.memory_space<vmem>>[vector<16xi32>, vector<16xi32>, vector<16xi32>], vector<16xf32>,
      } {sc.loop_unroll_factor = 8 : i64, sc.parallel_access}
      %mul3A_599 = arith.constant 4 : i32
      %mul3A_600 = arith.muli %add3A_231, %mul3A_599 : i32
      %add3A_601 = arith.constant 1 : i32
      %add3A_602 = arith.addi %mul3A_600, %add3A_601 : i32
      %dma_start3A_603 = arith.constant 0 : i32
      %dma_start3A_604 = arith.constant 0 : i32
      %dma_start3A_605 = arith.constant 0 : i32
      %dma_start3A_606 = tpu.memref_slice %arg11[%dma_start3A_603, %dma_start3A_604, %dma_start3A_605] : memref<8x8x137xf32, #tpu.memory_space<vmem>> -> memref<8x8x128xf32, #tpu.memory_space<vmem>>
      %dma_start3A_607 = arith.constant 0 : i32
      %dma_start3A_608 = arith.constant 0 : i32
      %dma_start3A_609 = arith.constant 0 : i32
      %dma_start3A_610 = tpu.memref_slice %arg5[%add3A_602, %dma_start3A_607, %add3A, %dma_start3A_608, %dma_start3A_609] : memref<200x8x32x8x128xf32, #tpu.memory_space<hbm>> -> memref<1x8x1x8x128xf32, #tpu.memory_space<hbm>>
      %dma_start3A_611 = tpu.memref_squeeze %dma_start3A_610 : memref<1x8x1x8x128xf32, #tpu.memory_space<hbm>> -> memref<8x8x128xf32, #tpu.memory_space<hbm>>
      %dma_start3A_612 = arith.constant 0 : i32
      %dma_start3A_613 = arith.constant 0 : i32
      %dma_start3A_614 = arith.constant 0 : i32
      %dma_start3A_615 = tpu.memref_slice %arg5[%add3A_602, %dma_start3A_612, %add3A, %dma_start3A_613, %dma_start3A_614] : memref<200x8x32x8x128xf32, #tpu.memory_space<hbm>> -> memref<1x8x1x8x128xf32, #tpu.memory_space<hbm>>
      %dma_start3A_616 = tpu.memref_squeeze %dma_start3A_615 : memref<1x8x1x8x128xf32, #tpu.memory_space<hbm>> -> memref<8x8x128xf32, #tpu.memory_space<hbm>>
      %dma_start3A_617 = arith.constant 0 : i32
      %dma_start3A_618 = arith.constant 0 : i32
      %dma_start3A_619 = arith.constant 0 : i32
      %dma_start3A_620 = tpu.memref_slice %arg11[%dma_start3A_617, %dma_start3A_618, %dma_start3A_619] : memref<8x8x137xf32, #tpu.memory_space<vmem>> -> memref<8x8x128xf32, #tpu.memory_space<vmem>>
      tpu.enqueue_dma source(%dma_start3A_620 : memref<8x8x128xf32, #tpu.memory_space<vmem>>) target(%dma_start3A_616 : memref<8x8x128xf32, #tpu.memory_space<hbm>>) target_semaphore(%arg19 : memref<!tpu.dma_semaphore, #tpu.memory_space<semaphore_mem>>)
      %dma_wait3A_621 = arith.constant 0 : i32
      %dma_wait3A_622 = arith.constant 0 : i32
      %dma_wait3A_623 = arith.constant 0 : i32
      %dma_wait3A_624 = arith.constant 0 : i32
      %dma_wait3A_625 = arith.constant 0 : i32
      %dma_wait3A_626 = tpu.memref_slice %arg10[%dma_wait3A_623, %dma_wait3A_624, %dma_wait3A_625] : memref<8x8x137xf32, #tpu.memory_space<vmem>> -> memref<8x8x128xf32, #tpu.memory_space<vmem>>
      %dma_wait3A_627 = arith.constant 0 : i32
      %dma_wait3A_628 = arith.constant 0 : i32
      %dma_wait3A_629 = arith.constant 0 : i32
      %dma_wait3A_630 = tpu.memref_slice %arg5[%dma_wait3A_621, %dma_wait3A_627, %dma_wait3A_622, %dma_wait3A_628, %dma_wait3A_629] : memref<200x8x32x8x128xf32, #tpu.memory_space<hbm>> -> memref<1x8x1x8x128xf32, #tpu.memory_space<hbm>>
      %dma_wait3A_631 = tpu.memref_squeeze %dma_wait3A_630 : memref<1x8x1x8x128xf32, #tpu.memory_space<hbm>> -> memref<8x8x128xf32, #tpu.memory_space<hbm>>
      %dma_wait3A_632 = arith.constant 0 : i32
      %dma_wait3A_633 = arith.constant 0 : i32
      %dma_wait3A_634 = arith.constant 0 : i32
      %dma_wait3A_635 = tpu.memref_slice %arg5[%dma_wait3A_621, %dma_wait3A_632, %dma_wait3A_622, %dma_wait3A_633, %dma_wait3A_634] : memref<200x8x32x8x128xf32, #tpu.memory_space<hbm>> -> memref<1x8x1x8x128xf32, #tpu.memory_space<hbm>>
      %dma_wait3A_636 = tpu.memref_squeeze %dma_wait3A_635 : memref<1x8x1x8x128xf32, #tpu.memory_space<hbm>> -> memref<8x8x128xf32, #tpu.memory_space<hbm>>
      %dma_wait3A_637 = arith.constant 0 : i32
      %dma_wait3A_638 = arith.constant 0 : i32
      %dma_wait3A_639 = arith.constant 0 : i32
      %dma_wait3A_640 = tpu.memref_slice %arg10[%dma_wait3A_637, %dma_wait3A_638, %dma_wait3A_639] : memref<8x8x137xf32, #tpu.memory_space<vmem>> -> memref<8x8x128xf32, #tpu.memory_space<vmem>>
      tpu.wait_dma2 semaphore(%arg18 : memref<!tpu.dma_semaphore, #tpu.memory_space<semaphore_mem>>) src(%dma_wait3A_640 : memref<8x8x128xf32, #tpu.memory_space<vmem>>) dst(%dma_wait3A_636 : memref<8x8x128xf32, #tpu.memory_space<hbm>>)
      %get3A_641 = arith.constant 2 : i32
      %get3A_642 = arith.index_cast %get3A_641 : i32 to index
      %get3A_643 = arith.constant 0 : index
      %get3A_644 = tpu.vector_load %arg12[%get3A_642, %get3A_643] {strides = array<i32>} : memref<4x64xf32, #tpu.memory_space<vmem>>, vector<16xf32>,
      %get3A_645 = arith.constant 2 : i32
      %get3A_646 = arith.index_cast %get3A_645 : i32 to index
      %get3A_647 = arith.constant 16 : index
      %get3A_648 = tpu.vector_load %arg12[%get3A_646, %get3A_647] {strides = array<i32>} : memref<4x64xf32, #tpu.memory_space<vmem>>, vector<16xf32>,
      %get3A_649 = arith.constant 2 : i32
      %get3A_650 = arith.index_cast %get3A_649 : i32 to index
      %get3A_651 = arith.constant 32 : index
      %get3A_652 = tpu.vector_load %arg12[%get3A_650, %get3A_651] {strides = array<i32>} : memref<4x64xf32, #tpu.memory_space<vmem>>, vector<16xf32>,
      %get3A_653 = arith.constant 2 : i32
      %get3A_654 = arith.index_cast %get3A_653 : i32 to index
      %get3A_655 = arith.constant 48 : index
      %get3A_656 = tpu.vector_load %arg12[%get3A_654, %get3A_655] {strides = array<i32>} : memref<4x64xf32, #tpu.memory_space<vmem>>, vector<16xf32>,
      %parallel_loop3A_657 = arith.constant 0 : i32
      %parallel_loop3A_658 = arith.constant 128 : i32
      %parallel_loop3A_659 = arith.constant 1 : i32
      scf.for %parallel_loop3A_1288 = %parallel_loop3A_657 to %parallel_loop3A_658 step %parallel_loop3A_659  : i32 {
        %parallel_loop3A_1289 = arith.constant 0 : i32
        %parallel_loop3A_1290 = vector.broadcast %parallel_loop3A_1289 : i32 to vector<16xi32>
        %parallel_loop3A_1291 = arith.muli %iota3A, %parallel_loop3A_1290 : vector<16xi32>
        %parallel_loop3A_1292 = vector.broadcast %parallel_loop3A_1288 : i32 to vector<16xi32>
        %parallel_loop3A_1293 = arith.addi %parallel_loop3A_1291, %parallel_loop3A_1292 : vector<16xi32>
        %parallel_loop3A_1294 = arith.constant 2 : i32
        %parallel_loop3A_1295 = arith.index_cast %parallel_loop3A_1294 : i32 to index
        %parallel_loop3A_1296 = arith.index_cast %parallel_loop3A_1288 : i32 to index
        %parallel_loop3A_1297 = arith.constant 0 : index
        %parallel_loop3A_1298 = tpu.vector_load %arg8[%parallel_loop3A_1295, %parallel_loop3A_1296, %parallel_loop3A_1297] {strides = array<i32>} : memref<4x128x64xf32, #tpu.memory_space<vmem>>, vector<16xf32>,
        %parallel_loop3A_1299 = arith.addf %parallel_loop3A_1298, %get3A_644 : vector<16xf32>
        tpu.vector_store_idx %arg10[%select_n3A, %rem3A_482, %parallel_loop3A_1293], %parallel_loop3A_1299 : memref<8x8x137xf32, #tpu.memory_space<vmem>>[vector<16xi32>, vector<16xi32>, vector<16xi32>], vector<16xf32>,
        %parallel_loop3A_1300 = arith.constant 2 : i32
        %parallel_loop3A_1301 = arith.index_cast %parallel_loop3A_1300 : i32 to index
        %parallel_loop3A_1302 = arith.index_cast %parallel_loop3A_1288 : i32 to index
        %parallel_loop3A_1303 = arith.constant 16 : index
        %parallel_loop3A_1304 = tpu.vector_load %arg8[%parallel_loop3A_1301, %parallel_loop3A_1302, %parallel_loop3A_1303] {strides = array<i32>} : memref<4x128x64xf32, #tpu.memory_space<vmem>>, vector<16xf32>,
        %parallel_loop3A_1305 = arith.addf %parallel_loop3A_1304, %get3A_648 : vector<16xf32>
        tpu.vector_store_idx %arg10[%select_n3A_408, %rem3A_488, %parallel_loop3A_1293], %parallel_loop3A_1305 : memref<8x8x137xf32, #tpu.memory_space<vmem>>[vector<16xi32>, vector<16xi32>, vector<16xi32>], vector<16xf32>,
        %parallel_loop3A_1306 = arith.constant 2 : i32
        %parallel_loop3A_1307 = arith.index_cast %parallel_loop3A_1306 : i32 to index
        %parallel_loop3A_1308 = arith.index_cast %parallel_loop3A_1288 : i32 to index
        %parallel_loop3A_1309 = arith.constant 32 : index
        %parallel_loop3A_1310 = tpu.vector_load %arg8[%parallel_loop3A_1307, %parallel_loop3A_1308, %parallel_loop3A_1309] {strides = array<i32>} : memref<4x128x64xf32, #tpu.memory_space<vmem>>, vector<16xf32>,
        %parallel_loop3A_1311 = arith.addf %parallel_loop3A_1310, %get3A_652 : vector<16xf32>
        tpu.vector_store_idx %arg10[%select_n3A_442, %rem3A_494, %parallel_loop3A_1293], %parallel_loop3A_1311 : memref<8x8x137xf32, #tpu.memory_space<vmem>>[vector<16xi32>, vector<16xi32>, vector<16xi32>], vector<16xf32>,
        %parallel_loop3A_1312 = arith.constant 2 : i32
        %parallel_loop3A_1313 = arith.index_cast %parallel_loop3A_1312 : i32 to index
        %parallel_loop3A_1314 = arith.index_cast %parallel_loop3A_1288 : i32 to index
        %parallel_loop3A_1315 = arith.constant 48 : index
        %parallel_loop3A_1316 = tpu.vector_load %arg8[%parallel_loop3A_1313, %parallel_loop3A_1314, %parallel_loop3A_1315] {strides = array<i32>} : memref<4x128x64xf32, #tpu.memory_space<vmem>>, vector<16xf32>,
        %parallel_loop3A_1317 = arith.addf %parallel_loop3A_1316, %get3A_656 : vector<16xf32>
        tpu.vector_store_idx %arg10[%select_n3A_476, %rem3A_500, %parallel_loop3A_1293], %parallel_loop3A_1317 : memref<8x8x137xf32, #tpu.memory_space<vmem>>[vector<16xi32>, vector<16xi32>, vector<16xi32>], vector<16xf32>,
      } {sc.loop_unroll_factor = 8 : i64, sc.parallel_access}
      %mul3A_660 = arith.constant 4 : i32
      %mul3A_661 = arith.muli %add3A_231, %mul3A_660 : i32
      %add3A_662 = arith.constant 2 : i32
      %add3A_663 = arith.addi %mul3A_661, %add3A_662 : i32
      %dma_start3A_664 = arith.constant 0 : i32
      %dma_start3A_665 = arith.constant 0 : i32
      %dma_start3A_666 = arith.constant 0 : i32
      %dma_start3A_667 = tpu.memref_slice %arg10[%dma_start3A_664, %dma_start3A_665, %dma_start3A_666] : memref<8x8x137xf32, #tpu.memory_space<vmem>> -> memref<8x8x128xf32, #tpu.memory_space<vmem>>
      %dma_start3A_668 = arith.constant 0 : i32
      %dma_start3A_669 = arith.constant 0 : i32
      %dma_start3A_670 = arith.constant 0 : i32
      %dma_start3A_671 = tpu.memref_slice %arg5[%add3A_663, %dma_start3A_668, %add3A, %dma_start3A_669, %dma_start3A_670] : memref<200x8x32x8x128xf32, #tpu.memory_space<hbm>> -> memref<1x8x1x8x128xf32, #tpu.memory_space<hbm>>
      %dma_start3A_672 = tpu.memref_squeeze %dma_start3A_671 : memref<1x8x1x8x128xf32, #tpu.memory_space<hbm>> -> memref<8x8x128xf32, #tpu.memory_space<hbm>>
      %dma_start3A_673 = arith.constant 0 : i32
      %dma_start3A_674 = arith.constant 0 : i32
      %dma_start3A_675 = arith.constant 0 : i32
      %dma_start3A_676 = tpu.memref_slice %arg5[%add3A_663, %dma_start3A_673, %add3A, %dma_start3A_674, %dma_start3A_675] : memref<200x8x32x8x128xf32, #tpu.memory_space<hbm>> -> memref<1x8x1x8x128xf32, #tpu.memory_space<hbm>>
      %dma_start3A_677 = tpu.memref_squeeze %dma_start3A_676 : memref<1x8x1x8x128xf32, #tpu.memory_space<hbm>> -> memref<8x8x128xf32, #tpu.memory_space<hbm>>
      %dma_start3A_678 = arith.constant 0 : i32
      %dma_start3A_679 = arith.constant 0 : i32
      %dma_start3A_680 = arith.constant 0 : i32
      %dma_start3A_681 = tpu.memref_slice %arg10[%dma_start3A_678, %dma_start3A_679, %dma_start3A_680] : memref<8x8x137xf32, #tpu.memory_space<vmem>> -> memref<8x8x128xf32, #tpu.memory_space<vmem>>
      tpu.enqueue_dma source(%dma_start3A_681 : memref<8x8x128xf32, #tpu.memory_space<vmem>>) target(%dma_start3A_677 : memref<8x8x128xf32, #tpu.memory_space<hbm>>) target_semaphore(%arg18 : memref<!tpu.dma_semaphore, #tpu.memory_space<semaphore_mem>>)
      %dma_wait3A_682 = arith.constant 0 : i32
      %dma_wait3A_683 = arith.constant 0 : i32
      %dma_wait3A_684 = arith.constant 0 : i32
      %dma_wait3A_685 = arith.constant 0 : i32
      %dma_wait3A_686 = arith.constant 0 : i32
      %dma_wait3A_687 = tpu.memref_slice %arg11[%dma_wait3A_684, %dma_wait3A_685, %dma_wait3A_686] : memref<8x8x137xf32, #tpu.memory_space<vmem>> -> memref<8x8x128xf32, #tpu.memory_space<vmem>>
      %dma_wait3A_688 = arith.constant 0 : i32
      %dma_wait3A_689 = arith.constant 0 : i32
      %dma_wait3A_690 = arith.constant 0 : i32
      %dma_wait3A_691 = tpu.memref_slice %arg5[%dma_wait3A_682, %dma_wait3A_688, %dma_wait3A_683, %dma_wait3A_689, %dma_wait3A_690] : memref<200x8x32x8x128xf32, #tpu.memory_space<hbm>> -> memref<1x8x1x8x128xf32, #tpu.memory_space<hbm>>
      %dma_wait3A_692 = tpu.memref_squeeze %dma_wait3A_691 : memref<1x8x1x8x128xf32, #tpu.memory_space<hbm>> -> memref<8x8x128xf32, #tpu.memory_space<hbm>>
      %dma_wait3A_693 = arith.constant 0 : i32
      %dma_wait3A_694 = arith.constant 0 : i32
      %dma_wait3A_695 = arith.constant 0 : i32
      %dma_wait3A_696 = tpu.memref_slice %arg5[%dma_wait3A_682, %dma_wait3A_693, %dma_wait3A_683, %dma_wait3A_694, %dma_wait3A_695] : memref<200x8x32x8x128xf32, #tpu.memory_space<hbm>> -> memref<1x8x1x8x128xf32, #tpu.memory_space<hbm>>
      %dma_wait3A_697 = tpu.memref_squeeze %dma_wait3A_696 : memref<1x8x1x8x128xf32, #tpu.memory_space<hbm>> -> memref<8x8x128xf32, #tpu.memory_space<hbm>>
      %dma_wait3A_698 = arith.constant 0 : i32
      %dma_wait3A_699 = arith.constant 0 : i32
      %dma_wait3A_700 = arith.constant 0 : i32
      %dma_wait3A_701 = tpu.memref_slice %arg11[%dma_wait3A_698, %dma_wait3A_699, %dma_wait3A_700] : memref<8x8x137xf32, #tpu.memory_space<vmem>> -> memref<8x8x128xf32, #tpu.memory_space<vmem>>
      tpu.wait_dma2 semaphore(%arg19 : memref<!tpu.dma_semaphore, #tpu.memory_space<semaphore_mem>>) src(%dma_wait3A_701 : memref<8x8x128xf32, #tpu.memory_space<vmem>>) dst(%dma_wait3A_697 : memref<8x8x128xf32, #tpu.memory_space<hbm>>)
      %get3A_702 = arith.constant 3 : i32
      %get3A_703 = arith.index_cast %get3A_702 : i32 to index
      %get3A_704 = arith.constant 0 : index
      %get3A_705 = tpu.vector_load %arg12[%get3A_703, %get3A_704] {strides = array<i32>} : memref<4x64xf32, #tpu.memory_space<vmem>>, vector<16xf32>,
      %get3A_706 = arith.constant 3 : i32
      %get3A_707 = arith.index_cast %get3A_706 : i32 to index
      %get3A_708 = arith.constant 16 : index
      %get3A_709 = tpu.vector_load %arg12[%get3A_707, %get3A_708] {strides = array<i32>} : memref<4x64xf32, #tpu.memory_space<vmem>>, vector<16xf32>,
      %get3A_710 = arith.constant 3 : i32
      %get3A_711 = arith.index_cast %get3A_710 : i32 to index
      %get3A_712 = arith.constant 32 : index
      %get3A_713 = tpu.vector_load %arg12[%get3A_711, %get3A_712] {strides = array<i32>} : memref<4x64xf32, #tpu.memory_space<vmem>>, vector<16xf32>,
      %get3A_714 = arith.constant 3 : i32
      %get3A_715 = arith.index_cast %get3A_714 : i32 to index
      %get3A_716 = arith.constant 48 : index
      %get3A_717 = tpu.vector_load %arg12[%get3A_715, %get3A_716] {strides = array<i32>} : memref<4x64xf32, #tpu.memory_space<vmem>>, vector<16xf32>,
      %parallel_loop3A_718 = arith.constant 0 : i32
      %parallel_loop3A_719 = arith.constant 128 : i32
      %parallel_loop3A_720 = arith.constant 1 : i32
      scf.for %parallel_loop3A_1288 = %parallel_loop3A_718 to %parallel_loop3A_719 step %parallel_loop3A_720  : i32 {
        %parallel_loop3A_1289 = arith.constant 0 : i32
        %parallel_loop3A_1290 = vector.broadcast %parallel_loop3A_1289 : i32 to vector<16xi32>
        %parallel_loop3A_1291 = arith.muli %iota3A, %parallel_loop3A_1290 : vector<16xi32>
        %parallel_loop3A_1292 = vector.broadcast %parallel_loop3A_1288 : i32 to vector<16xi32>
        %parallel_loop3A_1293 = arith.addi %parallel_loop3A_1291, %parallel_loop3A_1292 : vector<16xi32>
        %parallel_loop3A_1294 = arith.constant 3 : i32
        %parallel_loop3A_1295 = arith.index_cast %parallel_loop3A_1294 : i32 to index
        %parallel_loop3A_1296 = arith.index_cast %parallel_loop3A_1288 : i32 to index
        %parallel_loop3A_1297 = arith.constant 0 : index
        %parallel_loop3A_1298 = tpu.vector_load %arg8[%parallel_loop3A_1295, %parallel_loop3A_1296, %parallel_loop3A_1297] {strides = array<i32>} : memref<4x128x64xf32, #tpu.memory_space<vmem>>, vector<16xf32>,
        %parallel_loop3A_1299 = arith.addf %parallel_loop3A_1298, %get3A_705 : vector<16xf32>
        tpu.vector_store_idx %arg11[%select_n3A, %rem3A_482, %parallel_loop3A_1293], %parallel_loop3A_1299 : memref<8x8x137xf32, #tpu.memory_space<vmem>>[vector<16xi32>, vector<16xi32>, vector<16xi32>], vector<16xf32>,
        %parallel_loop3A_1300 = arith.constant 3 : i32
        %parallel_loop3A_1301 = arith.index_cast %parallel_loop3A_1300 : i32 to index
        %parallel_loop3A_1302 = arith.index_cast %parallel_loop3A_1288 : i32 to index
        %parallel_loop3A_1303 = arith.constant 16 : index
        %parallel_loop3A_1304 = tpu.vector_load %arg8[%parallel_loop3A_1301, %parallel_loop3A_1302, %parallel_loop3A_1303] {strides = array<i32>} : memref<4x128x64xf32, #tpu.memory_space<vmem>>, vector<16xf32>,
        %parallel_loop3A_1305 = arith.addf %parallel_loop3A_1304, %get3A_709 : vector<16xf32>
        tpu.vector_store_idx %arg11[%select_n3A_408, %rem3A_488, %parallel_loop3A_1293], %parallel_loop3A_1305 : memref<8x8x137xf32, #tpu.memory_space<vmem>>[vector<16xi32>, vector<16xi32>, vector<16xi32>], vector<16xf32>,
        %parallel_loop3A_1306 = arith.constant 3 : i32
        %parallel_loop3A_1307 = arith.index_cast %parallel_loop3A_1306 : i32 to index
        %parallel_loop3A_1308 = arith.index_cast %parallel_loop3A_1288 : i32 to index
        %parallel_loop3A_1309 = arith.constant 32 : index
        %parallel_loop3A_1310 = tpu.vector_load %arg8[%parallel_loop3A_1307, %parallel_loop3A_1308, %parallel_loop3A_1309] {strides = array<i32>} : memref<4x128x64xf32, #tpu.memory_space<vmem>>, vector<16xf32>,
        %parallel_loop3A_1311 = arith.addf %parallel_loop3A_1310, %get3A_713 : vector<16xf32>
        tpu.vector_store_idx %arg11[%select_n3A_442, %rem3A_494, %parallel_loop3A_1293], %parallel_loop3A_1311 : memref<8x8x137xf32, #tpu.memory_space<vmem>>[vector<16xi32>, vector<16xi32>, vector<16xi32>], vector<16xf32>,
        %parallel_loop3A_1312 = arith.constant 3 : i32
        %parallel_loop3A_1313 = arith.index_cast %parallel_loop3A_1312 : i32 to index
        %parallel_loop3A_1314 = arith.index_cast %parallel_loop3A_1288 : i32 to index
        %parallel_loop3A_1315 = arith.constant 48 : index
        %parallel_loop3A_1316 = tpu.vector_load %arg8[%parallel_loop3A_1313, %parallel_loop3A_1314, %parallel_loop3A_1315] {strides = array<i32>} : memref<4x128x64xf32, #tpu.memory_space<vmem>>, vector<16xf32>,
        %parallel_loop3A_1317 = arith.addf %parallel_loop3A_1316, %get3A_717 : vector<16xf32>
        tpu.vector_store_idx %arg11[%select_n3A_476, %rem3A_500, %parallel_loop3A_1293], %parallel_loop3A_1317 : memref<8x8x137xf32, #tpu.memory_space<vmem>>[vector<16xi32>, vector<16xi32>, vector<16xi32>], vector<16xf32>,
      } {sc.loop_unroll_factor = 8 : i64, sc.parallel_access}
      %mul3A_721 = arith.constant 4 : i32
      %mul3A_722 = arith.muli %add3A_231, %mul3A_721 : i32
      %add3A_723 = arith.constant 3 : i32
      %add3A_724 = arith.addi %mul3A_722, %add3A_723 : i32
      %dma_start3A_725 = arith.constant 0 : i32
      %dma_start3A_726 = arith.constant 0 : i32
      %dma_start3A_727 = arith.constant 0 : i32
      %dma_start3A_728 = tpu.memref_slice %arg11[%dma_start3A_725, %dma_start3A_726, %dma_start3A_727] : memref<8x8x137xf32, #tpu.memory_space<vmem>> -> memref<8x8x128xf32, #tpu.memory_space<vmem>>
      %dma_start3A_729 = arith.constant 0 : i32
      %dma_start3A_730 = arith.constant 0 : i32
      %dma_start3A_731 = arith.constant 0 : i32
      %dma_start3A_732 = tpu.memref_slice %arg5[%add3A_724, %dma_start3A_729, %add3A, %dma_start3A_730, %dma_start3A_731] : memref<200x8x32x8x128xf32, #tpu.memory_space<hbm>> -> memref<1x8x1x8x128xf32, #tpu.memory_space<hbm>>
      %dma_start3A_733 = tpu.memref_squeeze %dma_start3A_732 : memref<1x8x1x8x128xf32, #tpu.memory_space<hbm>> -> memref<8x8x128xf32, #tpu.memory_space<hbm>>
      %dma_start3A_734 = arith.constant 0 : i32
      %dma_start3A_735 = arith.constant 0 : i32
      %dma_start3A_736 = arith.constant 0 : i32
      %dma_start3A_737 = tpu.memref_slice %arg5[%add3A_724, %dma_start3A_734, %add3A, %dma_start3A_735, %dma_start3A_736] : memref<200x8x32x8x128xf32, #tpu.memory_space<hbm>> -> memref<1x8x1x8x128xf32, #tpu.memory_space<hbm>>
      %dma_start3A_738 = tpu.memref_squeeze %dma_start3A_737 : memref<1x8x1x8x128xf32, #tpu.memory_space<hbm>> -> memref<8x8x128xf32, #tpu.memory_space<hbm>>
      %dma_start3A_739 = arith.constant 0 : i32
      %dma_start3A_740 = arith.constant 0 : i32
      %dma_start3A_741 = arith.constant 0 : i32
      %dma_start3A_742 = tpu.memref_slice %arg11[%dma_start3A_739, %dma_start3A_740, %dma_start3A_741] : memref<8x8x137xf32, #tpu.memory_space<vmem>> -> memref<8x8x128xf32, #tpu.memory_space<vmem>>
      tpu.enqueue_dma source(%dma_start3A_742 : memref<8x8x128xf32, #tpu.memory_space<vmem>>) target(%dma_start3A_738 : memref<8x8x128xf32, #tpu.memory_space<hbm>>) target_semaphore(%arg19 : memref<!tpu.dma_semaphore, #tpu.memory_space<semaphore_mem>>)
      %add3A_743 = arith.constant 2 : i32
      %add3A_744 = arith.addi %add3A_231, %add3A_743 : i32
      %min3A_745 = arith.constant 49 : i32
      %min3A_746 = arith.minsi %add3A_744, %min3A_745 : i32
      %mul3A_747 = arith.constant 4 : i32
      %mul3A_748 = arith.muli %min3A_746, %mul3A_747 : i32
      %dma_start3A_749 = arith.constant 0 : i32
      %dma_start3A_750 = tpu.memref_slice %arg4[%mul3A_748, %dma_start3A_749] : memref<200x64xf32, #tpu.memory_space<hbm>> -> memref<4x64xf32, #tpu.memory_space<hbm>>
      %dma_start3A_751 = arith.constant 0 : i32
      %dma_start3A_752 = tpu.memref_slice %arg4[%mul3A_748, %dma_start3A_751] : memref<200x64xf32, #tpu.memory_space<hbm>> -> memref<4x64xf32, #tpu.memory_space<hbm>>
      tpu.enqueue_dma source(%dma_start3A_752 : memref<4x64xf32, #tpu.memory_space<hbm>>) target(%arg12 : memref<4x64xf32, #tpu.memory_space<vmem>>) target_semaphore(%arg14 : memref<!tpu.dma_semaphore, #tpu.memory_space<semaphore_mem>>)
      %add3A_753 = arith.constant 1 : i32
      %add3A_754 = arith.addi %add3A_229, %add3A_753 : i32
      %dma_wait3A_755 = arith.constant 0 : i32
      %dma_wait3A_756 = arith.constant 0 : i32
      %dma_wait3A_757 = arith.constant 0 : i32
      %dma_wait3A_758 = arith.constant 0 : i32
      %dma_wait3A_759 = tpu.memref_slice %arg9[%dma_wait3A_756, %dma_wait3A_757, %dma_wait3A_758] : memref<4x128x64xf32, #tpu.memory_space<vmem>> -> memref<1x128x64xf32, #tpu.memory_space<vmem>>
      %dma_wait3A_760 = tpu.memref_squeeze %dma_wait3A_759 : memref<1x128x64xf32, #tpu.memory_space<vmem>> -> memref<128x64xf32, #tpu.memory_space<vmem>>
      %dma_wait3A_761 = arith.constant 0 : i32
      %dma_wait3A_762 = tpu.memref_slice %arg7[%dma_wait3A_755, %dma_wait3A_761] : memref<4x128xi32, #tpu.memory_space<vmem>> -> memref<1x128xi32, #tpu.memory_space<vmem>>
      %dma_wait3A_763 = tpu.memref_squeeze %dma_wait3A_762 : memref<1x128xi32, #tpu.memory_space<vmem>> -> memref<128xi32, #tpu.memory_space<vmem>>
      %dma_wait3A_764 = arith.constant 0 : i32
      %dma_wait3A_765 = arith.constant 0 : i32
      %dma_wait3A_766 = tpu.memref_slice %arg3[%dma_wait3A_764, %dma_wait3A_765] : memref<100000x64xf32, #tpu.memory_space<hbm>> -> memref<100000x64xf32, #tpu.memory_space<hbm>>
      tpu.wait_indirect_dma semaphore(%arg17 : memref<!tpu.dma_semaphore, #tpu.memory_space<semaphore_mem>>) src(%dma_wait3A_766 : memref<100000x64xf32, #tpu.memory_space<hbm>>) dst(%dma_wait3A_760 : memref<128x64xf32, #tpu.memory_space<vmem>>)
      %dma_wait3A_767 = arith.constant 1 : i32
      %dma_wait3A_768 = arith.constant 1 : i32
      %dma_wait3A_769 = arith.constant 0 : i32
      %dma_wait3A_770 = arith.constant 0 : i32
      %dma_wait3A_771 = tpu.memref_slice %arg9[%dma_wait3A_768, %dma_wait3A_769, %dma_wait3A_770] : memref<4x128x64xf32, #tpu.memory_space<vmem>> -> memref<1x128x64xf32, #tpu.memory_space<vmem>>
      %dma_wait3A_772 = tpu.memref_squeeze %dma_wait3A_771 : memref<1x128x64xf32, #tpu.memory_space<vmem>> -> memref<128x64xf32, #tpu.memory_space<vmem>>
      %dma_wait3A_773 = arith.constant 0 : i32
      %dma_wait3A_774 = tpu.memref_slice %arg7[%dma_wait3A_767, %dma_wait3A_773] : memref<4x128xi32, #tpu.memory_space<vmem>> -> memref<1x128xi32, #tpu.memory_space<vmem>>
      %dma_wait3A_775 = tpu.memref_squeeze %dma_wait3A_774 : memref<1x128xi32, #tpu.memory_space<vmem>> -> memref<128xi32, #tpu.memory_space<vmem>>
      %dma_wait3A_776 = arith.constant 0 : i32
      %dma_wait3A_777 = arith.constant 0 : i32
      %dma_wait3A_778 = tpu.memref_slice %arg3[%dma_wait3A_776, %dma_wait3A_777] : memref<100000x64xf32, #tpu.memory_space<hbm>> -> memref<100000x64xf32, #tpu.memory_space<hbm>>
      tpu.wait_indirect_dma semaphore(%arg17 : memref<!tpu.dma_semaphore, #tpu.memory_space<semaphore_mem>>) src(%dma_wait3A_778 : memref<100000x64xf32, #tpu.memory_space<hbm>>) dst(%dma_wait3A_772 : memref<128x64xf32, #tpu.memory_space<vmem>>)
      %dma_wait3A_779 = arith.constant 2 : i32
      %dma_wait3A_780 = arith.constant 2 : i32
      %dma_wait3A_781 = arith.constant 0 : i32
      %dma_wait3A_782 = arith.constant 0 : i32
      %dma_wait3A_783 = tpu.memref_slice %arg9[%dma_wait3A_780, %dma_wait3A_781, %dma_wait3A_782] : memref<4x128x64xf32, #tpu.memory_space<vmem>> -> memref<1x128x64xf32, #tpu.memory_space<vmem>>
      %dma_wait3A_784 = tpu.memref_squeeze %dma_wait3A_783 : memref<1x128x64xf32, #tpu.memory_space<vmem>> -> memref<128x64xf32, #tpu.memory_space<vmem>>
      %dma_wait3A_785 = arith.constant 0 : i32
      %dma_wait3A_786 = tpu.memref_slice %arg7[%dma_wait3A_779, %dma_wait3A_785] : memref<4x128xi32, #tpu.memory_space<vmem>> -> memref<1x128xi32, #tpu.memory_space<vmem>>
      %dma_wait3A_787 = tpu.memref_squeeze %dma_wait3A_786 : memref<1x128xi32, #tpu.memory_space<vmem>> -> memref<128xi32, #tpu.memory_space<vmem>>
      %dma_wait3A_788 = arith.constant 0 : i32
      %dma_wait3A_789 = arith.constant 0 : i32
      %dma_wait3A_790 = tpu.memref_slice %arg3[%dma_wait3A_788, %dma_wait3A_789] : memref<100000x64xf32, #tpu.memory_space<hbm>> -> memref<100000x64xf32, #tpu.memory_space<hbm>>
      tpu.wait_indirect_dma semaphore(%arg17 : memref<!tpu.dma_semaphore, #tpu.memory_space<semaphore_mem>>) src(%dma_wait3A_790 : memref<100000x64xf32, #tpu.memory_space<hbm>>) dst(%dma_wait3A_784 : memref<128x64xf32, #tpu.memory_space<vmem>>)
      %dma_wait3A_791 = arith.constant 3 : i32
      %dma_wait3A_792 = arith.constant 3 : i32
      %dma_wait3A_793 = arith.constant 0 : i32
      %dma_wait3A_794 = arith.constant 0 : i32
      %dma_wait3A_795 = tpu.memref_slice %arg9[%dma_wait3A_792, %dma_wait3A_793, %dma_wait3A_794] : memref<4x128x64xf32, #tpu.memory_space<vmem>> -> memref<1x128x64xf32, #tpu.memory_space<vmem>>
      %dma_wait3A_796 = tpu.memref_squeeze %dma_wait3A_795 : memref<1x128x64xf32, #tpu.memory_space<vmem>> -> memref<128x64xf32, #tpu.memory_space<vmem>>
      %dma_wait3A_797 = arith.constant 0 : i32
      %dma_wait3A_798 = tpu.memref_slice %arg7[%dma_wait3A_791, %dma_wait3A_797] : memref<4x128xi32, #tpu.memory_space<vmem>> -> memref<1x128xi32, #tpu.memory_space<vmem>>
      %dma_wait3A_799 = tpu.memref_squeeze %dma_wait3A_798 : memref<1x128xi32, #tpu.memory_space<vmem>> -> memref<128xi32, #tpu.memory_space<vmem>>
      %dma_wait3A_800 = arith.constant 0 : i32
      %dma_wait3A_801 = arith.constant 0 : i32
      %dma_wait3A_802 = tpu.memref_slice %arg3[%dma_wait3A_800, %dma_wait3A_801] : memref<100000x64xf32, #tpu.memory_space<hbm>> -> memref<100000x64xf32, #tpu.memory_space<hbm>>
      tpu.wait_indirect_dma semaphore(%arg17 : memref<!tpu.dma_semaphore, #tpu.memory_space<semaphore_mem>>) src(%dma_wait3A_802 : memref<100000x64xf32, #tpu.memory_space<hbm>>) dst(%dma_wait3A_796 : memref<128x64xf32, #tpu.memory_space<vmem>>)
      %add3A_803 = arith.constant 2 : i32
      %add3A_804 = arith.addi %add3A_754, %add3A_803 : i32
      %min3A_805 = arith.constant 49 : i32
      %min3A_806 = arith.minsi %add3A_804, %min3A_805 : i32
      %mul3A_807 = arith.constant 4 : i32
      %mul3A_808 = arith.muli %min3A_806, %mul3A_807 : i32
      %mul3A_809 = arith.constant 128 : i32
      %mul3A_810 = arith.muli %add3A, %mul3A_809 : i32
      %dma_start3A_811 = tpu.memref_slice %arg2[%mul3A_808, %mul3A_810] : memref<200x4096xi32, #tpu.memory_space<hbm>> -> memref<4x128xi32, #tpu.memory_space<hbm>>
      %dma_start3A_812 = tpu.memref_slice %arg2[%mul3A_808, %mul3A_810] : memref<200x4096xi32, #tpu.memory_space<hbm>> -> memref<4x128xi32, #tpu.memory_space<hbm>>
      tpu.enqueue_dma source(%dma_start3A_812 : memref<4x128xi32, #tpu.memory_space<hbm>>) target(%arg7 : memref<4x128xi32, #tpu.memory_space<vmem>>) target_semaphore(%arg15 : memref<!tpu.dma_semaphore, #tpu.memory_space<semaphore_mem>>)
      %dma_wait3A_813 = arith.constant 0 : i32
      %dma_wait3A_814 = arith.constant 0 : i32
      %dma_wait3A_815 = tpu.memref_slice %arg2[%dma_wait3A_813, %dma_wait3A_814] : memref<200x4096xi32, #tpu.memory_space<hbm>> -> memref<4x128xi32, #tpu.memory_space<hbm>>
      %dma_wait3A_816 = arith.constant 0 : i32
      %dma_wait3A_817 = arith.constant 0 : i32
      %dma_wait3A_818 = tpu.memref_slice %arg2[%dma_wait3A_816, %dma_wait3A_817] : memref<200x4096xi32, #tpu.memory_space<hbm>> -> memref<4x128xi32, #tpu.memory_space<hbm>>
      tpu.wait_dma2 semaphore(%arg14 : memref<!tpu.dma_semaphore, #tpu.memory_space<semaphore_mem>>) src(%dma_wait3A_818 : memref<4x128xi32, #tpu.memory_space<hbm>>) dst(%arg6 : memref<4x128xi32, #tpu.memory_space<vmem>>)
      %dma_wait3A_819 = arith.constant 0 : i32
      %dma_wait3A_820 = arith.constant 0 : i32
      %dma_wait3A_821 = tpu.memref_slice %arg4[%dma_wait3A_819, %dma_wait3A_820] : memref<200x64xf32, #tpu.memory_space<hbm>> -> memref<4x64xf32, #tpu.memory_space<hbm>>
      %dma_wait3A_822 = arith.constant 0 : i32
      %dma_wait3A_823 = arith.constant 0 : i32
      %dma_wait3A_824 = tpu.memref_slice %arg4[%dma_wait3A_822, %dma_wait3A_823] : memref<200x64xf32, #tpu.memory_space<hbm>> -> memref<4x64xf32, #tpu.memory_space<hbm>>
      tpu.wait_dma2 semaphore(%arg14 : memref<!tpu.dma_semaphore, #tpu.memory_space<semaphore_mem>>) src(%dma_wait3A_824 : memref<4x64xf32, #tpu.memory_space<hbm>>) dst(%arg12 : memref<4x64xf32, #tpu.memory_space<vmem>>)
      %dma_start3A_825 = arith.constant 0 : i32
      %dma_start3A_826 = arith.constant 0 : i32
      %dma_start3A_827 = arith.constant 0 : i32
      %dma_start3A_828 = arith.constant 0 : i32
      %dma_start3A_829 = tpu.memref_slice %arg8[%dma_start3A_826, %dma_start3A_827, %dma_start3A_828] : memref<4x128x64xf32, #tpu.memory_space<vmem>> -> memref<1x128x64xf32, #tpu.memory_space<vmem>>
      %dma_start3A_830 = tpu.memref_squeeze %dma_start3A_829 : memref<1x128x64xf32, #tpu.memory_space<vmem>> -> memref<128x64xf32, #tpu.memory_space<vmem>>
      %dma_start3A_831 = arith.constant 0 : i32
      %dma_start3A_832 = tpu.memref_slice %arg6[%dma_start3A_825, %dma_start3A_831] : memref<4x128xi32, #tpu.memory_space<vmem>> -> memref<1x128xi32, #tpu.memory_space<vmem>>
      %dma_start3A_833 = tpu.memref_squeeze %dma_start3A_832 : memref<1x128xi32, #tpu.memory_space<vmem>> -> memref<128xi32, #tpu.memory_space<vmem>>
      %dma_start3A_834 = arith.constant 0 : i32
      %dma_start3A_835 = arith.constant 0 : i32
      %dma_start3A_836 = tpu.memref_slice %arg3[%dma_start3A_834, %dma_start3A_835] : memref<100000x64xf32, #tpu.memory_space<hbm>> -> memref<100000x64xf32, #tpu.memory_space<hbm>>
      tpu.enqueue_indirect_dma source(%dma_start3A_836 : memref<100000x64xf32, #tpu.memory_space<hbm>>) target(%dma_start3A_830 : memref<128x64xf32, #tpu.memory_space<vmem>>) offsets(%dma_start3A_833 : memref<128xi32, #tpu.memory_space<vmem>>) semaphore(%arg16 : memref<!tpu.dma_semaphore, #tpu.memory_space<semaphore_mem>>)
      %dma_start3A_837 = arith.constant 1 : i32
      %dma_start3A_838 = arith.constant 1 : i32
      %dma_start3A_839 = arith.constant 0 : i32
      %dma_start3A_840 = arith.constant 0 : i32
      %dma_start3A_841 = tpu.memref_slice %arg8[%dma_start3A_838, %dma_start3A_839, %dma_start3A_840] : memref<4x128x64xf32, #tpu.memory_space<vmem>> -> memref<1x128x64xf32, #tpu.memory_space<vmem>>
      %dma_start3A_842 = tpu.memref_squeeze %dma_start3A_841 : memref<1x128x64xf32, #tpu.memory_space<vmem>> -> memref<128x64xf32, #tpu.memory_space<vmem>>
      %dma_start3A_843 = arith.constant 0 : i32
      %dma_start3A_844 = tpu.memref_slice %arg6[%dma_start3A_837, %dma_start3A_843] : memref<4x128xi32, #tpu.memory_space<vmem>> -> memref<1x128xi32, #tpu.memory_space<vmem>>
      %dma_start3A_845 = tpu.memref_squeeze %dma_start3A_844 : memref<1x128xi32, #tpu.memory_space<vmem>> -> memref<128xi32, #tpu.memory_space<vmem>>
      %dma_start3A_846 = arith.constant 0 : i32
      %dma_start3A_847 = arith.constant 0 : i32
      %dma_start3A_848 = tpu.memref_slice %arg3[%dma_start3A_846, %dma_start3A_847] : memref<100000x64xf32, #tpu.memory_space<hbm>> -> memref<100000x64xf32, #tpu.memory_space<hbm>>
      tpu.enqueue_indirect_dma source(%dma_start3A_848 : memref<100000x64xf32, #tpu.memory_space<hbm>>) target(%dma_start3A_842 : memref<128x64xf32, #tpu.memory_space<vmem>>) offsets(%dma_start3A_845 : memref<128xi32, #tpu.memory_space<vmem>>) semaphore(%arg16 : memref<!tpu.dma_semaphore, #tpu.memory_space<semaphore_mem>>)
      %dma_start3A_849 = arith.constant 2 : i32
      %dma_start3A_850 = arith.constant 2 : i32
      %dma_start3A_851 = arith.constant 0 : i32
      %dma_start3A_852 = arith.constant 0 : i32
      %dma_start3A_853 = tpu.memref_slice %arg8[%dma_start3A_850, %dma_start3A_851, %dma_start3A_852] : memref<4x128x64xf32, #tpu.memory_space<vmem>> -> memref<1x128x64xf32, #tpu.memory_space<vmem>>
      %dma_start3A_854 = tpu.memref_squeeze %dma_start3A_853 : memref<1x128x64xf32, #tpu.memory_space<vmem>> -> memref<128x64xf32, #tpu.memory_space<vmem>>
      %dma_start3A_855 = arith.constant 0 : i32
      %dma_start3A_856 = tpu.memref_slice %arg6[%dma_start3A_849, %dma_start3A_855] : memref<4x128xi32, #tpu.memory_space<vmem>> -> memref<1x128xi32, #tpu.memory_space<vmem>>
      %dma_start3A_857 = tpu.memref_squeeze %dma_start3A_856 : memref<1x128xi32, #tpu.memory_space<vmem>> -> memref<128xi32, #tpu.memory_space<vmem>>
      %dma_start3A_858 = arith.constant 0 : i32
      %dma_start3A_859 = arith.constant 0 : i32
      %dma_start3A_860 = tpu.memref_slice %arg3[%dma_start3A_858, %dma_start3A_859] : memref<100000x64xf32, #tpu.memory_space<hbm>> -> memref<100000x64xf32, #tpu.memory_space<hbm>>
      tpu.enqueue_indirect_dma source(%dma_start3A_860 : memref<100000x64xf32, #tpu.memory_space<hbm>>) target(%dma_start3A_854 : memref<128x64xf32, #tpu.memory_space<vmem>>) offsets(%dma_start3A_857 : memref<128xi32, #tpu.memory_space<vmem>>) semaphore(%arg16 : memref<!tpu.dma_semaphore, #tpu.memory_space<semaphore_mem>>)
      %dma_start3A_861 = arith.constant 3 : i32
      %dma_start3A_862 = arith.constant 3 : i32
      %dma_start3A_863 = arith.constant 0 : i32
      %dma_start3A_864 = arith.constant 0 : i32
      %dma_start3A_865 = tpu.memref_slice %arg8[%dma_start3A_862, %dma_start3A_863, %dma_start3A_864] : memref<4x128x64xf32, #tpu.memory_space<vmem>> -> memref<1x128x64xf32, #tpu.memory_space<vmem>>
      %dma_start3A_866 = tpu.memref_squeeze %dma_start3A_865 : memref<1x128x64xf32, #tpu.memory_space<vmem>> -> memref<128x64xf32, #tpu.memory_space<vmem>>
      %dma_start3A_867 = arith.constant 0 : i32
      %dma_start3A_868 = tpu.memref_slice %arg6[%dma_start3A_861, %dma_start3A_867] : memref<4x128xi32, #tpu.memory_space<vmem>> -> memref<1x128xi32, #tpu.memory_space<vmem>>
      %dma_start3A_869 = tpu.memref_squeeze %dma_start3A_868 : memref<1x128xi32, #tpu.memory_space<vmem>> -> memref<128xi32, #tpu.memory_space<vmem>>
      %dma_start3A_870 = arith.constant 0 : i32
      %dma_start3A_871 = arith.constant 0 : i32
      %dma_start3A_872 = tpu.memref_slice %arg3[%dma_start3A_870, %dma_start3A_871] : memref<100000x64xf32, #tpu.memory_space<hbm>> -> memref<100000x64xf32, #tpu.memory_space<hbm>>
      tpu.enqueue_indirect_dma source(%dma_start3A_872 : memref<100000x64xf32, #tpu.memory_space<hbm>>) target(%dma_start3A_866 : memref<128x64xf32, #tpu.memory_space<vmem>>) offsets(%dma_start3A_869 : memref<128xi32, #tpu.memory_space<vmem>>) semaphore(%arg16 : memref<!tpu.dma_semaphore, #tpu.memory_space<semaphore_mem>>)
      %iota3A_873 = tpu.iota {dimensions = array<i32: 0>} : vector<16xi32>
      %add3A_874 = arith.constant 0 : i32
      %add3A_875 = vector.broadcast %add3A_874 : i32 to vector<16xi32>
      %add3A_876 = arith.addi %iota3A_873, %add3A_875 : vector<16xi32>
      %jit3A_877 = arith.constant 8 : i32
      %div3A_878 = vector.broadcast %jit3A_877 : i32 to vector<16xi32>
      %div3A_879 = arith.divsi %add3A_876, %div3A_878 : vector<16xi32>
      %sign3A_880 = arith.constant 0 : i32
      %sign3A_881 = vector.broadcast %sign3A_880 : i32 to vector<16xi32>
      %sign3A_882 = arith.cmpi sgt, %add3A_876, %sign3A_881 : vector<16xi32>
      %sign3A_883 = arith.extui %sign3A_882 : vector<16xi1> to vector<16xi32>
      %sign3A_884 = arith.constant 0 : i32
      %sign3A_885 = vector.broadcast %sign3A_884 : i32 to vector<16xi32>
      %sign3A_886 = arith.cmpi slt, %add3A_876, %sign3A_885 : vector<16xi32>
      %sign3A_887 = arith.extui %sign3A_886 : vector<16xi1> to vector<16xi32>
      %sign3A_888 = arith.subi %sign3A_883, %sign3A_887 : vector<16xi32>
      %sign3A_889 = arith.constant 0 : i32
      %sign3A_890 = arith.cmpi sgt, %jit3A_877, %sign3A_889 : i32
      %sign3A_891 = arith.extui %sign3A_890 : i1 to i32
      %sign3A_892 = arith.constant 0 : i32
      %sign3A_893 = arith.cmpi slt, %jit3A_877, %sign3A_892 : i32
      %sign3A_894 = arith.extui %sign3A_893 : i1 to i32
      %sign3A_895 = arith.subi %sign3A_891, %sign3A_894 : i32
      %ne3A_896 = vector.broadcast %sign3A_895 : i32 to vector<16xi32>
      %ne3A_897 = arith.cmpi ne, %sign3A_888, %ne3A_896 : vector<16xi32>
      %rem3A_898 = vector.broadcast %jit3A_877 : i32 to vector<16xi32>
      %rem3A_899 = arith.remsi %add3A_876, %rem3A_898 : vector<16xi32>
      %ne3A_900 = arith.constant 0 : i32
      %ne3A_901 = vector.broadcast %ne3A_900 : i32 to vector<16xi32>
      %ne3A_902 = arith.cmpi ne, %rem3A_899, %ne3A_901 : vector<16xi32>
      %and3A_903 = arith.andi %ne3A_897, %ne3A_902 : vector<16xi1>
      %sub3A_904 = arith.constant 1 : i32
      %sub3A_905 = vector.broadcast %sub3A_904 : i32 to vector<16xi32>
      %sub3A_906 = arith.subi %div3A_879, %sub3A_905 : vector<16xi32>
      %select_n3A_907 = arith.select %and3A_903, %sub3A_906, %div3A_879 : vector<16xi1>, vector<16xi32>
      %add3A_908 = arith.constant 16 : i32
      %add3A_909 = vector.broadcast %add3A_908 : i32 to vector<16xi32>
      %add3A_910 = arith.addi %iota3A_873, %add3A_909 : vector<16xi32>
      %jit3A_911 = arith.constant 8 : i32
      %div3A_912 = vector.broadcast %jit3A_911 : i32 to vector<16xi32>
      %div3A_913 = arith.divsi %add3A_910, %div3A_912 : vector<16xi32>
      %sign3A_914 = arith.constant 0 : i32
      %sign3A_915 = vector.broadcast %sign3A_914 : i32 to vector<16xi32>
      %sign3A_916 = arith.cmpi sgt, %add3A_910, %sign3A_915 : vector<16xi32>
      %sign3A_917 = arith.extui %sign3A_916 : vector<16xi1> to vector<16xi32>
      %sign3A_918 = arith.constant 0 : i32
      %sign3A_919 = vector.broadcast %sign3A_918 : i32 to vector<16xi32>
      %sign3A_920 = arith.cmpi slt, %add3A_910, %sign3A_919 : vector<16xi32>
      %sign3A_921 = arith.extui %sign3A_920 : vector<16xi1> to vector<16xi32>
      %sign3A_922 = arith.subi %sign3A_917, %sign3A_921 : vector<16xi32>
      %sign3A_923 = arith.constant 0 : i32
      %sign3A_924 = arith.cmpi sgt, %jit3A_911, %sign3A_923 : i32
      %sign3A_925 = arith.extui %sign3A_924 : i1 to i32
      %sign3A_926 = arith.constant 0 : i32
      %sign3A_927 = arith.cmpi slt, %jit3A_911, %sign3A_926 : i32
      %sign3A_928 = arith.extui %sign3A_927 : i1 to i32
      %sign3A_929 = arith.subi %sign3A_925, %sign3A_928 : i32
      %ne3A_930 = vector.broadcast %sign3A_929 : i32 to vector<16xi32>
      %ne3A_931 = arith.cmpi ne, %sign3A_922, %ne3A_930 : vector<16xi32>
      %rem3A_932 = vector.broadcast %jit3A_911 : i32 to vector<16xi32>
      %rem3A_933 = arith.remsi %add3A_910, %rem3A_932 : vector<16xi32>
      %ne3A_934 = arith.constant 0 : i32
      %ne3A_935 = vector.broadcast %ne3A_934 : i32 to vector<16xi32>
      %ne3A_936 = arith.cmpi ne, %rem3A_933, %ne3A_935 : vector<16xi32>
      %and3A_937 = arith.andi %ne3A_931, %ne3A_936 : vector<16xi1>
      %sub3A_938 = arith.constant 1 : i32
      %sub3A_939 = vector.broadcast %sub3A_938 : i32 to vector<16xi32>
      %sub3A_940 = arith.subi %div3A_913, %sub3A_939 : vector<16xi32>
      %select_n3A_941 = arith.select %and3A_937, %sub3A_940, %div3A_913 : vector<16xi1>, vector<16xi32>
      %add3A_942 = arith.constant 32 : i32
      %add3A_943 = vector.broadcast %add3A_942 : i32 to vector<16xi32>
      %add3A_944 = arith.addi %iota3A_873, %add3A_943 : vector<16xi32>
      %jit3A_945 = arith.constant 8 : i32
      %div3A_946 = vector.broadcast %jit3A_945 : i32 to vector<16xi32>
      %div3A_947 = arith.divsi %add3A_944, %div3A_946 : vector<16xi32>
      %sign3A_948 = arith.constant 0 : i32
      %sign3A_949 = vector.broadcast %sign3A_948 : i32 to vector<16xi32>
      %sign3A_950 = arith.cmpi sgt, %add3A_944, %sign3A_949 : vector<16xi32>
      %sign3A_951 = arith.extui %sign3A_950 : vector<16xi1> to vector<16xi32>
      %sign3A_952 = arith.constant 0 : i32
      %sign3A_953 = vector.broadcast %sign3A_952 : i32 to vector<16xi32>
      %sign3A_954 = arith.cmpi slt, %add3A_944, %sign3A_953 : vector<16xi32>
      %sign3A_955 = arith.extui %sign3A_954 : vector<16xi1> to vector<16xi32>
      %sign3A_956 = arith.subi %sign3A_951, %sign3A_955 : vector<16xi32>
      %sign3A_957 = arith.constant 0 : i32
      %sign3A_958 = arith.cmpi sgt, %jit3A_945, %sign3A_957 : i32
      %sign3A_959 = arith.extui %sign3A_958 : i1 to i32
      %sign3A_960 = arith.constant 0 : i32
      %sign3A_961 = arith.cmpi slt, %jit3A_945, %sign3A_960 : i32
      %sign3A_962 = arith.extui %sign3A_961 : i1 to i32
      %sign3A_963 = arith.subi %sign3A_959, %sign3A_962 : i32
      %ne3A_964 = vector.broadcast %sign3A_963 : i32 to vector<16xi32>
      %ne3A_965 = arith.cmpi ne, %sign3A_956, %ne3A_964 : vector<16xi32>
      %rem3A_966 = vector.broadcast %jit3A_945 : i32 to vector<16xi32>
      %rem3A_967 = arith.remsi %add3A_944, %rem3A_966 : vector<16xi32>
      %ne3A_968 = arith.constant 0 : i32
      %ne3A_969 = vector.broadcast %ne3A_968 : i32 to vector<16xi32>
      %ne3A_970 = arith.cmpi ne, %rem3A_967, %ne3A_969 : vector<16xi32>
      %and3A_971 = arith.andi %ne3A_965, %ne3A_970 : vector<16xi1>
      %sub3A_972 = arith.constant 1 : i32
      %sub3A_973 = vector.broadcast %sub3A_972 : i32 to vector<16xi32>
      %sub3A_974 = arith.subi %div3A_947, %sub3A_973 : vector<16xi32>
      %select_n3A_975 = arith.select %and3A_971, %sub3A_974, %div3A_947 : vector<16xi1>, vector<16xi32>
      %add3A_976 = arith.constant 48 : i32
      %add3A_977 = vector.broadcast %add3A_976 : i32 to vector<16xi32>
      %add3A_978 = arith.addi %iota3A_873, %add3A_977 : vector<16xi32>
      %jit3A_979 = arith.constant 8 : i32
      %div3A_980 = vector.broadcast %jit3A_979 : i32 to vector<16xi32>
      %div3A_981 = arith.divsi %add3A_978, %div3A_980 : vector<16xi32>
      %sign3A_982 = arith.constant 0 : i32
      %sign3A_983 = vector.broadcast %sign3A_982 : i32 to vector<16xi32>
      %sign3A_984 = arith.cmpi sgt, %add3A_978, %sign3A_983 : vector<16xi32>
      %sign3A_985 = arith.extui %sign3A_984 : vector<16xi1> to vector<16xi32>
      %sign3A_986 = arith.constant 0 : i32
      %sign3A_987 = vector.broadcast %sign3A_986 : i32 to vector<16xi32>
      %sign3A_988 = arith.cmpi slt, %add3A_978, %sign3A_987 : vector<16xi32>
      %sign3A_989 = arith.extui %sign3A_988 : vector<16xi1> to vector<16xi32>
      %sign3A_990 = arith.subi %sign3A_985, %sign3A_989 : vector<16xi32>
      %sign3A_991 = arith.constant 0 : i32
      %sign3A_992 = arith.cmpi sgt, %jit3A_979, %sign3A_991 : i32
      %sign3A_993 = arith.extui %sign3A_992 : i1 to i32
      %sign3A_994 = arith.constant 0 : i32
      %sign3A_995 = arith.cmpi slt, %jit3A_979, %sign3A_994 : i32
      %sign3A_996 = arith.extui %sign3A_995 : i1 to i32
      %sign3A_997 = arith.subi %sign3A_993, %sign3A_996 : i32
      %ne3A_998 = vector.broadcast %sign3A_997 : i32 to vector<16xi32>
      %ne3A_999 = arith.cmpi ne, %sign3A_990, %ne3A_998 : vector<16xi32>
      %rem3A_1000 = vector.broadcast %jit3A_979 : i32 to vector<16xi32>
      %rem3A_1001 = arith.remsi %add3A_978, %rem3A_1000 : vector<16xi32>
      %ne3A_1002 = arith.constant 0 : i32
      %ne3A_1003 = vector.broadcast %ne3A_1002 : i32 to vector<16xi32>
      %ne3A_1004 = arith.cmpi ne, %rem3A_1001, %ne3A_1003 : vector<16xi32>
      %and3A_1005 = arith.andi %ne3A_999, %ne3A_1004 : vector<16xi1>
      %sub3A_1006 = arith.constant 1 : i32
      %sub3A_1007 = vector.broadcast %sub3A_1006 : i32 to vector<16xi32>
      %sub3A_1008 = arith.subi %div3A_981, %sub3A_1007 : vector<16xi32>
      %select_n3A_1009 = arith.select %and3A_1005, %sub3A_1008, %div3A_981 : vector<16xi1>, vector<16xi32>
      %add3A_1010 = arith.constant 0 : i32
      %add3A_1011 = vector.broadcast %add3A_1010 : i32 to vector<16xi32>
      %add3A_1012 = arith.addi %iota3A_873, %add3A_1011 : vector<16xi32>
      %rem3A_1013 = arith.constant 8 : i32
      %rem3A_1014 = vector.broadcast %rem3A_1013 : i32 to vector<16xi32>
      %rem3A_1015 = arith.remsi %add3A_1012, %rem3A_1014 : vector<16xi32>
      %add3A_1016 = arith.constant 16 : i32
      %add3A_1017 = vector.broadcast %add3A_1016 : i32 to vector<16xi32>
      %add3A_1018 = arith.addi %iota3A_873, %add3A_1017 : vector<16xi32>
      %rem3A_1019 = arith.constant 8 : i32
      %rem3A_1020 = vector.broadcast %rem3A_1019 : i32 to vector<16xi32>
      %rem3A_1021 = arith.remsi %add3A_1018, %rem3A_1020 : vector<16xi32>
      %add3A_1022 = arith.constant 32 : i32
      %add3A_1023 = vector.broadcast %add3A_1022 : i32 to vector<16xi32>
      %add3A_1024 = arith.addi %iota3A_873, %add3A_1023 : vector<16xi32>
      %rem3A_1025 = arith.constant 8 : i32
      %rem3A_1026 = vector.broadcast %rem3A_1025 : i32 to vector<16xi32>
      %rem3A_1027 = arith.remsi %add3A_1024, %rem3A_1026 : vector<16xi32>
      %add3A_1028 = arith.constant 48 : i32
      %add3A_1029 = vector.broadcast %add3A_1028 : i32 to vector<16xi32>
      %add3A_1030 = arith.addi %iota3A_873, %add3A_1029 : vector<16xi32>
      %rem3A_1031 = arith.constant 8 : i32
      %rem3A_1032 = vector.broadcast %rem3A_1031 : i32 to vector<16xi32>
      %rem3A_1033 = arith.remsi %add3A_1030, %rem3A_1032 : vector<16xi32>
      %dma_wait3A_1034 = arith.constant 0 : i32
      %dma_wait3A_1035 = arith.constant 0 : i32
      %dma_wait3A_1036 = arith.constant 0 : i32
      %dma_wait3A_1037 = arith.constant 0 : i32
      %dma_wait3A_1038 = arith.constant 0 : i32
      %dma_wait3A_1039 = tpu.memref_slice %arg10[%dma_wait3A_1036, %dma_wait3A_1037, %dma_wait3A_1038] : memref<8x8x137xf32, #tpu.memory_space<vmem>> -> memref<8x8x128xf32, #tpu.memory_space<vmem>>
      %dma_wait3A_1040 = arith.constant 0 : i32
      %dma_wait3A_1041 = arith.constant 0 : i32
      %dma_wait3A_1042 = arith.constant 0 : i32
      %dma_wait3A_1043 = tpu.memref_slice %arg5[%dma_wait3A_1034, %dma_wait3A_1040, %dma_wait3A_1035, %dma_wait3A_1041, %dma_wait3A_1042] : memref<200x8x32x8x128xf32, #tpu.memory_space<hbm>> -> memref<1x8x1x8x128xf32, #tpu.memory_space<hbm>>
      %dma_wait3A_1044 = tpu.memref_squeeze %dma_wait3A_1043 : memref<1x8x1x8x128xf32, #tpu.memory_space<hbm>> -> memref<8x8x128xf32, #tpu.memory_space<hbm>>
      %dma_wait3A_1045 = arith.constant 0 : i32
      %dma_wait3A_1046 = arith.constant 0 : i32
      %dma_wait3A_1047 = arith.constant 0 : i32
      %dma_wait3A_1048 = tpu.memref_slice %arg5[%dma_wait3A_1034, %dma_wait3A_1045, %dma_wait3A_1035, %dma_wait3A_1046, %dma_wait3A_1047] : memref<200x8x32x8x128xf32, #tpu.memory_space<hbm>> -> memref<1x8x1x8x128xf32, #tpu.memory_space<hbm>>
      %dma_wait3A_1049 = tpu.memref_squeeze %dma_wait3A_1048 : memref<1x8x1x8x128xf32, #tpu.memory_space<hbm>> -> memref<8x8x128xf32, #tpu.memory_space<hbm>>
      %dma_wait3A_1050 = arith.constant 0 : i32
      %dma_wait3A_1051 = arith.constant 0 : i32
      %dma_wait3A_1052 = arith.constant 0 : i32
      %dma_wait3A_1053 = tpu.memref_slice %arg10[%dma_wait3A_1050, %dma_wait3A_1051, %dma_wait3A_1052] : memref<8x8x137xf32, #tpu.memory_space<vmem>> -> memref<8x8x128xf32, #tpu.memory_space<vmem>>
      tpu.wait_dma2 semaphore(%arg18 : memref<!tpu.dma_semaphore, #tpu.memory_space<semaphore_mem>>) src(%dma_wait3A_1053 : memref<8x8x128xf32, #tpu.memory_space<vmem>>) dst(%dma_wait3A_1049 : memref<8x8x128xf32, #tpu.memory_space<hbm>>)
      %get3A_1054 = arith.constant 0 : i32
      %get3A_1055 = arith.index_cast %get3A_1054 : i32 to index
      %get3A_1056 = arith.constant 0 : index
      %get3A_1057 = tpu.vector_load %arg13[%get3A_1055, %get3A_1056] {strides = array<i32>} : memref<4x64xf32, #tpu.memory_space<vmem>>, vector<16xf32>,
      %get3A_1058 = arith.constant 0 : i32
      %get3A_1059 = arith.index_cast %get3A_1058 : i32 to index
      %get3A_1060 = arith.constant 16 : index
      %get3A_1061 = tpu.vector_load %arg13[%get3A_1059, %get3A_1060] {strides = array<i32>} : memref<4x64xf32, #tpu.memory_space<vmem>>, vector<16xf32>,
      %get3A_1062 = arith.constant 0 : i32
      %get3A_1063 = arith.index_cast %get3A_1062 : i32 to index
      %get3A_1064 = arith.constant 32 : index
      %get3A_1065 = tpu.vector_load %arg13[%get3A_1063, %get3A_1064] {strides = array<i32>} : memref<4x64xf32, #tpu.memory_space<vmem>>, vector<16xf32>,
      %get3A_1066 = arith.constant 0 : i32
      %get3A_1067 = arith.index_cast %get3A_1066 : i32 to index
      %get3A_1068 = arith.constant 48 : index
      %get3A_1069 = tpu.vector_load %arg13[%get3A_1067, %get3A_1068] {strides = array<i32>} : memref<4x64xf32, #tpu.memory_space<vmem>>, vector<16xf32>,
      %parallel_loop3A_1070 = arith.constant 0 : i32
      %parallel_loop3A_1071 = arith.constant 128 : i32
      %parallel_loop3A_1072 = arith.constant 1 : i32
      scf.for %parallel_loop3A_1288 = %parallel_loop3A_1070 to %parallel_loop3A_1071 step %parallel_loop3A_1072  : i32 {
        %parallel_loop3A_1289 = arith.constant 0 : i32
        %parallel_loop3A_1290 = vector.broadcast %parallel_loop3A_1289 : i32 to vector<16xi32>
        %parallel_loop3A_1291 = arith.muli %iota3A_873, %parallel_loop3A_1290 : vector<16xi32>
        %parallel_loop3A_1292 = vector.broadcast %parallel_loop3A_1288 : i32 to vector<16xi32>
        %parallel_loop3A_1293 = arith.addi %parallel_loop3A_1291, %parallel_loop3A_1292 : vector<16xi32>
        %parallel_loop3A_1294 = arith.constant 0 : i32
        %parallel_loop3A_1295 = arith.index_cast %parallel_loop3A_1294 : i32 to index
        %parallel_loop3A_1296 = arith.index_cast %parallel_loop3A_1288 : i32 to index
        %parallel_loop3A_1297 = arith.constant 0 : index
        %parallel_loop3A_1298 = tpu.vector_load %arg9[%parallel_loop3A_1295, %parallel_loop3A_1296, %parallel_loop3A_1297] {strides = array<i32>} : memref<4x128x64xf32, #tpu.memory_space<vmem>>, vector<16xf32>,
        %parallel_loop3A_1299 = arith.addf %parallel_loop3A_1298, %get3A_1057 : vector<16xf32>
        tpu.vector_store_idx %arg10[%select_n3A_907, %rem3A_1015, %parallel_loop3A_1293], %parallel_loop3A_1299 : memref<8x8x137xf32, #tpu.memory_space<vmem>>[vector<16xi32>, vector<16xi32>, vector<16xi32>], vector<16xf32>,
        %parallel_loop3A_1300 = arith.constant 0 : i32
        %parallel_loop3A_1301 = arith.index_cast %parallel_loop3A_1300 : i32 to index
        %parallel_loop3A_1302 = arith.index_cast %parallel_loop3A_1288 : i32 to index
        %parallel_loop3A_1303 = arith.constant 16 : index
        %parallel_loop3A_1304 = tpu.vector_load %arg9[%parallel_loop3A_1301, %parallel_loop3A_1302, %parallel_loop3A_1303] {strides = array<i32>} : memref<4x128x64xf32, #tpu.memory_space<vmem>>, vector<16xf32>,
        %parallel_loop3A_1305 = arith.addf %parallel_loop3A_1304, %get3A_1061 : vector<16xf32>
        tpu.vector_store_idx %arg10[%select_n3A_941, %rem3A_1021, %parallel_loop3A_1293], %parallel_loop3A_1305 : memref<8x8x137xf32, #tpu.memory_space<vmem>>[vector<16xi32>, vector<16xi32>, vector<16xi32>], vector<16xf32>,
        %parallel_loop3A_1306 = arith.constant 0 : i32
        %parallel_loop3A_1307 = arith.index_cast %parallel_loop3A_1306 : i32 to index
        %parallel_loop3A_1308 = arith.index_cast %parallel_loop3A_1288 : i32 to index
        %parallel_loop3A_1309 = arith.constant 32 : index
        %parallel_loop3A_1310 = tpu.vector_load %arg9[%parallel_loop3A_1307, %parallel_loop3A_1308, %parallel_loop3A_1309] {strides = array<i32>} : memref<4x128x64xf32, #tpu.memory_space<vmem>>, vector<16xf32>,
        %parallel_loop3A_1311 = arith.addf %parallel_loop3A_1310, %get3A_1065 : vector<16xf32>
        tpu.vector_store_idx %arg10[%select_n3A_975, %rem3A_1027, %parallel_loop3A_1293], %parallel_loop3A_1311 : memref<8x8x137xf32, #tpu.memory_space<vmem>>[vector<16xi32>, vector<16xi32>, vector<16xi32>], vector<16xf32>,
        %parallel_loop3A_1312 = arith.constant 0 : i32
        %parallel_loop3A_1313 = arith.index_cast %parallel_loop3A_1312 : i32 to index
        %parallel_loop3A_1314 = arith.index_cast %parallel_loop3A_1288 : i32 to index
        %parallel_loop3A_1315 = arith.constant 48 : index
        %parallel_loop3A_1316 = tpu.vector_load %arg9[%parallel_loop3A_1313, %parallel_loop3A_1314, %parallel_loop3A_1315] {strides = array<i32>} : memref<4x128x64xf32, #tpu.memory_space<vmem>>, vector<16xf32>,
        %parallel_loop3A_1317 = arith.addf %parallel_loop3A_1316, %get3A_1069 : vector<16xf32>
        tpu.vector_store_idx %arg10[%select_n3A_1009, %rem3A_1033, %parallel_loop3A_1293], %parallel_loop3A_1317 : memref<8x8x137xf32, #tpu.memory_space<vmem>>[vector<16xi32>, vector<16xi32>, vector<16xi32>], vector<16xf32>,
      } {sc.loop_unroll_factor = 8 : i64, sc.parallel_access}
      %mul3A_1073 = arith.constant 4 : i32
      %mul3A_1074 = arith.muli %add3A_754, %mul3A_1073 : i32
      %add3A_1075 = arith.constant 0 : i32
      %add3A_1076 = arith.addi %mul3A_1074, %add3A_1075 : i32
      %dma_start3A_1077 = arith.constant 0 : i32
      %dma_start3A_1078 = arith.constant 0 : i32
      %dma_start3A_1079 = arith.constant 0 : i32
      %dma_start3A_1080 = tpu.memref_slice %arg10[%dma_start3A_1077, %dma_start3A_1078, %dma_start3A_1079] : memref<8x8x137xf32, #tpu.memory_space<vmem>> -> memref<8x8x128xf32, #tpu.memory_space<vmem>>
      %dma_start3A_1081 = arith.constant 0 : i32
      %dma_start3A_1082 = arith.constant 0 : i32
      %dma_start3A_1083 = arith.constant 0 : i32
      %dma_start3A_1084 = tpu.memref_slice %arg5[%add3A_1076, %dma_start3A_1081, %add3A, %dma_start3A_1082, %dma_start3A_1083] : memref<200x8x32x8x128xf32, #tpu.memory_space<hbm>> -> memref<1x8x1x8x128xf32, #tpu.memory_space<hbm>>
      %dma_start3A_1085 = tpu.memref_squeeze %dma_start3A_1084 : memref<1x8x1x8x128xf32, #tpu.memory_space<hbm>> -> memref<8x8x128xf32, #tpu.memory_space<hbm>>
      %dma_start3A_1086 = arith.constant 0 : i32
      %dma_start3A_1087 = arith.constant 0 : i32
      %dma_start3A_1088 = arith.constant 0 : i32
      %dma_start3A_1089 = tpu.memref_slice %arg5[%add3A_1076, %dma_start3A_1086, %add3A, %dma_start3A_1087, %dma_start3A_1088] : memref<200x8x32x8x128xf32, #tpu.memory_space<hbm>> -> memref<1x8x1x8x128xf32, #tpu.memory_space<hbm>>
      %dma_start3A_1090 = tpu.memref_squeeze %dma_start3A_1089 : memref<1x8x1x8x128xf32, #tpu.memory_space<hbm>> -> memref<8x8x128xf32, #tpu.memory_space<hbm>>
      %dma_start3A_1091 = arith.constant 0 : i32
      %dma_start3A_1092 = arith.constant 0 : i32
      %dma_start3A_1093 = arith.constant 0 : i32
      %dma_start3A_1094 = tpu.memref_slice %arg10[%dma_start3A_1091, %dma_start3A_1092, %dma_start3A_1093] : memref<8x8x137xf32, #tpu.memory_space<vmem>> -> memref<8x8x128xf32, #tpu.memory_space<vmem>>
      tpu.enqueue_dma source(%dma_start3A_1094 : memref<8x8x128xf32, #tpu.memory_space<vmem>>) target(%dma_start3A_1090 : memref<8x8x128xf32, #tpu.memory_space<hbm>>) target_semaphore(%arg18 : memref<!tpu.dma_semaphore, #tpu.memory_space<semaphore_mem>>)
      %dma_wait3A_1095 = arith.constant 0 : i32
      %dma_wait3A_1096 = arith.constant 0 : i32
      %dma_wait3A_1097 = arith.constant 0 : i32
      %dma_wait3A_1098 = arith.constant 0 : i32
      %dma_wait3A_1099 = arith.constant 0 : i32
      %dma_wait3A_1100 = tpu.memref_slice %arg11[%dma_wait3A_1097, %dma_wait3A_1098, %dma_wait3A_1099] : memref<8x8x137xf32, #tpu.memory_space<vmem>> -> memref<8x8x128xf32, #tpu.memory_space<vmem>>
      %dma_wait3A_1101 = arith.constant 0 : i32
      %dma_wait3A_1102 = arith.constant 0 : i32
      %dma_wait3A_1103 = arith.constant 0 : i32
      %dma_wait3A_1104 = tpu.memref_slice %arg5[%dma_wait3A_1095, %dma_wait3A_1101, %dma_wait3A_1096, %dma_wait3A_1102, %dma_wait3A_1103] : memref<200x8x32x8x128xf32, #tpu.memory_space<hbm>> -> memref<1x8x1x8x128xf32, #tpu.memory_space<hbm>>
      %dma_wait3A_1105 = tpu.memref_squeeze %dma_wait3A_1104 : memref<1x8x1x8x128xf32, #tpu.memory_space<hbm>> -> memref<8x8x128xf32, #tpu.memory_space<hbm>>
      %dma_wait3A_1106 = arith.constant 0 : i32
      %dma_wait3A_1107 = arith.constant 0 : i32
      %dma_wait3A_1108 = arith.constant 0 : i32
      %dma_wait3A_1109 = tpu.memref_slice %arg5[%dma_wait3A_1095, %dma_wait3A_1106, %dma_wait3A_1096, %dma_wait3A_1107, %dma_wait3A_1108] : memref<200x8x32x8x128xf32, #tpu.memory_space<hbm>> -> memref<1x8x1x8x128xf32, #tpu.memory_space<hbm>>
      %dma_wait3A_1110 = tpu.memref_squeeze %dma_wait3A_1109 : memref<1x8x1x8x128xf32, #tpu.memory_space<hbm>> -> memref<8x8x128xf32, #tpu.memory_space<hbm>>
      %dma_wait3A_1111 = arith.constant 0 : i32
      %dma_wait3A_1112 = arith.constant 0 : i32
      %dma_wait3A_1113 = arith.constant 0 : i32
      %dma_wait3A_1114 = tpu.memref_slice %arg11[%dma_wait3A_1111, %dma_wait3A_1112, %dma_wait3A_1113] : memref<8x8x137xf32, #tpu.memory_space<vmem>> -> memref<8x8x128xf32, #tpu.memory_space<vmem>>
      tpu.wait_dma2 semaphore(%arg19 : memref<!tpu.dma_semaphore, #tpu.memory_space<semaphore_mem>>) src(%dma_wait3A_1114 : memref<8x8x128xf32, #tpu.memory_space<vmem>>) dst(%dma_wait3A_1110 : memref<8x8x128xf32, #tpu.memory_space<hbm>>)
      %get3A_1115 = arith.constant 1 : i32
      %get3A_1116 = arith.index_cast %get3A_1115 : i32 to index
      %get3A_1117 = arith.constant 0 : index
      %get3A_1118 = tpu.vector_load %arg13[%get3A_1116, %get3A_1117] {strides = array<i32>} : memref<4x64xf32, #tpu.memory_space<vmem>>, vector<16xf32>,
      %get3A_1119 = arith.constant 1 : i32
      %get3A_1120 = arith.index_cast %get3A_1119 : i32 to index
      %get3A_1121 = arith.constant 16 : index
      %get3A_1122 = tpu.vector_load %arg13[%get3A_1120, %get3A_1121] {strides = array<i32>} : memref<4x64xf32, #tpu.memory_space<vmem>>, vector<16xf32>,
      %get3A_1123 = arith.constant 1 : i32
      %get3A_1124 = arith.index_cast %get3A_1123 : i32 to index
      %get3A_1125 = arith.constant 32 : index
      %get3A_1126 = tpu.vector_load %arg13[%get3A_1124, %get3A_1125] {strides = array<i32>} : memref<4x64xf32, #tpu.memory_space<vmem>>, vector<16xf32>,
      %get3A_1127 = arith.constant 1 : i32
      %get3A_1128 = arith.index_cast %get3A_1127 : i32 to index
      %get3A_1129 = arith.constant 48 : index
      %get3A_1130 = tpu.vector_load %arg13[%get3A_1128, %get3A_1129] {strides = array<i32>} : memref<4x64xf32, #tpu.memory_space<vmem>>, vector<16xf32>,
      %parallel_loop3A_1131 = arith.constant 0 : i32
      %parallel_loop3A_1132 = arith.constant 128 : i32
      %parallel_loop3A_1133 = arith.constant 1 : i32
      scf.for %parallel_loop3A_1288 = %parallel_loop3A_1131 to %parallel_loop3A_1132 step %parallel_loop3A_1133  : i32 {
        %parallel_loop3A_1289 = arith.constant 0 : i32
        %parallel_loop3A_1290 = vector.broadcast %parallel_loop3A_1289 : i32 to vector<16xi32>
        %parallel_loop3A_1291 = arith.muli %iota3A_873, %parallel_loop3A_1290 : vector<16xi32>
        %parallel_loop3A_1292 = vector.broadcast %parallel_loop3A_1288 : i32 to vector<16xi32>
        %parallel_loop3A_1293 = arith.addi %parallel_loop3A_1291, %parallel_loop3A_1292 : vector<16xi32>
        %parallel_loop3A_1294 = arith.constant 1 : i32
        %parallel_loop3A_1295 = arith.index_cast %parallel_loop3A_1294 : i32 to index
        %parallel_loop3A_1296 = arith.index_cast %parallel_loop3A_1288 : i32 to index
        %parallel_loop3A_1297 = arith.constant 0 : index
        %parallel_loop3A_1298 = tpu.vector_load %arg9[%parallel_loop3A_1295, %parallel_loop3A_1296, %parallel_loop3A_1297] {strides = array<i32>} : memref<4x128x64xf32, #tpu.memory_space<vmem>>, vector<16xf32>,
        %parallel_loop3A_1299 = arith.addf %parallel_loop3A_1298, %get3A_1118 : vector<16xf32>
        tpu.vector_store_idx %arg11[%select_n3A_907, %rem3A_1015, %parallel_loop3A_1293], %parallel_loop3A_1299 : memref<8x8x137xf32, #tpu.memory_space<vmem>>[vector<16xi32>, vector<16xi32>, vector<16xi32>], vector<16xf32>,
        %parallel_loop3A_1300 = arith.constant 1 : i32
        %parallel_loop3A_1301 = arith.index_cast %parallel_loop3A_1300 : i32 to index
        %parallel_loop3A_1302 = arith.index_cast %parallel_loop3A_1288 : i32 to index
        %parallel_loop3A_1303 = arith.constant 16 : index
        %parallel_loop3A_1304 = tpu.vector_load %arg9[%parallel_loop3A_1301, %parallel_loop3A_1302, %parallel_loop3A_1303] {strides = array<i32>} : memref<4x128x64xf32, #tpu.memory_space<vmem>>, vector<16xf32>,
        %parallel_loop3A_1305 = arith.addf %parallel_loop3A_1304, %get3A_1122 : vector<16xf32>
        tpu.vector_store_idx %arg11[%select_n3A_941, %rem3A_1021, %parallel_loop3A_1293], %parallel_loop3A_1305 : memref<8x8x137xf32, #tpu.memory_space<vmem>>[vector<16xi32>, vector<16xi32>, vector<16xi32>], vector<16xf32>,
        %parallel_loop3A_1306 = arith.constant 1 : i32
        %parallel_loop3A_1307 = arith.index_cast %parallel_loop3A_1306 : i32 to index
        %parallel_loop3A_1308 = arith.index_cast %parallel_loop3A_1288 : i32 to index
        %parallel_loop3A_1309 = arith.constant 32 : index
        %parallel_loop3A_1310 = tpu.vector_load %arg9[%parallel_loop3A_1307, %parallel_loop3A_1308, %parallel_loop3A_1309] {strides = array<i32>} : memref<4x128x64xf32, #tpu.memory_space<vmem>>, vector<16xf32>,
        %parallel_loop3A_1311 = arith.addf %parallel_loop3A_1310, %get3A_1126 : vector<16xf32>
        tpu.vector_store_idx %arg11[%select_n3A_975, %rem3A_1027, %parallel_loop3A_1293], %parallel_loop3A_1311 : memref<8x8x137xf32, #tpu.memory_space<vmem>>[vector<16xi32>, vector<16xi32>, vector<16xi32>], vector<16xf32>,
        %parallel_loop3A_1312 = arith.constant 1 : i32
        %parallel_loop3A_1313 = arith.index_cast %parallel_loop3A_1312 : i32 to index
        %parallel_loop3A_1314 = arith.index_cast %parallel_loop3A_1288 : i32 to index
        %parallel_loop3A_1315 = arith.constant 48 : index
        %parallel_loop3A_1316 = tpu.vector_load %arg9[%parallel_loop3A_1313, %parallel_loop3A_1314, %parallel_loop3A_1315] {strides = array<i32>} : memref<4x128x64xf32, #tpu.memory_space<vmem>>, vector<16xf32>,
        %parallel_loop3A_1317 = arith.addf %parallel_loop3A_1316, %get3A_1130 : vector<16xf32>
        tpu.vector_store_idx %arg11[%select_n3A_1009, %rem3A_1033, %parallel_loop3A_1293], %parallel_loop3A_1317 : memref<8x8x137xf32, #tpu.memory_space<vmem>>[vector<16xi32>, vector<16xi32>, vector<16xi32>], vector<16xf32>,
      } {sc.loop_unroll_factor = 8 : i64, sc.parallel_access}
      %mul3A_1134 = arith.constant 4 : i32
      %mul3A_1135 = arith.muli %add3A_754, %mul3A_1134 : i32
      %add3A_1136 = arith.constant 1 : i32
      %add3A_1137 = arith.addi %mul3A_1135, %add3A_1136 : i32
      %dma_start3A_1138 = arith.constant 0 : i32
      %dma_start3A_1139 = arith.constant 0 : i32
      %dma_start3A_1140 = arith.constant 0 : i32
      %dma_start3A_1141 = tpu.memref_slice %arg11[%dma_start3A_1138, %dma_start3A_1139, %dma_start3A_1140] : memref<8x8x137xf32, #tpu.memory_space<vmem>> -> memref<8x8x128xf32, #tpu.memory_space<vmem>>
      %dma_start3A_1142 = arith.constant 0 : i32
      %dma_start3A_1143 = arith.constant 0 : i32
      %dma_start3A_1144 = arith.constant 0 : i32
      %dma_start3A_1145 = tpu.memref_slice %arg5[%add3A_1137, %dma_start3A_1142, %add3A, %dma_start3A_1143, %dma_start3A_1144] : memref<200x8x32x8x128xf32, #tpu.memory_space<hbm>> -> memref<1x8x1x8x128xf32, #tpu.memory_space<hbm>>
      %dma_start3A_1146 = tpu.memref_squeeze %dma_start3A_1145 : memref<1x8x1x8x128xf32, #tpu.memory_space<hbm>> -> memref<8x8x128xf32, #tpu.memory_space<hbm>>
      %dma_start3A_1147 = arith.constant 0 : i32
      %dma_start3A_1148 = arith.constant 0 : i32
      %dma_start3A_1149 = arith.constant 0 : i32
      %dma_start3A_1150 = tpu.memref_slice %arg5[%add3A_1137, %dma_start3A_1147, %add3A, %dma_start3A_1148, %dma_start3A_1149] : memref<200x8x32x8x128xf32, #tpu.memory_space<hbm>> -> memref<1x8x1x8x128xf32, #tpu.memory_space<hbm>>
      %dma_start3A_1151 = tpu.memref_squeeze %dma_start3A_1150 : memref<1x8x1x8x128xf32, #tpu.memory_space<hbm>> -> memref<8x8x128xf32, #tpu.memory_space<hbm>>
      %dma_start3A_1152 = arith.constant 0 : i32
      %dma_start3A_1153 = arith.constant 0 : i32
      %dma_start3A_1154 = arith.constant 0 : i32
      %dma_start3A_1155 = tpu.memref_slice %arg11[%dma_start3A_1152, %dma_start3A_1153, %dma_start3A_1154] : memref<8x8x137xf32, #tpu.memory_space<vmem>> -> memref<8x8x128xf32, #tpu.memory_space<vmem>>
      tpu.enqueue_dma source(%dma_start3A_1155 : memref<8x8x128xf32, #tpu.memory_space<vmem>>) target(%dma_start3A_1151 : memref<8x8x128xf32, #tpu.memory_space<hbm>>) target_semaphore(%arg19 : memref<!tpu.dma_semaphore, #tpu.memory_space<semaphore_mem>>)
      %dma_wait3A_1156 = arith.constant 0 : i32
      %dma_wait3A_1157 = arith.constant 0 : i32
      %dma_wait3A_1158 = arith.constant 0 : i32
      %dma_wait3A_1159 = arith.constant 0 : i32
      %dma_wait3A_1160 = arith.constant 0 : i32
      %dma_wait3A_1161 = tpu.memref_slice %arg10[%dma_wait3A_1158, %dma_wait3A_1159, %dma_wait3A_1160] : memref<8x8x137xf32, #tpu.memory_space<vmem>> -> memref<8x8x128xf32, #tpu.memory_space<vmem>>
      %dma_wait3A_1162 = arith.constant 0 : i32
      %dma_wait3A_1163 = arith.constant 0 : i32
      %dma_wait3A_1164 = arith.constant 0 : i32
      %dma_wait3A_1165 = tpu.memref_slice %arg5[%dma_wait3A_1156, %dma_wait3A_1162, %dma_wait3A_1157, %dma_wait3A_1163, %dma_wait3A_1164] : memref<200x8x32x8x128xf32, #tpu.memory_space<hbm>> -> memref<1x8x1x8x128xf32, #tpu.memory_space<hbm>>
      %dma_wait3A_1166 = tpu.memref_squeeze %dma_wait3A_1165 : memref<1x8x1x8x128xf32, #tpu.memory_space<hbm>> -> memref<8x8x128xf32, #tpu.memory_space<hbm>>
      %dma_wait3A_1167 = arith.constant 0 : i32
      %dma_wait3A_1168 = arith.constant 0 : i32
      %dma_wait3A_1169 = arith.constant 0 : i32
      %dma_wait3A_1170 = tpu.memref_slice %arg5[%dma_wait3A_1156, %dma_wait3A_1167, %dma_wait3A_1157, %dma_wait3A_1168, %dma_wait3A_1169] : memref<200x8x32x8x128xf32, #tpu.memory_space<hbm>> -> memref<1x8x1x8x128xf32, #tpu.memory_space<hbm>>
      %dma_wait3A_1171 = tpu.memref_squeeze %dma_wait3A_1170 : memref<1x8x1x8x128xf32, #tpu.memory_space<hbm>> -> memref<8x8x128xf32, #tpu.memory_space<hbm>>
      %dma_wait3A_1172 = arith.constant 0 : i32
      %dma_wait3A_1173 = arith.constant 0 : i32
      %dma_wait3A_1174 = arith.constant 0 : i32
      %dma_wait3A_1175 = tpu.memref_slice %arg10[%dma_wait3A_1172, %dma_wait3A_1173, %dma_wait3A_1174] : memref<8x8x137xf32, #tpu.memory_space<vmem>> -> memref<8x8x128xf32, #tpu.memory_space<vmem>>
      tpu.wait_dma2 semaphore(%arg18 : memref<!tpu.dma_semaphore, #tpu.memory_space<semaphore_mem>>) src(%dma_wait3A_1175 : memref<8x8x128xf32, #tpu.memory_space<vmem>>) dst(%dma_wait3A_1171 : memref<8x8x128xf32, #tpu.memory_space<hbm>>)
      %get3A_1176 = arith.constant 2 : i32
      %get3A_1177 = arith.index_cast %get3A_1176 : i32 to index
      %get3A_1178 = arith.constant 0 : index
      %get3A_1179 = tpu.vector_load %arg13[%get3A_1177, %get3A_1178] {strides = array<i32>} : memref<4x64xf32, #tpu.memory_space<vmem>>, vector<16xf32>,
      %get3A_1180 = arith.constant 2 : i32
      %get3A_1181 = arith.index_cast %get3A_1180 : i32 to index
      %get3A_1182 = arith.constant 16 : index
      %get3A_1183 = tpu.vector_load %arg13[%get3A_1181, %get3A_1182] {strides = array<i32>} : memref<4x64xf32, #tpu.memory_space<vmem>>, vector<16xf32>,
      %get3A_1184 = arith.constant 2 : i32
      %get3A_1185 = arith.index_cast %get3A_1184 : i32 to index
      %get3A_1186 = arith.constant 32 : index
      %get3A_1187 = tpu.vector_load %arg13[%get3A_1185, %get3A_1186] {strides = array<i32>} : memref<4x64xf32, #tpu.memory_space<vmem>>, vector<16xf32>,
      %get3A_1188 = arith.constant 2 : i32
      %get3A_1189 = arith.index_cast %get3A_1188 : i32 to index
      %get3A_1190 = arith.constant 48 : index
      %get3A_1191 = tpu.vector_load %arg13[%get3A_1189, %get3A_1190] {strides = array<i32>} : memref<4x64xf32, #tpu.memory_space<vmem>>, vector<16xf32>,
      %parallel_loop3A_1192 = arith.constant 0 : i32
      %parallel_loop3A_1193 = arith.constant 128 : i32
      %parallel_loop3A_1194 = arith.constant 1 : i32
      scf.for %parallel_loop3A_1288 = %parallel_loop3A_1192 to %parallel_loop3A_1193 step %parallel_loop3A_1194  : i32 {
        %parallel_loop3A_1289 = arith.constant 0 : i32
        %parallel_loop3A_1290 = vector.broadcast %parallel_loop3A_1289 : i32 to vector<16xi32>
        %parallel_loop3A_1291 = arith.muli %iota3A_873, %parallel_loop3A_1290 : vector<16xi32>
        %parallel_loop3A_1292 = vector.broadcast %parallel_loop3A_1288 : i32 to vector<16xi32>
        %parallel_loop3A_1293 = arith.addi %parallel_loop3A_1291, %parallel_loop3A_1292 : vector<16xi32>
        %parallel_loop3A_1294 = arith.constant 2 : i32
        %parallel_loop3A_1295 = arith.index_cast %parallel_loop3A_1294 : i32 to index
        %parallel_loop3A_1296 = arith.index_cast %parallel_loop3A_1288 : i32 to index
        %parallel_loop3A_1297 = arith.constant 0 : index
        %parallel_loop3A_1298 = tpu.vector_load %arg9[%parallel_loop3A_1295, %parallel_loop3A_1296, %parallel_loop3A_1297] {strides = array<i32>} : memref<4x128x64xf32, #tpu.memory_space<vmem>>, vector<16xf32>,
        %parallel_loop3A_1299 = arith.addf %parallel_loop3A_1298, %get3A_1179 : vector<16xf32>
        tpu.vector_store_idx %arg10[%select_n3A_907, %rem3A_1015, %parallel_loop3A_1293], %parallel_loop3A_1299 : memref<8x8x137xf32, #tpu.memory_space<vmem>>[vector<16xi32>, vector<16xi32>, vector<16xi32>], vector<16xf32>,
        %parallel_loop3A_1300 = arith.constant 2 : i32
        %parallel_loop3A_1301 = arith.index_cast %parallel_loop3A_1300 : i32 to index
        %parallel_loop3A_1302 = arith.index_cast %parallel_loop3A_1288 : i32 to index
        %parallel_loop3A_1303 = arith.constant 16 : index
        %parallel_loop3A_1304 = tpu.vector_load %arg9[%parallel_loop3A_1301, %parallel_loop3A_1302, %parallel_loop3A_1303] {strides = array<i32>} : memref<4x128x64xf32, #tpu.memory_space<vmem>>, vector<16xf32>,
        %parallel_loop3A_1305 = arith.addf %parallel_loop3A_1304, %get3A_1183 : vector<16xf32>
        tpu.vector_store_idx %arg10[%select_n3A_941, %rem3A_1021, %parallel_loop3A_1293], %parallel_loop3A_1305 : memref<8x8x137xf32, #tpu.memory_space<vmem>>[vector<16xi32>, vector<16xi32>, vector<16xi32>], vector<16xf32>,
        %parallel_loop3A_1306 = arith.constant 2 : i32
        %parallel_loop3A_1307 = arith.index_cast %parallel_loop3A_1306 : i32 to index
        %parallel_loop3A_1308 = arith.index_cast %parallel_loop3A_1288 : i32 to index
        %parallel_loop3A_1309 = arith.constant 32 : index
        %parallel_loop3A_1310 = tpu.vector_load %arg9[%parallel_loop3A_1307, %parallel_loop3A_1308, %parallel_loop3A_1309] {strides = array<i32>} : memref<4x128x64xf32, #tpu.memory_space<vmem>>, vector<16xf32>,
        %parallel_loop3A_1311 = arith.addf %parallel_loop3A_1310, %get3A_1187 : vector<16xf32>
        tpu.vector_store_idx %arg10[%select_n3A_975, %rem3A_1027, %parallel_loop3A_1293], %parallel_loop3A_1311 : memref<8x8x137xf32, #tpu.memory_space<vmem>>[vector<16xi32>, vector<16xi32>, vector<16xi32>], vector<16xf32>,
        %parallel_loop3A_1312 = arith.constant 2 : i32
        %parallel_loop3A_1313 = arith.index_cast %parallel_loop3A_1312 : i32 to index
        %parallel_loop3A_1314 = arith.index_cast %parallel_loop3A_1288 : i32 to index
        %parallel_loop3A_1315 = arith.constant 48 : index
        %parallel_loop3A_1316 = tpu.vector_load %arg9[%parallel_loop3A_1313, %parallel_loop3A_1314, %parallel_loop3A_1315] {strides = array<i32>} : memref<4x128x64xf32, #tpu.memory_space<vmem>>, vector<16xf32>,
        %parallel_loop3A_1317 = arith.addf %parallel_loop3A_1316, %get3A_1191 : vector<16xf32>
        tpu.vector_store_idx %arg10[%select_n3A_1009, %rem3A_1033, %parallel_loop3A_1293], %parallel_loop3A_1317 : memref<8x8x137xf32, #tpu.memory_space<vmem>>[vector<16xi32>, vector<16xi32>, vector<16xi32>], vector<16xf32>,
      } {sc.loop_unroll_factor = 8 : i64, sc.parallel_access}
      %mul3A_1195 = arith.constant 4 : i32
      %mul3A_1196 = arith.muli %add3A_754, %mul3A_1195 : i32
      %add3A_1197 = arith.constant 2 : i32
      %add3A_1198 = arith.addi %mul3A_1196, %add3A_1197 : i32
      %dma_start3A_1199 = arith.constant 0 : i32
      %dma_start3A_1200 = arith.constant 0 : i32
      %dma_start3A_1201 = arith.constant 0 : i32
      %dma_start3A_1202 = tpu.memref_slice %arg10[%dma_start3A_1199, %dma_start3A_1200, %dma_start3A_1201] : memref<8x8x137xf32, #tpu.memory_space<vmem>> -> memref<8x8x128xf32, #tpu.memory_space<vmem>>
      %dma_start3A_1203 = arith.constant 0 : i32
      %dma_start3A_1204 = arith.constant 0 : i32
      %dma_start3A_1205 = arith.constant 0 : i32
      %dma_start3A_1206 = tpu.memref_slice %arg5[%add3A_1198, %dma_start3A_1203, %add3A, %dma_start3A_1204, %dma_start3A_1205] : memref<200x8x32x8x128xf32, #tpu.memory_space<hbm>> -> memref<1x8x1x8x128xf32, #tpu.memory_space<hbm>>
      %dma_start3A_1207 = tpu.memref_squeeze %dma_start3A_1206 : memref<1x8x1x8x128xf32, #tpu.memory_space<hbm>> -> memref<8x8x128xf32, #tpu.memory_space<hbm>>
      %dma_start3A_1208 = arith.constant 0 : i32
      %dma_start3A_1209 = arith.constant 0 : i32
      %dma_start3A_1210 = arith.constant 0 : i32
      %dma_start3A_1211 = tpu.memref_slice %arg5[%add3A_1198, %dma_start3A_1208, %add3A, %dma_start3A_1209, %dma_start3A_1210] : memref<200x8x32x8x128xf32, #tpu.memory_space<hbm>> -> memref<1x8x1x8x128xf32, #tpu.memory_space<hbm>>
      %dma_start3A_1212 = tpu.memref_squeeze %dma_start3A_1211 : memref<1x8x1x8x128xf32, #tpu.memory_space<hbm>> -> memref<8x8x128xf32, #tpu.memory_space<hbm>>
      %dma_start3A_1213 = arith.constant 0 : i32
      %dma_start3A_1214 = arith.constant 0 : i32
      %dma_start3A_1215 = arith.constant 0 : i32
      %dma_start3A_1216 = tpu.memref_slice %arg10[%dma_start3A_1213, %dma_start3A_1214, %dma_start3A_1215] : memref<8x8x137xf32, #tpu.memory_space<vmem>> -> memref<8x8x128xf32, #tpu.memory_space<vmem>>
      tpu.enqueue_dma source(%dma_start3A_1216 : memref<8x8x128xf32, #tpu.memory_space<vmem>>) target(%dma_start3A_1212 : memref<8x8x128xf32, #tpu.memory_space<hbm>>) target_semaphore(%arg18 : memref<!tpu.dma_semaphore, #tpu.memory_space<semaphore_mem>>)
      %dma_wait3A_1217 = arith.constant 0 : i32
      %dma_wait3A_1218 = arith.constant 0 : i32
      %dma_wait3A_1219 = arith.constant 0 : i32
      %dma_wait3A_1220 = arith.constant 0 : i32
      %dma_wait3A_1221 = arith.constant 0 : i32
      %dma_wait3A_1222 = tpu.memref_slice %arg11[%dma_wait3A_1219, %dma_wait3A_1220, %dma_wait3A_1221] : memref<8x8x137xf32, #tpu.memory_space<vmem>> -> memref<8x8x128xf32, #tpu.memory_space<vmem>>
      %dma_wait3A_1223 = arith.constant 0 : i32
      %dma_wait3A_1224 = arith.constant 0 : i32
      %dma_wait3A_1225 = arith.constant 0 : i32
      %dma_wait3A_1226 = tpu.memref_slice %arg5[%dma_wait3A_1217, %dma_wait3A_1223, %dma_wait3A_1218, %dma_wait3A_1224, %dma_wait3A_1225] : memref<200x8x32x8x128xf32, #tpu.memory_space<hbm>> -> memref<1x8x1x8x128xf32, #tpu.memory_space<hbm>>
      %dma_wait3A_1227 = tpu.memref_squeeze %dma_wait3A_1226 : memref<1x8x1x8x128xf32, #tpu.memory_space<hbm>> -> memref<8x8x128xf32, #tpu.memory_space<hbm>>
      %dma_wait3A_1228 = arith.constant 0 : i32
      %dma_wait3A_1229 = arith.constant 0 : i32
      %dma_wait3A_1230 = arith.constant 0 : i32
      %dma_wait3A_1231 = tpu.memref_slice %arg5[%dma_wait3A_1217, %dma_wait3A_1228, %dma_wait3A_1218, %dma_wait3A_1229, %dma_wait3A_1230] : memref<200x8x32x8x128xf32, #tpu.memory_space<hbm>> -> memref<1x8x1x8x128xf32, #tpu.memory_space<hbm>>
      %dma_wait3A_1232 = tpu.memref_squeeze %dma_wait3A_1231 : memref<1x8x1x8x128xf32, #tpu.memory_space<hbm>> -> memref<8x8x128xf32, #tpu.memory_space<hbm>>
      %dma_wait3A_1233 = arith.constant 0 : i32
      %dma_wait3A_1234 = arith.constant 0 : i32
      %dma_wait3A_1235 = arith.constant 0 : i32
      %dma_wait3A_1236 = tpu.memref_slice %arg11[%dma_wait3A_1233, %dma_wait3A_1234, %dma_wait3A_1235] : memref<8x8x137xf32, #tpu.memory_space<vmem>> -> memref<8x8x128xf32, #tpu.memory_space<vmem>>
      tpu.wait_dma2 semaphore(%arg19 : memref<!tpu.dma_semaphore, #tpu.memory_space<semaphore_mem>>) src(%dma_wait3A_1236 : memref<8x8x128xf32, #tpu.memory_space<vmem>>) dst(%dma_wait3A_1232 : memref<8x8x128xf32, #tpu.memory_space<hbm>>)
      %get3A_1237 = arith.constant 3 : i32
      %get3A_1238 = arith.index_cast %get3A_1237 : i32 to index
      %get3A_1239 = arith.constant 0 : index
      %get3A_1240 = tpu.vector_load %arg13[%get3A_1238, %get3A_1239] {strides = array<i32>} : memref<4x64xf32, #tpu.memory_space<vmem>>, vector<16xf32>,
      %get3A_1241 = arith.constant 3 : i32
      %get3A_1242 = arith.index_cast %get3A_1241 : i32 to index
      %get3A_1243 = arith.constant 16 : index
      %get3A_1244 = tpu.vector_load %arg13[%get3A_1242, %get3A_1243] {strides = array<i32>} : memref<4x64xf32, #tpu.memory_space<vmem>>, vector<16xf32>,
      %get3A_1245 = arith.constant 3 : i32
      %get3A_1246 = arith.index_cast %get3A_1245 : i32 to index
      %get3A_1247 = arith.constant 32 : index
      %get3A_1248 = tpu.vector_load %arg13[%get3A_1246, %get3A_1247] {strides = array<i32>} : memref<4x64xf32, #tpu.memory_space<vmem>>, vector<16xf32>,
      %get3A_1249 = arith.constant 3 : i32
      %get3A_1250 = arith.index_cast %get3A_1249 : i32 to index
      %get3A_1251 = arith.constant 48 : index
      %get3A_1252 = tpu.vector_load %arg13[%get3A_1250, %get3A_1251] {strides = array<i32>} : memref<4x64xf32, #tpu.memory_space<vmem>>, vector<16xf32>,
      %parallel_loop3A_1253 = arith.constant 0 : i32
      %parallel_loop3A_1254 = arith.constant 128 : i32
      %parallel_loop3A_1255 = arith.constant 1 : i32
      scf.for %parallel_loop3A_1288 = %parallel_loop3A_1253 to %parallel_loop3A_1254 step %parallel_loop3A_1255  : i32 {
        %parallel_loop3A_1289 = arith.constant 0 : i32
        %parallel_loop3A_1290 = vector.broadcast %parallel_loop3A_1289 : i32 to vector<16xi32>
        %parallel_loop3A_1291 = arith.muli %iota3A_873, %parallel_loop3A_1290 : vector<16xi32>
        %parallel_loop3A_1292 = vector.broadcast %parallel_loop3A_1288 : i32 to vector<16xi32>
        %parallel_loop3A_1293 = arith.addi %parallel_loop3A_1291, %parallel_loop3A_1292 : vector<16xi32>
        %parallel_loop3A_1294 = arith.constant 3 : i32
        %parallel_loop3A_1295 = arith.index_cast %parallel_loop3A_1294 : i32 to index
        %parallel_loop3A_1296 = arith.index_cast %parallel_loop3A_1288 : i32 to index
        %parallel_loop3A_1297 = arith.constant 0 : index
        %parallel_loop3A_1298 = tpu.vector_load %arg9[%parallel_loop3A_1295, %parallel_loop3A_1296, %parallel_loop3A_1297] {strides = array<i32>} : memref<4x128x64xf32, #tpu.memory_space<vmem>>, vector<16xf32>,
        %parallel_loop3A_1299 = arith.addf %parallel_loop3A_1298, %get3A_1240 : vector<16xf32>
        tpu.vector_store_idx %arg11[%select_n3A_907, %rem3A_1015, %parallel_loop3A_1293], %parallel_loop3A_1299 : memref<8x8x137xf32, #tpu.memory_space<vmem>>[vector<16xi32>, vector<16xi32>, vector<16xi32>], vector<16xf32>,
        %parallel_loop3A_1300 = arith.constant 3 : i32
        %parallel_loop3A_1301 = arith.index_cast %parallel_loop3A_1300 : i32 to index
        %parallel_loop3A_1302 = arith.index_cast %parallel_loop3A_1288 : i32 to index
        %parallel_loop3A_1303 = arith.constant 16 : index
        %parallel_loop3A_1304 = tpu.vector_load %arg9[%parallel_loop3A_1301, %parallel_loop3A_1302, %parallel_loop3A_1303] {strides = array<i32>} : memref<4x128x64xf32, #tpu.memory_space<vmem>>, vector<16xf32>,
        %parallel_loop3A_1305 = arith.addf %parallel_loop3A_1304, %get3A_1244 : vector<16xf32>
        tpu.vector_store_idx %arg11[%select_n3A_941, %rem3A_1021, %parallel_loop3A_1293], %parallel_loop3A_1305 : memref<8x8x137xf32, #tpu.memory_space<vmem>>[vector<16xi32>, vector<16xi32>, vector<16xi32>], vector<16xf32>,
        %parallel_loop3A_1306 = arith.constant 3 : i32
        %parallel_loop3A_1307 = arith.index_cast %parallel_loop3A_1306 : i32 to index
        %parallel_loop3A_1308 = arith.index_cast %parallel_loop3A_1288 : i32 to index
        %parallel_loop3A_1309 = arith.constant 32 : index
        %parallel_loop3A_1310 = tpu.vector_load %arg9[%parallel_loop3A_1307, %parallel_loop3A_1308, %parallel_loop3A_1309] {strides = array<i32>} : memref<4x128x64xf32, #tpu.memory_space<vmem>>, vector<16xf32>,
        %parallel_loop3A_1311 = arith.addf %parallel_loop3A_1310, %get3A_1248 : vector<16xf32>
        tpu.vector_store_idx %arg11[%select_n3A_975, %rem3A_1027, %parallel_loop3A_1293], %parallel_loop3A_1311 : memref<8x8x137xf32, #tpu.memory_space<vmem>>[vector<16xi32>, vector<16xi32>, vector<16xi32>], vector<16xf32>,
        %parallel_loop3A_1312 = arith.constant 3 : i32
        %parallel_loop3A_1313 = arith.index_cast %parallel_loop3A_1312 : i32 to index
        %parallel_loop3A_1314 = arith.index_cast %parallel_loop3A_1288 : i32 to index
        %parallel_loop3A_1315 = arith.constant 48 : index
        %parallel_loop3A_1316 = tpu.vector_load %arg9[%parallel_loop3A_1313, %parallel_loop3A_1314, %parallel_loop3A_1315] {strides = array<i32>} : memref<4x128x64xf32, #tpu.memory_space<vmem>>, vector<16xf32>,
        %parallel_loop3A_1317 = arith.addf %parallel_loop3A_1316, %get3A_1252 : vector<16xf32>
        tpu.vector_store_idx %arg11[%select_n3A_1009, %rem3A_1033, %parallel_loop3A_1293], %parallel_loop3A_1317 : memref<8x8x137xf32, #tpu.memory_space<vmem>>[vector<16xi32>, vector<16xi32>, vector<16xi32>], vector<16xf32>,
      } {sc.loop_unroll_factor = 8 : i64, sc.parallel_access}
      %mul3A_1256 = arith.constant 4 : i32
      %mul3A_1257 = arith.muli %add3A_754, %mul3A_1256 : i32
      %add3A_1258 = arith.constant 3 : i32
      %add3A_1259 = arith.addi %mul3A_1257, %add3A_1258 : i32
      %dma_start3A_1260 = arith.constant 0 : i32
      %dma_start3A_1261 = arith.constant 0 : i32
      %dma_start3A_1262 = arith.constant 0 : i32
      %dma_start3A_1263 = tpu.memref_slice %arg11[%dma_start3A_1260, %dma_start3A_1261, %dma_start3A_1262] : memref<8x8x137xf32, #tpu.memory_space<vmem>> -> memref<8x8x128xf32, #tpu.memory_space<vmem>>
      %dma_start3A_1264 = arith.constant 0 : i32
      %dma_start3A_1265 = arith.constant 0 : i32
      %dma_start3A_1266 = arith.constant 0 : i32
      %dma_start3A_1267 = tpu.memref_slice %arg5[%add3A_1259, %dma_start3A_1264, %add3A, %dma_start3A_1265, %dma_start3A_1266] : memref<200x8x32x8x128xf32, #tpu.memory_space<hbm>> -> memref<1x8x1x8x128xf32, #tpu.memory_space<hbm>>
      %dma_start3A_1268 = tpu.memref_squeeze %dma_start3A_1267 : memref<1x8x1x8x128xf32, #tpu.memory_space<hbm>> -> memref<8x8x128xf32, #tpu.memory_space<hbm>>
      %dma_start3A_1269 = arith.constant 0 : i32
      %dma_start3A_1270 = arith.constant 0 : i32
      %dma_start3A_1271 = arith.constant 0 : i32
      %dma_start3A_1272 = tpu.memref_slice %arg5[%add3A_1259, %dma_start3A_1269, %add3A, %dma_start3A_1270, %dma_start3A_1271] : memref<200x8x32x8x128xf32, #tpu.memory_space<hbm>> -> memref<1x8x1x8x128xf32, #tpu.memory_space<hbm>>
      %dma_start3A_1273 = tpu.memref_squeeze %dma_start3A_1272 : memref<1x8x1x8x128xf32, #tpu.memory_space<hbm>> -> memref<8x8x128xf32, #tpu.memory_space<hbm>>
      %dma_start3A_1274 = arith.constant 0 : i32
      %dma_start3A_1275 = arith.constant 0 : i32
      %dma_start3A_1276 = arith.constant 0 : i32
      %dma_start3A_1277 = tpu.memref_slice %arg11[%dma_start3A_1274, %dma_start3A_1275, %dma_start3A_1276] : memref<8x8x137xf32, #tpu.memory_space<vmem>> -> memref<8x8x128xf32, #tpu.memory_space<vmem>>
      tpu.enqueue_dma source(%dma_start3A_1277 : memref<8x8x128xf32, #tpu.memory_space<vmem>>) target(%dma_start3A_1273 : memref<8x8x128xf32, #tpu.memory_space<hbm>>) target_semaphore(%arg19 : memref<!tpu.dma_semaphore, #tpu.memory_space<semaphore_mem>>)
      %add3A_1278 = arith.constant 2 : i32
      %add3A_1279 = arith.addi %add3A_754, %add3A_1278 : i32
      %min3A_1280 = arith.constant 49 : i32
      %min3A_1281 = arith.minsi %add3A_1279, %min3A_1280 : i32
      %mul3A_1282 = arith.constant 4 : i32
      %mul3A_1283 = arith.muli %min3A_1281, %mul3A_1282 : i32
      %dma_start3A_1284 = arith.constant 0 : i32
      %dma_start3A_1285 = tpu.memref_slice %arg4[%mul3A_1283, %dma_start3A_1284] : memref<200x64xf32, #tpu.memory_space<hbm>> -> memref<4x64xf32, #tpu.memory_space<hbm>>
      %dma_start3A_1286 = arith.constant 0 : i32
      %dma_start3A_1287 = tpu.memref_slice %arg4[%mul3A_1283, %dma_start3A_1286] : memref<200x64xf32, #tpu.memory_space<hbm>> -> memref<4x64xf32, #tpu.memory_space<hbm>>
      tpu.enqueue_dma source(%dma_start3A_1287 : memref<4x64xf32, #tpu.memory_space<hbm>>) target(%arg13 : memref<4x64xf32, #tpu.memory_space<vmem>>) target_semaphore(%arg15 : memref<!tpu.dma_semaphore, #tpu.memory_space<semaphore_mem>>)
    }
    %scan3A_124 = arith.constant 25 : i32
    %dma_wait3A_125 = arith.constant 0 : i32
    %dma_wait3A_126 = arith.constant 0 : i32
    %dma_wait3A_127 = tpu.memref_slice %arg2[%dma_wait3A_125, %dma_wait3A_126] : memref<200x4096xi32, #tpu.memory_space<hbm>> -> memref<4x128xi32, #tpu.memory_space<hbm>>
    %dma_wait3A_128 = arith.constant 0 : i32
    %dma_wait3A_129 = arith.constant 0 : i32
    %dma_wait3A_130 = tpu.memref_slice %arg2[%dma_wait3A_128, %dma_wait3A_129] : memref<200x4096xi32, #tpu.memory_space<hbm>> -> memref<4x128xi32, #tpu.memory_space<hbm>>
    tpu.wait_dma2 semaphore(%arg15 : memref<!tpu.dma_semaphore, #tpu.memory_space<semaphore_mem>>) src(%dma_wait3A_130 : memref<4x128xi32, #tpu.memory_space<hbm>>) dst(%arg7 : memref<4x128xi32, #tpu.memory_space<vmem>>)
    %dma_wait3A_131 = arith.constant 0 : i32
    %dma_wait3A_132 = arith.constant 0 : i32
    %dma_wait3A_133 = tpu.memref_slice %arg4[%dma_wait3A_131, %dma_wait3A_132] : memref<200x64xf32, #tpu.memory_space<hbm>> -> memref<4x64xf32, #tpu.memory_space<hbm>>
    %dma_wait3A_134 = arith.constant 0 : i32
    %dma_wait3A_135 = arith.constant 0 : i32
    %dma_wait3A_136 = tpu.memref_slice %arg4[%dma_wait3A_134, %dma_wait3A_135] : memref<200x64xf32, #tpu.memory_space<hbm>> -> memref<4x64xf32, #tpu.memory_space<hbm>>
    tpu.wait_dma2 semaphore(%arg15 : memref<!tpu.dma_semaphore, #tpu.memory_space<semaphore_mem>>) src(%dma_wait3A_136 : memref<4x64xf32, #tpu.memory_space<hbm>>) dst(%arg13 : memref<4x64xf32, #tpu.memory_space<vmem>>)
    %dma_wait3A_137 = arith.constant 0 : i32
    %dma_wait3A_138 = arith.constant 0 : i32
    %dma_wait3A_139 = arith.constant 0 : i32
    %dma_wait3A_140 = arith.constant 0 : i32
    %dma_wait3A_141 = tpu.memref_slice %arg8[%dma_wait3A_138, %dma_wait3A_139, %dma_wait3A_140] : memref<4x128x64xf32, #tpu.memory_space<vmem>> -> memref<1x128x64xf32, #tpu.memory_space<vmem>>
    %dma_wait3A_142 = tpu.memref_squeeze %dma_wait3A_141 : memref<1x128x64xf32, #tpu.memory_space<vmem>> -> memref<128x64xf32, #tpu.memory_space<vmem>>
    %dma_wait3A_143 = arith.constant 0 : i32
    %dma_wait3A_144 = tpu.memref_slice %arg6[%dma_wait3A_137, %dma_wait3A_143] : memref<4x128xi32, #tpu.memory_space<vmem>> -> memref<1x128xi32, #tpu.memory_space<vmem>>
    %dma_wait3A_145 = tpu.memref_squeeze %dma_wait3A_144 : memref<1x128xi32, #tpu.memory_space<vmem>> -> memref<128xi32, #tpu.memory_space<vmem>>
    %dma_wait3A_146 = arith.constant 0 : i32
    %dma_wait3A_147 = arith.constant 0 : i32
    %dma_wait3A_148 = tpu.memref_slice %arg3[%dma_wait3A_146, %dma_wait3A_147] : memref<100000x64xf32, #tpu.memory_space<hbm>> -> memref<100000x64xf32, #tpu.memory_space<hbm>>
    tpu.wait_indirect_dma semaphore(%arg16 : memref<!tpu.dma_semaphore, #tpu.memory_space<semaphore_mem>>) src(%dma_wait3A_148 : memref<100000x64xf32, #tpu.memory_space<hbm>>) dst(%dma_wait3A_142 : memref<128x64xf32, #tpu.memory_space<vmem>>)
    %dma_wait3A_149 = arith.constant 1 : i32
    %dma_wait3A_150 = arith.constant 1 : i32
    %dma_wait3A_151 = arith.constant 0 : i32
    %dma_wait3A_152 = arith.constant 0 : i32
    %dma_wait3A_153 = tpu.memref_slice %arg8[%dma_wait3A_150, %dma_wait3A_151, %dma_wait3A_152] : memref<4x128x64xf32, #tpu.memory_space<vmem>> -> memref<1x128x64xf32, #tpu.memory_space<vmem>>
    %dma_wait3A_154 = tpu.memref_squeeze %dma_wait3A_153 : memref<1x128x64xf32, #tpu.memory_space<vmem>> -> memref<128x64xf32, #tpu.memory_space<vmem>>
    %dma_wait3A_155 = arith.constant 0 : i32
    %dma_wait3A_156 = tpu.memref_slice %arg6[%dma_wait3A_149, %dma_wait3A_155] : memref<4x128xi32, #tpu.memory_space<vmem>> -> memref<1x128xi32, #tpu.memory_space<vmem>>
    %dma_wait3A_157 = tpu.memref_squeeze %dma_wait3A_156 : memref<1x128xi32, #tpu.memory_space<vmem>> -> memref<128xi32, #tpu.memory_space<vmem>>
    %dma_wait3A_158 = arith.constant 0 : i32
    %dma_wait3A_159 = arith.constant 0 : i32
    %dma_wait3A_160 = tpu.memref_slice %arg3[%dma_wait3A_158, %dma_wait3A_159] : memref<100000x64xf32, #tpu.memory_space<hbm>> -> memref<100000x64xf32, #tpu.memory_space<hbm>>
    tpu.wait_indirect_dma semaphore(%arg16 : memref<!tpu.dma_semaphore, #tpu.memory_space<semaphore_mem>>) src(%dma_wait3A_160 : memref<100000x64xf32, #tpu.memory_space<hbm>>) dst(%dma_wait3A_154 : memref<128x64xf32, #tpu.memory_space<vmem>>)
    %dma_wait3A_161 = arith.constant 2 : i32
    %dma_wait3A_162 = arith.constant 2 : i32
    %dma_wait3A_163 = arith.constant 0 : i32
    %dma_wait3A_164 = arith.constant 0 : i32
    %dma_wait3A_165 = tpu.memref_slice %arg8[%dma_wait3A_162, %dma_wait3A_163, %dma_wait3A_164] : memref<4x128x64xf32, #tpu.memory_space<vmem>> -> memref<1x128x64xf32, #tpu.memory_space<vmem>>
    %dma_wait3A_166 = tpu.memref_squeeze %dma_wait3A_165 : memref<1x128x64xf32, #tpu.memory_space<vmem>> -> memref<128x64xf32, #tpu.memory_space<vmem>>
    %dma_wait3A_167 = arith.constant 0 : i32
    %dma_wait3A_168 = tpu.memref_slice %arg6[%dma_wait3A_161, %dma_wait3A_167] : memref<4x128xi32, #tpu.memory_space<vmem>> -> memref<1x128xi32, #tpu.memory_space<vmem>>
    %dma_wait3A_169 = tpu.memref_squeeze %dma_wait3A_168 : memref<1x128xi32, #tpu.memory_space<vmem>> -> memref<128xi32, #tpu.memory_space<vmem>>
    %dma_wait3A_170 = arith.constant 0 : i32
    %dma_wait3A_171 = arith.constant 0 : i32
    %dma_wait3A_172 = tpu.memref_slice %arg3[%dma_wait3A_170, %dma_wait3A_171] : memref<100000x64xf32, #tpu.memory_space<hbm>> -> memref<100000x64xf32, #tpu.memory_space<hbm>>
    tpu.wait_indirect_dma semaphore(%arg16 : memref<!tpu.dma_semaphore, #tpu.memory_space<semaphore_mem>>) src(%dma_wait3A_172 : memref<100000x64xf32, #tpu.memory_space<hbm>>) dst(%dma_wait3A_166 : memref<128x64xf32, #tpu.memory_space<vmem>>)
    %dma_wait3A_173 = arith.constant 3 : i32
    %dma_wait3A_174 = arith.constant 3 : i32
    %dma_wait3A_175 = arith.constant 0 : i32
    %dma_wait3A_176 = arith.constant 0 : i32
    %dma_wait3A_177 = tpu.memref_slice %arg8[%dma_wait3A_174, %dma_wait3A_175, %dma_wait3A_176] : memref<4x128x64xf32, #tpu.memory_space<vmem>> -> memref<1x128x64xf32, #tpu.memory_space<vmem>>
    %dma_wait3A_178 = tpu.memref_squeeze %dma_wait3A_177 : memref<1x128x64xf32, #tpu.memory_space<vmem>> -> memref<128x64xf32, #tpu.memory_space<vmem>>
    %dma_wait3A_179 = arith.constant 0 : i32
    %dma_wait3A_180 = tpu.memref_slice %arg6[%dma_wait3A_173, %dma_wait3A_179] : memref<4x128xi32, #tpu.memory_space<vmem>> -> memref<1x128xi32, #tpu.memory_space<vmem>>
    %dma_wait3A_181 = tpu.memref_squeeze %dma_wait3A_180 : memref<1x128xi32, #tpu.memory_space<vmem>> -> memref<128xi32, #tpu.memory_space<vmem>>
    %dma_wait3A_182 = arith.constant 0 : i32
    %dma_wait3A_183 = arith.constant 0 : i32
    %dma_wait3A_184 = tpu.memref_slice %arg3[%dma_wait3A_182, %dma_wait3A_183] : memref<100000x64xf32, #tpu.memory_space<hbm>> -> memref<100000x64xf32, #tpu.memory_space<hbm>>
    tpu.wait_indirect_dma semaphore(%arg16 : memref<!tpu.dma_semaphore, #tpu.memory_space<semaphore_mem>>) src(%dma_wait3A_184 : memref<100000x64xf32, #tpu.memory_space<hbm>>) dst(%dma_wait3A_178 : memref<128x64xf32, #tpu.memory_space<vmem>>)
    %dma_wait3A_185 = arith.constant 0 : i32
    %dma_wait3A_186 = arith.constant 0 : i32
    %dma_wait3A_187 = arith.constant 0 : i32
    %dma_wait3A_188 = arith.constant 0 : i32
    %dma_wait3A_189 = arith.constant 0 : i32
    %dma_wait3A_190 = tpu.memref_slice %arg10[%dma_wait3A_187, %dma_wait3A_188, %dma_wait3A_189] : memref<8x8x137xf32, #tpu.memory_space<vmem>> -> memref<8x8x128xf32, #tpu.memory_space<vmem>>
    %dma_wait3A_191 = arith.constant 0 : i32
    %dma_wait3A_192 = arith.constant 0 : i32
    %dma_wait3A_193 = arith.constant 0 : i32
    %dma_wait3A_194 = tpu.memref_slice %arg5[%dma_wait3A_185, %dma_wait3A_191, %dma_wait3A_186, %dma_wait3A_192, %dma_wait3A_193] : memref<200x8x32x8x128xf32, #tpu.memory_space<hbm>> -> memref<1x8x1x8x128xf32, #tpu.memory_space<hbm>>
    %dma_wait3A_195 = tpu.memref_squeeze %dma_wait3A_194 : memref<1x8x1x8x128xf32, #tpu.memory_space<hbm>> -> memref<8x8x128xf32, #tpu.memory_space<hbm>>
    %dma_wait3A_196 = arith.constant 0 : i32
    %dma_wait3A_197 = arith.constant 0 : i32
    %dma_wait3A_198 = arith.constant 0 : i32
    %dma_wait3A_199 = tpu.memref_slice %arg5[%dma_wait3A_185, %dma_wait3A_196, %dma_wait3A_186, %dma_wait3A_197, %dma_wait3A_198] : memref<200x8x32x8x128xf32, #tpu.memory_space<hbm>> -> memref<1x8x1x8x128xf32, #tpu.memory_space<hbm>>
    %dma_wait3A_200 = tpu.memref_squeeze %dma_wait3A_199 : memref<1x8x1x8x128xf32, #tpu.memory_space<hbm>> -> memref<8x8x128xf32, #tpu.memory_space<hbm>>
    %dma_wait3A_201 = arith.constant 0 : i32
    %dma_wait3A_202 = arith.constant 0 : i32
    %dma_wait3A_203 = arith.constant 0 : i32
    %dma_wait3A_204 = tpu.memref_slice %arg10[%dma_wait3A_201, %dma_wait3A_202, %dma_wait3A_203] : memref<8x8x137xf32, #tpu.memory_space<vmem>> -> memref<8x8x128xf32, #tpu.memory_space<vmem>>
    tpu.wait_dma2 semaphore(%arg18 : memref<!tpu.dma_semaphore, #tpu.memory_space<semaphore_mem>>) src(%dma_wait3A_204 : memref<8x8x128xf32, #tpu.memory_space<vmem>>) dst(%dma_wait3A_200 : memref<8x8x128xf32, #tpu.memory_space<hbm>>)
    %dma_wait3A_205 = arith.constant 0 : i32
    %dma_wait3A_206 = arith.constant 0 : i32
    %dma_wait3A_207 = arith.constant 0 : i32
    %dma_wait3A_208 = arith.constant 0 : i32
    %dma_wait3A_209 = arith.constant 0 : i32
    %dma_wait3A_210 = tpu.memref_slice %arg11[%dma_wait3A_207, %dma_wait3A_208, %dma_wait3A_209] : memref<8x8x137xf32, #tpu.memory_space<vmem>> -> memref<8x8x128xf32, #tpu.memory_space<vmem>>
    %dma_wait3A_211 = arith.constant 0 : i32
    %dma_wait3A_212 = arith.constant 0 : i32
    %dma_wait3A_213 = arith.constant 0 : i32
    %dma_wait3A_214 = tpu.memref_slice %arg5[%dma_wait3A_205, %dma_wait3A_211, %dma_wait3A_206, %dma_wait3A_212, %dma_wait3A_213] : memref<200x8x32x8x128xf32, #tpu.memory_space<hbm>> -> memref<1x8x1x8x128xf32, #tpu.memory_space<hbm>>
    %dma_wait3A_215 = tpu.memref_squeeze %dma_wait3A_214 : memref<1x8x1x8x128xf32, #tpu.memory_space<hbm>> -> memref<8x8x128xf32, #tpu.memory_space<hbm>>
    %dma_wait3A_216 = arith.constant 0 : i32
    %dma_wait3A_217 = arith.constant 0 : i32
    %dma_wait3A_218 = arith.constant 0 : i32
    %dma_wait3A_219 = tpu.memref_slice %arg5[%dma_wait3A_205, %dma_wait3A_216, %dma_wait3A_206, %dma_wait3A_217, %dma_wait3A_218] : memref<200x8x32x8x128xf32, #tpu.memory_space<hbm>> -> memref<1x8x1x8x128xf32, #tpu.memory_space<hbm>>
    %dma_wait3A_220 = tpu.memref_squeeze %dma_wait3A_219 : memref<1x8x1x8x128xf32, #tpu.memory_space<hbm>> -> memref<8x8x128xf32, #tpu.memory_space<hbm>>
    %dma_wait3A_221 = arith.constant 0 : i32
    %dma_wait3A_222 = arith.constant 0 : i32
    %dma_wait3A_223 = arith.constant 0 : i32
    %dma_wait3A_224 = tpu.memref_slice %arg11[%dma_wait3A_221, %dma_wait3A_222, %dma_wait3A_223] : memref<8x8x137xf32, #tpu.memory_space<vmem>> -> memref<8x8x128xf32, #tpu.memory_space<vmem>>
    tpu.wait_dma2 semaphore(%arg19 : memref<!tpu.dma_semaphore, #tpu.memory_space<semaphore_mem>>) src(%dma_wait3A_224 : memref<8x8x128xf32, #tpu.memory_space<vmem>>) dst(%dma_wait3A_220 : memref<8x8x128xf32, #tpu.memory_space<hbm>>)
    return
  }
}

</mosaic_0001>

<sc_bundles>
// kernel: kernel.3.cloned.1.call-start
scs
__scs_entry_jumppad:
0x0: {  	(pc) =	sbr.rel $0x88, $3  }
0x1: {  	(tag) =	ssettag $0x0;
	lr =	simm.s32 $0x1  }
0x2: {  	[smem:$0x3F9E] =	sst lr;
	_ =	strace $0xD0000000  }
0x3: {  	_ = 	snop  }
0x4: {  	_ = 	snop  }
0x5: {  	_ = 	snop  }
0x6: {  	_ = 	snop  }
0x7: {  	_ = 	snop  }
__scs_overlays_trampoline_lowered:
0x8: {  	[smem:$0x3FAD] =	sst s0  }
0x9: {  	[smem:$0x3FAE] =	sst s1  }
0xa: {  	[smem:$0x3FAF] =	sst s2  }
0xb: {  	[smem:$0x3FB0] =	sst s3  }
0xc: {  	[smem:$0x3FB1] =	sst s4  }
0xd: {  	[smem:$0x3FB2] =	sst s5  }
0xe: {  	[smem:$0x3FB3] =	sst s6  }
0xf: {  	[smem:$0x3FB4] =	sst s7  }
0x10: {  	[smem:$0x3FB5] =	sst s8  }
0x11: {  	[smem:$0x3FB6] =	sst s9;
	s0 =	simm.s32 @!p0 $0x0  }
0x12: {  	s1 =	sld [smem:$0x3F9C];
	s0 =	simm.s32 @p0 $0x1  }
0x13: {  	[smem:$0x3FB7] =	sst s0;
	s0 =	simm.s32 @!p1 $0x0  }
0x14: {  	s2 =	sld [smem:$0x3F9B];
	s0 =	simm.s32 @p1 $0x1  }
0x15: {  	[smem:$0x3FB8] =	sst s0;
	s0 =	simm.s32 @!p2 $0x0  }
0x16: {  	s3 =	sld [smem:$0x3FDB];
	s0 =	simm.s32 @p2 $0x1  }
0x17: {  	s4 =	simm.s32 $0x1BF5;
	[smem:$0x3FBA] =	sst s0  }
0x18: {  	s0 =	sld [smem:$0x3F9D];
	_ =	swait.ge [sflag:s4], $0x0  }
0x19: {  	s7 =	sld [smem:$0x3F9E]  }
0x1a: {  	s8 =	sadd.s32 $0xFFFFE003, lr  }
0x1b: {  	s9 =	sadd.s32 $0xFFFFFEF7, lr;
	s5 =	simm.s32 $0xFFFFFFFF;
	p2 =	slt.u32 s8, $0xFFFFF086  }
0x1c: {  	p1 =	slt.u32 s9, $0xF7A;
	s5 =	simm.s32 @!p2 $0x0  }
0x1d: {  	s5 =	simm.s32 @p1 $0x1;
	p0 =	seq.s32 s7, s2  }
0x1e: {  	s7 =	smul.u32 @!p0 $0xF7A, s2;
	p2 =	seq.s32 @!p0 s5, $0x0  }
0x1f: {  	s9 =	smul.u32 $0xF7A, s1;
	s8 =	simm.s32 @!p0 $0x1BF5;
	p2 =	por !p2, p0  }
0x20: {  	[sflag:s8] =	ssyncset.s32 @!p0 $0xFFFFF086;
	s6 =	sadd.s32 @!p0 s3, s7;
	s7 =	simm.s32 @!p0 $0x108  }
0x21: {  	s3 =	sadd.s32 s3, s9;
	s6 =	sadd.s32 @!p0 $0x88, s6;
	s7 =	simm.s32 @p2 $0x1082  }
0x22: {  	[simem:s7], [sflag:s8] =	dma.local @!p0 [hbm:s6], $0xF7A  }
0x23: {  	s9 =	sor.u32 $0xD0000000, s2;
	s6 =	simm.s32 $0x108;
	_ =	swait.ge @!p0 [sflag:s8], $0x0  }
0x24: {  	s3 =	sadd.s32 $0x88, s3;
	s6 =	simm.s32 @!p1 $0x1082;
	[sflag:s4] =	ssyncset.s32 $0xFFFFF086  }
0x25: {  	[simem:s6], [sflag:s4] =	dma.local [hbm:s3], $0xF7A  }
0x26: {  	[smem:$0x3F9E] =	sst s1;
	(tag) =	ssettag s2;
	_ =	strace s9  }
0x27: {  	s1 =	sld [smem:$0x3FAE]  }
0x28: {  	s2 =	sld [smem:$0x3FAF]  }
0x29: {  	s4 =	sld [smem:$0x3FB1]  }
0x2a: {  	p0 =	seq.s32 s5, $0x0;
	s5 =	sld [smem:$0x3FB2]  }
0x2b: {  	s6 =	sld [smem:$0x3FB3]  }
0x2c: {  	s7 =	sld [smem:$0x3FB4]  }
0x2d: {  	s3 =	simm.s32 $0x108;
	s8 =	sld [smem:$0x3FB5]  }
0x2e: {  	s3 =	simm.s32 @!p0 $0x1082;
	s9 =	sld [smem:$0x3FB6]  }
0x2f: {  	lr =	sadd.s32 s0, s3;
	s0 =	sld [smem:$0x3FAD]  }
0x30: {  	s3 =	sld [smem:$0x3FB0]  }
0x31: {  	[smem:$0x3FB9] =	sst s10  }
0x32: {  	s10 =	sld [smem:$0x3FB7];
	_ =	sdelay $0x3  }
0x33: {  	p0 =	seq.s32 s10, $0x1;
	s10 =	sld [smem:$0x3FB9];
	_ =	sdelay $0x3  }
0x34: {  	[smem:$0x3FB9] =	sst s10  }
0x35: {  	s10 =	sld [smem:$0x3FB8];
	_ =	sdelay $0x3  }
0x36: {  	p1 =	seq.s32 s10, $0x1;
	s10 =	sld [smem:$0x3FB9];
	_ =	sdelay $0x3  }
0x37: {  	[smem:$0x3FB9] =	sst s10  }
0x38: {  	s10 =	sld [smem:$0x3FBA]  }
0x39: {  	_ = 	snop;
	(pc) =	sbr.ind lr, $3  }
0x3a: {  	_ = 	snop  }
0x3b: {  	_ = 	snop  }
0x3c: {  	p2 =	seq.s32 s10, $0x1;
	s10 =	sld [smem:$0x3FB9]  }
0x3d: {  	_ =	shalt  }
0x3e: {  	_ =	shalt  }
0x3f: {  	_ =	shalt  }
0x40: {  	_ =	shalt  }
0x41: {  	_ =	shalt  }
0x42: {  	_ =	shalt  }
0x43: {  	_ =	shalt  }
0x44: {  	_ =	shalt  }
0x45: {  	_ =	shalt  }
0x46: {  	_ =	shalt  }
0x47: {  	_ =	shalt  }
0x48: {  	_ =	shalt  }
0x49: {  	_ =	shalt  }
0x4a: {  	_ =	shalt  }
0x4b: {  	_ =	shalt  }
0x4c: {  	_ =	shalt  }
0x4d: {  	_ =	shalt  }
0x4e: {  	_ =	shalt  }
0x4f: {  	_ =	shalt  }
0x50: {  	_ =	shalt  }
0x51: {  	_ =	shalt  }
0x52: {  	_ =	shalt  }
0x53: {  	_ =	shalt  }
0x54: {  	_ =	shalt  }
0x55: {  	_ =	shalt  }
0x56: {  	_ =	shalt  }
0x57: {  	_ =	shalt  }
0x58: {  	_ =	shalt  }
0x59: {  	_ =	shalt  }
0x5a: {  	_ =	shalt  }
0x5b: {  	_ =	shalt  }
0x5c: {  	_ =	shalt  }
0x5d: {  	_ =	shalt  }
0x5e: {  	_ =	shalt  }
0x5f: {  	_ =	shalt  }
0x60: {  	_ =	shalt  }
0x61: {  	_ =	shalt  }
0x62: {  	_ =	shalt  }
0x63: {  	_ =	shalt  }
0x64: {  	_ =	shalt  }
0x65: {  	_ =	shalt  }
0x66: {  	_ =	shalt  }
0x67: {  	_ =	shalt  }
0x68: {  	_ =	shalt  }
0x69: {  	_ =	shalt  }
0x6a: {  	_ =	shalt  }
0x6b: {  	_ =	shalt  }
0x6c: {  	_ =	shalt  }
0x6d: {  	_ =	shalt  }
0x6e: {  	_ =	shalt  }
0x6f: {  	_ =	shalt  }
0x70: {  	_ =	shalt  }
0x71: {  	_ =	shalt  }
0x72: {  	_ =	shalt  }
0x73: {  	_ =	shalt  }
0x74: {  	_ =	shalt  }
0x75: {  	_ =	shalt  }
0x76: {  	_ =	shalt  }
0x77: {  	_ =	shalt  }
0x78: {  	_ =	shalt  }
0x79: {  	_ =	shalt  }
0x7a: {  	_ =	shalt  }
0x7b: {  	_ =	shalt  }
0x7c: {  	_ =	shalt  }
0x7d: {  	_ =	shalt  }
0x7e: {  	_ =	shalt  }
0x7f: {  	_ =	shalt  }
0x80: {  	_ =	shalt  }
0x81: {  	_ =	shalt  }
0x82: {  	_ =	shalt  }
0x83: {  	_ =	shalt  }
0x84: {  	_ =	shalt  }
0x85: {  	_ =	shalt  }
0x86: {  	_ =	shalt  }
0x87: {  	_ =	shalt  }
.Lfunc_end0:
.L_simem_size_0:
called_computation_lowered:
.L_overlay_start_0:
0x88: {  	s2 =	sld [smem:$0x3FD9]  }
0x89: {  	s3 =	sld [smem:$0x3FFE];
	_ =	sdelay $0x1  }
0x8a: {  	s1 =	srdreg.scid  }
0x8b: {  	s0 =	sand.u32 $0x1, s1  }
0x8c: {  	s17 =	sshll.u32 s0, $0xA;
	s2 =	sadd.s32 s3, s2  }
0x8d: {  	s2 =	sadd.s32 s2, s17  }
0x8e: {  	[smem:$0x3FC5] =	sst s2  }
0x8f: {  	_ = 	snop  }
0x90: {  	s2 =	sld [smem:$0x3FD0];
	(tm) =	ssettm $0x1  }
0x91: {  	s18 =	sld [smem:$0x3FFB];
	_ =	sdelay $0x3  }
0x92: {  	_ =	strace s18  }
0x93: {  	s3 =	sld [smem:$0x3FFC];
	_ =	sdelay $0x3  }
0x94: {  	_ =	strace s3  }
0x95: {  	s3 =	sld [smem:$0x3FFD];
	_ =	sdelay $0x3  }
0x96: {  	_ =	strace s3  }
0x97: {  	_ =	strace $0x8FFFFFFF  }
0x98: {  	s19 =	sld [smem:$0x3FDB];
	_ =	sdelay $0x1  }
0x99: {  	s4 =	simm.s32 $_scs_section_size  }
0x9a: {  	s5 =	simm.s32 $_size__tile_overlayer_lowered;
	s6 =	simm.s32 $_tile_overlayer_lowered  }
0x9b: {  	s22 =	simm.s32 $0x1BFF;
	s21 =	sshll.u32 s6, $0x1;
	s3 =	sadd.s32 s4, s19  }
0x9c: {  	s7 =	simm.s32 $0x0;
	s20 =	sshll.u32 s5, $0x1;
	s5 =	sadd.s32 s21, s3  }
0x9d: {  	[timem:s7], [sflag:s22] =	dma.local [hbm:s5], s20  }
0x9e: {  	_ =	swait.ge [sflag:s22], s20  }
0x9f: {  	s4 =	ssub.s32 $0x0, s20;
	[sflag:s22] =	ssyncset.done $0x0  }
0xa0: {  	[sflag:s22] =	ssyncadd.s32 s4;
	_ =	sdelay $0x1  }
0xa1: {  	s23 =	simm.s32 $0x1B8B  }
0xa2: {  	_ =	swait.ge [sflag:s23], $0x1  }
0xa3: {  	[sflag:s23] =	ssyncset.done $0x0  }
0xa4: {  	s25 =	simm.s32 $0x1B8E;
	s24 =	sld [smem:$0x3FFE];
	[sflag:s23] =	ssyncadd.s32 $0xFFFFFFFF  }
0xa5: {  	s26 =	simm.s32 $execute0_lowered;
	[smem:$0x3FD2] =	sst s25  }
0xa6: {  	s5 =	sshll.u32 s26, $0x1;
	_ =	strace $0x80000046;
	[dreg:$0x1] =	wrdreg $0xFFFFFFFF  }
0xa7: {  	s28 =	simm.s32 $_size_execute0_lowered;
	s3 =	sadd.s32 s3, s5;
	[dreg:$0x0] =	wrdreg $0x0  }
0xa8: {  	s5 =	sshll.u32 s28, $0x1;
	[dreg:$0x2] =	wrdreg s3  }
0xa9: {  	[dreg:$0x3] =	wrdreg s5  }
0xaa: {  	[dreg:$0x4] =	wrdreg $0xC0  }
0xab: {  	_ =	task [dreg:s7], $0x5FFFF  }
0xac: {  	[dreg:$0x1] =	wrdreg $0xFFFFFFFF  }
0xad: {  	[dreg:$0x0] =	wrdreg $0x60  }
0xae: {  	[dreg:$0x2] =	wrdreg s24  }
0xaf: {  	[dreg:$0x3] =	wrdreg s2  }
0xb0: {  	[dreg:$0x4] =	wrdreg $0x9  }
0xb1: {  	_ =	task.clear_ibuf [dreg:s7], $0x5FFFF;
	_ =	strace $0x90000046  }
0xb2: {  	s29 =	simm.s32 $0x9;
	_ =	strace $0x80000048  }
0xb3: {  	_ =	swait.ge [sflag:s29], $0x1  }
0xb4: {  	[sflag:s29] =	ssyncadd.s32 $0xFFFFFFFF  }
0xb5: {  	_ =	strace $0x90000048  }
0xb6: {  	_ =	sfence  }
0xb7: {  	s30 =	sld [smem:$0x0];
	_ =	sdelay $0x2  }
0xb8: {  	s31 =	sshll.u32 s1, $0xD;
	s1 =	sshrl.u32 s1, $0x2  }
0xb9: {  	s3 =	sand.u32 $0x4000, s31;
	s1 =	sadd.s32 s1, s30  }
0xba: {  	s0 =	sor.u32 s3, s0;
	s1 =	sshll.u32 s1, $0x11  }
0xbb: {  	s0 =	sor.u32 s1, s0  }
0xbc: {  	s0 =	sadd.s32 $0x8F2B, s0  }
0xbd: {  	[sflag:s0] =	ssyncadd.remote.s32 $0x1  }
0xbe: {  	_ =	sfence.sel $0xFFFF  }
0xbf: {  	[dreg:$0x0] =	wrdreg $0xFFFFFFFF;
	(pc) =	sbr.abs _section_cstart, $3  }
0xc0: {  	[dreg:$0x1] =	wrdreg $0xFFFFFFFF  }
0xc1: {  	_ =	task.clear_ibuf [dreg:s7], $0x2FFFF;
	_ =	strace $0x9FFFFFFF  }
0xc2: {  	(tm) =	ssettm $0x7FFFFFFF  }
0xc3: {  	_ =	shalt  }
tec
execute0_lowered:
.L_overlay_start_1:
0x0: {  	(tag) =	ssettag $0x1  }
0x1: {  	v0 =	vlaneseq.u32  }
0x2: {  	s0 =	rddreg [dreg:$0x0];
	s3 =	simm.s32 $0x0;
	v2 =	vmul.u32 $0x90, v0  }
0x3: {  	[smem:$0x7FF] =	sst s3  }
0x4: {  	s10 =	rddreg [dreg:$0x1];
	_ =	strace $0x80000047;
	v13 =	vadd.s32 $0x1B06, v2;
	[tilespmem:$0x1FE10] =	vst v2  }
0x5: {  	v18 =	vadd.s32 $0x900, v2;
	[tilespmem:$0x1FE00] =	vst v13  }
0x6: {  	v59 =	vadd.s32 $0x1200, v2;
	[tilespmem:$0x1FE20] =	vst v18  }
0x7: {  	v17 =	vadd.s32 $0x1B00, v2;
	[tilespmem:$0x1FE30] =	vst v59  }
0x8: {  	v19 =	vor.u32 $0x1, v2;
	[tilespmem:$0x1FE40] =	vst v17  }
0x9: {  	v32 =	vadd.s32 $0x901, v2;
	[tilespmem:$0x1FE50] =	vst v19  }
0xa: {  	v48 =	vadd.s32 $0x1201, v2;
	[tilespmem:$0x1FE60] =	vst v32  }
0xb: {  	v20 =	vadd.s32 $0x1B01, v2;
	[tilespmem:$0x1FE70] =	vst v48  }
0xc: {  	vm0 =	vcmask $0x300;
	v0 =	vimm.s32 $0x0;
	v23 =	vor.u32 $0x2, v2;
	[tilespmem:$0x1FE80] =	vst v20  }
0xd: {  	v1 =	vsel vm0, $0x3, v0;
	v0 =	vadd.s32 $0x902, v2;
	[tilespmem:$0x1FE90] =	vst v23  }
0xe: {  	v3 =	vadd.s32 $0x1202, v2;
	[tilespmem:$0x1FEA0] =	vst v0  }
0xf: {  	v21 =	vadd.s32 $0x1B02, v2;
	[tilespmem:$0x1FEB0] =	vst v3  }
0x10: {  	v28 =	vor.u32 $0x3, v2;
	[tilespmem:$0x1FEC0] =	vst v21  }
0x11: {  	v4 =	vadd.s32 $0x903, v2;
	[tilespmem:$0x1FED0] =	vst v28  }
0x12: {  	v5 =	vadd.s32 $0x1203, v2;
	[tilespmem:$0x1FEE0] =	vst v4  }
0x13: {  	v6 =	vadd.s32 $0x1B03, v2;
	[tilespmem:$0x1FEF0] =	vst v5  }
0x14: {  	s1 =	srdreg.scid;
	s2 =	stileid.u32;
	v30 =	vor.u32 $0x4, v2;
	[tilespmem:$0x1FF00] =	vst v6  }
0x15: {  	s20 =	simm.s32 $0x80;
	s11 =	simm.s32 $0x12800;
	s4 =	sadd.s32 $0xC00, s0;
	v31 =	vadd.s32 $0x904, v2;
	[tilespmem:$0x1FF10] =	vst v30  }
0x16: {  	s5 =	sadd.s32 $0x19C00, s0;
	s6 =	sadd.s32 $0x400, s0;
	s0 =	sadd.s32 $0x420, s0;
	v7 =	vadd.s32 $0x1B04, v2;
	[tilespmem:$0x1FF20] =	vst v31  }
0x17: {  	s19 =	simm.s32 $0x4;
	s24 =	sadd.s32 $0x10000, s10;
	[dreg:$0x5] =	wrdreg s0;
	v8 =	vor.u32 $0x5, v2;
	[tilespmem:$0x1FF30] =	vst v7  }
0x18: {  	s12 =	simm.s32 $0x0;
	s25 =	sadd.s32 $0x18000, s10;
	[dreg:$0x7] =	wrdreg s24;
	v9 =	vadd.s32 $0x905, v2;
	[tilespmem:$0x1FF40] =	vst v8  }
0x19: {  	s1 =	sand.u32 $0x1, s1;
	s26 =	sadd.s32 $0x20000, s10;
	[dreg:$0x8] =	wrdreg s25;
	v25 =	vadd.s32 $0x1205, v2;
	[tilespmem:$0x1FF50] =	vst v9  }
0x1a: {  	s2 =	sshll.u32 s2, $0x1;
	s28 =	sadd.s32 $0x28000, s10;
	[dreg:$0x9] =	wrdreg s26;
	v10 =	vadd.s32 $0x1B05, v2;
	[tilespmem:$0x1FF60] =	vst v25  }
0x1b: {  	s21 =	sadd.s32 $0x8000, s10;
	s29 =	sadd.s32 $0x30000, s10;
	[dreg:$0xa] =	wrdreg s28;
	v29 =	vor.u32 $0x6, v2;
	[tilespmem:$0x1FF70] =	vst v10  }
0x1c: {  	s30 =	sadd.s32 $0x38000, s10;
	s2 =	sor.u32 s1, s2;
	[dreg:$0xb] =	wrdreg s29;
	v11 =	vadd.s32 $0x906, v2;
	[tilespmem:$0x1FF80] =	vst v29  }
0x1d: {  	s1 =	ssub.s32 $0x2, s1;
	[dreg:$0xc] =	wrdreg s30;
	s25 =	simm.s32 $0x1;
	v12 =	vadd.s32 $0x1206, v2;
	[tilespmem:$0x1FF90] =	vst v11  }
0x1e: {  	[dreg:$0x6] =	wrdreg s21;
	s8 =	sshll.u32 s2, $0x4;
	s9 =	sshrl.u32 s1, $0x1;
	v63 =	vor.u32 $0x7, v2;
	[tilespmem:$0x1FFA0] =	vst v12  }
0x1f: {  	s7 =	sshll.u32 s2, $0x7;
	v14 =	vadd.s32 $0x907, v2;
	s23 =	sadd.s32 s4, s8;
	s1 =	ssub.s32 s1, s9;
	[tilespmem:$0x1FFB0] =	vst v63  }
0x20: {  	v15 =	vadd.s32 $0x1207, v2;
	s16 =	sadd.s32 s10, s7;
	s10 =	simm.s32 $0x2;
	[tilespmem:$0x1FFC0] =	vst v14;
	[dreg:$0x3] =	wrdreg s23  }
0x21: {  	v16 =	vadd.s32 $0x1B07, v2;
	s8 =	simm.s32 $0x5;
	[tilespmem:$0x1FFD0] =	vst v15;
	s2 =	sadd.s32 $0x800, s23;
	[dreg:$0xf] =	wrdreg s16  }
0x22: {  	v50 =	vadd.s32 $0x1204, v2;
	s9 =	simm.s32 $0x10400;
	[tilespmem:$0x1FFE0] =	vst v16;
	s31 =	smax.u32 s1, $0x1;
	[dreg:$0x4] =	wrdreg s2  }
0x23: {  	[tilespmem:$0x1FFF0] =	vst v50;
	s1 =	simm.s32 $0x6;
	[dreg:$0xd] =	wrdreg s31;
	s2 =	simm.s32 $0x3  }
.LBB2_1:
0x24: {  	[dreg:$0xe] =	wrdreg s12;
	s0 =	simm.s32 $0x10400  }
0x25: {  	[tilespmem:s0], [sflag:$0x5] =	stream.linear.gather [hbm4b:s16+s3], $0x80, $0x38;
	[tilespmem:$0x14E00] =	vst v63  }
0x26: {  	s15 =	simm.s32 $0x10490;
	s12 =	sadd.s32 $0x20, s16;
	s0 =	sadd.s32 $0x10, s16  }
0x27: {  	[tilespmem:s15], [sflag:$0x5] =	stream.linear.gather [hbm4b:s0+s3], $0x80, $0x38;
	[tilespmem:$0x14E00] =	vst v63  }
0x28: {  	s13 =	simm.s32 $0x10520;
	s17 =	simm.s32 $0x105B0;
	s22 =	sadd.s32 $0x30, s16  }
0x29: {  	[tilespmem:s13], [sflag:$0x5] =	stream.linear.gather [hbm4b:s12+s3], $0x80, $0x38;
	[tilespmem:$0x14E00] =	vst v63  }
0x2a: {  	s24 =	sadd.s32 $0x40, s16;
	s18 =	simm.s32 $0x10640;
	s30 =	simm.s32 $0x107F0  }
0x2b: {  	[tilespmem:s17], [sflag:$0x5] =	stream.linear.gather [hbm4b:s22+s3], $0x80, $0x38;
	[tilespmem:$0x14E00] =	vst v63  }
0x2c: {  	s26 =	sadd.s32 $0x50, s16;
	s21 =	simm.s32 $0x106D0;
	s23 =	sadd.s32 $0x60, s16  }
0x2d: {  	[tilespmem:s18], [sflag:$0x5] =	stream.linear.gather [hbm4b:s24+s3], $0x80, $0x38;
	[tilespmem:$0x14E00] =	vst v63  }
0x2e: {  	s14 =	simm.s32 $0x10760;
	s28 =	sadd.s32 $0x1000, s16;
	s29 =	simm.s32 $0x480  }
0x2f: {  	[tilespmem:s21], [sflag:$0x5] =	stream.linear.gather [hbm4b:s26+s3], $0x80, $0x38;
	[tilespmem:$0x14E00] =	vst v63  }
0x30: {  	s31 =	simm.s32 $0x0;
	s15 =	simm.s32 $0x2400;
	s13 =	simm.s32 $0x0  }
0x31: {  	[tilespmem:s14], [sflag:$0x5] =	stream.linear.gather [hbm4b:s23+s3], $0x80, $0x38;
	[tilespmem:$0x14E00] =	vst v63  }
0x32: {  	s21 =	smov.u32 s16;
	s16 =	sadd.s32 $0x70, s16;
	s14 =	sadd.s32 $0x10, s28  }
.LBB2_2:
0x33: {  	[tilespmem:s30], [sflag:$0x5] =	stream.linear.gather [hbm4b:s16+s13], $0x80, $0x38;
	[tilespmem:$0x14E00] =	vst v63  }
0x34: {  	s16 =	smov.u32 s29;
	s13 =	smov.u32 s15;
	s17 =	smov.u32 s28  }
0x35: {  	s29 =	sadd.s32 $0x10400, s16;
	s18 =	sadd.s32 $0x105B0, s16;
	s30 =	sadd.s32 $0x107F0, s16  }
0x36: {  	[tilespmem:s29], [sflag:$0x5] =	stream.linear.gather [hbm4b:s28+s31], $0x80, $0x38;
	[tilespmem:$0x14E00] =	vst v63  }
0x37: {  	s23 =	sadd.s32 $0x1200, s15;
	s29 =	sshra.s32 s13, $0x2;
	s13 =	sadd.s32 $0x10490, s16  }
0x38: {  	[tilespmem:s13], [sflag:$0x5] =	stream.linear.gather [hbm4b:s14+s31], $0x80, $0x38;
	[tilespmem:$0x14E00] =	vst v63  }
0x39: {  	p0 =	sne.s32 s15, $0x7E00;
	s13 =	sadd.s32 $0x20, s28;
	s14 =	sadd.s32 $0x10520, s16  }
0x3a: {  	[tilespmem:s14], [sflag:$0x5] =	stream.linear.gather [hbm4b:s13+s31], $0x80, $0x38;
	[tilespmem:$0x14E00] =	vst v63  }
0x3b: {  	s14 =	sadd.s32 $0x30, s28;
	s13 =	smov.u32 s31  }
0x3c: {  	[tilespmem:s18], [sflag:$0x5] =	stream.linear.gather [hbm4b:s14+s13], $0x80, $0x38;
	[tilespmem:$0x14E00] =	vst v63  }
0x3d: {  	s15 =	sadd.s32 $0x10640, s16;
	s31 =	simm.s32 $0x0;
	s14 =	sadd.s32 $0x40, s28  }
0x3e: {  	[tilespmem:s15], [sflag:$0x5] =	stream.linear.gather [hbm4b:s14+s13], $0x80, $0x38;
	[tilespmem:$0x14E00] =	vst v63  }
.Ltmp0:
0x3f: {  	s14 =	sadd.s32 $0x50, s28;
	s15 =	sadd.s32 $0x106D0, s16;
	(pc) =	sbr.rel @p0 .LBB2_2-.Ltmp0, $4  }
0x40: {  	[tilespmem:s15], [sflag:$0x5] =	stream.linear.gather [hbm4b:s14+s13], $0x80, $0x38;
	[tilespmem:$0x14E00] =	vst v63  }
0x41: {  	s28 =	sadd.s32 $0x1000, s28;
	s14 =	sadd.s32 $0x60, s17;
	s15 =	sadd.s32 $0x10760, s16  }
0x42: {  	[tilespmem:s15], [sflag:$0x5] =	stream.linear.gather [hbm4b:s14+s13], $0x80, $0x38;
	[tilespmem:$0x14E00] =	vst v63  }
0x43: {  	s16 =	sadd.s32 $0x70, s17;
	s14 =	sadd.s32 $0x10, s28;
	s15 =	smov.u32 s23  }
0x44: {  	[tilespmem:s30], [sflag:$0x5] =	stream.linear.gather [hbm4b:s16+s13], $0x80, $0x38;
	[tilespmem:$0x14E00] =	vst v63  }
0x45: {  	s15 =	sadd.s32 $0x10400, s29  }
0x46: {  	[tilespmem:s15], [sflag:$0x5] =	stream.linear.gather [hbm4b:s28+s31], $0x80, $0x38;
	[tilespmem:$0x14E00] =	vst v63  }
0x47: {  	s16 =	sadd.s32 $0x10490, s29  }
0x48: {  	[tilespmem:s16], [sflag:$0x5] =	stream.linear.gather [hbm4b:s14+s31], $0x80, $0x38;
	[tilespmem:$0x14E00] =	vst v63  }
0x49: {  	s17 =	sadd.s32 $0x20, s28;
	s18 =	sadd.s32 $0x10520, s29  }
0x4a: {  	[tilespmem:s18], [sflag:$0x5] =	stream.linear.gather [hbm4b:s17+s31], $0x80, $0x38;
	[tilespmem:$0x14E00] =	vst v63  }
0x4b: {  	s23 =	sadd.s32 $0x105B0, s29;
	s30 =	sadd.s32 $0x30, s28  }
0x4c: {  	[tilespmem:s23], [sflag:$0x5] =	stream.linear.gather [hbm4b:s30+s31], $0x80, $0x38;
	[tilespmem:$0x14E00] =	vst v63  }
0x4d: {  	s15 =	sadd.s32 $0x40, s28;
	s16 =	sadd.s32 $0x10640, s29  }
0x4e: {  	[tilespmem:s16], [sflag:$0x5] =	stream.linear.gather [hbm4b:s15+s31], $0x80, $0x38;
	[tilespmem:$0x14E00] =	vst v63  }
0x4f: {  	s17 =	sadd.s32 $0x50, s28;
	s18 =	sadd.s32 $0x106D0, s29  }
0x50: {  	[tilespmem:s18], [sflag:$0x5] =	stream.linear.gather [hbm4b:s17+s31], $0x80, $0x38;
	[tilespmem:$0x14E00] =	vst v63  }
0x51: {  	s23 =	sadd.s32 $0x60, s28;
	s30 =	sadd.s32 $0x10760, s29  }
0x52: {  	[tilespmem:s30], [sflag:$0x5] =	stream.linear.gather [hbm4b:s23+s31], $0x80, $0x38;
	[tilespmem:$0x14E00] =	vst v63  }
0x53: {  	s14 =	sadd.s32 $0x107F0, s29;
	s15 =	sadd.s32 $0x70, s28  }
0x54: {  	[tilespmem:s14], [sflag:$0x5] =	stream.linear.gather [hbm4b:s15+s31], $0x80, $0x38;
	[tilespmem:$0x14E00] =	vst v63  }
0x55: {  	s16 =	simm.s32 $0x12800  }
0x56: {  	[tilespmem:s16], [sflag:$0x6] =	stream.linear.gather [hbm4b:s21+s3], $0x80, $0x38;
	[tilespmem:$0x14E00] =	vst v63  }
0x57: {  	s17 =	simm.s32 $0x12890  }
0x58: {  	[tilespmem:s17], [sflag:$0x6] =	stream.linear.gather [hbm4b:s0+s3], $0x80, $0x38;
	[tilespmem:$0x14E00] =	vst v63  }
0x59: {  	s18 =	simm.s32 $0x12920  }
0x5a: {  	[tilespmem:s18], [sflag:$0x6] =	stream.linear.gather [hbm4b:s12+s3], $0x80, $0x38;
	[tilespmem:$0x14E00] =	vst v63  }
0x5b: {  	s23 =	simm.s32 $0x129B0  }
0x5c: {  	[tilespmem:s23], [sflag:$0x6] =	stream.linear.gather [hbm4b:s22+s3], $0x80, $0x38;
	[tilespmem:$0x14E00] =	vst v63  }
0x5d: {  	s13 =	simm.s32 $0x2400;
	s29 =	simm.s32 $0x12AD0;
	s28 =	simm.s32 $0x12A40  }
0x5e: {  	[tilespmem:s28], [sflag:$0x6] =	stream.linear.gather [hbm4b:s24+s3], $0x80, $0x38;
	[tilespmem:$0x14E00] =	vst v63  }
0x5f: {  	s30 =	sadd.s32 $0x60, s21;
	s31 =	simm.s32 $0x12B60;
	s14 =	sadd.s32 $0x70, s21  }
0x60: {  	[tilespmem:s29], [sflag:$0x6] =	stream.linear.gather [hbm4b:s26+s3], $0x80, $0x38;
	[tilespmem:$0x14E00] =	vst v63  }
0x61: {  	s15 =	simm.s32 $0x12BF0;
	s0 =	simm.s32 $0x480;
	s12 =	sadd.s32 $0x1000, s21  }
0x62: {  	[tilespmem:s31], [sflag:$0x6] =	stream.linear.gather [hbm4b:s30+s3], $0x80, $0x38;
	[tilespmem:$0x14E00] =	vst v63  }
.LBB2_4:
0x63: {  	[tilespmem:s15], [sflag:$0x6] =	stream.linear.gather [hbm4b:s14+s3], $0x80, $0x38;
	[tilespmem:$0x14E00] =	vst v63  }
0x64: {  	s15 =	smov.u32 s0;
	s0 =	smov.u32 s13  }
0x65: {  	s16 =	sadd.s32 $0x1200, s13;
	s0 =	sshra.s32 s0, $0x2;
	s14 =	sadd.s32 $0x12800, s15  }
0x66: {  	[tilespmem:s14], [sflag:$0x6] =	stream.linear.gather [hbm4b:s12+s3], $0x80, $0x38;
	[tilespmem:$0x14E00] =	vst v63  }
0x67: {  	p0 =	sne.s32 s13, $0x7E00;
	s13 =	sadd.s32 $0x10, s12;
	s14 =	sadd.s32 $0x12890, s15  }
0x68: {  	[tilespmem:s14], [sflag:$0x6] =	stream.linear.gather [hbm4b:s13+s3], $0x80, $0x38;
	[tilespmem:$0x14E00] =	vst v63  }
0x69: {  	s13 =	sadd.s32 $0x20, s12;
	s14 =	sadd.s32 $0x12920, s15  }
0x6a: {  	[tilespmem:s14], [sflag:$0x6] =	stream.linear.gather [hbm4b:s13+s3], $0x80, $0x38;
	[tilespmem:$0x14E00] =	vst v63  }
0x6b: {  	s13 =	sadd.s32 $0x30, s12;
	s14 =	sadd.s32 $0x129B0, s15  }
0x6c: {  	[tilespmem:s14], [sflag:$0x6] =	stream.linear.gather [hbm4b:s13+s3], $0x80, $0x38;
	[tilespmem:$0x14E00] =	vst v63  }
0x6d: {  	s13 =	sadd.s32 $0x40, s12;
	s14 =	sadd.s32 $0x12A40, s15  }
0x6e: {  	[tilespmem:s14], [sflag:$0x6] =	stream.linear.gather [hbm4b:s13+s3], $0x80, $0x38;
	[tilespmem:$0x14E00] =	vst v63  }
.Ltmp1:
0x6f: {  	s13 =	sadd.s32 $0x50, s12;
	s14 =	sadd.s32 $0x12AD0, s15;
	(pc) =	sbr.rel @p0 .LBB2_4-.Ltmp1, $4  }
0x70: {  	[tilespmem:s14], [sflag:$0x6] =	stream.linear.gather [hbm4b:s13+s3], $0x80, $0x38;
	[tilespmem:$0x14E00] =	vst v63  }
0x71: {  	s13 =	sadd.s32 $0x60, s12;
	s14 =	sadd.s32 $0x12B60, s15;
	s15 =	sadd.s32 $0x12BF0, s15  }
0x72: {  	[tilespmem:s14], [sflag:$0x6] =	stream.linear.gather [hbm4b:s13+s3], $0x80, $0x38;
	[tilespmem:$0x14E00] =	vst v63  }
0x73: {  	s14 =	sadd.s32 $0x70, s12;
	s12 =	sadd.s32 $0x1000, s12;
	s13 =	smov.u32 s16  }
0x74: {  	[tilespmem:s15], [sflag:$0x6] =	stream.linear.gather [hbm4b:s14+s3], $0x80, $0x38;
	[tilespmem:$0x14E00] =	vst v63  }
0x75: {  	s13 =	sadd.s32 $0x12800, s0  }
0x76: {  	[tilespmem:s13], [sflag:$0x6] =	stream.linear.gather [hbm4b:s12+s3], $0x80, $0x38;
	[tilespmem:$0x14E00] =	vst v63  }
0x77: {  	s14 =	sadd.s32 $0x10, s12;
	s15 =	sadd.s32 $0x12890, s0  }
0x78: {  	[tilespmem:s15], [sflag:$0x6] =	stream.linear.gather [hbm4b:s14+s3], $0x80, $0x38;
	[tilespmem:$0x14E00] =	vst v63  }
0x79: {  	s16 =	sadd.s32 $0x20, s12;
	s17 =	sadd.s32 $0x12920, s0  }
0x7a: {  	[tilespmem:s17], [sflag:$0x6] =	stream.linear.gather [hbm4b:s16+s3], $0x80, $0x38;
	[tilespmem:$0x14E00] =	vst v63  }
0x7b: {  	s18 =	sadd.s32 $0x30, s12;
	s21 =	sadd.s32 $0x129B0, s0  }
0x7c: {  	[tilespmem:s21], [sflag:$0x6] =	stream.linear.gather [hbm4b:s18+s3], $0x80, $0x38;
	[tilespmem:$0x14E00] =	vst v63  }
0x7d: {  	s22 =	sadd.s32 $0x40, s12;
	s23 =	sadd.s32 $0x12A40, s0  }
0x7e: {  	[tilespmem:s23], [sflag:$0x6] =	stream.linear.gather [hbm4b:s22+s3], $0x80, $0x38;
	[tilespmem:$0x14E00] =	vst v63  }
0x7f: {  	s24 =	sadd.s32 $0x50, s12;
	s26 =	sadd.s32 $0x12AD0, s0  }
0x80: {  	[tilespmem:s26], [sflag:$0x6] =	stream.linear.gather [hbm4b:s24+s3], $0x80, $0x38;
	[tilespmem:$0x14E00] =	vst v63  }
0x81: {  	s28 =	sadd.s32 $0x60, s12;
	s29 =	sadd.s32 $0x12B60, s0  }
0x82: {  	[tilespmem:s29], [sflag:$0x6] =	stream.linear.gather [hbm4b:s28+s3], $0x80, $0x38;
	[tilespmem:$0x14E00] =	vst v63  }
0x83: {  	s30 =	sadd.s32 $0x70, s12;
	s31 =	sadd.s32 $0x12BF0, s0  }
0x84: {  	[tilespmem:s31], [sflag:$0x6] =	stream.linear.gather [hbm4b:s30+s3], $0x80, $0x38;
	[tilespmem:$0x14E00] =	vst v63  }
0x85: {  	s13 =	rddreg [dreg:$0x3];
	s14 =	simm.s32 $0x1000;
	s22 =	simm.s32 $0x0  }
0x86: {  	[tilespmem:s22], [sflag:$0x1] =	stream.strided.gather [hbm4b:s13+s20], $0x200, s14, s20, $0x38;
	[tilespmem:$0x14E00] =	vst v63  }
0x87: {  	s15 =	simm.s32 $0x14C00  }
0x88: {  	[tilespmem:s15], [sflag:$0x1] =	stream.linear.gather [hbm4b:s6+s22], $0x100, $0x38;
	[tilespmem:$0x14E00] =	vst v63  }
0x89: {  	s16 =	rddreg [dreg:$0x4];
	s17 =	simm.s32 $0x200  }
0x8a: {  	[tilespmem:s17], [sflag:$0x2] =	stream.strided.gather [hbm4b:s16+s20], $0x200, s14, s20, $0x38;
	[tilespmem:$0x14E00] =	vst v63  }
0x8b: {  	s18 =	rddreg [dreg:$0x5];
	s21 =	simm.s32 $0x14D00  }
0x8c: {  	[tilespmem:s21], [sflag:$0x2] =	stream.linear.gather [hbm4b:s18+s22], $0x100, $0x38;
	[tilespmem:$0x14E00] =	vst v63  }
0x8d: {  	_ =	swait.ge [sflag:s25], $0x200  }
0x8e: {  	[sflag:s25] =	ssyncset.done $0x0  }
0x8f: {  	[sflag:s25] =	ssyncadd.s32 $0xFFFFFE00  }
0x90: {  	_ =	swait.ge [sflag:s25], $0x100  }
0x91: {  	[sflag:s25] =	ssyncset.done $0x0  }
0x92: {  	s24 =	simm.s32 $0x400;
	[sflag:s25] =	ssyncadd.s32 $0xFFFFFF00  }
0x93: {  	[tilespmem:s24], [sflag:$0x3] =	stream.indirect.gather [hbm4b:s5+s20], $0x40, s22, s20, $0xb8;
	[tilespmem:$0x14E00] =	vst v63  }
0x94: {  	s23 =	simm.s32 $0x1000;
	s26 =	simm.s32 $0x2400;
	s28 =	simm.s32 $0x100  }
0x95: {  	[tilespmem:s26], [sflag:$0x3] =	stream.indirect.gather [hbm4b:s5+s20], $0x40, s20, s20, $0xb8;
	[tilespmem:$0x14E00] =	vst v63  }
0x96: {  	s29 =	simm.s32 $0x4400;
	s30 =	simm.s32 $0x180;
	s21 =	rddreg [dreg:$0x6]  }
0x97: {  	[tilespmem:s29], [sflag:$0x3] =	stream.indirect.gather [hbm4b:s5+s20], $0x40, s28, s20, $0xb8;
	[tilespmem:$0x14E00] =	vst v63  }
0x98: {  	s31 =	simm.s32 $0x6400;
	s24 =	simm.s32 $0x0;
	s18 =	rddreg [dreg:$0x1]  }
0x99: {  	[tilespmem:s31], [sflag:$0x3] =	stream.indirect.gather [hbm4b:s5+s20], $0x40, s30, s20, $0xb8;
	[tilespmem:$0x14E00] =	vst v63  }
.LBB2_6:
0x9a: {  	_ =	swait.ge [sflag:s2], $0x2000  }
0x9b: {  	[sflag:s2] =	ssyncset.done $0x0  }
0x9c: {  	[sflag:s2] =	ssyncadd.s32 $0xFFFFE000  }
0x9d: {  	_ =	swait.ge [sflag:s2], $0x2000  }
0x9e: {  	[sflag:s2] =	ssyncset.done $0x0  }
0x9f: {  	s28 =	sshll.u32 s24, $0x1;
	[sflag:s2] =	ssyncadd.s32 $0xFFFFE000  }
0xa0: {  	s0 =	smin.u32 s28, $0x2F;
	_ =	swait.ge [sflag:s2], $0x2000  }
0xa1: {  	s29 =	sadd.s32 $0x2, s0;
	[sflag:s2] =	ssyncset.done $0x0  }
0xa2: {  	s0 =	sshll.u32 s29, $0xE;
	[sflag:s2] =	ssyncadd.s32 $0xFFFFE000  }
0xa3: {  	s0 =	sor.u32 s7, s0;
	_ =	swait.ge [sflag:s2], $0x2000  }
0xa4: {  	s0 =	sshrl.u32 s0, $0x3;
	[sflag:s2] =	ssyncset.done $0x0  }
0xa5: {  	s0 =	sadd.s32 s4, s0;
	[sflag:s2] =	ssyncadd.s32 $0xFFFFE000  }
0xa6: {  	[tilespmem:s22], [sflag:$0x1] =	stream.strided.gather [hbm4b:s0+s20], $0x200, s23, s20, $0x38;
	[tilespmem:$0x14E00] =	vst v63  }
0xa7: {  	_ =	swait.ge [sflag:s10], $0x200  }
0xa8: {  	[sflag:s10] =	ssyncset.done $0x0  }
0xa9: {  	[sflag:s10] =	ssyncadd.s32 $0xFFFFFE00  }
0xaa: {  	_ =	swait.ge [sflag:s10], $0x100  }
0xab: {  	[sflag:s10] =	ssyncset.done $0x0  }
0xac: {  	s17 =	simm.s32 $0x200;
	s12 =	simm.s32 $0x8400;
	[sflag:s10] =	ssyncadd.s32 $0xFFFFFF00  }
0xad: {  	[tilespmem:s12], [sflag:$0x4] =	stream.indirect.gather [hbm4b:s5+s20], $0x40, s17, s20, $0xb8;
	[tilespmem:$0x14E00] =	vst v63  }
0xae: {  	s26 =	simm.s32 $0x280;
	s30 =	simm.s32 $0xA400  }
0xaf: {  	[tilespmem:s30], [sflag:$0x4] =	stream.indirect.gather [hbm4b:s5+s20], $0x40, s26, s20, $0xb8;
	[tilespmem:$0x14E00] =	vst v63  }
0xb0: {  	s13 =	simm.s32 $0x300;
	s14 =	simm.s32 $0xC400  }
0xb1: {  	[tilespmem:s14], [sflag:$0x4] =	stream.indirect.gather [hbm4b:s5+s20], $0x40, s13, s20, $0xb8;
	[tilespmem:$0x14E00] =	vst v63  }
0xb2: {  	s15 =	simm.s32 $0x380;
	s16 =	simm.s32 $0xE400  }
0xb3: {  	[tilespmem:s16], [sflag:$0x4] =	stream.indirect.gather [hbm4b:s5+s20], $0x40, s15, s20, $0xb8;
	[tilespmem:$0x14E00] =	vst v63  }
0xb4: {  	_ =	swait.ge [sflag:s8], $0x2000  }
0xb5: {  	[sflag:s8] =	ssyncset.done $0x0  }
0xb6: {  	s26 =	simm.s32 $0x4;
	s30 =	simm.s32 $0x1;
	[sflag:s8] =	ssyncadd.s32 $0xFFFFE000  }
0xb7: {  	v3 =	vmov s26;
	v4 =	vmov s30;
	v36 =	vld [tilespmem:$0x14C00]  }
0xb8: {  	s13 =	simm.s32 $0x2;
	v3 =	vshrl.u32 v3, $0x3;
	v4 =	vshrl.u32 v4, $0x3;
	v35 =	vld [tilespmem:$0x14C10]  }
0xb9: {  	s30 =	simm.s32 $0x500;
	v5 =	vmov s13;
	s13 =	simm.s32 $0x3;
	v3 =	vshll.u32 v3, v1;
	v4 =	vshll.u32 v4, v1;
	v34 =	vld [tilespmem:$0x14C20]  }
0xba: {  	v5 =	vshrl.u32 v5, $0x3;
	v44 =	vbroadcast v3, $0x0;
	v3 =	vmov s13;
	v6 =	vld [tilespmem:s30+$0x0]  }
0xbb: {  	v8 =	vbroadcast v4, $0x0;
	v5 =	vshll.u32 v5, v1;
	v3 =	vshrl.u32 v3, $0x3;
	v7 =	vld [tilespmem:s30+$0xFFFFFF40]  }
0xbc: {  	v37 =	vbroadcast v5, $0x0;
	v5 =	vadd.s32 v30, v44;
	v3 =	vshll.u32 v3, v1;
	v4 =	vld [tilespmem:s30+$0xFFFFFF80]  }
0xbd: {  	v10 =	vadd.s32 v19, v8;
	v27 =	vbroadcast v3, $0x0;
	v3 =	vadd.s32 v20, v8;
	v11 =	vld [tilespmem:s30+$0xFFFFFFC0]  }
0xbe: {  	v33 =	vld [tilespmem:$0x14C30];
	[tilespmem:$0x1FD90] =	vst v3;
	v12 =	vadd.s32 v23, v37  }
0xbf: {  	v3 =	vld [tilespmem:s30+$0xFFFFFF00];
	v14 =	vadd.s32 v28, v27;
	v6 =	vadd.f32 v6, v36  }
0xc0: {  	v13 =	vld [tilespmem:s30+$0xC0];
	v7 =	vadd.f32 v7, v36  }
0xc1: {  	v0 =	vmov s22;
	s15 =	simm.s32 $0x6;
	v15 =	vld [tilespmem:s30+$0x80];
	v4 =	vadd.f32 v4, v36;
	[tilespmem:v5+s9+$0x0] =	vst.idx.msk $0xffff, v6  }
0xc2: {  	v0 =	vshrl.u32 v0, $0x3;
	s14 =	simm.s32 $0x5;
	v16 =	vmov s15;
	v17 =	vld [tilespmem:s30+$0x40];
	[tilespmem:v10+s9+$0x0] =	vst.idx.msk $0xffff, v7;
	v7 =	vadd.f32 v11, v36  }
0xc3: {  	v38 =	vshll.u32 v0, v1;
	v9 =	vmov s14;
	v0 =	vshrl.u32 v16, $0x3;
	[tilespmem:v12+s9+$0x0] =	vst.idx.msk $0xffff, v4;
	v6 =	vld [tilespmem:s30+$0x10]  }
0xc4: {  	v0 =	vshll.u32 v0, v1;
	v5 =	vshrl.u32 v9, $0x3;
	v9 =	vld [tilespmem:s30+$0xFFFFFF50];
	[tilespmem:v14+s9+$0x0] =	vst.idx.msk $0xffff, v7  }
0xc5: {  	v5 =	vshll.u32 v5, v1;
	v58 =	vld [tilespmem:$0x1FEA0]  }
0xc6: {  	v4 =	vbroadcast v5, $0x0;
	v5 =	vld [tilespmem:s30+$0xFFFFFF90]  }
0xc7: {  	v54 =	vbroadcast v38, $0x0;
	v52 =	vbroadcast v0, $0x0;
	v0 =	vmov v23;
	v23 =	vld [tilespmem:$0x1FF50]  }
0xc8: {  	s17 =	simm.s32 $0x7;
	v12 =	vadd.s32 v31, v44;
	v31 =	vmov v20;
	v20 =	vld [tilespmem:$0x1FEF0]  }
0xc9: {  	v26 =	vadd.s32 v18, v54;
	v2 =	vmov s17;
	v10 =	vadd.f32 v13, v36;
	v13 =	vld [tilespmem:s30+$0xFFFFFFD0]  }
0xca: {  	v2 =	vshrl.u32 v2, $0x3;
	v11 =	vadd.s32 v29, v52;
	v14 =	vmovc v29;
	v29 =	vmovc v19;
	v19 =	vld [tilespmem:$0x1FFB0];
	v60 =	vadd.s32 v58, v37  }
0xcb: {  	v2 =	vshll.u32 v2, v1;
	v22 =	vld [tilespmem:$0x1FF90];
	[tilespmem:$0x1FD80] =	vst v26;
	v45 =	vadd.s32 v25, v4  }
0xcc: {  	v56 =	vbroadcast v2, $0x0;
	v24 =	vld [tilespmem:$0x1FEE0];
	[tilespmem:$0x1FDD0] =	vst v45;
	v2 =	vadd.s32 v23, v4  }
0xcd: {  	v26 =	vld [tilespmem:$0x1FF40];
	v39 =	vadd.f32 v5, v35;
	[tilespmem:$0x1FD70] =	vst v2;
	v2 =	vadd.s32 v20, v27  }
0xce: {  	v5 =	vld [tilespmem:$0x1FFC0];
	[tilespmem:$0x1FDB0] =	vst v2  }
0xcf: {  	v2 =	vld [tilespmem:$0x1FE10];
	[tilespmem:v60+s9+$0x0] =	vst.idx.msk $0xffff, v39  }
0xd0: {  	v51 =	vld [tilespmem:$0x1FFD0]  }
0xd1: {  	v57 =	vld [tilespmem:$0x1FFA0];
	_ =	sdelay $0x2  }
0xd2: {  	s26 =	simm.s32 $0x700  }
0xd3: {  	v7 =	vadd.s32 v32, v8;
	v8 =	vadd.s32 v48, v8;
	v45 =	vmovc v48;
	v48 =	vld [tilespmem:s26+$0xFFFFFF40];
	v61 =	vadd.s32 v51, v56  }
0xd4: {  	v21 =	vadd.s32 v59, v54;
	s12 =	simm.s32 $0xC;
	s17 =	simm.s32 $0xF;
	s13 =	simm.s32 $0x9;
	v62 =	vld [tilespmem:$0x1FEB0];
	v63 =	vadd.s32 v57, v52;
	[tilespmem:$0x1FDA0] =	vst v61  }
0xd5: {  	v38 =	vmov s12;
	v49 =	vmov s17;
	v59 =	vmov s13;
	v55 =	vld [tilespmem:s30+$0xFFFFFFA0];
	[tilespmem:$0x1FDC0] =	vst v63  }
0xd6: {  	v17 =	vadd.f32 v17, v36;
	v15 =	vadd.f32 v15, v36;
	v40 =	vadd.s32 v26, v4;
	[tilespmem:$0x1FDE0] =	vst v21  }
0xd7: {  	v6 =	vadd.f32 v6, v35;
	v9 =	vadd.f32 v9, v35;
	v16 =	vadd.s32 v19, v56;
	v60 =	vld [tilespmem:s26+$0x80]  }
0xd8: {  	s14 =	simm.s32 $0xA;
	v43 =	vadd.s32 v24, v27;
	v13 =	vadd.f32 v13, v35;
	v39 =	vshrl.u32 v59, $0x3;
	[tilespmem:v11+s9+$0x0] =	vst.idx.msk $0xffff, v15;
	v15 =	vld [tilespmem:s26+$0xFFFFFF80]  }
0xd9: {  	v41 =	vadd.s32 v2, v54;
	v11 =	vmov s14;
	[tilespmem:v12+s9+$0x0] =	vst.idx.msk $0xffff, v6;
	v12 =	vshrl.u32 v49, $0x3;
	v49 =	vld [tilespmem:s26+$0x0]  }
0xda: {  	v53 =	vadd.s32 v62, v37;
	[tilespmem:v7+s9+$0x0] =	vst.idx.msk $0xffff, v9;
	v63 =	vld [tilespmem:s26+$0xFFFFFFC0];
	v9 =	vshrl.u32 v11, $0x3;
	v11 =	vshll.u32 v39, v1  }
0xdb: {  	s16 =	simm.s32 $0x8;
	[tilespmem:v40+s9+$0x0] =	vst.idx.msk $0xffff, v17;
	v59 =	vld [tilespmem:s30+$0x90];
	v9 =	vshll.u32 v9, v1;
	v17 =	vbroadcast v11, $0x0;
	v11 =	vshrl.u32 v38, $0x3  }
0xdc: {  	v47 =	vmov s16;
	v62 =	vld [tilespmem:s30+$0xFFFFFF60];
	v39 =	vbroadcast v9, $0x0;
	v9 =	vshll.u32 v11, v1  }
0xdd: {  	s16 =	simm.s32 $0xB;
	v3 =	vadd.f32 v3, v36;
	v42 =	vadd.s32 v22, v52;
	[tilespmem:v43+s9+$0x0] =	vst.idx.msk $0xffff, v13;
	v6 =	vld [tilespmem:s30+$0x50];
	v40 =	vbroadcast v9, $0x0  }
0xde: {  	v21 =	vmov s16;
	[tilespmem:v16+s9+$0x0] =	vst.idx.msk $0xffff, v10;
	v11 =	vadd.f32 v55, v34;
	v9 =	vld [tilespmem:s26+$0xFFFFFF00]  }
0xdf: {  	v46 =	vadd.s32 v5, v56;
	v43 =	vshrl.u32 v21, $0x3;
	[tilespmem:v41+s9+$0x0] =	vst.idx.msk $0xffff, v3;
	v21 =	vld [tilespmem:s30+$0xD0];
	v10 =	vadd.s32 v30, v40  }
0xe0: {  	v61 =	vadd.s32 v50, v44;
	v13 =	vshrl.u32 v47, $0x3;
	[tilespmem:v53+s9+$0x0] =	vst.idx.msk $0xffff, v11;
	v11 =	vld [tilespmem:s26+$0x40];
	v16 =	vadd.f32 v59, v35  }
0xe1: {  	s17 =	simm.s32 $0xE;
	v55 =	vadd.s32 v29, v17;
	v47 =	vadd.s32 v0, v39;
	v53 =	vld [tilespmem:s26+$0xC0];
	v50 =	vadd.f32 v62, v34  }
0xe2: {  	v49 =	vadd.f32 v49, v36;
	v3 =	vadd.f32 v15, v36;
	v0 =	vld [tilespmem:s30+$0xFFFFFFB0];
	[tilespmem:v42+s9+$0x0] =	vst.idx.msk $0xffff, v16;
	v16 =	vmov s17  }
0xe3: {  	v62 =	vadd.f32 v48, v36;
	[tilespmem:v8+s9+$0x0] =	vst.idx.msk $0xffff, v50;
	v8 =	vld [tilespmem:s30+$0x20];
	v16 =	vshrl.u32 v16, $0x3;
	v48 =	vadd.f32 v9, v36  }
0xe4: {  	v9 =	vshll.u32 v16, v1;
	v16 =	vld [tilespmem:s30+$0xFFFFFF10];
	[tilespmem:v10+s9+$0x0] =	vst.idx.msk $0xffff, v49;
	v10 =	vadd.s32 v32, v17  }
0xe5: {  	v41 =	vbroadcast v9, $0x0;
	v9 =	vld [tilespmem:s30+$0xFFFFFF70];
	[tilespmem:$0x1FDF0] =	vst v10  }
0xe6: {  	[tilespmem:v47+s9+$0x0] =	vst.idx.msk $0xffff, v3;
	v3 =	vadd.f32 v21, v35  }
0xe7: {  	[tilespmem:v55+s9+$0x0] =	vst.idx.msk $0xffff, v62  }
0xe8: {  	[tilespmem:v46+s9+$0x0] =	vst.idx.msk $0xffff, v3  }
0xe9: {  	v3 =	vld [tilespmem:$0x1FF20];
	_ =	sdelay $0x4  }
0xea: {  	v21 =	vadd.s32 v3, v40;
	v3 =	vadd.f32 v8, v34;
	v8 =	vld [tilespmem:$0x1FD70];
	_ =	sdelay $0x5  }
0xeb: {  	v6 =	vadd.f32 v6, v35;
	_ =	sdelay $0x1  }
0xec: {  	[tilespmem:v8+s9+$0x0] =	vst.idx.msk $0xffff, v6  }
0xed: {  	v15 =	vshll.u32 v43, v1;
	v8 =	vadd.f32 v16, v35;
	v16 =	vld [tilespmem:$0x1FF30];
	[tilespmem:v61+s9+$0x0] =	vst.idx.msk $0xffff, v3  }
0xee: {  	v43 =	vbroadcast v15, $0x0;
	v3 =	vld [tilespmem:$0x1FD80];
	_ =	sdelay $0x1  }
0xef: {  	v10 =	vadd.s32 v28, v43;
	_ =	sdelay $0x1  }
0xf0: {  	v12 =	vshll.u32 v12, v1  }
0xf1: {  	v28 =	vmov v45;
	v45 =	vbroadcast v12, $0x0;
	v12 =	vadd.f32 v63, v36;
	_ =	sdelay $0x1  }
0xf2: {  	[tilespmem:v10+s9+$0x0] =	vst.idx.msk $0xffff, v12  }
0xf3: {  	[tilespmem:v3+s9+$0x0] =	vst.idx.msk $0xffff, v8  }
0xf4: {  	v12 =	vld [tilespmem:$0x1FF70];
	_ =	sdelay $0x4  }
0xf5: {  	v8 =	vadd.f32 v60, v36;
	v60 =	vadd.s32 v12, v4;
	v12 =	vld [tilespmem:$0x1FD90];
	_ =	sdelay $0x5  }
0xf6: {  	v13 =	vshll.u32 v13, v1;
	v9 =	vadd.f32 v9, v33  }
0xf7: {  	v16 =	vadd.s32 v16, v44;
	v44 =	vbroadcast v13, $0x0  }
0xf8: {  	[tilespmem:v12+s9+$0x0] =	vst.idx.msk $0xffff, v9  }
0xf9: {  	v55 =	vadd.s32 v2, v44;
	v2 =	vld [tilespmem:$0x1FDA0]  }
0xfa: {  	v6 =	vld [tilespmem:s30+$0xE0];
	_ =	sdelay $0x4  }
0xfb: {  	v6 =	vadd.f32 v6, v34;
	_ =	sdelay $0x1  }
0xfc: {  	[tilespmem:v2+s9+$0x0] =	vst.idx.msk $0xffff, v6  }
0xfd: {  	v9 =	vld [tilespmem:$0x1FDB0]  }
0xfe: {  	v59 =	vadd.s32 v14, v41;
	v14 =	vld [tilespmem:s30+$0xFFFFFFE0];
	_ =	sdelay $0x4  }
0xff: {  	v61 =	vadd.f32 v0, v33;
	v0 =	vadd.f32 v14, v34;
	_ =	sdelay $0x1  }
0x100: {  	[tilespmem:v9+s9+$0x0] =	vst.idx.msk $0xffff, v0  }
0x101: {  	v0 =	vld [tilespmem:$0x1FF00];
	_ =	sdelay $0x1  }
0x102: {  	s15 =	simm.s32 $0xD  }
0x103: {  	v7 =	vmov s15  }
0x104: {  	v7 =	vshrl.u32 v7, $0x3  }
0x105: {  	v7 =	vshll.u32 v7, v1;
	v9 =	vadd.s32 v0, v27;
	v0 =	vld [tilespmem:$0x1FDC0]  }
0x106: {  	v42 =	vbroadcast v7, $0x0;
	v7 =	vld [tilespmem:s30+$0xA0];
	_ =	sdelay $0x2  }
0x107: {  	v62 =	vadd.f32 v11, v36;
	v11 =	vld [tilespmem:s30+$0x30];
	_ =	sdelay $0x1  }
0x108: {  	v7 =	vadd.f32 v7, v34;
	_ =	sdelay $0x1  }
0x109: {  	[tilespmem:v0+s9+$0x0] =	vst.idx.msk $0xffff, v7  }
0x10a: {  	v0 =	vadd.f32 v11, v33;
	v11 =	vld [tilespmem:$0x1FFE0];
	_ =	sdelay $0x4  }
0x10b: {  	v29 =	vmov v5;
	v11 =	vadd.s32 v11, v56;
	v56 =	vadd.s32 v5, v45;
	v5 =	vld [tilespmem:$0x1FDD0]  }
0x10c: {  	v10 =	vld [tilespmem:s30+$0x60];
	_ =	sdelay $0x4  }
0x10d: {  	v10 =	vadd.f32 v10, v34;
	_ =	sdelay $0x1  }
0x10e: {  	v15 =	vld [tilespmem:s26+$0x10];
	[tilespmem:v5+s9+$0x0] =	vst.idx.msk $0xffff, v10  }
0x10f: {  	v5 =	vld [tilespmem:$0x1FE00];
	_ =	sdelay $0x3  }
0x110: {  	v4 =	vadd.f32 v15, v35  }
0x111: {  	v10 =	vadd.s32 v5, v52;
	v5 =	vld [tilespmem:$0x1FE40];
	[tilespmem:v16+s9+$0x0] =	vst.idx.msk $0xffff, v0  }
0x112: {  	[tilespmem:v21+s9+$0x0] =	vst.idx.msk $0xffff, v4  }
0x113: {  	v4 =	vld [tilespmem:$0x1FDE0]  }
0x114: {  	v2 =	vld [tilespmem:s30+$0xFFFFFF20];
	_ =	sdelay $0x4  }
0x115: {  	v2 =	vadd.f32 v2, v34;
	_ =	sdelay $0x1  }
0x116: {  	[tilespmem:v4+s9+$0x0] =	vst.idx.msk $0xffff, v2  }
0x117: {  	v4 =	vld [tilespmem:$0x1FDF0]  }
0x118: {  	v47 =	vadd.s32 v23, v42;
	v23 =	vld [tilespmem:s26+$0xFFFFFF50];
	_ =	sdelay $0x4  }
0x119: {  	v13 =	vadd.f32 v23, v35;
	v12 =	vld [tilespmem:s26+$0xFFFFFF90]  }
0x11a: {  	v6 =	vld [tilespmem:s26+$0xFFFFFFD0]  }
0x11b: {  	v7 =	vld [tilespmem:s30+$0xF0];
	[tilespmem:v4+s9+$0x0] =	vst.idx.msk $0xffff, v13  }
0x11c: {  	v38 =	vadd.s32 v31, v17;
	v31 =	vmovc v32;
	v50 =	vadd.s32 v25, v42;
	v49 =	vadd.f32 v53, v36;
	v4 =	vld [tilespmem:$0x1FEB0]  }
0x11d: {  	v30 =	vmovc v26;
	v63 =	vadd.s32 v24, v43;
	v53 =	vadd.s32 v19, v45;
	v46 =	vadd.s32 v20, v43  }
0x11e: {  	v32 =	vmovc v28;
	v3 =	vadd.s32 v58, v39;
	v58 =	vadd.s32 v22, v41;
	v14 =	vadd.f32 v12, v35;
	v15 =	vld [tilespmem:s30+$0xFFFFFFF0]  }
0x11f: {  	v6 =	vadd.f32 v6, v35;
	v27 =	vmovc v51;
	v12 =	vld [tilespmem:s30+$0xB0];
	v16 =	vadd.s32 v26, v42;
	v0 =	vadd.s32 v28, v17  }
0x120: {  	v17 =	vadd.f32 v7, v33;
	v52 =	vadd.s32 v51, v45;
	v26 =	vmovc v57;
	v51 =	vadd.s32 v57, v41;
	v2 =	vld [tilespmem:s30+$0x70]  }
0x121: {  	s31 =	simm.s32 $0x10;
	s0 =	simm.s32 $0x900;
	v5 =	vadd.s32 v5, v54;
	v54 =	vadd.s32 v18, v44;
	v13 =	vld [tilespmem:s30+$0xFFFFFF30];
	v28 =	vmovc v4;
	v4 =	vadd.s32 v4, v39  }
.LBB2_7:
0x122: {  	v21 =	vld [tilespmem:$0x1FEC0];
	_ =	sdelay $0x3  }
0x123: {  	v18 =	vld [tilespmem:s0+$0xFFFFFF40]  }
0x124: {  	v7 =	vld [tilespmem:$0x1FE30];
	s14 =	smov.u32 s31;
	[tilespmem:v59+s9+$0x0] =	vst.idx.msk $0xffff, v8;
	v21 =	vadd.s32 v21, v37  }
0x125: {  	[tilespmem:v3+s9+$0x0] =	vst.idx.msk $0xffff, v14;
	s17 =	sadd.s32 $0x2, s14;
	v8 =	vld [tilespmem:s0+$0x80]  }
0x126: {  	[tilespmem:v11+s9+$0x0] =	vst.idx.msk $0xffff, v17;
	v20 =	vld [tilespmem:s26+$0xFFFFFFA0];
	v17 =	vmov s17;
	v3 =	vadd.f32 v15, v33  }
0x127: {  	[tilespmem:v16+s9+$0x0] =	vst.idx.msk $0xffff, v62;
	v22 =	vld [tilespmem:s0+$0xFFFFFF80];
	v16 =	vshrl.u32 v17, $0x3  }
0x128: {  	v12 =	vadd.f32 v12, v33;
	[tilespmem:v9+s9+$0x0] =	vst.idx.msk $0xffff, v3;
	v9 =	vshll.u32 v16, v1;
	v16 =	vld [tilespmem:s26+$0x90]  }
0x129: {  	[tilespmem:v21+s9+$0x0] =	vst.idx.msk $0xffff, v61;
	v21 =	vld [tilespmem:$0x1FE90]  }
0x12a: {  	s13 =	sadd.s32 $0x7, s31;
	v13 =	vadd.f32 v13, v33;
	[tilespmem:v10+s9+$0x0] =	vst.idx.msk $0xffff, v12;
	v12 =	vld [tilespmem:s26+$0xFFFFFF60]  }
0x12b: {  	v25 =	vld [tilespmem:$0x1FFB0];
	s15 =	sadd.s32 $0x4, s14;
	v19 =	vmov s13;
	s30 =	sadd.s32 $0x1, s14;
	v3 =	vadd.f32 v2, v33  }
0x12c: {  	v14 =	vmov s15;
	v11 =	vmov s30;
	v17 =	vld [tilespmem:s26+$0x50];
	v37 =	vmovc v39;
	[tilespmem:v5+s9+$0x0] =	vst.idx.msk $0xffff, v13;
	v39 =	vbroadcast v9, $0x0  }
0x12d: {  	v11 =	vshrl.u32 v11, $0x3;
	v57 =	vadd.s32 v7, v44;
	v7 =	vld [tilespmem:$0x1FFF0];
	v10 =	vshrl.u32 v14, $0x3;
	[tilespmem:v60+s9+$0x0] =	vst.idx.msk $0xffff, v3  }
0x12e: {  	v14 =	vld [tilespmem:$0x1FE50];
	v3 =	vshll.u32 v10, v1;
	v10 =	vadd.f32 v20, v34;
	v21 =	vadd.s32 v21, v39  }
0x12f: {  	v2 =	vshll.u32 v11, v1;
	v11 =	vshrl.u32 v19, $0x3;
	v19 =	vld [tilespmem:$0x1FE80];
	[tilespmem:v63+s9+$0x0] =	vst.idx.msk $0xffff, v6;
	v12 =	vadd.f32 v12, v34  }
0x130: {  	v5 =	vld [tilespmem:s0+$0xFFFFFF00];
	[tilespmem:v4+s9+$0x0] =	vst.idx.msk $0xffff, v10  }
0x131: {  	v6 =	vld [tilespmem:$0x1FF10];
	[tilespmem:v0+s9+$0x0] =	vst.idx.msk $0xffff, v12;
	v12 =	vadd.f32 v22, v36  }
0x132: {  	s12 =	sadd.s32 $0x6, s14;
	v0 =	vld [tilespmem:s26+$0xFFFFFFB0]  }
0x133: {  	v4 =	vadd.f32 v18, v36;
	v18 =	vmov s12;
	[tilespmem:v21+s9+$0x0] =	vst.idx.msk $0xffff, v12;
	v21 =	vld [tilespmem:$0x1FF80]  }
0x134: {  	v59 =	vmov s14;
	s16 =	sadd.s32 $0x5, s14;
	s14 =	sadd.s32 $0x3, s14;
	v20 =	vld [tilespmem:s0+$0x0];
	v18 =	vshrl.u32 v18, $0x3  }
0x135: {  	v13 =	vshrl.u32 v59, $0x3;
	v59 =	vmov s14;
	[tilespmem:v55+s9+$0x0] =	vst.idx.msk $0xffff, v48;
	v60 =	vld [tilespmem:s26+$0x20];
	v18 =	vshll.u32 v18, v1  }
0x136: {  	v2 =	vbroadcast v2, $0x0;
	v59 =	vshrl.u32 v59, $0x3;
	v55 =	vld [tilespmem:s26+$0xFFFFFF10];
	v18 =	vbroadcast v18, $0x0  }
0x137: {  	v11 =	vshll.u32 v11, v1;
	v63 =	vshll.u32 v59, v1;
	v61 =	vld [tilespmem:s0+$0xC0];
	v16 =	vadd.f32 v16, v35  }
0x138: {  	v3 =	vbroadcast v3, $0x0;
	[tilespmem:v53+s9+$0x0] =	vst.idx.msk $0xffff, v49;
	v59 =	vadd.s32 v21, v18;
	v21 =	vbroadcast v11, $0x0;
	v11 =	vld [tilespmem:$0x1FF20]  }
0x139: {  	v14 =	vadd.s32 v14, v2;
	[tilespmem:v58+s9+$0x0] =	vst.idx.msk $0xffff, v16;
	v16 =	vld [tilespmem:s26+$0xD0]  }
0x13a: {  	v9 =	vld [tilespmem:s0+$0x40];
	v6 =	vadd.s32 v6, v3  }
0x13b: {  	v10 =	vld [tilespmem:s0+$0xFFFFFFC0]  }
0x13c: {  	v15 =	vmov s16;
	v53 =	vadd.s32 v25, v21;
	v25 =	vld [tilespmem:$0x1FF70]  }
0x13d: {  	v15 =	vshrl.u32 v15, $0x3;
	v20 =	vadd.f32 v20, v36;
	v23 =	vadd.s32 v11, v3;
	v11 =	vld [tilespmem:$0x1FF50]  }
0x13e: {  	v15 =	vshll.u32 v15, v1;
	v22 =	vld [tilespmem:s26+$0xFFFFFF70];
	[tilespmem:v14+s9+$0x0] =	vst.idx.msk $0xffff, v4;
	v16 =	vadd.f32 v16, v35  }
0x13f: {  	v17 =	vadd.f32 v17, v35;
	v7 =	vadd.s32 v7, v40;
	v14 =	vld [tilespmem:$0x1FF30];
	[tilespmem:v6+s9+$0x0] =	vst.idx.msk $0xffff, v20  }
0x140: {  	v6 =	vbroadcast v15, $0x0;
	v15 =	vld [tilespmem:s26+$0xA0];
	[tilespmem:v56+s9+$0x0] =	vst.idx.msk $0xffff, v16  }
0x141: {  	[tilespmem:v47+s9+$0x0] =	vst.idx.msk $0xffff, v17;
	v17 =	vld [tilespmem:s26+$0xE0]  }
0x142: {  	v58 =	vadd.f32 v60, v34;
	v60 =	vadd.s32 v25, v42;
	v42 =	vmovc v6;
	v11 =	vadd.s32 v11, v6;
	v6 =	vld [tilespmem:$0x1FE10]  }
0x143: {  	v13 =	vshll.u32 v13, v1;
	v5 =	vadd.f32 v5, v36;
	v62 =	vadd.f32 v9, v36;
	v12 =	vld [tilespmem:s0+$0x10]  }
0x144: {  	v49 =	vadd.f32 v61, v36;
	v4 =	vadd.f32 v10, v36;
	[tilespmem:v7+s9+$0x0] =	vst.idx.msk $0xffff, v58;
	v7 =	vld [tilespmem:s26+$0x60]  }
0x145: {  	v13 =	vbroadcast v13, $0x0;
	v10 =	vld [tilespmem:s26+$0xFFFFFFE0];
	v61 =	vadd.f32 v0, v33;
	v0 =	vadd.f32 v15, v34  }
0x146: {  	v9 =	vadd.f32 v55, v35;
	v24 =	vadd.s32 v14, v40;
	v40 =	vmovc v3;
	v15 =	vadd.f32 v17, v34;
	v3 =	vld [tilespmem:$0x1FED0]  }
0x147: {  	v14 =	vld [tilespmem:s0+$0xFFFFFF50];
	[tilespmem:v51+s9+$0x0] =	vst.idx.msk $0xffff, v0;
	v55 =	vadd.s32 v6, v13;
	v6 =	vadd.f32 v22, v33  }
0x148: {  	v0 =	vld [tilespmem:$0x1FFE0];
	[tilespmem:v52+s9+$0x0] =	vst.idx.msk $0xffff, v15  }
0x149: {  	v48 =	vmov v5;
	v5 =	vbroadcast v63, $0x0;
	[tilespmem:v38+s9+$0x0] =	vst.idx.msk $0xffff, v6;
	v6 =	vadd.f32 v7, v34;
	v7 =	vld [tilespmem:$0x1FF90]  }
0x14a: {  	v17 =	vld [tilespmem:s26+$0xF0]  }
0x14b: {  	v16 =	vadd.s32 v3, v5;
	v3 =	vld [tilespmem:$0x1FEF0]  }
0x14c: {  	v19 =	vadd.s32 v19, v2;
	v47 =	vmov v11;
	v11 =	vld [tilespmem:s26+$0x30]  }
0x14d: {  	v38 =	vmov v19;
	v19 =	vld [tilespmem:$0x1FE00]  }
0x14e: {  	v58 =	vadd.s32 v7, v18;
	v7 =	vld [tilespmem:$0x1FF00]  }
0x14f: {  	v20 =	vadd.s32 v31, v2;
	v25 =	vadd.f32 v12, v35;
	v12 =	vld [tilespmem:s0+$0xFFFFFF90]  }
0x150: {  	[tilespmem:v54+s9+$0x0] =	vst.idx.msk $0xffff, v9;
	v10 =	vadd.f32 v10, v34;
	v56 =	vadd.s32 v3, v5;
	v3 =	vld [tilespmem:$0x1FEA0]  }
0x151: {  	[tilespmem:v16+s9+$0x0] =	vst.idx.msk $0xffff, v4;
	v4 =	vld [tilespmem:s26+$0xFFFFFF20]  }
0x152: {  	v22 =	vadd.f32 v14, v35;
	v16 =	vld [tilespmem:s0+$0xFFFFFFD0];
	[tilespmem:v46+s9+$0x0] =	vst.idx.msk $0xffff, v10  }
0x153: {  	v10 =	vadd.s32 v19, v41;
	v41 =	vmovc v18;
	v18 =	vld [tilespmem:$0x1FE20];
	v9 =	vadd.s32 v7, v43;
	v7 =	vadd.f32 v11, v33  }
0x154: {  	[tilespmem:v20+s9+$0x0] =	vst.idx.msk $0xffff, v22;
	v43 =	vmov v5;
	v5 =	vld [tilespmem:$0x1FEE0]  }
0x155: {  	v8 =	vadd.f32 v8, v36;
	v11 =	vadd.s32 v0, v45;
	v0 =	vld [tilespmem:$0x1FE40];
	[tilespmem:v24+s9+$0x0] =	vst.idx.msk $0xffff, v7  }
0x156: {  	p0 =	slt.u32 s31, $0x78;
	v17 =	vadd.f32 v17, v33;
	v4 =	vadd.f32 v4, v34;
	[tilespmem:v23+s9+$0x0] =	vst.idx.msk $0xffff, v25;
	v25 =	vld [tilespmem:$0x1FF60]  }
.Ltmp2:
0x157: {  	v14 =	vadd.f32 v12, v35;
	v12 =	vld [tilespmem:s26+$0xB0];
	[tilespmem:v50+s9+$0x0] =	vst.idx.msk $0xffff, v6;
	v3 =	vadd.s32 v3, v39;
	(pc) =	sbr.rel @p0 .LBB2_7-.Ltmp2, $4  }
0x158: {  	v15 =	vld [tilespmem:s26+$0xFFFFFFF0];
	v6 =	vadd.f32 v16, v35;
	v16 =	vadd.s32 v30, v42;
	[tilespmem:v57+s9+$0x0] =	vst.idx.msk $0xffff, v4;
	v45 =	vmov v21  }
0x159: {  	v46 =	vmovc v56;
	v4 =	vadd.s32 v28, v39;
	v51 =	vadd.s32 v26, v41;
	v21 =	vld [tilespmem:$0x1FEC0];
	v56 =	vadd.s32 v29, v45  }
0x15a: {  	v63 =	vadd.s32 v5, v43;
	v5 =	vadd.s32 v0, v44;
	v44 =	vmovc v13;
	v0 =	vadd.s32 v32, v2;
	v2 =	vld [tilespmem:s26+$0x70]  }
0x15b: {  	s31 =	sadd.s32 $0x8, s31;
	v52 =	vadd.s32 v27, v45;
	v13 =	vld [tilespmem:s26+$0xFFFFFF30];
	s26 =	smov.u32 s0;
	s0 =	sadd.s32 $0x200, s0;
	v54 =	vadd.s32 v18, v44;
	v50 =	vadd.s32 v25, v42  }
0x15c: {  	_ =	sdelay $0x2  }
0x15d: {  	v22 =	vld [tilespmem:$0x1FE80]  }
0x15e: {  	v18 =	vld [tilespmem:$0x1FE50];
	[tilespmem:v59+s9+$0x0] =	vst.idx.msk $0xffff, v8  }
0x15f: {  	[tilespmem:v3+s9+$0x0] =	vst.idx.msk $0xffff, v14  }
0x160: {  	[tilespmem:v53+s9+$0x0] =	vst.idx.msk $0xffff, v49  }
0x161: {  	[tilespmem:v11+s9+$0x0] =	vst.idx.msk $0xffff, v17  }
0x162: {  	[tilespmem:v16+s9+$0x0] =	vst.idx.msk $0xffff, v62;
	v7 =	vld [tilespmem:s26+$0xD0]  }
0x163: {  	v49 =	vadd.f32 v12, v33;
	[tilespmem:v55+s9+$0x0] =	vst.idx.msk $0xffff, v48;
	v37 =	vadd.s32 v21, v37  }
0x164: {  	[tilespmem:v63+s9+$0x0] =	vst.idx.msk $0xffff, v6;
	v3 =	vadd.f32 v15, v33  }
0x165: {  	[tilespmem:v10+s9+$0x0] =	vst.idx.msk $0xffff, v49;
	v2 =	vadd.f32 v2, v33  }
0x166: {  	[tilespmem:v9+s9+$0x0] =	vst.idx.msk $0xffff, v3  }
0x167: {  	[tilespmem:v60+s9+$0x0] =	vst.idx.msk $0xffff, v2;
	v7 =	vadd.f32 v7, v35  }
0x168: {  	v3 =	vld [tilespmem:s26+$0x90];
	[tilespmem:v37+s9+$0x0] =	vst.idx.msk $0xffff, v61  }
0x169: {  	v53 =	vld [tilespmem:s26+$0x50];
	[tilespmem:v56+s9+$0x0] =	vst.idx.msk $0xffff, v7  }
0x16a: {  	v59 =	vld [tilespmem:$0x1FFF0]  }
0x16b: {  	v55 =	vld [tilespmem:s26+$0xFFFFFF60]  }
0x16c: {  	v2 =	vld [tilespmem:s26+$0xFFFFFF10]  }
0x16d: {  	v60 =	vld [tilespmem:s26+$0x20];
	v3 =	vadd.f32 v3, v35  }
0x16e: {  	v61 =	vadd.f32 v53, v35;
	v7 =	vld [tilespmem:s26+$0xE0]  }
0x16f: {  	v63 =	vadd.f32 v13, v33;
	[tilespmem:v58+s9+$0x0] =	vst.idx.msk $0xffff, v3;
	v3 =	vld [tilespmem:s26+$0xFFFFFFE0];
	v62 =	vadd.s32 v59, v40  }
0x170: {  	v36 =	vadd.f32 v55, v34;
	[tilespmem:v47+s9+$0x0] =	vst.idx.msk $0xffff, v61  }
0x171: {  	[tilespmem:v5+s9+$0x0] =	vst.idx.msk $0xffff, v63;
	v2 =	vadd.f32 v2, v35  }
0x172: {  	[tilespmem:v0+s9+$0x0] =	vst.idx.msk $0xffff, v36;
	v8 =	vadd.f32 v60, v34  }
0x173: {  	v37 =	vld [tilespmem:s26+$0xFFFFFFA0];
	[tilespmem:v54+s9+$0x0] =	vst.idx.msk $0xffff, v2;
	v2 =	vadd.f32 v7, v34  }
0x174: {  	v24 =	vmov v32;
	v32 =	vld [tilespmem:s26+$0xA0];
	v3 =	vadd.f32 v3, v34;
	[tilespmem:v62+s9+$0x0] =	vst.idx.msk $0xffff, v8  }
0x175: {  	v47 =	vld [tilespmem:$0x1FE30];
	[tilespmem:v52+s9+$0x0] =	vst.idx.msk $0xffff, v2  }
0x176: {  	v6 =	vld [tilespmem:s26+$0x60];
	[tilespmem:v46+s9+$0x0] =	vst.idx.msk $0xffff, v3  }
0x177: {  	v52 =	vld [tilespmem:$0x1FF30]  }
0x178: {  	v0 =	vld [tilespmem:s26+$0xFFFFFF20]  }
0x179: {  	v5 =	vld [tilespmem:s26+$0xFFFFFF70]  }
0x17a: {  	v48 =	vadd.f32 v32, v34;
	v8 =	vld [tilespmem:s26+$0x30];
	v7 =	vadd.s32 v47, v44  }
0x17b: {  	v2 =	vadd.f32 v6, v34  }
0x17c: {  	v49 =	vadd.f32 v37, v34;
	v3 =	vld [tilespmem:s26+$0xF0];
	[tilespmem:v51+s9+$0x0] =	vst.idx.msk $0xffff, v48;
	v10 =	vadd.s32 v52, v40  }
0x17d: {  	v0 =	vadd.f32 v0, v34;
	v9 =	vld [tilespmem:$0x1FFE0];
	[tilespmem:v50+s9+$0x0] =	vst.idx.msk $0xffff, v2  }
0x17e: {  	v54 =	vadd.f32 v5, v33;
	v2 =	vld [tilespmem:s26+$0xB0];
	[tilespmem:v4+s9+$0x0] =	vst.idx.msk $0xffff, v49  }
0x17f: {  	v55 =	vld [tilespmem:$0x1FF00];
	v8 =	vadd.f32 v8, v33;
	[tilespmem:v7+s9+$0x0] =	vst.idx.msk $0xffff, v0  }
0x180: {  	v0 =	vld [tilespmem:$0x1FF70];
	[tilespmem:v38+s9+$0x0] =	vst.idx.msk $0xffff, v54  }
0x181: {  	v57 =	vld [tilespmem:s26+$0xFFFFFFB0];
	[tilespmem:v10+s9+$0x0] =	vst.idx.msk $0xffff, v8  }
0x182: {  	v9 =	vadd.s32 v9, v45;
	v10 =	vld [tilespmem:$0x1FE40]  }
0x183: {  	v58 =	vadd.s32 v19, v41;
	v53 =	vld [tilespmem:s26+$0xFFFFFFF0]  }
0x184: {  	v62 =	vadd.s32 v21, v39;
	v56 =	vld [tilespmem:s26+$0x70]  }
0x185: {  	v3 =	vadd.f32 v3, v33;
	v5 =	vadd.s32 v55, v43;
	v60 =	vld [tilespmem:s26+$0xFFFFFF30]  }
0x186: {  	v2 =	vadd.f32 v2, v33;
	v0 =	vadd.s32 v0, v42  }
0x187: {  	v63 =	vadd.f32 v57, v33;
	[tilespmem:v9+s9+$0x0] =	vst.idx.msk $0xffff, v3;
	v10 =	vadd.s32 v10, v44  }
0x188: {  	v61 =	vadd.f32 v53, v33;
	[tilespmem:v58+s9+$0x0] =	vst.idx.msk $0xffff, v2  }
0x189: {  	v3 =	vadd.f32 v56, v33;
	[tilespmem:v62+s9+$0x0] =	vst.idx.msk $0xffff, v63  }
0x18a: {  	s0 =	sshll.u32 s24, $0x12;
	[tilespmem:v5+s9+$0x0] =	vst.idx.msk $0xffff, v61;
	v2 =	vadd.f32 v60, v33  }
0x18b: {  	s26 =	sor.u32 s7, s0;
	[tilespmem:v0+s9+$0x0] =	vst.idx.msk $0xffff, v3  }
0x18c: {  	s14 =	simm.s32 $0x10400;
	s12 =	sadd.s32 s18, s26;
	[tilespmem:v10+s9+$0x0] =	vst.idx.msk $0xffff, v2  }
0x18d: {  	[hbm4b:s12+s3] =	stream.linear.scatter [tilespmem:s14], [sflag:$0x5], $0x80, $0x38;
	[tilespmem:$0x14E00] =	vst v63  }
0x18e: {  	s15 =	simm.s32 $0x10490;
	s13 =	sadd.s32 $0x10, s12  }
0x18f: {  	[hbm4b:s13+s3] =	stream.linear.scatter [tilespmem:s15], [sflag:$0x5], $0x80, $0x38;
	[tilespmem:$0x14E00] =	vst v63  }
0x190: {  	s16 =	simm.s32 $0x10520;
	s30 =	simm.s32 $0x105B0;
	s17 =	sadd.s32 $0x20, s12  }
0x191: {  	[hbm4b:s17+s3] =	stream.linear.scatter [tilespmem:s16], [sflag:$0x5], $0x80, $0x38;
	[tilespmem:$0x14E00] =	vst v63  }
0x192: {  	s0 =	simm.s32 $0x480;
	s31 =	sadd.s32 $0x30, s12;
	s14 =	simm.s32 $0x10640  }
0x193: {  	[hbm4b:s31+s3] =	stream.linear.scatter [tilespmem:s30], [sflag:$0x5], $0x80, $0x38;
	[tilespmem:$0x14E00] =	vst v63  }
0x194: {  	s15 =	sadd.s32 $0x40, s12;
	s13 =	simm.s32 $0x2400;
	s16 =	simm.s32 $0x106D0  }
0x195: {  	[hbm4b:s15+s3] =	stream.linear.scatter [tilespmem:s14], [sflag:$0x5], $0x80, $0x38;
	[tilespmem:$0x14E00] =	vst v63  }
0x196: {  	s17 =	sadd.s32 $0x50, s12;
	s30 =	simm.s32 $0x10760;
	s31 =	sadd.s32 $0x60, s12  }
0x197: {  	[hbm4b:s17+s3] =	stream.linear.scatter [tilespmem:s16], [sflag:$0x5], $0x80, $0x38;
	[tilespmem:$0x14E00] =	vst v63  }
0x198: {  	s14 =	simm.s32 $0x107F0;
	s15 =	sadd.s32 $0x70, s12;
	s12 =	sadd.s32 $0x1000, s12  }
0x199: {  	[hbm4b:s31+s3] =	stream.linear.scatter [tilespmem:s30], [sflag:$0x5], $0x80, $0x38;
	[tilespmem:$0x14E00] =	vst v63  }
.LBB2_9:
0x19a: {  	[hbm4b:s15+s3] =	stream.linear.scatter [tilespmem:s14], [sflag:$0x5], $0x80, $0x38;
	[tilespmem:$0x14E00] =	vst v63  }
0x19b: {  	s14 =	smov.u32 s0;
	s0 =	smov.u32 s13  }
0x19c: {  	s16 =	sadd.s32 $0x1200, s13;
	s0 =	sshra.s32 s0, $0x2;
	s15 =	sadd.s32 $0x10400, s14  }
0x19d: {  	[hbm4b:s12+s3] =	stream.linear.scatter [tilespmem:s15], [sflag:$0x5], $0x80, $0x38;
	[tilespmem:$0x14E00] =	vst v63  }
0x19e: {  	p0 =	sne.s32 s13, $0x7E00;
	s13 =	sadd.s32 $0x10490, s14;
	s15 =	sadd.s32 $0x10, s12  }
0x19f: {  	[hbm4b:s15+s3] =	stream.linear.scatter [tilespmem:s13], [sflag:$0x5], $0x80, $0x38;
	[tilespmem:$0x14E00] =	vst v63  }
0x1a0: {  	s13 =	sadd.s32 $0x10520, s14;
	s15 =	sadd.s32 $0x20, s12  }
0x1a1: {  	[hbm4b:s15+s3] =	stream.linear.scatter [tilespmem:s13], [sflag:$0x5], $0x80, $0x38;
	[tilespmem:$0x14E00] =	vst v63  }
0x1a2: {  	s13 =	sadd.s32 $0x105B0, s14;
	s15 =	sadd.s32 $0x30, s12  }
0x1a3: {  	[hbm4b:s15+s3] =	stream.linear.scatter [tilespmem:s13], [sflag:$0x5], $0x80, $0x38;
	[tilespmem:$0x14E00] =	vst v63  }
0x1a4: {  	s13 =	sadd.s32 $0x10640, s14;
	s15 =	sadd.s32 $0x40, s12  }
0x1a5: {  	[hbm4b:s15+s3] =	stream.linear.scatter [tilespmem:s13], [sflag:$0x5], $0x80, $0x38;
	[tilespmem:$0x14E00] =	vst v63  }
.Ltmp3:
0x1a6: {  	s13 =	sadd.s32 $0x106D0, s14;
	s15 =	sadd.s32 $0x50, s12;
	(pc) =	sbr.rel @p0 .LBB2_9-.Ltmp3, $4  }
0x1a7: {  	[hbm4b:s15+s3] =	stream.linear.scatter [tilespmem:s13], [sflag:$0x5], $0x80, $0x38;
	[tilespmem:$0x14E00] =	vst v63  }
0x1a8: {  	s13 =	sadd.s32 $0x10760, s14;
	s15 =	sadd.s32 $0x60, s12;
	s14 =	sadd.s32 $0x107F0, s14  }
0x1a9: {  	[hbm4b:s15+s3] =	stream.linear.scatter [tilespmem:s13], [sflag:$0x5], $0x80, $0x38;
	[tilespmem:$0x14E00] =	vst v63  }
0x1aa: {  	s15 =	sadd.s32 $0x70, s12;
	s12 =	sadd.s32 $0x1000, s12;
	s13 =	smov.u32 s16  }
0x1ab: {  	[hbm4b:s15+s3] =	stream.linear.scatter [tilespmem:s14], [sflag:$0x5], $0x80, $0x38;
	[tilespmem:$0x14E00] =	vst v63  }
0x1ac: {  	s13 =	sadd.s32 $0x10400, s0  }
0x1ad: {  	[hbm4b:s12+s3] =	stream.linear.scatter [tilespmem:s13], [sflag:$0x5], $0x80, $0x38;
	[tilespmem:$0x14E00] =	vst v63  }
0x1ae: {  	s17 =	sadd.s32 $0x10490, s0;
	s31 =	sadd.s32 $0x10, s12  }
0x1af: {  	[hbm4b:s31+s3] =	stream.linear.scatter [tilespmem:s17], [sflag:$0x5], $0x80, $0x38;
	[tilespmem:$0x14E00] =	vst v63  }
0x1b0: {  	s15 =	sadd.s32 $0x10520, s0;
	s16 =	sadd.s32 $0x20, s12  }
0x1b1: {  	[hbm4b:s16+s3] =	stream.linear.scatter [tilespmem:s15], [sflag:$0x5], $0x80, $0x38;
	[tilespmem:$0x14E00] =	vst v63  }
0x1b2: {  	s17 =	sadd.s32 $0x105B0, s0;
	s31 =	sadd.s32 $0x30, s12  }
0x1b3: {  	[hbm4b:s31+s3] =	stream.linear.scatter [tilespmem:s17], [sflag:$0x5], $0x80, $0x38;
	[tilespmem:$0x14E00] =	vst v63  }
0x1b4: {  	s15 =	sadd.s32 $0x10640, s0;
	s16 =	sadd.s32 $0x40, s12  }
0x1b5: {  	[hbm4b:s16+s3] =	stream.linear.scatter [tilespmem:s15], [sflag:$0x5], $0x80, $0x38;
	[tilespmem:$0x14E00] =	vst v63  }
0x1b6: {  	s17 =	sadd.s32 $0x106D0, s0;
	s31 =	sadd.s32 $0x50, s12  }
0x1b7: {  	[hbm4b:s31+s3] =	stream.linear.scatter [tilespmem:s17], [sflag:$0x5], $0x80, $0x38;
	[tilespmem:$0x14E00] =	vst v63  }
0x1b8: {  	s15 =	sadd.s32 $0x10760, s0;
	s16 =	sadd.s32 $0x60, s12  }
0x1b9: {  	[hbm4b:s16+s3] =	stream.linear.scatter [tilespmem:s15], [sflag:$0x5], $0x80, $0x38;
	[tilespmem:$0x14E00] =	vst v63  }
0x1ba: {  	s17 =	sadd.s32 $0x107F0, s0;
	s31 =	sadd.s32 $0x70, s12  }
0x1bb: {  	[hbm4b:s31+s3] =	stream.linear.scatter [tilespmem:s17], [sflag:$0x5], $0x80, $0x38;
	[tilespmem:$0x14E00] =	vst v63  }
0x1bc: {  	_ =	swait.ge [sflag:s1], $0x2000  }
0x1bd: {  	s17 =	simm.s32 $0x1;
	v48 =	vld [tilespmem:$0x1FF10]  }
0x1be: {  	s15 =	simm.s32 $0x4;
	v5 =	vmov s17;
	[sflag:s1] =	ssyncset.done $0x0;
	v49 =	vld [tilespmem:$0x1FE90]  }
0x1bf: {  	v3 =	vmov s15;
	v5 =	vshrl.u32 v5, $0x3;
	v27 =	vld [tilespmem:$0x1FED0];
	[sflag:s1] =	ssyncadd.s32 $0xFFFFE000  }
0x1c0: {  	s31 =	simm.s32 $0x2;
	v3 =	vshrl.u32 v3, $0x3;
	v5 =	vshll.u32 v5, v1;
	v36 =	vld [tilespmem:$0x14C40]  }
0x1c1: {  	s12 =	simm.s32 $0x3;
	v6 =	vmov s31;
	s31 =	simm.s32 $0x25F0;
	v3 =	vshll.u32 v3, v1;
	v35 =	vld [tilespmem:$0x14C50];
	v5 =	vbroadcast v5, $0x0  }
0x1c2: {  	v6 =	vshrl.u32 v6, $0x3;
	v44 =	vbroadcast v3, $0x0;
	v3 =	vmov s12;
	v8 =	vld [tilespmem:s31+$0xFFFFFE50]  }
0x1c3: {  	v6 =	vshll.u32 v6, v1;
	v3 =	vshrl.u32 v3, $0x3;
	v7 =	vld [tilespmem:s31+$0xFFFFFF10];
	v11 =	vadd.s32 v22, v5  }
0x1c4: {  	s13 =	simm.s32 $0x0;
	v9 =	vld [tilespmem:s31+$0xFFFFFE90];
	v37 =	vbroadcast v6, $0x0;
	v3 =	vshll.u32 v3, v1;
	v10 =	vadd.s32 v18, v5;
	[tilespmem:$0x1FD30] =	vst v11  }
0x1c5: {  	v0 =	vmov s13;
	v50 =	vbroadcast v3, $0x0;
	v6 =	vadd.s32 v48, v44;
	v11 =	vld [tilespmem:s31+$0xFFFFFED0]  }
0x1c6: {  	v0 =	vshrl.u32 v0, $0x3;
	v34 =	vld [tilespmem:$0x14C60];
	v12 =	vadd.s32 v49, v37  }
0x1c7: {  	v17 =	vshll.u32 v0, v1;
	v33 =	vld [tilespmem:$0x14C70];
	v15 =	vadd.s32 v27, v50;
	v0 =	vadd.f32 v8, v36  }
0x1c8: {  	s16 =	simm.s32 $0x5;
	v3 =	vld [tilespmem:s31+$0xFFFFFE10];
	v7 =	vadd.f32 v7, v36  }
0x1c9: {  	s13 =	simm.s32 $0x6;
	v4 =	vmov s16;
	v13 =	vld [tilespmem:s31+$0xFFFFFFD0];
	v9 =	vadd.f32 v9, v36;
	[tilespmem:v10+s11+$0x0] =	vst.idx.msk $0xffff, v0  }
0x1ca: {  	v14 =	vmov s13;
	v4 =	vshrl.u32 v4, $0x3;
	v16 =	vld [tilespmem:s31+$0xFFFFFF90];
	[tilespmem:v6+s11+$0x0] =	vst.idx.msk $0xffff, v7;
	v7 =	vadd.f32 v11, v36  }
0x1cb: {  	v4 =	vshll.u32 v4, v1;
	v8 =	vshrl.u32 v14, $0x3;
	v14 =	vld [tilespmem:s31+$0xFFFFFF50];
	[tilespmem:v12+s11+$0x0] =	vst.idx.msk $0xffff, v9  }
0x1cc: {  	v55 =	vbroadcast v4, $0x0;
	v4 =	vld [tilespmem:s31+$0xFFFFFE60];
	[tilespmem:v15+s11+$0x0] =	vst.idx.msk $0xffff, v7  }
0x1cd: {  	v61 =	vld [tilespmem:$0x1FEF0]  }
0x1ce: {  	v6 =	vld [tilespmem:s31+$0xFFFFFF20]  }
0x1cf: {  	v10 =	vld [tilespmem:s31+$0xFFFFFEA0]  }
0x1d0: {  	v29 =	vld [tilespmem:$0x1FF80]  }
0x1d1: {  	v8 =	vshll.u32 v8, v1;
	v62 =	vld [tilespmem:$0x1FF20]  }
0x1d2: {  	v52 =	vbroadcast v8, $0x0;
	v8 =	vadd.f32 v13, v36;
	v13 =	vld [tilespmem:s31+$0xFFFFFEE0];
	v0 =	vadd.s32 v61, v50  }
0x1d3: {  	s14 =	simm.s32 $0x7;
	[tilespmem:$0x1FD40] =	vst v0;
	v0 =	vld [tilespmem:$0x1FEA0]  }
0x1d4: {  	v2 =	vmov s14;
	v63 =	vld [tilespmem:$0x1FF50]  }
0x1d5: {  	v2 =	vshrl.u32 v2, $0x3;
	v60 =	vld [tilespmem:$0x1FFB0]  }
0x1d6: {  	v2 =	vshll.u32 v2, v1;
	v57 =	vld [tilespmem:$0x1FE20]  }
0x1d7: {  	v32 =	vmov v22;
	v22 =	vbroadcast v2, $0x0;
	v2 =	vld [tilespmem:$0x1FE10]  }
0x1d8: {  	v54 =	vbroadcast v17, $0x0;
	v28 =	vld [tilespmem:$0x1FF90];
	v17 =	vadd.s32 v0, v37  }
0x1d9: {  	v30 =	vld [tilespmem:$0x1FEE0]  }
0x1da: {  	v26 =	vmovc v31;
	v24 =	vadd.s32 v24, v5;
	v9 =	vadd.s32 v31, v5;
	v5 =	vadd.s32 v25, v55;
	v31 =	vld [tilespmem:$0x1FFC0]  }
0x1db: {  	v51 =	vld [tilespmem:$0x1FF40];
	[tilespmem:$0x1FD60] =	vst v5;
	v19 =	vadd.f32 v4, v35;
	v4 =	vadd.f32 v10, v35;
	v23 =	vadd.s32 v57, v54  }
0x1dc: {  	v25 =	vld [tilespmem:$0x1FFD0];
	[tilespmem:$0x1FD20] =	vst v23  }
0x1dd: {  	v38 =	vld [tilespmem:$0x1FEB0];
	[tilespmem:v17+s11+$0x0] =	vst.idx.msk $0xffff, v4  }
0x1de: {  	v4 =	vld [tilespmem:$0x1FFA0];
	_ =	sdelay $0x1  }
0x1df: {  	v7 =	vadd.s32 v29, v52;
	_ =	sdelay $0x2  }
0x1e0: {  	s30 =	simm.s32 $0x27F0;
	s14 =	simm.s32 $0x8;
	v16 =	vadd.f32 v16, v36;
	v23 =	vadd.s32 v51, v55;
	v4 =	vadd.s32 v4, v52  }
0x1e1: {  	v43 =	vmov s14;
	s16 =	simm.s32 $0x9;
	v3 =	vadd.f32 v3, v36;
	v42 =	vld [tilespmem:s30+$0xFFFFFE50];
	[tilespmem:$0x1FD50] =	vst v4  }
0x1e2: {  	s14 =	simm.s32 $0xA;
	v39 =	vmov s16;
	v14 =	vadd.f32 v14, v36;
	v11 =	vadd.s32 v62, v44;
	v4 =	vld [tilespmem:$0x1FE30];
	[tilespmem:v7+s11+$0x0] =	vst.idx.msk $0xffff, v16  }
0x1e3: {  	v6 =	vadd.f32 v6, v35;
	v15 =	vadd.s32 v60, v22;
	v16 =	vmov s14;
	v46 =	vld [tilespmem:s31+$0xFFFFFFA0]  }
0x1e4: {  	v12 =	vadd.s32 v63, v55;
	v21 =	vadd.s32 v30, v50;
	[tilespmem:v9+s11+$0x0] =	vst.idx.msk $0xffff, v19;
	v16 =	vshrl.u32 v16, $0x3  }
0x1e5: {  	v39 =	vshrl.u32 v39, $0x3;
	v20 =	vadd.s32 v28, v52;
	[tilespmem:v23+s11+$0x0] =	vst.idx.msk $0xffff, v14;
	v14 =	vshll.u32 v16, v1;
	v16 =	vld [tilespmem:s31+$0xFFFFFE70]  }
0x1e6: {  	v47 =	vmovc v18;
	s17 =	simm.s32 $0xC;
	v18 =	vadd.s32 v2, v54;
	v13 =	vadd.f32 v13, v35;
	v53 =	vld [tilespmem:s31+$0xFFFFFEB0];
	v19 =	vshll.u32 v39, v1  }
0x1e7: {  	v41 =	vadd.s32 v38, v37;
	v7 =	vmov s17;
	[tilespmem:v11+s11+$0x0] =	vst.idx.msk $0xffff, v6;
	v19 =	vbroadcast v19, $0x0  }
0x1e8: {  	v45 =	vld [tilespmem:s30+$0xFFFFFE90];
	[tilespmem:v15+s11+$0x0] =	vst.idx.msk $0xffff, v8;
	v7 =	vshrl.u32 v7, $0x3;
	v39 =	vbroadcast v14, $0x0;
	v15 =	vadd.f32 v46, v35  }
0x1e9: {  	s15 =	simm.s32 $0xF;
	[tilespmem:v21+s11+$0x0] =	vst.idx.msk $0xffff, v13;
	v6 =	vld [tilespmem:s31+$0xFFFFFF60];
	v7 =	vshll.u32 v7, v1;
	v23 =	vadd.s32 v47, v19  }
0x1ea: {  	v40 =	vmov s15;
	v21 =	vadd.s32 v49, v39;
	v16 =	vadd.f32 v16, v34;
	[tilespmem:v20+s11+$0x0] =	vst.idx.msk $0xffff, v15;
	v20 =	vld [tilespmem:s31+$0xFFFFFFE0]  }
0x1eb: {  	v58 =	vld [tilespmem:s30+$0xFFFFFF10];
	[tilespmem:v18+s11+$0x0] =	vst.idx.msk $0xffff, v3;
	v14 =	vshrl.u32 v40, $0x3;
	v40 =	vbroadcast v7, $0x0;
	v11 =	vadd.f32 v53, v34  }
0x1ec: {  	v10 =	vadd.s32 v31, v22;
	v46 =	vadd.f32 v42, v36;
	[tilespmem:v24+s11+$0x0] =	vst.idx.msk $0xffff, v16;
	v16 =	vld [tilespmem:s31+$0xFFFFFF30]  }
0x1ed: {  	v7 =	vld [tilespmem:s30+$0xFFFFFE10];
	v8 =	vadd.s32 v48, v40;
	v3 =	vadd.f32 v45, v36;
	[tilespmem:v41+s11+$0x0] =	vst.idx.msk $0xffff, v11  }
0x1ee: {  	v17 =	vadd.s32 v59, v44;
	v18 =	vld [tilespmem:s31+$0xFFFFFE20];
	v6 =	vadd.f32 v6, v35;
	[tilespmem:v23+s11+$0x0] =	vst.idx.msk $0xffff, v46  }
0x1ef: {  	v13 =	vshrl.u32 v43, $0x3;
	s17 =	simm.s32 $0xE;
	v43 =	vld [tilespmem:s30+$0xFFFFFFD0];
	[tilespmem:v21+s11+$0x0] =	vst.idx.msk $0xffff, v3;
	v3 =	vadd.f32 v20, v35  }
0x1f0: {  	s16 =	simm.s32 $0xB;
	v15 =	vmov s17;
	[tilespmem:v12+s11+$0x0] =	vst.idx.msk $0xffff, v6;
	v24 =	vadd.f32 v58, v36  }
0x1f1: {  	v59 =	vmov s16;
	v15 =	vshrl.u32 v15, $0x3;
	[tilespmem:v10+s11+$0x0] =	vst.idx.msk $0xffff, v3;
	v3 =	vadd.f32 v16, v34  }
0x1f2: {  	v53 =	vld [tilespmem:s30+$0xFFFFFED0];
	v41 =	vshrl.u32 v59, $0x3;
	v48 =	vadd.f32 v7, v36;
	v7 =	vshll.u32 v15, v1;
	[tilespmem:v8+s11+$0x0] =	vst.idx.msk $0xffff, v24  }
0x1f3: {  	v15 =	vshll.u32 v41, v1;
	v10 =	vadd.f32 v18, v35;
	v18 =	vld [tilespmem:$0x1FF30];
	[tilespmem:v17+s11+$0x0] =	vst.idx.msk $0xffff, v3  }
0x1f4: {  	v49 =	vadd.f32 v43, v36;
	v43 =	vbroadcast v15, $0x0;
	v3 =	vld [tilespmem:$0x1FD20];
	_ =	sdelay $0x1  }
0x1f5: {  	v8 =	vadd.s32 v27, v43;
	_ =	sdelay $0x2  }
0x1f6: {  	v12 =	vadd.f32 v53, v36;
	_ =	sdelay $0x1  }
0x1f7: {  	[tilespmem:v8+s11+$0x0] =	vst.idx.msk $0xffff, v12  }
0x1f8: {  	[tilespmem:v3+s11+$0x0] =	vst.idx.msk $0xffff, v10  }
0x1f9: {  	v3 =	vadd.s32 v0, v39;
	v0 =	vld [tilespmem:$0x1FF70];
	_ =	sdelay $0x1  }
0x1fa: {  	v14 =	vshll.u32 v14, v1  }
0x1fb: {  	v45 =	vbroadcast v14, $0x0  }
0x1fc: {  	v6 =	vld [tilespmem:s31+$0xFFFFFFF0]  }
0x1fd: {  	v53 =	vadd.s32 v60, v45;
	v60 =	vadd.s32 v0, v55;
	v0 =	vld [tilespmem:$0x1FD30]  }
0x1fe: {  	v41 =	vbroadcast v7, $0x0;
	v7 =	vld [tilespmem:s31+$0xFFFFFE80]  }
0x1ff: {  	v5 =	vadd.s32 v25, v22;
	_ =	sdelay $0x2  }
0x200: {  	v6 =	vadd.f32 v6, v34  }
0x201: {  	v7 =	vadd.f32 v7, v33  }
0x202: {  	[tilespmem:v5+s11+$0x0] =	vst.idx.msk $0xffff, v6  }
0x203: {  	[tilespmem:v0+s11+$0x0] =	vst.idx.msk $0xffff, v7  }
0x204: {  	v0 =	vld [tilespmem:$0x1FD40]  }
0x205: {  	v14 =	vld [tilespmem:s31+$0xFFFFFEF0];
	_ =	sdelay $0x2  }
0x206: {  	s15 =	simm.s32 $0xD  }
0x207: {  	v9 =	vmov s15  }
0x208: {  	v9 =	vshrl.u32 v9, $0x3;
	v12 =	vadd.f32 v14, v34  }
0x209: {  	v9 =	vshll.u32 v9, v1  }
0x20a: {  	v42 =	vbroadcast v9, $0x0;
	v9 =	vld [tilespmem:s31+$0xFFFFFFB0];
	[tilespmem:v0+s11+$0x0] =	vst.idx.msk $0xffff, v12  }
0x20b: {  	v0 =	vld [tilespmem:$0x1FF00];
	_ =	sdelay $0x4  }
0x20c: {  	v14 =	vadd.f32 v9, v34;
	v9 =	vadd.s32 v0, v50;
	v0 =	vld [tilespmem:$0x1FD50];
	_ =	sdelay $0x2  }
0x20d: {  	v11 =	vld [tilespmem:s30+$0xFFFFFF50];
	_ =	sdelay $0x4  }
0x20e: {  	v20 =	vadd.s32 v62, v40;
	v62 =	vadd.f32 v11, v36;
	v11 =	vld [tilespmem:s31+$0xFFFFFF40];
	[tilespmem:v0+s11+$0x0] =	vst.idx.msk $0xffff, v14  }
0x20f: {  	v0 =	vld [tilespmem:$0x1FFE0];
	_ =	sdelay $0x4  }
0x210: {  	v12 =	vadd.f32 v11, v33;
	v11 =	vadd.s32 v0, v22;
	v0 =	vld [tilespmem:$0x1FD60]  }
0x211: {  	v10 =	vld [tilespmem:s31+$0xFFFFFF70]  }
0x212: {  	v17 =	vld [tilespmem:s30+$0xFFFFFE60];
	_ =	sdelay $0x3  }
0x213: {  	v15 =	vld [tilespmem:s30+$0xFFFFFF20];
	v10 =	vadd.f32 v10, v34  }
0x214: {  	v16 =	vadd.s32 v18, v44;
	v18 =	vadd.f32 v17, v35;
	v17 =	vld [tilespmem:s31+$0xFFFFFE30]  }
0x215: {  	v13 =	vshll.u32 v13, v1;
	v7 =	vld [tilespmem:s30+$0xFFFFFEA0];
	[tilespmem:v0+s11+$0x0] =	vst.idx.msk $0xffff, v10  }
0x216: {  	v44 =	vbroadcast v13, $0x0;
	v0 =	vld [tilespmem:$0x1FE00]  }
0x217: {  	v56 =	vld [tilespmem:s30+$0xFFFFFF90]  }
0x218: {  	v4 =	vadd.s32 v4, v54;
	v55 =	vadd.s32 v2, v44;
	v2 =	vld [tilespmem:s31+$0x0]  }
0x219: {  	v58 =	vld [tilespmem:s31+$0xFFFFFEC0];
	v24 =	vadd.s32 v26, v19  }
0x21a: {  	v13 =	vadd.f32 v15, v35;
	v14 =	vadd.f32 v7, v35;
	v21 =	vld [tilespmem:$0x1FE70]  }
0x21b: {  	v7 =	vadd.f32 v17, v34;
	v10 =	vadd.s32 v0, v52;
	v0 =	vld [tilespmem:$0x1FE40];
	[tilespmem:v16+s11+$0x0] =	vst.idx.msk $0xffff, v12  }
0x21c: {  	v6 =	vld [tilespmem:s30+$0xFFFFFEE0];
	[tilespmem:v20+s11+$0x0] =	vst.idx.msk $0xffff, v13  }
0x21d: {  	v17 =	vadd.f32 v2, v33;
	v2 =	vld [tilespmem:$0x1FF60];
	[tilespmem:v4+s11+$0x0] =	vst.idx.msk $0xffff, v7  }
0x21e: {  	[tilespmem:v24+s11+$0x0] =	vst.idx.msk $0xffff, v18  }
0x21f: {  	v38 =	vadd.s32 v32, v19;
	v4 =	vld [tilespmem:$0x1FEB0]  }
0x220: {  	v47 =	vadd.s32 v63, v42;
	v59 =	vadd.s32 v29, v41;
	v46 =	vadd.s32 v61, v43;
	v7 =	vld [tilespmem:$0x1FFA0]  }
0x221: {  	v63 =	vadd.s32 v30, v43;
	v61 =	vadd.f32 v58, v33;
	v58 =	vadd.s32 v28, v41;
	v15 =	vld [tilespmem:s31+$0xFFFFFF00]  }
0x222: {  	v8 =	vadd.f32 v56, v36;
	v56 =	vadd.s32 v31, v45;
	v6 =	vadd.f32 v6, v35;
	v12 =	vld [tilespmem:s31+$0xFFFFFFC0]  }
0x223: {  	v26 =	vmovc v57;
	v16 =	vadd.s32 v51, v42;
	v52 =	vadd.s32 v25, v45;
	v13 =	vld [tilespmem:s31+$0xFFFFFE40];
	v5 =	vadd.s32 v0, v54  }
0x224: {  	v27 =	vmovc v51;
	v31 =	vld [tilespmem:$0x1FEC0];
	v54 =	vadd.s32 v57, v44;
	v0 =	vadd.s32 v21, v19;
	v50 =	vadd.s32 v2, v42  }
0x225: {  	s0 =	simm.s32 $0x10;
	s12 =	simm.s32 $0x29F0;
	v29 =	vmovc v25;
	v2 =	vld [tilespmem:s31+$0xFFFFFF80];
	v30 =	vmovc v4;
	v4 =	vadd.s32 v4, v39;
	v28 =	vmov v7;
	v51 =	vadd.s32 v7, v41  }
.LBB2_11:
0x226: {  	s14 =	smov.u32 s0;
	[tilespmem:v59+s11+$0x0] =	vst.idx.msk $0xffff, v8  }
0x227: {  	v7 =	vld [tilespmem:$0x1FE30];
	[tilespmem:v3+s11+$0x0] =	vst.idx.msk $0xffff, v14;
	s17 =	sadd.s32 $0x2, s14  }
0x228: {  	[tilespmem:v11+s11+$0x0] =	vst.idx.msk $0xffff, v17;
	v8 =	vld [tilespmem:s12+$0xFFFFFF90];
	v17 =	vmov s17;
	v3 =	vadd.f32 v15, v33  }
0x229: {  	v22 =	vadd.s32 v31, v37;
	[tilespmem:v16+s11+$0x0] =	vst.idx.msk $0xffff, v62;
	v21 =	vld [tilespmem:s30+$0xFFFFFEB0];
	v16 =	vshrl.u32 v17, $0x3;
	v13 =	vadd.f32 v13, v33  }
0x22a: {  	v19 =	vmov s14;
	v12 =	vadd.f32 v12, v33;
	[tilespmem:v9+s11+$0x0] =	vst.idx.msk $0xffff, v3;
	v9 =	vshll.u32 v16, v1;
	v16 =	vld [tilespmem:s30+$0xFFFFFFA0]  }
0x22b: {  	[tilespmem:v5+s11+$0x0] =	vst.idx.msk $0xffff, v13;
	v13 =	vshrl.u32 v19, $0x3;
	v19 =	vld [tilespmem:$0x1FE90]  }
0x22c: {  	[tilespmem:v10+s11+$0x0] =	vst.idx.msk $0xffff, v12;
	v12 =	vld [tilespmem:s30+$0xFFFFFE70]  }
0x22d: {  	s15 =	sadd.s32 $0x4, s14;
	v3 =	vadd.f32 v2, v33  }
0x22e: {  	v37 =	vmov v39;
	v14 =	vmov s15;
	v23 =	vld [tilespmem:s12+$0xFFFFFE90];
	[tilespmem:v22+s11+$0x0] =	vst.idx.msk $0xffff, v61;
	v39 =	vbroadcast v9, $0x0  }
0x22f: {  	v17 =	vld [tilespmem:s30+$0xFFFFFF60];
	v10 =	vshrl.u32 v14, $0x3;
	[tilespmem:v60+s11+$0x0] =	vst.idx.msk $0xffff, v3  }
0x230: {  	v18 =	vld [tilespmem:s12+$0xFFFFFE50];
	v3 =	vshll.u32 v10, v1;
	v10 =	vadd.f32 v21, v34;
	v19 =	vadd.s32 v19, v39  }
0x231: {  	v57 =	vadd.s32 v7, v44;
	v7 =	vld [tilespmem:$0x1FFF0];
	[tilespmem:v63+s11+$0x0] =	vst.idx.msk $0xffff, v6;
	v12 =	vadd.f32 v12, v34  }
0x232: {  	v6 =	vld [tilespmem:$0x1FF10];
	[tilespmem:v4+s11+$0x0] =	vst.idx.msk $0xffff, v10  }
0x233: {  	s13 =	sadd.s32 $0x7, s0;
	v60 =	vld [tilespmem:s12+$0xFFFFFF10];
	[tilespmem:v0+s11+$0x0] =	vst.idx.msk $0xffff, v12;
	v12 =	vadd.f32 v23, v36  }
0x234: {  	s31 =	sadd.s32 $0x6, s14;
	v20 =	vmov s13;
	v0 =	vld [tilespmem:s30+$0xFFFFFEC0]  }
0x235: {  	s13 =	sadd.s32 $0x1, s14;
	v3 =	vbroadcast v3, $0x0;
	v4 =	vadd.f32 v18, v36;
	v18 =	vmov s31;
	[tilespmem:v19+s11+$0x0] =	vst.idx.msk $0xffff, v12;
	v19 =	vld [tilespmem:$0x1FF80]  }
0x236: {  	v11 =	vmov s13;
	v18 =	vshrl.u32 v18, $0x3  }
0x237: {  	v24 =	vld [tilespmem:s30+$0xFFFFFF30];
	v11 =	vshrl.u32 v11, $0x3;
	v6 =	vadd.s32 v6, v3;
	v18 =	vshll.u32 v18, v1  }
0x238: {  	v25 =	vld [tilespmem:s12+$0xFFFFFFD0];
	v2 =	vshll.u32 v11, v1;
	v11 =	vshrl.u32 v20, $0x3;
	v18 =	vbroadcast v18, $0x0  }
0x239: {  	v14 =	vld [tilespmem:$0x1FE50];
	v11 =	vshll.u32 v11, v1;
	v7 =	vadd.s32 v7, v40  }
0x23a: {  	v21 =	vadd.f32 v60, v36;
	v59 =	vadd.s32 v19, v18;
	v19 =	vbroadcast v11, $0x0;
	v11 =	vld [tilespmem:$0x1FF20]  }
0x23b: {  	v62 =	vld [tilespmem:$0x1FE60]  }
0x23c: {  	v24 =	vadd.f32 v24, v34;
	v2 =	vbroadcast v2, $0x0;
	v5 =	vld [tilespmem:s12+$0xFFFFFE10];
	[tilespmem:v6+s11+$0x0] =	vst.idx.msk $0xffff, v21  }
0x23d: {  	[tilespmem:v53+s11+$0x0] =	vst.idx.msk $0xffff, v49;
	v12 =	vld [tilespmem:s12+$0xFFFFFF20]  }
0x23e: {  	s16 =	sadd.s32 $0x5, s14;
	v14 =	vadd.s32 v14, v2;
	[tilespmem:v7+s11+$0x0] =	vst.idx.msk $0xffff, v24;
	v24 =	vld [tilespmem:$0x1FF70]  }
0x23f: {  	v15 =	vmov s16;
	[tilespmem:v55+s11+$0x0] =	vst.idx.msk $0xffff, v48;
	v49 =	vadd.f32 v25, v36;
	v25 =	vadd.s32 v11, v3;
	v11 =	vld [tilespmem:$0x1FF50]  }
0x240: {  	v15 =	vshrl.u32 v15, $0x3;
	v55 =	vld [tilespmem:s30+$0xFFFFFE20]  }
0x241: {  	v15 =	vshll.u32 v15, v1;
	v9 =	vld [tilespmem:s12+$0xFFFFFF50]  }
0x242: {  	v16 =	vadd.f32 v16, v35;
	v23 =	vld [tilespmem:s30+$0xFFFFFE80];
	v6 =	vbroadcast v15, $0x0  }
0x243: {  	v17 =	vadd.f32 v17, v35;
	[tilespmem:v14+s11+$0x0] =	vst.idx.msk $0xffff, v4;
	v14 =	vld [tilespmem:$0x1FF30]  }
0x244: {  	s14 =	sadd.s32 $0x3, s14;
	[tilespmem:v58+s11+$0x0] =	vst.idx.msk $0xffff, v16;
	v60 =	vadd.s32 v24, v42;
	v42 =	vmov v6;
	v11 =	vadd.s32 v11, v6;
	v6 =	vld [tilespmem:$0x1FE10]  }
0x245: {  	v61 =	vmov s14;
	[tilespmem:v47+s11+$0x0] =	vst.idx.msk $0xffff, v17;
	v15 =	vld [tilespmem:s30+$0xFFFFFFB0]  }
0x246: {  	v22 =	vshrl.u32 v61, $0x3;
	v13 =	vshll.u32 v13, v1;
	v7 =	vld [tilespmem:s30+$0xFFFFFF70]  }
0x247: {  	v22 =	vshll.u32 v22, v1;
	v13 =	vbroadcast v13, $0x0  }
0x248: {  	v5 =	vadd.f32 v5, v36;
	v21 =	vadd.s32 v62, v2;
	v62 =	vadd.f32 v9, v36  }
0x249: {  	v16 =	vld [tilespmem:s30+$0xFFFFFFE0];
	v9 =	vadd.f32 v55, v35;
	v55 =	vadd.s32 v6, v13;
	v6 =	vadd.f32 v23, v33  }
0x24a: {  	v48 =	vmovc v5;
	v5 =	vbroadcast v22, $0x0;
	v61 =	vadd.f32 v0, v33;
	v22 =	vadd.s32 v14, v40;
	v14 =	vld [tilespmem:s12+$0xFFFFFE60]  }
0x24b: {  	v0 =	vadd.f32 v15, v34;
	[tilespmem:v38+s11+$0x0] =	vst.idx.msk $0xffff, v6;
	v6 =	vadd.f32 v7, v34;
	v7 =	vld [tilespmem:$0x1FF90]  }
0x24c: {  	v10 =	vld [tilespmem:s12+$0xFFFFFED0]  }
0x24d: {  	[tilespmem:v51+s11+$0x0] =	vst.idx.msk $0xffff, v0;
	v0 =	vld [tilespmem:$0x1FFE0]  }
0x24e: {  	v40 =	vmov v3;
	v3 =	vld [tilespmem:$0x1FED0]  }
0x24f: {  	v47 =	vmov v11;
	v11 =	vld [tilespmem:s30+$0xFFFFFF40]  }
0x250: {  	v16 =	vadd.f32 v16, v35;
	v58 =	vadd.s32 v7, v18;
	v7 =	vld [tilespmem:$0x1FF00];
	_ =	sdelay $0x1  }
0x251: {  	v4 =	vadd.f32 v10, v36;
	v10 =	vld [tilespmem:s30+$0xFFFFFEF0];
	[tilespmem:v56+s11+$0x0] =	vst.idx.msk $0xffff, v16  }
0x252: {  	v17 =	vld [tilespmem:s30+$0xFFFFFFF0];
	v16 =	vadd.s32 v3, v5  }
0x253: {  	[tilespmem:v54+s11+$0x0] =	vst.idx.msk $0xffff, v9;
	v3 =	vld [tilespmem:$0x1FEF0]  }
0x254: {  	v9 =	vadd.s32 v7, v43;
	v7 =	vadd.f32 v11, v33;
	v11 =	vadd.s32 v0, v45;
	v0 =	vld [tilespmem:$0x1FFC0];
	_ =	sdelay $0x2  }
0x255: {  	v10 =	vadd.f32 v10, v34;
	[tilespmem:v16+s11+$0x0] =	vst.idx.msk $0xffff, v4  }
0x256: {  	v56 =	vadd.s32 v3, v5;
	v16 =	vld [tilespmem:s12+$0xFFFFFEE0];
	v45 =	vmov v19  }
0x257: {  	v15 =	vadd.f32 v17, v34;
	[tilespmem:v46+s11+$0x0] =	vst.idx.msk $0xffff, v10;
	v46 =	vmov v56;
	v56 =	vadd.s32 v0, v45;
	v0 =	vld [tilespmem:$0x1FE00]  }
0x258: {  	v63 =	vld [tilespmem:$0x1FFB0]  }
0x259: {  	v24 =	vadd.f32 v12, v35;
	v12 =	vld [tilespmem:s12+$0xFFFFFEA0];
	[tilespmem:v52+s11+$0x0] =	vst.idx.msk $0xffff, v15  }
0x25a: {  	v17 =	vld [tilespmem:s30+$0x0]  }
0x25b: {  	v43 =	vmov v5;
	v5 =	vld [tilespmem:$0x1FEE0]  }
0x25c: {  	v10 =	vadd.s32 v0, v41;
	v0 =	vld [tilespmem:$0x1FE40]  }
0x25d: {  	v4 =	vld [tilespmem:s30+$0xFFFFFE30]  }
0x25e: {  	v3 =	vld [tilespmem:$0x1FEA0]  }
0x25f: {  	v8 =	vadd.f32 v8, v36;
	v20 =	vadd.s32 v32, v2;
	[tilespmem:v22+s11+$0x0] =	vst.idx.msk $0xffff, v7  }
0x260: {  	v53 =	vadd.s32 v63, v19;
	v23 =	vadd.f32 v14, v35;
	[tilespmem:v25+s11+$0x0] =	vst.idx.msk $0xffff, v24;
	v25 =	vld [tilespmem:$0x1FF60]  }
0x261: {  	p0 =	slt.u32 s0, $0x78;
	v17 =	vadd.f32 v17, v33;
	v63 =	vadd.s32 v5, v43;
	v5 =	vadd.s32 v0, v44;
	v0 =	vld [tilespmem:$0x1FE70]  }
.Ltmp4:
0x262: {  	v14 =	vadd.f32 v12, v35;
	[tilespmem:v21+s11+$0x0] =	vst.idx.msk $0xffff, v23;
	v4 =	vadd.f32 v4, v34;
	(pc) =	sbr.rel @p0 .LBB2_11-.Ltmp4, $4  }
0x263: {  	v12 =	vld [tilespmem:s30+$0xFFFFFFC0];
	[tilespmem:v50+s11+$0x0] =	vst.idx.msk $0xffff, v6;
	v3 =	vadd.s32 v3, v39;
	v6 =	vadd.f32 v16, v35  }
0x264: {  	v15 =	vld [tilespmem:s30+$0xFFFFFF00];
	v16 =	vadd.s32 v27, v42;
	[tilespmem:v57+s11+$0x0] =	vst.idx.msk $0xffff, v4;
	v4 =	vadd.s32 v30, v39  }
0x265: {  	v52 =	vadd.s32 v29, v45;
	v50 =	vadd.s32 v25, v42;
	v41 =	vmovc v18;
	v44 =	vmov v13;
	v13 =	vld [tilespmem:s30+$0xFFFFFE40]  }
0x266: {  	s0 =	sadd.s32 $0x8, s0;
	v38 =	vmovc v20;
	v51 =	vadd.s32 v28, v41;
	v54 =	vadd.s32 v26, v44;
	v0 =	vadd.s32 v0, v2;
	v2 =	vld [tilespmem:s30+$0xFFFFFF80];
	s30 =	smov.u32 s12;
	s12 =	sadd.s32 $0x200, s12  }
0x267: {  	_ =	sdelay $0x3  }
0x268: {  	[tilespmem:v59+s11+$0x0] =	vst.idx.msk $0xffff, v8  }
0x269: {  	[tilespmem:v3+s11+$0x0] =	vst.idx.msk $0xffff, v14  }
0x26a: {  	[tilespmem:v53+s11+$0x0] =	vst.idx.msk $0xffff, v49  }
0x26b: {  	[tilespmem:v11+s11+$0x0] =	vst.idx.msk $0xffff, v17  }
0x26c: {  	v18 =	vadd.s32 v31, v37;
	[tilespmem:v16+s11+$0x0] =	vst.idx.msk $0xffff, v62;
	v7 =	vld [tilespmem:s30+$0xFFFFFFE0]  }
0x26d: {  	[tilespmem:v55+s11+$0x0] =	vst.idx.msk $0xffff, v48;
	v19 =	vadd.f32 v12, v33  }
0x26e: {  	[tilespmem:v63+s11+$0x0] =	vst.idx.msk $0xffff, v6;
	v3 =	vadd.f32 v15, v33  }
0x26f: {  	[tilespmem:v10+s11+$0x0] =	vst.idx.msk $0xffff, v19  }
0x270: {  	[tilespmem:v9+s11+$0x0] =	vst.idx.msk $0xffff, v3;
	v2 =	vadd.f32 v2, v33  }
0x271: {  	[tilespmem:v18+s11+$0x0] =	vst.idx.msk $0xffff, v61;
	v7 =	vadd.f32 v7, v35  }
0x272: {  	v3 =	vld [tilespmem:s30+$0xFFFFFFA0];
	[tilespmem:v60+s11+$0x0] =	vst.idx.msk $0xffff, v2  }
0x273: {  	v20 =	vld [tilespmem:s30+$0xFFFFFF60];
	[tilespmem:v56+s11+$0x0] =	vst.idx.msk $0xffff, v7  }
0x274: {  	v29 =	vld [tilespmem:$0x1FFF0]  }
0x275: {  	v21 =	vld [tilespmem:s30+$0xFFFFFE70]  }
0x276: {  	v2 =	vld [tilespmem:s30+$0xFFFFFE20]  }
0x277: {  	v22 =	vld [tilespmem:s30+$0xFFFFFF30];
	v3 =	vadd.f32 v3, v35  }
0x278: {  	v23 =	vadd.f32 v20, v35;
	v7 =	vld [tilespmem:s30+$0xFFFFFFF0]  }
0x279: {  	v32 =	vadd.f32 v13, v33;
	[tilespmem:v58+s11+$0x0] =	vst.idx.msk $0xffff, v3;
	v3 =	vld [tilespmem:s30+$0xFFFFFEF0];
	v30 =	vadd.s32 v29, v40  }
0x27a: {  	v37 =	vadd.f32 v21, v34;
	[tilespmem:v47+s11+$0x0] =	vst.idx.msk $0xffff, v23  }
0x27b: {  	[tilespmem:v5+s11+$0x0] =	vst.idx.msk $0xffff, v32;
	v2 =	vadd.f32 v2, v35  }
0x27c: {  	v8 =	vadd.f32 v22, v34;
	[tilespmem:v0+s11+$0x0] =	vst.idx.msk $0xffff, v37  }
0x27d: {  	v6 =	vld [tilespmem:s30+$0xFFFFFF70];
	[tilespmem:v54+s11+$0x0] =	vst.idx.msk $0xffff, v2;
	v2 =	vadd.f32 v7, v34  }
0x27e: {  	v36 =	vld [tilespmem:s30+$0xFFFFFFB0];
	v3 =	vadd.f32 v3, v34;
	[tilespmem:v30+s11+$0x0] =	vst.idx.msk $0xffff, v8  }
0x27f: {  	v48 =	vld [tilespmem:$0x1FE30];
	[tilespmem:v52+s11+$0x0] =	vst.idx.msk $0xffff, v2  }
0x280: {  	v47 =	vld [tilespmem:s30+$0xFFFFFEB0];
	[tilespmem:v46+s11+$0x0] =	vst.idx.msk $0xffff, v3  }
0x281: {  	v53 =	vld [tilespmem:$0x1FF30]  }
0x282: {  	v0 =	vld [tilespmem:s30+$0xFFFFFE30]  }
0x283: {  	v5 =	vld [tilespmem:s30+$0xFFFFFE80];
	v49 =	vadd.f32 v36, v34  }
0x284: {  	v8 =	vld [tilespmem:s30+$0xFFFFFF40];
	v2 =	vadd.f32 v6, v34;
	v7 =	vadd.s32 v48, v44  }
0x285: {  	v52 =	vadd.f32 v47, v34;
	v3 =	vld [tilespmem:s30+$0x0];
	[tilespmem:v51+s11+$0x0] =	vst.idx.msk $0xffff, v49  }
0x286: {  	v9 =	vld [tilespmem:$0x1FFE0];
	[tilespmem:v50+s11+$0x0] =	vst.idx.msk $0xffff, v2;
	v10 =	vadd.s32 v53, v40  }
0x287: {  	v0 =	vadd.f32 v0, v34;
	v54 =	vld [tilespmem:s30+$0xFFFFFF00];
	[tilespmem:v4+s11+$0x0] =	vst.idx.msk $0xffff, v52  }
0x288: {  	v55 =	vadd.f32 v5, v33;
	v56 =	vld [tilespmem:$0x1FF00]  }
0x289: {  	v59 =	vld [tilespmem:$0x1FE00];
	v8 =	vadd.f32 v8, v33;
	[tilespmem:v7+s11+$0x0] =	vst.idx.msk $0xffff, v0  }
0x28a: {  	v0 =	vld [tilespmem:$0x1FF70];
	[tilespmem:v38+s11+$0x0] =	vst.idx.msk $0xffff, v55  }
0x28b: {  	v58 =	vld [tilespmem:s30+$0xFFFFFEC0];
	[tilespmem:v10+s11+$0x0] =	vst.idx.msk $0xffff, v8  }
0x28c: {  	v9 =	vadd.s32 v9, v45;
	v10 =	vld [tilespmem:$0x1FE40]  }
0x28d: {  	v62 =	vadd.s32 v31, v39;
	v2 =	vld [tilespmem:s30+$0xFFFFFFC0]  }
0x28e: {  	v57 =	vld [tilespmem:s30+$0xFFFFFF80];
	v5 =	vadd.s32 v56, v43  }
0x28f: {  	v3 =	vadd.f32 v3, v33;
	v13 =	vadd.s32 v59, v41;
	v60 =	vld [tilespmem:s30+$0xFFFFFE40]  }
0x290: {  	v63 =	vadd.f32 v58, v33;
	v0 =	vadd.s32 v0, v42  }
0x291: {  	v61 =	vadd.f32 v54, v33;
	[tilespmem:v9+s11+$0x0] =	vst.idx.msk $0xffff, v3;
	v10 =	vadd.s32 v10, v44  }
0x292: {  	v2 =	vadd.f32 v2, v33;
	[tilespmem:v62+s11+$0x0] =	vst.idx.msk $0xffff, v63  }
0x293: {  	v3 =	vadd.f32 v57, v33;
	[tilespmem:v5+s11+$0x0] =	vst.idx.msk $0xffff, v61  }
0x294: {  	[tilespmem:v13+s11+$0x0] =	vst.idx.msk $0xffff, v2;
	v2 =	vadd.f32 v60, v33  }
0x295: {  	[tilespmem:v0+s11+$0x0] =	vst.idx.msk $0xffff, v3  }
0x296: {  	s12 =	sadd.s32 s26, s21;
	s0 =	simm.s32 $0x12800;
	[tilespmem:v10+s11+$0x0] =	vst.idx.msk $0xffff, v2  }
0x297: {  	[hbm4b:s12+s3] =	stream.linear.scatter [tilespmem:s0], [sflag:$0x6], $0x80, $0x38;
	[tilespmem:$0x14E00] =	vst v63  }
0x298: {  	s15 =	simm.s32 $0x12890;
	s13 =	sadd.s32 $0x10, s12  }
0x299: {  	[hbm4b:s13+s3] =	stream.linear.scatter [tilespmem:s15], [sflag:$0x6], $0x80, $0x38;
	[tilespmem:$0x14E00] =	vst v63  }
0x29a: {  	s16 =	simm.s32 $0x12920;
	s14 =	simm.s32 $0x12A40;
	s17 =	sadd.s32 $0x20, s12  }
0x29b: {  	[hbm4b:s17+s3] =	stream.linear.scatter [tilespmem:s16], [sflag:$0x6], $0x80, $0x38;
	[tilespmem:$0x14E00] =	vst v63  }
0x29c: {  	s31 =	sadd.s32 $0x30, s12;
	s30 =	simm.s32 $0x129B0;
	s0 =	simm.s32 $0x480  }
0x29d: {  	[hbm4b:s31+s3] =	stream.linear.scatter [tilespmem:s30], [sflag:$0x6], $0x80, $0x38;
	[tilespmem:$0x14E00] =	vst v63  }
0x29e: {  	s15 =	sadd.s32 $0x40, s12;
	s13 =	simm.s32 $0x2400;
	s16 =	simm.s32 $0x12AD0  }
0x29f: {  	[hbm4b:s15+s3] =	stream.linear.scatter [tilespmem:s14], [sflag:$0x6], $0x80, $0x38;
	[tilespmem:$0x14E00] =	vst v63  }
0x2a0: {  	s17 =	sadd.s32 $0x50, s12;
	s30 =	simm.s32 $0x12B60;
	s31 =	sadd.s32 $0x60, s12  }
0x2a1: {  	[hbm4b:s17+s3] =	stream.linear.scatter [tilespmem:s16], [sflag:$0x6], $0x80, $0x38;
	[tilespmem:$0x14E00] =	vst v63  }
0x2a2: {  	s14 =	simm.s32 $0x12BF0;
	s15 =	sadd.s32 $0x70, s12;
	s12 =	sadd.s32 $0x1000, s12  }
0x2a3: {  	v38 =	vmov v29;
	[hbm4b:s31+s3] =	stream.linear.scatter [tilespmem:s30], [sflag:$0x6], $0x80, $0x38;
	[tilespmem:$0x14E00] =	vst v63  }
.LBB2_13:
0x2a4: {  	[hbm4b:s15+s3] =	stream.linear.scatter [tilespmem:s14], [sflag:$0x6], $0x80, $0x38;
	[tilespmem:$0x14E00] =	vst v63  }
0x2a5: {  	s14 =	smov.u32 s0;
	s0 =	smov.u32 s13  }
0x2a6: {  	s16 =	sadd.s32 $0x1200, s13;
	s0 =	sshra.s32 s0, $0x2;
	s15 =	sadd.s32 $0x12800, s14  }
0x2a7: {  	[hbm4b:s12+s3] =	stream.linear.scatter [tilespmem:s15], [sflag:$0x6], $0x80, $0x38;
	[tilespmem:$0x14E00] =	vst v63  }
0x2a8: {  	p0 =	sne.s32 s13, $0x7E00;
	s13 =	sadd.s32 $0x12890, s14;
	s15 =	sadd.s32 $0x10, s12  }
0x2a9: {  	[hbm4b:s15+s3] =	stream.linear.scatter [tilespmem:s13], [sflag:$0x6], $0x80, $0x38;
	[tilespmem:$0x14E00] =	vst v63  }
0x2aa: {  	s13 =	sadd.s32 $0x12920, s14;
	s15 =	sadd.s32 $0x20, s12  }
0x2ab: {  	[hbm4b:s15+s3] =	stream.linear.scatter [tilespmem:s13], [sflag:$0x6], $0x80, $0x38;
	[tilespmem:$0x14E00] =	vst v63  }
0x2ac: {  	s13 =	sadd.s32 $0x129B0, s14;
	s15 =	sadd.s32 $0x30, s12  }
0x2ad: {  	[hbm4b:s15+s3] =	stream.linear.scatter [tilespmem:s13], [sflag:$0x6], $0x80, $0x38;
	[tilespmem:$0x14E00] =	vst v63  }
0x2ae: {  	s13 =	sadd.s32 $0x12A40, s14;
	s15 =	sadd.s32 $0x40, s12  }
0x2af: {  	[hbm4b:s15+s3] =	stream.linear.scatter [tilespmem:s13], [sflag:$0x6], $0x80, $0x38;
	[tilespmem:$0x14E00] =	vst v63  }
.Ltmp5:
0x2b0: {  	s13 =	sadd.s32 $0x12AD0, s14;
	s15 =	sadd.s32 $0x50, s12;
	(pc) =	sbr.rel @p0 .LBB2_13-.Ltmp5, $4  }
0x2b1: {  	[hbm4b:s15+s3] =	stream.linear.scatter [tilespmem:s13], [sflag:$0x6], $0x80, $0x38;
	[tilespmem:$0x14E00] =	vst v63  }
0x2b2: {  	s13 =	sadd.s32 $0x12B60, s14;
	s15 =	sadd.s32 $0x60, s12;
	s14 =	sadd.s32 $0x12BF0, s14  }
0x2b3: {  	[hbm4b:s15+s3] =	stream.linear.scatter [tilespmem:s13], [sflag:$0x6], $0x80, $0x38;
	[tilespmem:$0x14E00] =	vst v63  }
0x2b4: {  	s15 =	sadd.s32 $0x70, s12;
	s12 =	sadd.s32 $0x1000, s12;
	s13 =	smov.u32 s16  }
0x2b5: {  	[hbm4b:s15+s3] =	stream.linear.scatter [tilespmem:s14], [sflag:$0x6], $0x80, $0x38;
	[tilespmem:$0x14E00] =	vst v63  }
0x2b6: {  	s13 =	sadd.s32 $0x12800, s0  }
0x2b7: {  	[hbm4b:s12+s3] =	stream.linear.scatter [tilespmem:s13], [sflag:$0x6], $0x80, $0x38;
	[tilespmem:$0x14E00] =	vst v63  }
0x2b8: {  	s17 =	sadd.s32 $0x12890, s0;
	s31 =	sadd.s32 $0x10, s12  }
0x2b9: {  	[hbm4b:s31+s3] =	stream.linear.scatter [tilespmem:s17], [sflag:$0x6], $0x80, $0x38;
	[tilespmem:$0x14E00] =	vst v63  }
0x2ba: {  	s15 =	sadd.s32 $0x12920, s0;
	s16 =	sadd.s32 $0x20, s12  }
0x2bb: {  	[hbm4b:s16+s3] =	stream.linear.scatter [tilespmem:s15], [sflag:$0x6], $0x80, $0x38;
	[tilespmem:$0x14E00] =	vst v63  }
0x2bc: {  	s17 =	sadd.s32 $0x129B0, s0;
	s31 =	sadd.s32 $0x30, s12  }
0x2bd: {  	[hbm4b:s31+s3] =	stream.linear.scatter [tilespmem:s17], [sflag:$0x6], $0x80, $0x38;
	[tilespmem:$0x14E00] =	vst v63  }
0x2be: {  	s15 =	sadd.s32 $0x12A40, s0;
	s16 =	sadd.s32 $0x40, s12  }
0x2bf: {  	[hbm4b:s16+s3] =	stream.linear.scatter [tilespmem:s15], [sflag:$0x6], $0x80, $0x38;
	[tilespmem:$0x14E00] =	vst v63  }
0x2c0: {  	s17 =	sadd.s32 $0x12AD0, s0;
	s31 =	sadd.s32 $0x50, s12  }
0x2c1: {  	[hbm4b:s31+s3] =	stream.linear.scatter [tilespmem:s17], [sflag:$0x6], $0x80, $0x38;
	[tilespmem:$0x14E00] =	vst v63  }
0x2c2: {  	s15 =	sadd.s32 $0x12B60, s0;
	s16 =	sadd.s32 $0x60, s12  }
0x2c3: {  	[hbm4b:s16+s3] =	stream.linear.scatter [tilespmem:s15], [sflag:$0x6], $0x80, $0x38;
	[tilespmem:$0x14E00] =	vst v63  }
0x2c4: {  	s17 =	sadd.s32 $0x12BF0, s0;
	s31 =	sadd.s32 $0x70, s12  }
0x2c5: {  	[hbm4b:s31+s3] =	stream.linear.scatter [tilespmem:s17], [sflag:$0x6], $0x80, $0x38;
	[tilespmem:$0x14E00] =	vst v63  }
0x2c6: {  	_ =	swait.ge [sflag:s8], $0x2000  }
0x2c7: {  	v48 =	vld [tilespmem:$0x1FF10]  }
0x2c8: {  	v30 =	vld [tilespmem:$0x1FE50]  }
0x2c9: {  	v49 =	vld [tilespmem:$0x1FE80]  }
0x2ca: {  	[sflag:s8] =	ssyncset.done $0x0;
	v53 =	vld [tilespmem:$0x1FE90]  }
0x2cb: {  	s17 =	simm.s32 $0x1;
	v60 =	vld [tilespmem:$0x1FED0];
	[sflag:s8] =	ssyncadd.s32 $0xFFFFE000  }
0x2cc: {  	s15 =	simm.s32 $0x4;
	v5 =	vmov s17;
	v36 =	vld [tilespmem:$0x14C80]  }
0x2cd: {  	v3 =	vmov s15;
	v5 =	vshrl.u32 v5, $0x3;
	v35 =	vld [tilespmem:$0x14C90]  }
0x2ce: {  	s31 =	simm.s32 $0x2;
	v3 =	vshrl.u32 v3, $0x3;
	v5 =	vshll.u32 v5, v1;
	v34 =	vld [tilespmem:$0x14CA0]  }
0x2cf: {  	v6 =	vmov s31;
	s31 =	simm.s32 $0x45F0;
	v3 =	vshll.u32 v3, v1;
	v33 =	vld [tilespmem:$0x14CB0];
	v5 =	vbroadcast v5, $0x0  }
0x2d0: {  	s12 =	simm.s32 $0x3;
	v6 =	vshrl.u32 v6, $0x3;
	v44 =	vbroadcast v3, $0x0;
	v7 =	vld [tilespmem:s31+$0xFFFFFF10]  }
0x2d1: {  	v3 =	vmov s12;
	v6 =	vshll.u32 v6, v1;
	v8 =	vld [tilespmem:s31+$0xFFFFFE50];
	v11 =	vadd.s32 v49, v5  }
0x2d2: {  	s13 =	simm.s32 $0x0;
	v3 =	vshrl.u32 v3, $0x3;
	v9 =	vld [tilespmem:s31+$0xFFFFFE90];
	v37 =	vbroadcast v6, $0x0;
	v6 =	vadd.s32 v48, v44;
	[tilespmem:$0x1FCD0] =	vst v11  }
0x2d3: {  	v0 =	vmov s13;
	v3 =	vshll.u32 v3, v1;
	v10 =	vadd.s32 v30, v5;
	v11 =	vld [tilespmem:s31+$0xFFFFFED0]  }
0x2d4: {  	s13 =	simm.s32 $0x6;
	v0 =	vshrl.u32 v0, $0x3;
	v29 =	vbroadcast v3, $0x0;
	v12 =	vadd.s32 v53, v37;
	v3 =	vld [tilespmem:s31+$0xFFFFFE10]  }
0x2d5: {  	v14 =	vmov s13;
	v17 =	vshll.u32 v0, v1;
	s16 =	simm.s32 $0x5;
	v13 =	vld [tilespmem:s31+$0xFFFFFFD0];
	v7 =	vadd.f32 v7, v36  }
0x2d6: {  	v4 =	vmov s16;
	v15 =	vadd.s32 v60, v29;
	v16 =	vld [tilespmem:s31+$0xFFFFFF90];
	v0 =	vadd.f32 v8, v36  }
0x2d7: {  	v4 =	vshrl.u32 v4, $0x3;
	v8 =	vshrl.u32 v14, $0x3;
	v14 =	vld [tilespmem:s31+$0xFFFFFF50];
	v9 =	vadd.f32 v9, v36;
	[tilespmem:v6+s9+$0x0] =	vst.idx.msk $0xffff, v7  }
0x2d8: {  	v4 =	vshll.u32 v4, v1;
	[tilespmem:v10+s9+$0x0] =	vst.idx.msk $0xffff, v0;
	v6 =	vld [tilespmem:s31+$0xFFFFFF20]  }
0x2d9: {  	v55 =	vbroadcast v4, $0x0;
	[tilespmem:v12+s9+$0x0] =	vst.idx.msk $0xffff, v9;
	v4 =	vld [tilespmem:s31+$0xFFFFFE60];
	v7 =	vadd.f32 v11, v36  }
0x2da: {  	v27 =	vld [tilespmem:$0x1FE60]  }
0x2db: {  	v10 =	vld [tilespmem:s31+$0xFFFFFEA0];
	[tilespmem:v15+s9+$0x0] =	vst.idx.msk $0xffff, v7  }
0x2dc: {  	v59 =	vld [tilespmem:$0x1FF80]  }
0x2dd: {  	v61 =	vld [tilespmem:$0x1FF20]  }
0x2de: {  	v8 =	vshll.u32 v8, v1;
	v62 =	vld [tilespmem:$0x1FF50]  }
0x2df: {  	v52 =	vbroadcast v8, $0x0;
	v8 =	vadd.f32 v13, v36;
	v13 =	vld [tilespmem:s31+$0xFFFFFEE0]  }
0x2e0: {  	v28 =	vld [tilespmem:$0x1FFB0]  }
0x2e1: {  	v31 =	vld [tilespmem:$0x1FEA0]  }
0x2e2: {  	v63 =	vld [tilespmem:$0x1FEF0]  }
0x2e3: {  	s14 =	simm.s32 $0x7;
	v22 =	vld [tilespmem:$0x1FF90]  }
0x2e4: {  	v2 =	vmov s14;
	v24 =	vld [tilespmem:$0x1FE70]  }
0x2e5: {  	v2 =	vshrl.u32 v2, $0x3;
	v50 =	vld [tilespmem:$0x1FEE0]  }
0x2e6: {  	v2 =	vshll.u32 v2, v1;
	v54 =	vbroadcast v17, $0x0;
	v51 =	vld [tilespmem:$0x1FFC0];
	v17 =	vadd.s32 v31, v37  }
0x2e7: {  	v0 =	vbroadcast v2, $0x0;
	v32 =	vld [tilespmem:$0x1FEB0]  }
0x2e8: {  	v57 =	vld [tilespmem:$0x1FE20];
	v9 =	vadd.s32 v27, v5;
	v19 =	vadd.f32 v4, v35;
	v2 =	vadd.s32 v63, v29  }
0x2e9: {  	v23 =	vld [tilespmem:$0x1FF40];
	v4 =	vadd.f32 v10, v35;
	v24 =	vadd.s32 v24, v5;
	v5 =	vadd.s32 v25, v55;
	[tilespmem:$0x1FCE0] =	vst v2  }
0x2ea: {  	v25 =	vld [tilespmem:$0x1FFD0];
	[tilespmem:$0x1FD00] =	vst v5  }
0x2eb: {  	v2 =	vld [tilespmem:$0x1FE10];
	[tilespmem:v17+s9+$0x0] =	vst.idx.msk $0xffff, v4  }
0x2ec: {  	v41 =	vadd.s32 v32, v37;
	v32 =	vld [tilespmem:$0x1FFA0];
	_ =	sdelay $0x3  }
0x2ed: {  	s30 =	simm.s32 $0x47F0  }
0x2ee: {  	v42 =	vld [tilespmem:s30+$0xFFFFFE50];
	v4 =	vadd.s32 v32, v52  }
0x2ef: {  	[tilespmem:$0x1FCF0] =	vst v4;
	v4 =	vld [tilespmem:$0x1FE30];
	_ =	sdelay $0x1  }
0x2f0: {  	s14 =	simm.s32 $0x8;
	s15 =	simm.s32 $0xF;
	v7 =	vadd.s32 v59, v52  }
0x2f1: {  	v43 =	vmov s14;
	s16 =	simm.s32 $0x9;
	v40 =	vmov s15  }
0x2f2: {  	v39 =	vmov s16;
	v3 =	vadd.f32 v3, v36;
	v23 =	vadd.s32 v23, v55  }
0x2f3: {  	v16 =	vadd.f32 v16, v36;
	v11 =	vadd.s32 v61, v44;
	v4 =	vadd.s32 v4, v54  }
0x2f4: {  	v14 =	vadd.f32 v14, v36;
	v6 =	vadd.f32 v6, v35;
	v21 =	vadd.s32 v50, v29;
	[tilespmem:$0x1FD10] =	vst v4  }
0x2f5: {  	s14 =	simm.s32 $0xA;
	v39 =	vshrl.u32 v39, $0x3;
	v12 =	vadd.s32 v62, v55;
	v15 =	vadd.s32 v28, v0;
	[tilespmem:v7+s9+$0x0] =	vst.idx.msk $0xffff, v16  }
0x2f6: {  	v20 =	vadd.s32 v22, v52;
	v18 =	vadd.s32 v2, v54;
	v16 =	vmov s14;
	[tilespmem:v9+s9+$0x0] =	vst.idx.msk $0xffff, v19;
	v46 =	vld [tilespmem:s31+$0xFFFFFFA0]  }
0x2f7: {  	s17 =	simm.s32 $0xC;
	v13 =	vadd.f32 v13, v35;
	v17 =	vadd.s32 v38, v44;
	v38 =	vld [tilespmem:s31+$0xFFFFFEB0];
	[tilespmem:v23+s9+$0x0] =	vst.idx.msk $0xffff, v14;
	v16 =	vshrl.u32 v16, $0x3  }
0x2f8: {  	v10 =	vadd.s32 v51, v0;
	v7 =	vmov s17;
	[tilespmem:v11+s9+$0x0] =	vst.idx.msk $0xffff, v6;
	v14 =	vshll.u32 v16, v1;
	v16 =	vld [tilespmem:s31+$0xFFFFFE70]  }
0x2f9: {  	v45 =	vld [tilespmem:s30+$0xFFFFFE90];
	v19 =	vshll.u32 v39, v1;
	[tilespmem:v21+s9+$0x0] =	vst.idx.msk $0xffff, v13;
	v13 =	vshrl.u32 v43, $0x3;
	v7 =	vshrl.u32 v7, $0x3  }
0x2fa: {  	v47 =	vld [tilespmem:s30+$0xFFFFFF10];
	[tilespmem:v15+s9+$0x0] =	vst.idx.msk $0xffff, v8;
	v19 =	vbroadcast v19, $0x0;
	v7 =	vshll.u32 v7, v1;
	v39 =	vbroadcast v14, $0x0  }
0x2fb: {  	[tilespmem:v18+s9+$0x0] =	vst.idx.msk $0xffff, v3;
	v14 =	vshrl.u32 v40, $0x3;
	v40 =	vbroadcast v7, $0x0;
	v7 =	vld [tilespmem:s30+$0xFFFFFE10];
	v15 =	vadd.f32 v46, v35  }
0x2fc: {  	s16 =	simm.s32 $0xB;
	v43 =	vld [tilespmem:s30+$0xFFFFFFD0];
	v23 =	vadd.s32 v30, v19;
	v11 =	vadd.f32 v38, v34;
	v38 =	vadd.s32 v49, v19  }
0x2fd: {  	v58 =	vmov s16;
	s17 =	simm.s32 $0xE;
	v21 =	vadd.s32 v53, v39;
	v16 =	vadd.f32 v16, v34;
	[tilespmem:v20+s9+$0x0] =	vst.idx.msk $0xffff, v15;
	v20 =	vld [tilespmem:s31+$0xFFFFFFE0]  }
0x2fe: {  	v6 =	vld [tilespmem:s31+$0xFFFFFF60];
	v8 =	vadd.s32 v48, v40;
	v3 =	vadd.f32 v45, v36;
	[tilespmem:v41+s9+$0x0] =	vst.idx.msk $0xffff, v11;
	v15 =	vmov s17  }
0x2ff: {  	v46 =	vadd.f32 v42, v36;
	v41 =	vshrl.u32 v58, $0x3;
	[tilespmem:v24+s9+$0x0] =	vst.idx.msk $0xffff, v16;
	v16 =	vld [tilespmem:s31+$0xFFFFFF30];
	v15 =	vshrl.u32 v15, $0x3  }
0x300: {  	v18 =	vld [tilespmem:s31+$0xFFFFFE20];
	v48 =	vadd.f32 v7, v36;
	v7 =	vshll.u32 v15, v1;
	v15 =	vshll.u32 v41, v1  }
0x301: {  	v53 =	vld [tilespmem:s30+$0xFFFFFED0];
	v49 =	vadd.f32 v43, v36;
	[tilespmem:v23+s9+$0x0] =	vst.idx.msk $0xffff, v46;
	v24 =	vadd.f32 v47, v36;
	v43 =	vbroadcast v15, $0x0  }
0x302: {  	v26 =	vadd.s32 v57, v54;
	[tilespmem:v21+s9+$0x0] =	vst.idx.msk $0xffff, v3;
	v3 =	vadd.f32 v20, v35  }
0x303: {  	v6 =	vadd.f32 v6, v35;
	[tilespmem:v8+s9+$0x0] =	vst.idx.msk $0xffff, v24;
	v8 =	vadd.s32 v60, v43  }
0x304: {  	[tilespmem:v10+s9+$0x0] =	vst.idx.msk $0xffff, v3;
	v3 =	vadd.f32 v16, v34  }
0x305: {  	[tilespmem:v12+s9+$0x0] =	vst.idx.msk $0xffff, v6;
	v10 =	vadd.f32 v18, v35  }
0x306: {  	v12 =	vadd.f32 v53, v36;
	v18 =	vld [tilespmem:$0x1FF30];
	[tilespmem:v17+s9+$0x0] =	vst.idx.msk $0xffff, v3  }
0x307: {  	[tilespmem:v26+s9+$0x0] =	vst.idx.msk $0xffff, v10  }
0x308: {  	v6 =	vld [tilespmem:s31+$0xFFFFFFF0];
	[tilespmem:v8+s9+$0x0] =	vst.idx.msk $0xffff, v12  }
0x309: {  	v4 =	vld [tilespmem:$0x1FCD0]  }
0x30a: {  	v41 =	vbroadcast v7, $0x0;
	v7 =	vld [tilespmem:s31+$0xFFFFFE80]  }
0x30b: {  	v5 =	vadd.s32 v25, v0;
	_ =	sdelay $0x1  }
0x30c: {  	v12 =	vld [tilespmem:$0x1FF70]  }
0x30d: {  	v6 =	vadd.f32 v6, v34  }
0x30e: {  	v13 =	vshll.u32 v13, v1;
	v7 =	vadd.f32 v7, v33  }
0x30f: {  	v16 =	vadd.s32 v18, v44;
	v44 =	vbroadcast v13, $0x0;
	[tilespmem:v5+s9+$0x0] =	vst.idx.msk $0xffff, v6  }
0x310: {  	[tilespmem:v4+s9+$0x0] =	vst.idx.msk $0xffff, v7  }
0x311: {  	v14 =	vshll.u32 v14, v1;
	v60 =	vadd.s32 v12, v55;
	v55 =	vadd.s32 v2, v44;
	v2 =	vld [tilespmem:$0x1FCE0]  }
0x312: {  	v45 =	vbroadcast v14, $0x0;
	v14 =	vld [tilespmem:s31+$0xFFFFFEF0];
	_ =	sdelay $0x2  }
0x313: {  	s15 =	simm.s32 $0xD  }
0x314: {  	v9 =	vmov s15  }
0x315: {  	v9 =	vshrl.u32 v9, $0x3;
	v12 =	vadd.f32 v14, v34  }
0x316: {  	v9 =	vshll.u32 v9, v1  }
0x317: {  	v42 =	vbroadcast v9, $0x0;
	v9 =	vld [tilespmem:s31+$0xFFFFFFB0];
	[tilespmem:v2+s9+$0x0] =	vst.idx.msk $0xffff, v12  }
0x318: {  	v2 =	vld [tilespmem:$0x1FF00];
	_ =	sdelay $0x4  }
0x319: {  	v14 =	vadd.f32 v9, v34;
	v9 =	vadd.s32 v2, v29;
	v2 =	vld [tilespmem:$0x1FCF0];
	_ =	sdelay $0x2  }
0x31a: {  	v11 =	vld [tilespmem:s30+$0xFFFFFF50];
	_ =	sdelay $0x4  }
0x31b: {  	v47 =	vadd.s32 v62, v42;
	v62 =	vadd.f32 v11, v36;
	v11 =	vld [tilespmem:s31+$0xFFFFFF40];
	[tilespmem:v2+s9+$0x0] =	vst.idx.msk $0xffff, v14  }
0x31c: {  	v5 =	vld [tilespmem:$0x1FFE0];
	_ =	sdelay $0x4  }
0x31d: {  	v12 =	vadd.f32 v11, v33;
	v11 =	vadd.s32 v5, v0;
	v0 =	vld [tilespmem:$0x1FD00]  }
0x31e: {  	v10 =	vld [tilespmem:s31+$0xFFFFFF70];
	_ =	sdelay $0x4  }
0x31f: {  	v10 =	vadd.f32 v10, v34;
	_ =	sdelay $0x1  }
0x320: {  	[tilespmem:v0+s9+$0x0] =	vst.idx.msk $0xffff, v10  }
0x321: {  	v0 =	vld [tilespmem:$0x1FE00];
	_ =	sdelay $0x2  }
0x322: {  	v17 =	vld [tilespmem:s30+$0xFFFFFE60];
	_ =	sdelay $0x1  }
0x323: {  	v10 =	vadd.s32 v0, v52;
	v0 =	vld [tilespmem:$0x1FE40];
	_ =	sdelay $0x1  }
0x324: {  	v15 =	vld [tilespmem:s30+$0xFFFFFF20]  }
0x325: {  	v18 =	vadd.f32 v17, v35;
	v17 =	vld [tilespmem:s31+$0xFFFFFE30]  }
0x326: {  	v7 =	vld [tilespmem:s30+$0xFFFFFEA0];
	[tilespmem:v16+s9+$0x0] =	vst.idx.msk $0xffff, v12  }
0x327: {  	v20 =	vadd.s32 v61, v40;
	v5 =	vadd.s32 v0, v54;
	v0 =	vld [tilespmem:$0x1FF40]  }
0x328: {  	v2 =	vld [tilespmem:s31+$0x0];
	_ =	sdelay $0x1  }
0x329: {  	v13 =	vadd.f32 v15, v35  }
0x32a: {  	v53 =	vadd.s32 v28, v45  }
0x32b: {  	v14 =	vadd.f32 v7, v35;
	v28 =	vmov v0;
	v16 =	vadd.s32 v0, v42;
	v0 =	vld [tilespmem:$0x1FE70];
	[tilespmem:v20+s9+$0x0] =	vst.idx.msk $0xffff, v13  }
0x32c: {  	v7 =	vadd.f32 v17, v34;
	v17 =	vadd.f32 v2, v33;
	v2 =	vld [tilespmem:$0x1FF60];
	_ =	sdelay $0x4  }
0x32d: {  	v46 =	vadd.s32 v63, v43;
	v63 =	vadd.s32 v50, v43;
	v50 =	vadd.s32 v2, v42;
	v2 =	vld [tilespmem:$0x1FD10];
	_ =	sdelay $0x1  }
0x32e: {  	v24 =	vadd.s32 v27, v19;
	_ =	sdelay $0x3  }
0x32f: {  	v58 =	vld [tilespmem:s31+$0xFFFFFEC0]  }
0x330: {  	v56 =	vld [tilespmem:s30+$0xFFFFFF90];
	[tilespmem:v24+s9+$0x0] =	vst.idx.msk $0xffff, v18  }
0x331: {  	v6 =	vld [tilespmem:s30+$0xFFFFFEE0];
	[tilespmem:v2+s9+$0x0] =	vst.idx.msk $0xffff, v7  }
0x332: {  	v4 =	vld [tilespmem:$0x1FEB0]  }
0x333: {  	v59 =	vadd.s32 v59, v41;
	v15 =	vld [tilespmem:s31+$0xFFFFFF00]  }
0x334: {  	v61 =	vadd.f32 v58, v33;
	v58 =	vadd.s32 v22, v41;
	v3 =	vadd.s32 v31, v39;
	v12 =	vld [tilespmem:s31+$0xFFFFFFC0]  }
0x335: {  	v26 =	vmovc v57;
	v8 =	vadd.f32 v56, v36;
	v56 =	vadd.s32 v51, v45;
	v51 =	vadd.s32 v32, v41;
	v2 =	vld [tilespmem:s31+$0xFFFFFF80]  }
0x336: {  	v31 =	vmovc v25;
	v6 =	vadd.f32 v6, v35;
	v52 =	vadd.s32 v25, v45;
	v54 =	vadd.s32 v57, v44;
	v13 =	vld [tilespmem:s31+$0xFFFFFE40]  }
0x337: {  	s0 =	simm.s32 $0x10;
	s12 =	simm.s32 $0x49F0;
	v29 =	vmovc v32;
	v30 =	vmovc v0;
	v0 =	vadd.s32 v0, v19;
	v32 =	vld [tilespmem:$0x1FEC0];
	v27 =	vmov v4;
	v4 =	vadd.s32 v4, v39  }
.LBB2_15:
0x338: {  	_ = 	snop  }
0x339: {  	s14 =	smov.u32 s0;
	[tilespmem:v59+s9+$0x0] =	vst.idx.msk $0xffff, v8  }
0x33a: {  	v7 =	vld [tilespmem:$0x1FE30];
	[tilespmem:v3+s9+$0x0] =	vst.idx.msk $0xffff, v14;
	s17 =	sadd.s32 $0x2, s14  }
0x33b: {  	[tilespmem:v11+s9+$0x0] =	vst.idx.msk $0xffff, v17;
	v8 =	vld [tilespmem:s12+$0xFFFFFF90];
	v17 =	vmov s17;
	v3 =	vadd.f32 v15, v33  }
0x33c: {  	v22 =	vadd.s32 v32, v37;
	[tilespmem:v16+s9+$0x0] =	vst.idx.msk $0xffff, v62;
	v21 =	vld [tilespmem:s30+$0xFFFFFEB0];
	v16 =	vshrl.u32 v17, $0x3;
	v13 =	vadd.f32 v13, v33  }
0x33d: {  	v19 =	vmov s14;
	v12 =	vadd.f32 v12, v33;
	[tilespmem:v9+s9+$0x0] =	vst.idx.msk $0xffff, v3;
	v9 =	vshll.u32 v16, v1;
	v16 =	vld [tilespmem:s30+$0xFFFFFFA0]  }
0x33e: {  	[tilespmem:v5+s9+$0x0] =	vst.idx.msk $0xffff, v13;
	v13 =	vshrl.u32 v19, $0x3;
	v19 =	vld [tilespmem:$0x1FE90]  }
0x33f: {  	[tilespmem:v10+s9+$0x0] =	vst.idx.msk $0xffff, v12;
	v12 =	vld [tilespmem:s30+$0xFFFFFE70]  }
0x340: {  	v18 =	vld [tilespmem:s12+$0xFFFFFE50];
	s15 =	sadd.s32 $0x4, s14;
	v3 =	vadd.f32 v2, v33  }
0x341: {  	v37 =	vmov v39;
	v14 =	vmov s15;
	v23 =	vld [tilespmem:s12+$0xFFFFFE90];
	[tilespmem:v22+s9+$0x0] =	vst.idx.msk $0xffff, v61;
	v39 =	vbroadcast v9, $0x0  }
0x342: {  	v17 =	vld [tilespmem:s30+$0xFFFFFF60];
	v10 =	vshrl.u32 v14, $0x3;
	[tilespmem:v60+s9+$0x0] =	vst.idx.msk $0xffff, v3  }
0x343: {  	v59 =	vld [tilespmem:$0x1FE80];
	v3 =	vshll.u32 v10, v1;
	v10 =	vadd.f32 v21, v34;
	v19 =	vadd.s32 v19, v39  }
0x344: {  	s13 =	sadd.s32 $0x7, s0;
	v57 =	vadd.s32 v7, v44;
	v7 =	vld [tilespmem:$0x1FFF0];
	[tilespmem:v63+s9+$0x0] =	vst.idx.msk $0xffff, v6;
	v12 =	vadd.f32 v12, v34  }
0x345: {  	v20 =	vmov s13;
	s13 =	sadd.s32 $0x1, s14;
	v6 =	vld [tilespmem:$0x1FF10];
	[tilespmem:v4+s9+$0x0] =	vst.idx.msk $0xffff, v10  }
0x346: {  	v11 =	vmov s13;
	v60 =	vld [tilespmem:s12+$0xFFFFFF10];
	[tilespmem:v0+s9+$0x0] =	vst.idx.msk $0xffff, v12;
	v12 =	vadd.f32 v23, v36  }
0x347: {  	s31 =	sadd.s32 $0x6, s14;
	v11 =	vshrl.u32 v11, $0x3;
	v0 =	vld [tilespmem:s30+$0xFFFFFEC0]  }
0x348: {  	v3 =	vbroadcast v3, $0x0;
	v4 =	vadd.f32 v18, v36;
	v18 =	vmov s31;
	[tilespmem:v19+s9+$0x0] =	vst.idx.msk $0xffff, v12;
	v19 =	vld [tilespmem:$0x1FF80]  }
0x349: {  	v24 =	vld [tilespmem:s30+$0xFFFFFF30];
	v2 =	vshll.u32 v11, v1;
	v18 =	vshrl.u32 v18, $0x3  }
0x34a: {  	v62 =	vld [tilespmem:$0x1FE60];
	v2 =	vbroadcast v2, $0x0;
	v6 =	vadd.s32 v6, v3;
	v18 =	vshll.u32 v18, v1  }
0x34b: {  	v25 =	vld [tilespmem:s12+$0xFFFFFFD0];
	v11 =	vshrl.u32 v20, $0x3;
	v18 =	vbroadcast v18, $0x0  }
0x34c: {  	v14 =	vld [tilespmem:$0x1FE50];
	v11 =	vshll.u32 v11, v1;
	v20 =	vadd.s32 v59, v2;
	v7 =	vadd.s32 v7, v40  }
0x34d: {  	v21 =	vadd.f32 v60, v36;
	v59 =	vadd.s32 v19, v18;
	v19 =	vbroadcast v11, $0x0;
	v11 =	vld [tilespmem:$0x1FF20]  }
0x34e: {  	v5 =	vld [tilespmem:s12+$0xFFFFFE10];
	[tilespmem:v55+s9+$0x0] =	vst.idx.msk $0xffff, v48  }
0x34f: {  	v24 =	vadd.f32 v24, v34;
	v55 =	vld [tilespmem:s30+$0xFFFFFE20];
	[tilespmem:v6+s9+$0x0] =	vst.idx.msk $0xffff, v21  }
0x350: {  	s16 =	sadd.s32 $0x5, s14;
	[tilespmem:v53+s9+$0x0] =	vst.idx.msk $0xffff, v49;
	v12 =	vld [tilespmem:s12+$0xFFFFFF20]  }
0x351: {  	v15 =	vmov s16;
	v14 =	vadd.s32 v14, v2;
	[tilespmem:v7+s9+$0x0] =	vst.idx.msk $0xffff, v24;
	v24 =	vld [tilespmem:$0x1FF70]  }
0x352: {  	v49 =	vadd.f32 v25, v36;
	v16 =	vadd.f32 v16, v35;
	v25 =	vadd.s32 v11, v3;
	v11 =	vld [tilespmem:$0x1FF50]  }
0x353: {  	v15 =	vshrl.u32 v15, $0x3;
	v9 =	vld [tilespmem:s12+$0xFFFFFF50]  }
0x354: {  	v15 =	vshll.u32 v15, v1;
	[tilespmem:v58+s9+$0x0] =	vst.idx.msk $0xffff, v16;
	v16 =	vld [tilespmem:s30+$0xFFFFFFE0]  }
0x355: {  	v23 =	vld [tilespmem:s30+$0xFFFFFE80];
	v6 =	vbroadcast v15, $0x0  }
0x356: {  	v17 =	vadd.f32 v17, v35;
	[tilespmem:v14+s9+$0x0] =	vst.idx.msk $0xffff, v4;
	v14 =	vld [tilespmem:$0x1FF30]  }
0x357: {  	s14 =	sadd.s32 $0x3, s14;
	v60 =	vadd.s32 v24, v42;
	v42 =	vmov v6;
	v11 =	vadd.s32 v11, v6;
	v6 =	vld [tilespmem:$0x1FE10]  }
0x358: {  	v61 =	vmov s14;
	[tilespmem:v47+s9+$0x0] =	vst.idx.msk $0xffff, v17;
	v15 =	vld [tilespmem:s30+$0xFFFFFFB0]  }
0x359: {  	v22 =	vshrl.u32 v61, $0x3;
	v13 =	vshll.u32 v13, v1;
	v7 =	vld [tilespmem:s30+$0xFFFFFF70]  }
0x35a: {  	v22 =	vshll.u32 v22, v1;
	v13 =	vbroadcast v13, $0x0;
	v5 =	vadd.f32 v5, v36  }
0x35b: {  	v21 =	vadd.s32 v62, v2;
	v62 =	vadd.f32 v9, v36;
	v16 =	vadd.f32 v16, v35  }
0x35c: {  	v10 =	vld [tilespmem:s12+$0xFFFFFED0];
	v48 =	vmovc v5;
	v9 =	vadd.f32 v55, v35;
	v55 =	vadd.s32 v6, v13;
	v6 =	vadd.f32 v23, v33  }
0x35d: {  	v5 =	vbroadcast v22, $0x0;
	v61 =	vadd.f32 v0, v33;
	[tilespmem:v56+s9+$0x0] =	vst.idx.msk $0xffff, v16;
	v22 =	vadd.s32 v14, v40;
	v14 =	vld [tilespmem:s12+$0xFFFFFE60]  }
0x35e: {  	v0 =	vadd.f32 v15, v34;
	[tilespmem:v38+s9+$0x0] =	vst.idx.msk $0xffff, v6;
	v6 =	vadd.f32 v7, v34;
	v7 =	vld [tilespmem:$0x1FF90]  }
0x35f: {  	v17 =	vld [tilespmem:s30+$0xFFFFFFF0]  }
0x360: {  	[tilespmem:v51+s9+$0x0] =	vst.idx.msk $0xffff, v0;
	v0 =	vld [tilespmem:$0x1FFE0]  }
0x361: {  	v40 =	vmov v3;
	v3 =	vld [tilespmem:$0x1FED0]  }
0x362: {  	v47 =	vmov v11;
	v11 =	vld [tilespmem:s30+$0xFFFFFF40]  }
0x363: {  	v58 =	vadd.s32 v7, v18;
	v7 =	vld [tilespmem:$0x1FF00];
	_ =	sdelay $0x2  }
0x364: {  	v4 =	vadd.f32 v10, v36;
	v10 =	vld [tilespmem:s30+$0xFFFFFEF0];
	v16 =	vadd.s32 v3, v5  }
0x365: {  	[tilespmem:v54+s9+$0x0] =	vst.idx.msk $0xffff, v9;
	v15 =	vadd.f32 v17, v34;
	v3 =	vld [tilespmem:$0x1FEF0]  }
0x366: {  	v9 =	vadd.s32 v7, v43;
	v7 =	vadd.f32 v11, v33;
	v11 =	vadd.s32 v0, v45;
	v0 =	vld [tilespmem:$0x1FFC0]  }
0x367: {  	v63 =	vld [tilespmem:$0x1FFB0]  }
0x368: {  	v24 =	vadd.f32 v12, v35;
	v12 =	vld [tilespmem:s12+$0xFFFFFEA0];
	[tilespmem:v52+s9+$0x0] =	vst.idx.msk $0xffff, v15  }
0x369: {  	v10 =	vadd.f32 v10, v34;
	v17 =	vld [tilespmem:s30+$0x0];
	[tilespmem:v16+s9+$0x0] =	vst.idx.msk $0xffff, v4  }
0x36a: {  	v56 =	vadd.s32 v3, v5;
	v16 =	vld [tilespmem:s12+$0xFFFFFEE0];
	v45 =	vmov v19  }
0x36b: {  	[tilespmem:v46+s9+$0x0] =	vst.idx.msk $0xffff, v10;
	v46 =	vmov v56;
	v56 =	vadd.s32 v0, v45;
	v0 =	vld [tilespmem:$0x1FE00]  }
0x36c: {  	v4 =	vld [tilespmem:s30+$0xFFFFFE30]  }
0x36d: {  	v3 =	vld [tilespmem:$0x1FEA0];
	v23 =	vadd.f32 v14, v35;
	_ =	sdelay $0x1  }
0x36e: {  	v8 =	vadd.f32 v8, v36;
	[tilespmem:v21+s9+$0x0] =	vst.idx.msk $0xffff, v23;
	v43 =	vmov v5;
	v5 =	vld [tilespmem:$0x1FEE0]  }
0x36f: {  	v53 =	vadd.s32 v63, v19;
	[tilespmem:v22+s9+$0x0] =	vst.idx.msk $0xffff, v7;
	v10 =	vadd.s32 v0, v41;
	v0 =	vld [tilespmem:$0x1FE40]  }
0x370: {  	p0 =	slt.u32 s0, $0x78;
	v17 =	vadd.f32 v17, v33;
	v4 =	vadd.f32 v4, v34;
	[tilespmem:v25+s9+$0x0] =	vst.idx.msk $0xffff, v24;
	v25 =	vld [tilespmem:$0x1FF60]  }
.Ltmp6:
0x371: {  	v14 =	vadd.f32 v12, v35;
	[tilespmem:v50+s9+$0x0] =	vst.idx.msk $0xffff, v6;
	v3 =	vadd.s32 v3, v39;
	(pc) =	sbr.rel @p0 .LBB2_15-.Ltmp6, $4  }
0x372: {  	v12 =	vld [tilespmem:s30+$0xFFFFFFC0];
	v6 =	vadd.f32 v16, v35;
	v16 =	vadd.s32 v28, v42;
	[tilespmem:v57+s9+$0x0] =	vst.idx.msk $0xffff, v4  }
0x373: {  	v15 =	vld [tilespmem:s30+$0xFFFFFF00];
	v4 =	vadd.s32 v27, v39;
	v52 =	vadd.s32 v31, v45;
	v63 =	vadd.s32 v5, v43  }
0x374: {  	v41 =	vmovc v18;
	v5 =	vadd.s32 v0, v44;
	v44 =	vmov v13;
	v0 =	vadd.s32 v30, v2;
	v2 =	vld [tilespmem:s30+$0xFFFFFF80]  }
0x375: {  	s0 =	sadd.s32 $0x8, s0;
	v38 =	vmovc v20;
	v50 =	vadd.s32 v25, v42;
	v51 =	vadd.s32 v29, v41;
	v13 =	vld [tilespmem:s30+$0xFFFFFE40];
	s30 =	smov.u32 s12;
	s12 =	sadd.s32 $0x200, s12;
	v54 =	vadd.s32 v26, v44  }
0x376: {  	_ =	sdelay $0x3  }
0x377: {  	[tilespmem:v59+s9+$0x0] =	vst.idx.msk $0xffff, v8  }
0x378: {  	[tilespmem:v3+s9+$0x0] =	vst.idx.msk $0xffff, v14  }
0x379: {  	[tilespmem:v53+s9+$0x0] =	vst.idx.msk $0xffff, v49  }
0x37a: {  	[tilespmem:v11+s9+$0x0] =	vst.idx.msk $0xffff, v17  }
0x37b: {  	[tilespmem:v16+s9+$0x0] =	vst.idx.msk $0xffff, v62  }
0x37c: {  	[tilespmem:v55+s9+$0x0] =	vst.idx.msk $0xffff, v48;
	v7 =	vld [tilespmem:s30+$0xFFFFFFE0]  }
0x37d: {  	v17 =	vadd.f32 v12, v33;
	v3 =	vadd.f32 v15, v33;
	v15 =	vadd.s32 v32, v37  }
0x37e: {  	[tilespmem:v63+s9+$0x0] =	vst.idx.msk $0xffff, v6  }
0x37f: {  	v2 =	vadd.f32 v2, v33;
	[tilespmem:v10+s9+$0x0] =	vst.idx.msk $0xffff, v17  }
0x380: {  	[tilespmem:v9+s9+$0x0] =	vst.idx.msk $0xffff, v3  }
0x381: {  	[tilespmem:v60+s9+$0x0] =	vst.idx.msk $0xffff, v2;
	v7 =	vadd.f32 v7, v35  }
0x382: {  	v3 =	vld [tilespmem:s30+$0xFFFFFFA0];
	[tilespmem:v15+s9+$0x0] =	vst.idx.msk $0xffff, v61  }
0x383: {  	v18 =	vld [tilespmem:s30+$0xFFFFFF60];
	[tilespmem:v56+s9+$0x0] =	vst.idx.msk $0xffff, v7  }
0x384: {  	v28 =	vld [tilespmem:$0x1FFF0]  }
0x385: {  	v19 =	vld [tilespmem:s30+$0xFFFFFE70]  }
0x386: {  	v2 =	vld [tilespmem:s30+$0xFFFFFE20]  }
0x387: {  	v20 =	vld [tilespmem:s30+$0xFFFFFF30];
	v3 =	vadd.f32 v3, v35  }
0x388: {  	v21 =	vadd.f32 v18, v35;
	v7 =	vld [tilespmem:s30+$0xFFFFFFF0]  }
0x389: {  	v23 =	vadd.f32 v13, v33;
	[tilespmem:v58+s9+$0x0] =	vst.idx.msk $0xffff, v3;
	v3 =	vld [tilespmem:s30+$0xFFFFFEF0];
	v22 =	vadd.s32 v28, v40  }
0x38a: {  	v37 =	vadd.f32 v19, v34;
	[tilespmem:v47+s9+$0x0] =	vst.idx.msk $0xffff, v21  }
0x38b: {  	[tilespmem:v5+s9+$0x0] =	vst.idx.msk $0xffff, v23;
	v2 =	vadd.f32 v2, v35  }
0x38c: {  	v8 =	vadd.f32 v20, v34;
	[tilespmem:v0+s9+$0x0] =	vst.idx.msk $0xffff, v37  }
0x38d: {  	v6 =	vld [tilespmem:s30+$0xFFFFFF70];
	[tilespmem:v54+s9+$0x0] =	vst.idx.msk $0xffff, v2;
	v2 =	vadd.f32 v7, v34  }
0x38e: {  	v36 =	vld [tilespmem:s30+$0xFFFFFFB0];
	v3 =	vadd.f32 v3, v34;
	[tilespmem:v22+s9+$0x0] =	vst.idx.msk $0xffff, v8  }
0x38f: {  	v48 =	vld [tilespmem:$0x1FE30];
	[tilespmem:v52+s9+$0x0] =	vst.idx.msk $0xffff, v2  }
0x390: {  	v47 =	vld [tilespmem:s30+$0xFFFFFEB0];
	[tilespmem:v46+s9+$0x0] =	vst.idx.msk $0xffff, v3  }
0x391: {  	v53 =	vld [tilespmem:$0x1FF30]  }
0x392: {  	v0 =	vld [tilespmem:s30+$0xFFFFFE30]  }
0x393: {  	v5 =	vld [tilespmem:s30+$0xFFFFFE80];
	v49 =	vadd.f32 v36, v34  }
0x394: {  	v8 =	vld [tilespmem:s30+$0xFFFFFF40];
	v2 =	vadd.f32 v6, v34;
	v7 =	vadd.s32 v48, v44  }
0x395: {  	v52 =	vadd.f32 v47, v34;
	v3 =	vld [tilespmem:s30+$0x0];
	[tilespmem:v51+s9+$0x0] =	vst.idx.msk $0xffff, v49  }
0x396: {  	v9 =	vld [tilespmem:$0x1FFE0];
	[tilespmem:v50+s9+$0x0] =	vst.idx.msk $0xffff, v2;
	v10 =	vadd.s32 v53, v40  }
0x397: {  	v0 =	vadd.f32 v0, v34;
	v54 =	vld [tilespmem:s30+$0xFFFFFF00];
	[tilespmem:v4+s9+$0x0] =	vst.idx.msk $0xffff, v52  }
0x398: {  	v55 =	vadd.f32 v5, v33;
	v56 =	vld [tilespmem:$0x1FF00]  }
0x399: {  	v59 =	vld [tilespmem:$0x1FE00];
	v8 =	vadd.f32 v8, v33;
	[tilespmem:v7+s9+$0x0] =	vst.idx.msk $0xffff, v0  }
0x39a: {  	v0 =	vld [tilespmem:$0x1FF70];
	[tilespmem:v38+s9+$0x0] =	vst.idx.msk $0xffff, v55  }
0x39b: {  	v58 =	vld [tilespmem:s30+$0xFFFFFEC0];
	[tilespmem:v10+s9+$0x0] =	vst.idx.msk $0xffff, v8  }
0x39c: {  	v9 =	vadd.s32 v9, v45;
	v10 =	vld [tilespmem:$0x1FE40]  }
0x39d: {  	v62 =	vadd.s32 v32, v39;
	v2 =	vld [tilespmem:s30+$0xFFFFFFC0]  }
0x39e: {  	v57 =	vld [tilespmem:s30+$0xFFFFFF80];
	v5 =	vadd.s32 v56, v43  }
0x39f: {  	v3 =	vadd.f32 v3, v33;
	v13 =	vadd.s32 v59, v41;
	v60 =	vld [tilespmem:s30+$0xFFFFFE40]  }
0x3a0: {  	v63 =	vadd.f32 v58, v33;
	v0 =	vadd.s32 v0, v42  }
0x3a1: {  	v61 =	vadd.f32 v54, v33;
	[tilespmem:v9+s9+$0x0] =	vst.idx.msk $0xffff, v3;
	v10 =	vadd.s32 v10, v44  }
0x3a2: {  	v2 =	vadd.f32 v2, v33;
	[tilespmem:v62+s9+$0x0] =	vst.idx.msk $0xffff, v63  }
0x3a3: {  	v3 =	vadd.f32 v57, v33;
	[tilespmem:v5+s9+$0x0] =	vst.idx.msk $0xffff, v61  }
0x3a4: {  	[tilespmem:v13+s9+$0x0] =	vst.idx.msk $0xffff, v2;
	v2 =	vadd.f32 v60, v33  }
0x3a5: {  	[tilespmem:v0+s9+$0x0] =	vst.idx.msk $0xffff, v3  }
0x3a6: {  	[tilespmem:v10+s9+$0x0] =	vst.idx.msk $0xffff, v2  }
0x3a7: {  	s0 =	rddreg [dreg:$0x7]  }
0x3a8: {  	s14 =	simm.s32 $0x10400;
	s12 =	sadd.s32 s26, s0  }
0x3a9: {  	[hbm4b:s12+s3] =	stream.linear.scatter [tilespmem:s14], [sflag:$0x5], $0x80, $0x38;
	[tilespmem:$0x14E00] =	vst v63  }
0x3aa: {  	s15 =	simm.s32 $0x10490;
	s13 =	sadd.s32 $0x10, s12  }
0x3ab: {  	[hbm4b:s13+s3] =	stream.linear.scatter [tilespmem:s15], [sflag:$0x5], $0x80, $0x38;
	[tilespmem:$0x14E00] =	vst v63  }
0x3ac: {  	s16 =	simm.s32 $0x10520;
	s30 =	simm.s32 $0x105B0;
	s17 =	sadd.s32 $0x20, s12  }
0x3ad: {  	[hbm4b:s17+s3] =	stream.linear.scatter [tilespmem:s16], [sflag:$0x5], $0x80, $0x38;
	[tilespmem:$0x14E00] =	vst v63  }
0x3ae: {  	s0 =	simm.s32 $0x480;
	s31 =	sadd.s32 $0x30, s12;
	s14 =	simm.s32 $0x10640  }
0x3af: {  	[hbm4b:s31+s3] =	stream.linear.scatter [tilespmem:s30], [sflag:$0x5], $0x80, $0x38;
	[tilespmem:$0x14E00] =	vst v63  }
0x3b0: {  	s15 =	sadd.s32 $0x40, s12;
	s13 =	simm.s32 $0x2400;
	s16 =	simm.s32 $0x106D0  }
0x3b1: {  	[hbm4b:s15+s3] =	stream.linear.scatter [tilespmem:s14], [sflag:$0x5], $0x80, $0x38;
	[tilespmem:$0x14E00] =	vst v63  }
0x3b2: {  	s17 =	sadd.s32 $0x50, s12;
	s30 =	simm.s32 $0x10760;
	s31 =	sadd.s32 $0x60, s12  }
0x3b3: {  	[hbm4b:s17+s3] =	stream.linear.scatter [tilespmem:s16], [sflag:$0x5], $0x80, $0x38;
	[tilespmem:$0x14E00] =	vst v63  }
0x3b4: {  	s14 =	simm.s32 $0x107F0;
	s15 =	sadd.s32 $0x70, s12;
	s12 =	sadd.s32 $0x1000, s12  }
0x3b5: {  	[hbm4b:s31+s3] =	stream.linear.scatter [tilespmem:s30], [sflag:$0x5], $0x80, $0x38;
	[tilespmem:$0x14E00] =	vst v63  }
.LBB2_17:
0x3b6: {  	[hbm4b:s15+s3] =	stream.linear.scatter [tilespmem:s14], [sflag:$0x5], $0x80, $0x38;
	[tilespmem:$0x14E00] =	vst v63  }
0x3b7: {  	s14 =	smov.u32 s0;
	s0 =	smov.u32 s13  }
0x3b8: {  	s16 =	sadd.s32 $0x1200, s13;
	s0 =	sshra.s32 s0, $0x2;
	s15 =	sadd.s32 $0x10400, s14  }
0x3b9: {  	[hbm4b:s12+s3] =	stream.linear.scatter [tilespmem:s15], [sflag:$0x5], $0x80, $0x38;
	[tilespmem:$0x14E00] =	vst v63  }
0x3ba: {  	p0 =	sne.s32 s13, $0x7E00;
	s13 =	sadd.s32 $0x10490, s14;
	s15 =	sadd.s32 $0x10, s12  }
0x3bb: {  	[hbm4b:s15+s3] =	stream.linear.scatter [tilespmem:s13], [sflag:$0x5], $0x80, $0x38;
	[tilespmem:$0x14E00] =	vst v63  }
0x3bc: {  	s13 =	sadd.s32 $0x10520, s14;
	s15 =	sadd.s32 $0x20, s12  }
0x3bd: {  	[hbm4b:s15+s3] =	stream.linear.scatter [tilespmem:s13], [sflag:$0x5], $0x80, $0x38;
	[tilespmem:$0x14E00] =	vst v63  }
0x3be: {  	s13 =	sadd.s32 $0x105B0, s14;
	s15 =	sadd.s32 $0x30, s12  }
0x3bf: {  	[hbm4b:s15+s3] =	stream.linear.scatter [tilespmem:s13], [sflag:$0x5], $0x80, $0x38;
	[tilespmem:$0x14E00] =	vst v63  }
0x3c0: {  	s13 =	sadd.s32 $0x10640, s14;
	s15 =	sadd.s32 $0x40, s12  }
0x3c1: {  	[hbm4b:s15+s3] =	stream.linear.scatter [tilespmem:s13], [sflag:$0x5], $0x80, $0x38;
	[tilespmem:$0x14E00] =	vst v63  }
.Ltmp7:
0x3c2: {  	s13 =	sadd.s32 $0x106D0, s14;
	s15 =	sadd.s32 $0x50, s12;
	(pc) =	sbr.rel @p0 .LBB2_17-.Ltmp7, $4  }
0x3c3: {  	[hbm4b:s15+s3] =	stream.linear.scatter [tilespmem:s13], [sflag:$0x5], $0x80, $0x38;
	[tilespmem:$0x14E00] =	vst v63  }
0x3c4: {  	s13 =	sadd.s32 $0x10760, s14;
	s15 =	sadd.s32 $0x60, s12;
	s14 =	sadd.s32 $0x107F0, s14  }
0x3c5: {  	[hbm4b:s15+s3] =	stream.linear.scatter [tilespmem:s13], [sflag:$0x5], $0x80, $0x38;
	[tilespmem:$0x14E00] =	vst v63  }
0x3c6: {  	s15 =	sadd.s32 $0x70, s12;
	s12 =	sadd.s32 $0x1000, s12;
	s13 =	smov.u32 s16  }
0x3c7: {  	[hbm4b:s15+s3] =	stream.linear.scatter [tilespmem:s14], [sflag:$0x5], $0x80, $0x38;
	[tilespmem:$0x14E00] =	vst v63  }
0x3c8: {  	s13 =	sadd.s32 $0x10400, s0  }
0x3c9: {  	[hbm4b:s12+s3] =	stream.linear.scatter [tilespmem:s13], [sflag:$0x5], $0x80, $0x38;
	[tilespmem:$0x14E00] =	vst v63  }
0x3ca: {  	s17 =	sadd.s32 $0x10490, s0;
	s31 =	sadd.s32 $0x10, s12  }
0x3cb: {  	[hbm4b:s31+s3] =	stream.linear.scatter [tilespmem:s17], [sflag:$0x5], $0x80, $0x38;
	[tilespmem:$0x14E00] =	vst v63  }
0x3cc: {  	s15 =	sadd.s32 $0x10520, s0;
	s16 =	sadd.s32 $0x20, s12  }
0x3cd: {  	[hbm4b:s16+s3] =	stream.linear.scatter [tilespmem:s15], [sflag:$0x5], $0x80, $0x38;
	[tilespmem:$0x14E00] =	vst v63  }
0x3ce: {  	s17 =	sadd.s32 $0x105B0, s0;
	s31 =	sadd.s32 $0x30, s12  }
0x3cf: {  	[hbm4b:s31+s3] =	stream.linear.scatter [tilespmem:s17], [sflag:$0x5], $0x80, $0x38;
	[tilespmem:$0x14E00] =	vst v63  }
0x3d0: {  	s15 =	sadd.s32 $0x10640, s0;
	s16 =	sadd.s32 $0x40, s12  }
0x3d1: {  	[hbm4b:s16+s3] =	stream.linear.scatter [tilespmem:s15], [sflag:$0x5], $0x80, $0x38;
	[tilespmem:$0x14E00] =	vst v63  }
0x3d2: {  	s17 =	sadd.s32 $0x106D0, s0;
	s31 =	sadd.s32 $0x50, s12  }
0x3d3: {  	[hbm4b:s31+s3] =	stream.linear.scatter [tilespmem:s17], [sflag:$0x5], $0x80, $0x38;
	[tilespmem:$0x14E00] =	vst v63  }
0x3d4: {  	s15 =	sadd.s32 $0x10760, s0;
	s16 =	sadd.s32 $0x60, s12  }
0x3d5: {  	[hbm4b:s16+s3] =	stream.linear.scatter [tilespmem:s15], [sflag:$0x5], $0x80, $0x38;
	[tilespmem:$0x14E00] =	vst v63  }
0x3d6: {  	s17 =	sadd.s32 $0x107F0, s0;
	s31 =	sadd.s32 $0x70, s12  }
0x3d7: {  	[hbm4b:s31+s3] =	stream.linear.scatter [tilespmem:s17], [sflag:$0x5], $0x80, $0x38;
	[tilespmem:$0x14E00] =	vst v63  }
0x3d8: {  	_ =	swait.ge [sflag:s1], $0x2000  }
0x3d9: {  	v32 =	vld [tilespmem:$0x1FF10]  }
0x3da: {  	v30 =	vld [tilespmem:$0x1FE50]  }
0x3db: {  	v48 =	vld [tilespmem:$0x1FE80]  }
0x3dc: {  	[sflag:s1] =	ssyncset.done $0x0;
	v49 =	vld [tilespmem:$0x1FE90]  }
0x3dd: {  	s17 =	simm.s32 $0x1;
	v60 =	vld [tilespmem:$0x1FED0];
	[sflag:s1] =	ssyncadd.s32 $0xFFFFE000  }
0x3de: {  	s15 =	simm.s32 $0x4;
	v5 =	vmov s17;
	v36 =	vld [tilespmem:$0x14CC0]  }
0x3df: {  	v3 =	vmov s15;
	v5 =	vshrl.u32 v5, $0x3;
	v35 =	vld [tilespmem:$0x14CD0]  }
0x3e0: {  	s31 =	simm.s32 $0x2;
	v3 =	vshrl.u32 v3, $0x3;
	v5 =	vshll.u32 v5, v1;
	v34 =	vld [tilespmem:$0x14CE0]  }
0x3e1: {  	v6 =	vmov s31;
	s31 =	simm.s32 $0x65F0;
	v3 =	vshll.u32 v3, v1;
	v33 =	vld [tilespmem:$0x14CF0];
	v5 =	vbroadcast v5, $0x0  }
0x3e2: {  	s12 =	simm.s32 $0x3;
	v6 =	vshrl.u32 v6, $0x3;
	v44 =	vbroadcast v3, $0x0;
	v7 =	vld [tilespmem:s31+$0xFFFFFF10]  }
0x3e3: {  	v3 =	vmov s12;
	v6 =	vshll.u32 v6, v1;
	v8 =	vld [tilespmem:s31+$0xFFFFFE50];
	v11 =	vadd.s32 v48, v5  }
0x3e4: {  	s13 =	simm.s32 $0x0;
	v3 =	vshrl.u32 v3, $0x3;
	v9 =	vld [tilespmem:s31+$0xFFFFFE90];
	v37 =	vbroadcast v6, $0x0;
	v6 =	vadd.s32 v32, v44;
	[tilespmem:$0x1FC80] =	vst v11  }
0x3e5: {  	v0 =	vmov s13;
	v3 =	vshll.u32 v3, v1;
	v10 =	vadd.s32 v30, v5;
	v11 =	vld [tilespmem:s31+$0xFFFFFED0]  }
0x3e6: {  	s13 =	simm.s32 $0x6;
	v0 =	vshrl.u32 v0, $0x3;
	v29 =	vbroadcast v3, $0x0;
	v12 =	vadd.s32 v49, v37;
	v3 =	vld [tilespmem:s31+$0xFFFFFE10]  }
0x3e7: {  	v14 =	vmov s13;
	v17 =	vshll.u32 v0, v1;
	s16 =	simm.s32 $0x5;
	v13 =	vld [tilespmem:s31+$0xFFFFFFD0];
	v7 =	vadd.f32 v7, v36  }
0x3e8: {  	v4 =	vmov s16;
	v15 =	vadd.s32 v60, v29;
	v16 =	vld [tilespmem:s31+$0xFFFFFF90];
	v0 =	vadd.f32 v8, v36  }
0x3e9: {  	v4 =	vshrl.u32 v4, $0x3;
	v8 =	vshrl.u32 v14, $0x3;
	v14 =	vld [tilespmem:s31+$0xFFFFFF50];
	v9 =	vadd.f32 v9, v36;
	[tilespmem:v6+s11+$0x0] =	vst.idx.msk $0xffff, v7  }
0x3ea: {  	v4 =	vshll.u32 v4, v1;
	[tilespmem:v10+s11+$0x0] =	vst.idx.msk $0xffff, v0;
	v6 =	vld [tilespmem:s31+$0xFFFFFF20]  }
0x3eb: {  	v55 =	vbroadcast v4, $0x0;
	[tilespmem:v12+s11+$0x0] =	vst.idx.msk $0xffff, v9;
	v4 =	vld [tilespmem:s31+$0xFFFFFE60];
	v7 =	vadd.f32 v11, v36  }
0x3ec: {  	v27 =	vld [tilespmem:$0x1FE60]  }
0x3ed: {  	v10 =	vld [tilespmem:s31+$0xFFFFFEA0];
	[tilespmem:v15+s11+$0x0] =	vst.idx.msk $0xffff, v7  }
0x3ee: {  	v59 =	vld [tilespmem:$0x1FF80]  }
0x3ef: {  	v61 =	vld [tilespmem:$0x1FF20]  }
0x3f0: {  	v8 =	vshll.u32 v8, v1;
	v62 =	vld [tilespmem:$0x1FF50]  }
0x3f1: {  	v52 =	vbroadcast v8, $0x0;
	v8 =	vadd.f32 v13, v36;
	v13 =	vld [tilespmem:s31+$0xFFFFFEE0]  }
0x3f2: {  	v63 =	vld [tilespmem:$0x1FFB0]  }
0x3f3: {  	v22 =	vld [tilespmem:$0x1FEA0]  }
0x3f4: {  	v31 =	vld [tilespmem:$0x1FEF0]  }
0x3f5: {  	s14 =	simm.s32 $0x7;
	v50 =	vld [tilespmem:$0x1FF90]  }
0x3f6: {  	v2 =	vmov s14;
	v24 =	vld [tilespmem:$0x1FE70]  }
0x3f7: {  	v2 =	vshrl.u32 v2, $0x3;
	v51 =	vld [tilespmem:$0x1FEE0]  }
0x3f8: {  	v2 =	vshll.u32 v2, v1;
	v54 =	vbroadcast v17, $0x0;
	v56 =	vld [tilespmem:$0x1FFC0];
	v17 =	vadd.s32 v22, v37  }
0x3f9: {  	v0 =	vbroadcast v2, $0x0;
	v57 =	vld [tilespmem:$0x1FE20]  }
0x3fa: {  	v23 =	vld [tilespmem:$0x1FF40];
	v9 =	vadd.s32 v27, v5;
	v19 =	vadd.f32 v4, v35;
	v2 =	vadd.s32 v31, v29  }
0x3fb: {  	v38 =	vld [tilespmem:$0x1FEB0];
	v4 =	vadd.f32 v10, v35;
	v24 =	vadd.s32 v24, v5;
	v5 =	vadd.s32 v25, v55;
	[tilespmem:$0x1FC90] =	vst v2  }
0x3fc: {  	v25 =	vld [tilespmem:$0x1FFD0];
	[tilespmem:$0x1FCB0] =	vst v5  }
0x3fd: {  	v2 =	vld [tilespmem:$0x1FE10];
	[tilespmem:v17+s11+$0x0] =	vst.idx.msk $0xffff, v4  }
0x3fe: {  	v4 =	vld [tilespmem:$0x1FFA0];
	_ =	sdelay $0x3  }
0x3ff: {  	s30 =	simm.s32 $0x67F0  }
0x400: {  	v42 =	vld [tilespmem:s30+$0xFFFFFE50];
	v4 =	vadd.s32 v4, v52  }
0x401: {  	[tilespmem:$0x1FCA0] =	vst v4;
	v4 =	vld [tilespmem:$0x1FE30]  }
0x402: {  	s14 =	simm.s32 $0x8  }
0x403: {  	v43 =	vmov s14;
	s15 =	simm.s32 $0xF;
	s16 =	simm.s32 $0x9;
	v7 =	vadd.s32 v59, v52  }
0x404: {  	v40 =	vmov s15;
	v39 =	vmov s16;
	v3 =	vadd.f32 v3, v36  }
0x405: {  	v14 =	vadd.f32 v14, v36;
	v16 =	vadd.f32 v16, v36;
	v23 =	vadd.s32 v23, v55  }
0x406: {  	v6 =	vadd.f32 v6, v35;
	v11 =	vadd.s32 v61, v44;
	v4 =	vadd.s32 v4, v54  }
0x407: {  	v12 =	vadd.s32 v62, v55;
	v15 =	vadd.s32 v63, v0;
	v21 =	vadd.s32 v51, v29;
	[tilespmem:$0x1FCC0] =	vst v4  }
0x408: {  	s16 =	simm.s32 $0xB;
	v39 =	vshrl.u32 v39, $0x3;
	v20 =	vadd.s32 v50, v52;
	v10 =	vadd.s32 v56, v0;
	[tilespmem:v7+s11+$0x0] =	vst.idx.msk $0xffff, v16  }
0x409: {  	s14 =	simm.s32 $0xA;
	s17 =	simm.s32 $0xC;
	v58 =	vmov s16;
	v13 =	vadd.f32 v13, v35;
	v18 =	vadd.s32 v2, v54;
	v53 =	vld [tilespmem:s31+$0xFFFFFEB0];
	[tilespmem:v9+s11+$0x0] =	vst.idx.msk $0xffff, v19  }
0x40a: {  	v41 =	vadd.s32 v38, v37;
	v7 =	vmov s17;
	v16 =	vmov s14;
	[tilespmem:v23+s11+$0x0] =	vst.idx.msk $0xffff, v14;
	v46 =	vld [tilespmem:s31+$0xFFFFFFA0]  }
0x40b: {  	v45 =	vld [tilespmem:s30+$0xFFFFFE90];
	v19 =	vshll.u32 v39, v1;
	[tilespmem:v11+s11+$0x0] =	vst.idx.msk $0xffff, v6;
	v16 =	vshrl.u32 v16, $0x3;
	v7 =	vshrl.u32 v7, $0x3  }
0x40c: {  	[tilespmem:v21+s11+$0x0] =	vst.idx.msk $0xffff, v13;
	v19 =	vbroadcast v19, $0x0;
	v14 =	vshll.u32 v16, v1;
	v16 =	vld [tilespmem:s31+$0xFFFFFE70];
	v7 =	vshll.u32 v7, v1  }
0x40d: {  	[tilespmem:v15+s11+$0x0] =	vst.idx.msk $0xffff, v8;
	v39 =	vbroadcast v14, $0x0;
	v14 =	vshrl.u32 v40, $0x3;
	v40 =	vbroadcast v7, $0x0;
	v7 =	vld [tilespmem:s30+$0xFFFFFE10]  }
0x40e: {  	v26 =	vadd.s32 v57, v54;
	v47 =	vld [tilespmem:s30+$0xFFFFFF10];
	v13 =	vshrl.u32 v43, $0x3;
	[tilespmem:v18+s11+$0x0] =	vst.idx.msk $0xffff, v3;
	v23 =	vadd.s32 v30, v19  }
0x40f: {  	v43 =	vld [tilespmem:s30+$0xFFFFFFD0];
	v38 =	vadd.s32 v48, v19;
	v11 =	vadd.f32 v53, v34;
	v15 =	vadd.f32 v46, v35  }
0x410: {  	s17 =	simm.s32 $0xE;
	v21 =	vadd.s32 v49, v39;
	v8 =	vadd.s32 v32, v40;
	v32 =	vld [tilespmem:s31+$0xFFFFFFE0];
	v3 =	vadd.f32 v45, v36  }
0x411: {  	v6 =	vld [tilespmem:s31+$0xFFFFFF60];
	v46 =	vadd.f32 v42, v36;
	v16 =	vadd.f32 v16, v34;
	[tilespmem:v20+s11+$0x0] =	vst.idx.msk $0xffff, v15;
	v15 =	vmov s17  }
0x412: {  	v18 =	vld [tilespmem:s31+$0xFFFFFE20];
	[tilespmem:v41+s11+$0x0] =	vst.idx.msk $0xffff, v11;
	v41 =	vshrl.u32 v58, $0x3;
	v48 =	vadd.f32 v7, v36;
	v15 =	vshrl.u32 v15, $0x3  }
0x413: {  	[tilespmem:v24+s11+$0x0] =	vst.idx.msk $0xffff, v16;
	v16 =	vld [tilespmem:s31+$0xFFFFFF30];
	v7 =	vshll.u32 v15, v1;
	v15 =	vshll.u32 v41, v1  }
0x414: {  	v53 =	vld [tilespmem:s30+$0xFFFFFED0];
	v49 =	vadd.f32 v43, v36;
	[tilespmem:v23+s11+$0x0] =	vst.idx.msk $0xffff, v46;
	v24 =	vadd.f32 v47, v36;
	v43 =	vbroadcast v15, $0x0  }
0x415: {  	v17 =	vadd.s32 v28, v44;
	[tilespmem:v21+s11+$0x0] =	vst.idx.msk $0xffff, v3;
	v3 =	vadd.f32 v32, v35  }
0x416: {  	v6 =	vadd.f32 v6, v35;
	[tilespmem:v8+s11+$0x0] =	vst.idx.msk $0xffff, v24;
	v8 =	vadd.s32 v60, v43  }
0x417: {  	v4 =	vld [tilespmem:s30+$0xFFFFFF90];
	[tilespmem:v10+s11+$0x0] =	vst.idx.msk $0xffff, v3;
	v10 =	vadd.f32 v18, v35  }
0x418: {  	[tilespmem:v12+s11+$0x0] =	vst.idx.msk $0xffff, v6;
	v3 =	vadd.f32 v16, v34  }
0x419: {  	v12 =	vadd.f32 v53, v36;
	v18 =	vld [tilespmem:$0x1FF30];
	[tilespmem:v26+s11+$0x0] =	vst.idx.msk $0xffff, v10  }
0x41a: {  	[tilespmem:v17+s11+$0x0] =	vst.idx.msk $0xffff, v3  }
0x41b: {  	v6 =	vld [tilespmem:s31+$0xFFFFFFF0];
	[tilespmem:v8+s11+$0x0] =	vst.idx.msk $0xffff, v12  }
0x41c: {  	v8 =	vadd.f32 v4, v36;
	v4 =	vld [tilespmem:$0x1FC80]  }
0x41d: {  	v41 =	vbroadcast v7, $0x0;
	v7 =	vld [tilespmem:s31+$0xFFFFFE80]  }
0x41e: {  	v5 =	vadd.s32 v25, v0;
	_ =	sdelay $0x1  }
0x41f: {  	v12 =	vld [tilespmem:$0x1FF70]  }
0x420: {  	v6 =	vadd.f32 v6, v34  }
0x421: {  	v13 =	vshll.u32 v13, v1;
	v7 =	vadd.f32 v7, v33  }
0x422: {  	v16 =	vadd.s32 v18, v44;
	v44 =	vbroadcast v13, $0x0;
	[tilespmem:v5+s11+$0x0] =	vst.idx.msk $0xffff, v6  }
0x423: {  	[tilespmem:v4+s11+$0x0] =	vst.idx.msk $0xffff, v7  }
0x424: {  	v14 =	vshll.u32 v14, v1;
	v60 =	vadd.s32 v12, v55;
	v55 =	vadd.s32 v2, v44;
	v2 =	vld [tilespmem:$0x1FC90]  }
0x425: {  	v45 =	vbroadcast v14, $0x0;
	v14 =	vld [tilespmem:s31+$0xFFFFFEF0];
	_ =	sdelay $0x2  }
0x426: {  	s15 =	simm.s32 $0xD  }
0x427: {  	v9 =	vmov s15  }
0x428: {  	v9 =	vshrl.u32 v9, $0x3;
	v12 =	vadd.f32 v14, v34  }
0x429: {  	v9 =	vshll.u32 v9, v1  }
0x42a: {  	v42 =	vbroadcast v9, $0x0;
	v9 =	vld [tilespmem:s31+$0xFFFFFFB0];
	[tilespmem:v2+s11+$0x0] =	vst.idx.msk $0xffff, v12  }
0x42b: {  	v2 =	vld [tilespmem:$0x1FF00];
	_ =	sdelay $0x4  }
0x42c: {  	v14 =	vadd.f32 v9, v34;
	v9 =	vadd.s32 v2, v29;
	v2 =	vld [tilespmem:$0x1FCA0];
	_ =	sdelay $0x2  }
0x42d: {  	v11 =	vld [tilespmem:s30+$0xFFFFFF50];
	_ =	sdelay $0x4  }
0x42e: {  	v47 =	vadd.s32 v62, v42;
	v62 =	vadd.f32 v11, v36;
	v11 =	vld [tilespmem:s31+$0xFFFFFF40];
	[tilespmem:v2+s11+$0x0] =	vst.idx.msk $0xffff, v14  }
0x42f: {  	v5 =	vld [tilespmem:$0x1FFE0];
	_ =	sdelay $0x4  }
0x430: {  	v12 =	vadd.f32 v11, v33;
	v11 =	vadd.s32 v5, v0;
	v0 =	vld [tilespmem:$0x1FCB0]  }
0x431: {  	v10 =	vld [tilespmem:s31+$0xFFFFFF70];
	_ =	sdelay $0x4  }
0x432: {  	v10 =	vadd.f32 v10, v34;
	_ =	sdelay $0x1  }
0x433: {  	[tilespmem:v0+s11+$0x0] =	vst.idx.msk $0xffff, v10  }
0x434: {  	v0 =	vld [tilespmem:$0x1FE00];
	_ =	sdelay $0x2  }
0x435: {  	v17 =	vld [tilespmem:s30+$0xFFFFFE60];
	_ =	sdelay $0x1  }
0x436: {  	v10 =	vadd.s32 v0, v52;
	v0 =	vld [tilespmem:$0x1FE40];
	_ =	sdelay $0x1  }
0x437: {  	v15 =	vld [tilespmem:s30+$0xFFFFFF20]  }
0x438: {  	v18 =	vadd.f32 v17, v35;
	v17 =	vld [tilespmem:s31+$0xFFFFFE30]  }
0x439: {  	v7 =	vld [tilespmem:s30+$0xFFFFFEA0];
	[tilespmem:v16+s11+$0x0] =	vst.idx.msk $0xffff, v12  }
0x43a: {  	v20 =	vadd.s32 v61, v40;
	v5 =	vadd.s32 v0, v54;
	v0 =	vld [tilespmem:$0x1FF40]  }
0x43b: {  	v2 =	vld [tilespmem:s31+$0x0];
	_ =	sdelay $0x1  }
0x43c: {  	v13 =	vadd.f32 v15, v35  }
0x43d: {  	v58 =	vld [tilespmem:s31+$0xFFFFFEC0]  }
0x43e: {  	v14 =	vadd.f32 v7, v35;
	v26 =	vmov v0;
	v16 =	vadd.s32 v0, v42;
	v0 =	vld [tilespmem:$0x1FE70];
	[tilespmem:v20+s11+$0x0] =	vst.idx.msk $0xffff, v13  }
0x43f: {  	v7 =	vadd.f32 v17, v34;
	v17 =	vadd.f32 v2, v33;
	v2 =	vld [tilespmem:$0x1FF60];
	_ =	sdelay $0x4  }
0x440: {  	v61 =	vadd.f32 v58, v33;
	v58 =	vadd.s32 v50, v41;
	v50 =	vadd.s32 v2, v42;
	v2 =	vld [tilespmem:$0x1FCC0];
	_ =	sdelay $0x1  }
0x441: {  	v24 =	vadd.s32 v27, v19;
	_ =	sdelay $0x4  }
0x442: {  	[tilespmem:v24+s11+$0x0] =	vst.idx.msk $0xffff, v18  }
0x443: {  	v6 =	vld [tilespmem:s30+$0xFFFFFEE0];
	[tilespmem:v2+s11+$0x0] =	vst.idx.msk $0xffff, v7  }
0x444: {  	v4 =	vld [tilespmem:$0x1FEB0]  }
0x445: {  	v7 =	vld [tilespmem:$0x1FFA0]  }
0x446: {  	v59 =	vadd.s32 v59, v41;
	v15 =	vld [tilespmem:s31+$0xFFFFFF00]  }
0x447: {  	v56 =	vadd.s32 v56, v45;
	v53 =	vadd.s32 v63, v45;
	v3 =	vadd.s32 v22, v39;
	v12 =	vld [tilespmem:s31+$0xFFFFFFC0]  }
0x448: {  	v32 =	vmovc v57;
	v46 =	vadd.s32 v31, v43;
	v63 =	vadd.s32 v51, v43;
	v6 =	vadd.f32 v6, v35;
	v13 =	vld [tilespmem:s31+$0xFFFFFE40]  }
0x449: {  	v52 =	vadd.s32 v25, v45;
	v54 =	vadd.s32 v57, v44;
	v30 =	vmovc v0;
	v0 =	vadd.s32 v0, v19;
	v28 =	vld [tilespmem:$0x1FEC0]  }
0x44a: {  	s0 =	simm.s32 $0x10;
	s12 =	simm.s32 $0x69F0;
	v31 =	vmovc v25;
	v2 =	vld [tilespmem:s31+$0xFFFFFF80];
	v27 =	vmovc v4;
	v4 =	vadd.s32 v4, v39;
	v29 =	vmov v7;
	v51 =	vadd.s32 v7, v41  }
.LBB2_19:
0x44b: {  	s14 =	smov.u32 s0;
	[tilespmem:v59+s11+$0x0] =	vst.idx.msk $0xffff, v8  }
0x44c: {  	v7 =	vld [tilespmem:$0x1FE30];
	[tilespmem:v3+s11+$0x0] =	vst.idx.msk $0xffff, v14;
	s17 =	sadd.s32 $0x2, s14  }
0x44d: {  	[tilespmem:v11+s11+$0x0] =	vst.idx.msk $0xffff, v17;
	v8 =	vld [tilespmem:s12+$0xFFFFFF90];
	v17 =	vmov s17;
	v3 =	vadd.f32 v15, v33  }
0x44e: {  	v22 =	vadd.s32 v28, v37;
	[tilespmem:v16+s11+$0x0] =	vst.idx.msk $0xffff, v62;
	v21 =	vld [tilespmem:s30+$0xFFFFFEB0];
	v16 =	vshrl.u32 v17, $0x3;
	v13 =	vadd.f32 v13, v33  }
0x44f: {  	v19 =	vmov s14;
	v12 =	vadd.f32 v12, v33;
	[tilespmem:v9+s11+$0x0] =	vst.idx.msk $0xffff, v3;
	v9 =	vshll.u32 v16, v1;
	v16 =	vld [tilespmem:s30+$0xFFFFFFA0]  }
0x450: {  	[tilespmem:v5+s11+$0x0] =	vst.idx.msk $0xffff, v13;
	v13 =	vshrl.u32 v19, $0x3;
	v19 =	vld [tilespmem:$0x1FE90]  }
0x451: {  	[tilespmem:v10+s11+$0x0] =	vst.idx.msk $0xffff, v12;
	v12 =	vld [tilespmem:s30+$0xFFFFFE70]  }
0x452: {  	v18 =	vld [tilespmem:s12+$0xFFFFFE50];
	s15 =	sadd.s32 $0x4, s14;
	v3 =	vadd.f32 v2, v33  }
0x453: {  	v37 =	vmov v39;
	v14 =	vmov s15;
	v23 =	vld [tilespmem:s12+$0xFFFFFE90];
	[tilespmem:v22+s11+$0x0] =	vst.idx.msk $0xffff, v61;
	v39 =	vbroadcast v9, $0x0  }
0x454: {  	v17 =	vld [tilespmem:s30+$0xFFFFFF60];
	v10 =	vshrl.u32 v14, $0x3;
	[tilespmem:v60+s11+$0x0] =	vst.idx.msk $0xffff, v3  }
0x455: {  	v59 =	vld [tilespmem:$0x1FE80];
	v3 =	vshll.u32 v10, v1;
	v10 =	vadd.f32 v21, v34;
	v19 =	vadd.s32 v19, v39  }
0x456: {  	s13 =	sadd.s32 $0x7, s0;
	v57 =	vadd.s32 v7, v44;
	v7 =	vld [tilespmem:$0x1FFF0];
	[tilespmem:v63+s11+$0x0] =	vst.idx.msk $0xffff, v6;
	v12 =	vadd.f32 v12, v34  }
0x457: {  	v20 =	vmov s13;
	s13 =	sadd.s32 $0x1, s14;
	v6 =	vld [tilespmem:$0x1FF10];
	[tilespmem:v4+s11+$0x0] =	vst.idx.msk $0xffff, v10  }
0x458: {  	v11 =	vmov s13;
	v60 =	vld [tilespmem:s12+$0xFFFFFF10];
	[tilespmem:v0+s11+$0x0] =	vst.idx.msk $0xffff, v12;
	v12 =	vadd.f32 v23, v36  }
0x459: {  	s31 =	sadd.s32 $0x6, s14;
	v11 =	vshrl.u32 v11, $0x3;
	v0 =	vld [tilespmem:s30+$0xFFFFFEC0]  }
0x45a: {  	v3 =	vbroadcast v3, $0x0;
	v4 =	vadd.f32 v18, v36;
	v18 =	vmov s31;
	[tilespmem:v19+s11+$0x0] =	vst.idx.msk $0xffff, v12;
	v19 =	vld [tilespmem:$0x1FF80]  }
0x45b: {  	v2 =	vshll.u32 v11, v1;
	v18 =	vshrl.u32 v18, $0x3  }
0x45c: {  	v24 =	vld [tilespmem:s30+$0xFFFFFF30];
	v2 =	vbroadcast v2, $0x0;
	v6 =	vadd.s32 v6, v3;
	v18 =	vshll.u32 v18, v1  }
0x45d: {  	v25 =	vld [tilespmem:s12+$0xFFFFFFD0];
	v11 =	vshrl.u32 v20, $0x3;
	v18 =	vbroadcast v18, $0x0  }
0x45e: {  	v14 =	vld [tilespmem:$0x1FE50];
	v11 =	vshll.u32 v11, v1;
	v20 =	vadd.s32 v59, v2;
	v7 =	vadd.s32 v7, v40  }
0x45f: {  	v21 =	vadd.f32 v60, v36;
	v59 =	vadd.s32 v19, v18;
	v19 =	vbroadcast v11, $0x0;
	v11 =	vld [tilespmem:$0x1FF20]  }
0x460: {  	v62 =	vld [tilespmem:$0x1FE60]  }
0x461: {  	v24 =	vadd.f32 v24, v34;
	v5 =	vld [tilespmem:s12+$0xFFFFFE10];
	[tilespmem:v6+s11+$0x0] =	vst.idx.msk $0xffff, v21  }
0x462: {  	[tilespmem:v53+s11+$0x0] =	vst.idx.msk $0xffff, v49;
	v12 =	vld [tilespmem:s12+$0xFFFFFF20]  }
0x463: {  	s16 =	sadd.s32 $0x5, s14;
	v14 =	vadd.s32 v14, v2;
	[tilespmem:v7+s11+$0x0] =	vst.idx.msk $0xffff, v24;
	v24 =	vld [tilespmem:$0x1FF70]  }
0x464: {  	v15 =	vmov s16;
	[tilespmem:v55+s11+$0x0] =	vst.idx.msk $0xffff, v48;
	v49 =	vadd.f32 v25, v36;
	v25 =	vadd.s32 v11, v3;
	v11 =	vld [tilespmem:$0x1FF50]  }
0x465: {  	v15 =	vshrl.u32 v15, $0x3;
	v55 =	vld [tilespmem:s30+$0xFFFFFE20]  }
0x466: {  	v15 =	vshll.u32 v15, v1;
	v9 =	vld [tilespmem:s12+$0xFFFFFF50]  }
0x467: {  	v16 =	vadd.f32 v16, v35;
	v23 =	vld [tilespmem:s30+$0xFFFFFE80];
	v6 =	vbroadcast v15, $0x0  }
0x468: {  	v17 =	vadd.f32 v17, v35;
	[tilespmem:v14+s11+$0x0] =	vst.idx.msk $0xffff, v4;
	v14 =	vld [tilespmem:$0x1FF30]  }
0x469: {  	s14 =	sadd.s32 $0x3, s14;
	[tilespmem:v58+s11+$0x0] =	vst.idx.msk $0xffff, v16;
	v60 =	vadd.s32 v24, v42;
	v42 =	vmov v6;
	v11 =	vadd.s32 v11, v6;
	v6 =	vld [tilespmem:$0x1FE10]  }
0x46a: {  	v61 =	vmov s14;
	[tilespmem:v47+s11+$0x0] =	vst.idx.msk $0xffff, v17;
	v15 =	vld [tilespmem:s30+$0xFFFFFFB0]  }
0x46b: {  	v22 =	vshrl.u32 v61, $0x3;
	v13 =	vshll.u32 v13, v1;
	v7 =	vld [tilespmem:s30+$0xFFFFFF70]  }
0x46c: {  	v22 =	vshll.u32 v22, v1;
	v13 =	vbroadcast v13, $0x0  }
0x46d: {  	v5 =	vadd.f32 v5, v36;
	v21 =	vadd.s32 v62, v2;
	v62 =	vadd.f32 v9, v36  }
0x46e: {  	v10 =	vld [tilespmem:s12+$0xFFFFFED0];
	v9 =	vadd.f32 v55, v35;
	v55 =	vadd.s32 v6, v13;
	v6 =	vadd.f32 v23, v33  }
0x46f: {  	v48 =	vmovc v5;
	v5 =	vbroadcast v22, $0x0;
	v61 =	vadd.f32 v0, v33;
	v22 =	vadd.s32 v14, v40;
	v14 =	vld [tilespmem:s12+$0xFFFFFE60]  }
0x470: {  	v0 =	vadd.f32 v15, v34;
	[tilespmem:v38+s11+$0x0] =	vst.idx.msk $0xffff, v6;
	v6 =	vadd.f32 v7, v34;
	v7 =	vld [tilespmem:$0x1FF90]  }
0x471: {  	v16 =	vld [tilespmem:s30+$0xFFFFFFE0]  }
0x472: {  	[tilespmem:v51+s11+$0x0] =	vst.idx.msk $0xffff, v0;
	v0 =	vld [tilespmem:$0x1FFE0]  }
0x473: {  	v40 =	vmov v3;
	v3 =	vld [tilespmem:$0x1FED0]  }
0x474: {  	v47 =	vmov v11;
	v11 =	vld [tilespmem:s30+$0xFFFFFF40]  }
0x475: {  	v58 =	vadd.s32 v7, v18;
	v7 =	vld [tilespmem:$0x1FF00]  }
0x476: {  	v16 =	vadd.f32 v16, v35;
	_ =	sdelay $0x1  }
0x477: {  	v4 =	vadd.f32 v10, v36;
	v10 =	vld [tilespmem:s30+$0xFFFFFEF0];
	[tilespmem:v56+s11+$0x0] =	vst.idx.msk $0xffff, v16;
	v16 =	vadd.s32 v3, v5  }
0x478: {  	[tilespmem:v54+s11+$0x0] =	vst.idx.msk $0xffff, v9;
	v3 =	vld [tilespmem:$0x1FEF0]  }
0x479: {  	v9 =	vadd.s32 v7, v43;
	v7 =	vadd.f32 v11, v33;
	v11 =	vadd.s32 v0, v45;
	v0 =	vld [tilespmem:$0x1FFC0];
	_ =	sdelay $0x2  }
0x47a: {  	v17 =	vld [tilespmem:s30+$0xFFFFFFF0];
	v10 =	vadd.f32 v10, v34;
	[tilespmem:v16+s11+$0x0] =	vst.idx.msk $0xffff, v4  }
0x47b: {  	v56 =	vadd.s32 v3, v5;
	v16 =	vld [tilespmem:s12+$0xFFFFFEE0];
	v45 =	vmov v19  }
0x47c: {  	[tilespmem:v46+s11+$0x0] =	vst.idx.msk $0xffff, v10;
	v46 =	vmov v56;
	v56 =	vadd.s32 v0, v45;
	v0 =	vld [tilespmem:$0x1FE00]  }
0x47d: {  	v63 =	vld [tilespmem:$0x1FFB0]  }
0x47e: {  	v24 =	vadd.f32 v12, v35;
	v12 =	vld [tilespmem:s12+$0xFFFFFEA0]  }
0x47f: {  	v15 =	vadd.f32 v17, v34;
	v4 =	vld [tilespmem:s30+$0xFFFFFE30]  }
0x480: {  	v43 =	vmov v5;
	v5 =	vld [tilespmem:$0x1FEE0]  }
0x481: {  	[tilespmem:v52+s11+$0x0] =	vst.idx.msk $0xffff, v15;
	v10 =	vadd.s32 v0, v41;
	v0 =	vld [tilespmem:$0x1FE40]  }
0x482: {  	v17 =	vld [tilespmem:s30+$0x0]  }
0x483: {  	v3 =	vld [tilespmem:$0x1FEA0];
	v23 =	vadd.f32 v14, v35  }
0x484: {  	v8 =	vadd.f32 v8, v36  }
0x485: {  	v53 =	vadd.s32 v63, v19;
	[tilespmem:v21+s11+$0x0] =	vst.idx.msk $0xffff, v23;
	v4 =	vadd.f32 v4, v34  }
0x486: {  	p0 =	slt.u32 s0, $0x78;
	v63 =	vadd.s32 v5, v43;
	v5 =	vadd.s32 v0, v44;
	v0 =	vadd.s32 v30, v2;
	v2 =	vld [tilespmem:$0x1FF60]  }
.Ltmp8:
0x487: {  	v17 =	vadd.f32 v17, v33;
	v14 =	vadd.f32 v12, v35;
	[tilespmem:v50+s11+$0x0] =	vst.idx.msk $0xffff, v6;
	(pc) =	sbr.rel @p0 .LBB2_19-.Ltmp8, $4  }
0x488: {  	v12 =	vld [tilespmem:s30+$0xFFFFFFC0];
	v3 =	vadd.s32 v3, v39;
	v6 =	vadd.f32 v16, v35;
	[tilespmem:v57+s11+$0x0] =	vst.idx.msk $0xffff, v4  }
0x489: {  	v15 =	vld [tilespmem:s30+$0xFFFFFF00];
	v16 =	vadd.s32 v26, v42;
	v4 =	vadd.s32 v27, v39;
	[tilespmem:v22+s11+$0x0] =	vst.idx.msk $0xffff, v7  }
0x48a: {  	v52 =	vadd.s32 v31, v45;
	[tilespmem:v25+s11+$0x0] =	vst.idx.msk $0xffff, v24;
	v41 =	vmov v18;
	v44 =	vmov v13;
	v13 =	vld [tilespmem:s30+$0xFFFFFE40]  }
0x48b: {  	s0 =	sadd.s32 $0x8, s0;
	v38 =	vmovc v20;
	v51 =	vadd.s32 v29, v41;
	v54 =	vadd.s32 v32, v44;
	v50 =	vadd.s32 v2, v42;
	v2 =	vld [tilespmem:s30+$0xFFFFFF80];
	s30 =	smov.u32 s12;
	s12 =	sadd.s32 $0x200, s12  }
0x48c: {  	_ =	sdelay $0x3  }
0x48d: {  	[tilespmem:v59+s11+$0x0] =	vst.idx.msk $0xffff, v8  }
0x48e: {  	[tilespmem:v3+s11+$0x0] =	vst.idx.msk $0xffff, v14  }
0x48f: {  	[tilespmem:v53+s11+$0x0] =	vst.idx.msk $0xffff, v49  }
0x490: {  	[tilespmem:v11+s11+$0x0] =	vst.idx.msk $0xffff, v17  }
0x491: {  	v22 =	vadd.s32 v28, v37;
	[tilespmem:v16+s11+$0x0] =	vst.idx.msk $0xffff, v62;
	v7 =	vld [tilespmem:s30+$0xFFFFFFE0]  }
0x492: {  	[tilespmem:v55+s11+$0x0] =	vst.idx.msk $0xffff, v48;
	v23 =	vadd.f32 v12, v33  }
0x493: {  	[tilespmem:v63+s11+$0x0] =	vst.idx.msk $0xffff, v6;
	v3 =	vadd.f32 v15, v33  }
0x494: {  	[tilespmem:v10+s11+$0x0] =	vst.idx.msk $0xffff, v23  }
0x495: {  	[tilespmem:v9+s11+$0x0] =	vst.idx.msk $0xffff, v3;
	v2 =	vadd.f32 v2, v33  }
0x496: {  	[tilespmem:v22+s11+$0x0] =	vst.idx.msk $0xffff, v61;
	v7 =	vadd.f32 v7, v35  }
0x497: {  	v3 =	vld [tilespmem:s30+$0xFFFFFFA0];
	[tilespmem:v60+s11+$0x0] =	vst.idx.msk $0xffff, v2  }
0x498: {  	v24 =	vld [tilespmem:s30+$0xFFFFFF60];
	[tilespmem:v56+s11+$0x0] =	vst.idx.msk $0xffff, v7  }
0x499: {  	v30 =	vld [tilespmem:$0x1FFF0]  }
0x49a: {  	v25 =	vld [tilespmem:s30+$0xFFFFFE70]  }
0x49b: {  	v2 =	vld [tilespmem:s30+$0xFFFFFE20]  }
0x49c: {  	v26 =	vld [tilespmem:s30+$0xFFFFFF30];
	v3 =	vadd.f32 v3, v35  }
0x49d: {  	v27 =	vadd.f32 v24, v35;
	v7 =	vld [tilespmem:s30+$0xFFFFFFF0]  }
0x49e: {  	v32 =	vadd.f32 v13, v33;
	[tilespmem:v58+s11+$0x0] =	vst.idx.msk $0xffff, v3;
	v3 =	vld [tilespmem:s30+$0xFFFFFEF0];
	v31 =	vadd.s32 v30, v40  }
0x49f: {  	v37 =	vadd.f32 v25, v34;
	[tilespmem:v47+s11+$0x0] =	vst.idx.msk $0xffff, v27  }
0x4a0: {  	[tilespmem:v5+s11+$0x0] =	vst.idx.msk $0xffff, v32;
	v2 =	vadd.f32 v2, v35  }
0x4a1: {  	v8 =	vadd.f32 v26, v34;
	[tilespmem:v0+s11+$0x0] =	vst.idx.msk $0xffff, v37  }
0x4a2: {  	v6 =	vld [tilespmem:s30+$0xFFFFFF70];
	[tilespmem:v54+s11+$0x0] =	vst.idx.msk $0xffff, v2;
	v2 =	vadd.f32 v7, v34  }
0x4a3: {  	v36 =	vld [tilespmem:s30+$0xFFFFFFB0];
	v3 =	vadd.f32 v3, v34;
	[tilespmem:v31+s11+$0x0] =	vst.idx.msk $0xffff, v8  }
0x4a4: {  	v48 =	vld [tilespmem:$0x1FE30];
	[tilespmem:v52+s11+$0x0] =	vst.idx.msk $0xffff, v2  }
0x4a5: {  	v47 =	vld [tilespmem:s30+$0xFFFFFEB0];
	[tilespmem:v46+s11+$0x0] =	vst.idx.msk $0xffff, v3  }
0x4a6: {  	v53 =	vld [tilespmem:$0x1FF30]  }
0x4a7: {  	v0 =	vld [tilespmem:s30+$0xFFFFFE30]  }
0x4a8: {  	v5 =	vld [tilespmem:s30+$0xFFFFFE80];
	v49 =	vadd.f32 v36, v34  }
0x4a9: {  	v8 =	vld [tilespmem:s30+$0xFFFFFF40];
	v2 =	vadd.f32 v6, v34;
	v7 =	vadd.s32 v48, v44  }
0x4aa: {  	v52 =	vadd.f32 v47, v34;
	v3 =	vld [tilespmem:s30+$0x0];
	[tilespmem:v51+s11+$0x0] =	vst.idx.msk $0xffff, v49  }
0x4ab: {  	v9 =	vld [tilespmem:$0x1FFE0];
	[tilespmem:v50+s11+$0x0] =	vst.idx.msk $0xffff, v2;
	v10 =	vadd.s32 v53, v40  }
0x4ac: {  	v0 =	vadd.f32 v0, v34;
	v54 =	vld [tilespmem:s30+$0xFFFFFF00];
	[tilespmem:v4+s11+$0x0] =	vst.idx.msk $0xffff, v52  }
0x4ad: {  	v55 =	vadd.f32 v5, v33;
	v56 =	vld [tilespmem:$0x1FF00]  }
0x4ae: {  	v59 =	vld [tilespmem:$0x1FE00];
	v8 =	vadd.f32 v8, v33;
	[tilespmem:v7+s11+$0x0] =	vst.idx.msk $0xffff, v0  }
0x4af: {  	v0 =	vld [tilespmem:$0x1FF70];
	[tilespmem:v38+s11+$0x0] =	vst.idx.msk $0xffff, v55  }
0x4b0: {  	v58 =	vld [tilespmem:s30+$0xFFFFFEC0];
	[tilespmem:v10+s11+$0x0] =	vst.idx.msk $0xffff, v8  }
0x4b1: {  	v9 =	vadd.s32 v9, v45;
	v10 =	vld [tilespmem:$0x1FE40]  }
0x4b2: {  	v62 =	vadd.s32 v28, v39;
	v2 =	vld [tilespmem:s30+$0xFFFFFFC0]  }
0x4b3: {  	v57 =	vld [tilespmem:s30+$0xFFFFFF80];
	v5 =	vadd.s32 v56, v43  }
0x4b4: {  	v3 =	vadd.f32 v3, v33;
	v13 =	vadd.s32 v59, v41;
	v60 =	vld [tilespmem:s30+$0xFFFFFE40]  }
0x4b5: {  	v63 =	vadd.f32 v58, v33;
	v0 =	vadd.s32 v0, v42  }
0x4b6: {  	v61 =	vadd.f32 v54, v33;
	[tilespmem:v9+s11+$0x0] =	vst.idx.msk $0xffff, v3;
	v10 =	vadd.s32 v10, v44  }
0x4b7: {  	v2 =	vadd.f32 v2, v33;
	[tilespmem:v62+s11+$0x0] =	vst.idx.msk $0xffff, v63  }
0x4b8: {  	v3 =	vadd.f32 v57, v33;
	[tilespmem:v5+s11+$0x0] =	vst.idx.msk $0xffff, v61  }
0x4b9: {  	[tilespmem:v13+s11+$0x0] =	vst.idx.msk $0xffff, v2;
	v2 =	vadd.f32 v60, v33  }
0x4ba: {  	[tilespmem:v0+s11+$0x0] =	vst.idx.msk $0xffff, v3  }
0x4bb: {  	[tilespmem:v10+s11+$0x0] =	vst.idx.msk $0xffff, v2  }
0x4bc: {  	s0 =	rddreg [dreg:$0x8]  }
0x4bd: {  	s14 =	simm.s32 $0x12800;
	s12 =	sadd.s32 s26, s0  }
0x4be: {  	[hbm4b:s12+s3] =	stream.linear.scatter [tilespmem:s14], [sflag:$0x6], $0x80, $0x38;
	[tilespmem:$0x14E00] =	vst v63  }
0x4bf: {  	s15 =	simm.s32 $0x12890;
	s13 =	sadd.s32 $0x10, s12  }
0x4c0: {  	[hbm4b:s13+s3] =	stream.linear.scatter [tilespmem:s15], [sflag:$0x6], $0x80, $0x38;
	[tilespmem:$0x14E00] =	vst v63  }
0x4c1: {  	s16 =	simm.s32 $0x12920;
	s30 =	simm.s32 $0x129B0;
	s17 =	sadd.s32 $0x20, s12  }
0x4c2: {  	[hbm4b:s17+s3] =	stream.linear.scatter [tilespmem:s16], [sflag:$0x6], $0x80, $0x38;
	[tilespmem:$0x14E00] =	vst v63  }
0x4c3: {  	s0 =	simm.s32 $0x480;
	s31 =	sadd.s32 $0x30, s12;
	s14 =	simm.s32 $0x12A40  }
0x4c4: {  	[hbm4b:s31+s3] =	stream.linear.scatter [tilespmem:s30], [sflag:$0x6], $0x80, $0x38;
	[tilespmem:$0x14E00] =	vst v63  }
0x4c5: {  	s15 =	sadd.s32 $0x40, s12;
	s13 =	simm.s32 $0x2400;
	s16 =	simm.s32 $0x12AD0  }
0x4c6: {  	[hbm4b:s15+s3] =	stream.linear.scatter [tilespmem:s14], [sflag:$0x6], $0x80, $0x38;
	[tilespmem:$0x14E00] =	vst v63  }
0x4c7: {  	s17 =	sadd.s32 $0x50, s12;
	s30 =	simm.s32 $0x12B60;
	s31 =	sadd.s32 $0x60, s12  }
0x4c8: {  	[hbm4b:s17+s3] =	stream.linear.scatter [tilespmem:s16], [sflag:$0x6], $0x80, $0x38;
	[tilespmem:$0x14E00] =	vst v63  }
0x4c9: {  	s14 =	simm.s32 $0x12BF0;
	s15 =	sadd.s32 $0x70, s12;
	s12 =	sadd.s32 $0x1000, s12  }
0x4ca: {  	v45 =	vmov v30;
	[hbm4b:s31+s3] =	stream.linear.scatter [tilespmem:s30], [sflag:$0x6], $0x80, $0x38;
	[tilespmem:$0x14E00] =	vst v63  }
.LBB2_21:
0x4cb: {  	[hbm4b:s15+s3] =	stream.linear.scatter [tilespmem:s14], [sflag:$0x6], $0x80, $0x38;
	[tilespmem:$0x14E00] =	vst v63  }
0x4cc: {  	s14 =	smov.u32 s0;
	s0 =	smov.u32 s13  }
0x4cd: {  	s16 =	sadd.s32 $0x1200, s13;
	s0 =	sshra.s32 s0, $0x2;
	s15 =	sadd.s32 $0x12800, s14  }
0x4ce: {  	[hbm4b:s12+s3] =	stream.linear.scatter [tilespmem:s15], [sflag:$0x6], $0x80, $0x38;
	[tilespmem:$0x14E00] =	vst v63  }
0x4cf: {  	p0 =	sne.s32 s13, $0x7E00;
	s13 =	sadd.s32 $0x12890, s14;
	s15 =	sadd.s32 $0x10, s12  }
0x4d0: {  	[hbm4b:s15+s3] =	stream.linear.scatter [tilespmem:s13], [sflag:$0x6], $0x80, $0x38;
	[tilespmem:$0x14E00] =	vst v63  }
0x4d1: {  	s13 =	sadd.s32 $0x12920, s14;
	s15 =	sadd.s32 $0x20, s12  }
0x4d2: {  	[hbm4b:s15+s3] =	stream.linear.scatter [tilespmem:s13], [sflag:$0x6], $0x80, $0x38;
	[tilespmem:$0x14E00] =	vst v63  }
0x4d3: {  	s13 =	sadd.s32 $0x129B0, s14;
	s15 =	sadd.s32 $0x30, s12  }
0x4d4: {  	[hbm4b:s15+s3] =	stream.linear.scatter [tilespmem:s13], [sflag:$0x6], $0x80, $0x38;
	[tilespmem:$0x14E00] =	vst v63  }
0x4d5: {  	s13 =	sadd.s32 $0x12A40, s14;
	s15 =	sadd.s32 $0x40, s12  }
0x4d6: {  	[hbm4b:s15+s3] =	stream.linear.scatter [tilespmem:s13], [sflag:$0x6], $0x80, $0x38;
	[tilespmem:$0x14E00] =	vst v63  }
.Ltmp9:
0x4d7: {  	s13 =	sadd.s32 $0x12AD0, s14;
	s15 =	sadd.s32 $0x50, s12;
	(pc) =	sbr.rel @p0 .LBB2_21-.Ltmp9, $4  }
0x4d8: {  	[hbm4b:s15+s3] =	stream.linear.scatter [tilespmem:s13], [sflag:$0x6], $0x80, $0x38;
	[tilespmem:$0x14E00] =	vst v63  }
0x4d9: {  	s13 =	sadd.s32 $0x12B60, s14;
	s15 =	sadd.s32 $0x60, s12;
	s14 =	sadd.s32 $0x12BF0, s14  }
0x4da: {  	[hbm4b:s15+s3] =	stream.linear.scatter [tilespmem:s13], [sflag:$0x6], $0x80, $0x38;
	[tilespmem:$0x14E00] =	vst v63  }
0x4db: {  	s15 =	sadd.s32 $0x70, s12;
	s12 =	sadd.s32 $0x1000, s12;
	s13 =	smov.u32 s16  }
0x4dc: {  	[hbm4b:s15+s3] =	stream.linear.scatter [tilespmem:s14], [sflag:$0x6], $0x80, $0x38;
	[tilespmem:$0x14E00] =	vst v63  }
0x4dd: {  	s13 =	sadd.s32 $0x12800, s0  }
0x4de: {  	[hbm4b:s12+s3] =	stream.linear.scatter [tilespmem:s13], [sflag:$0x6], $0x80, $0x38;
	[tilespmem:$0x14E00] =	vst v63  }
0x4df: {  	s14 =	sadd.s32 $0x12890, s0;
	s15 =	sadd.s32 $0x10, s12  }
0x4e0: {  	[hbm4b:s15+s3] =	stream.linear.scatter [tilespmem:s14], [sflag:$0x6], $0x80, $0x38;
	[tilespmem:$0x14E00] =	vst v63  }
0x4e1: {  	s16 =	sadd.s32 $0x12920, s0;
	s17 =	sadd.s32 $0x20, s12  }
0x4e2: {  	[hbm4b:s17+s3] =	stream.linear.scatter [tilespmem:s16], [sflag:$0x6], $0x80, $0x38;
	[tilespmem:$0x14E00] =	vst v63  }
0x4e3: {  	s30 =	sadd.s32 $0x129B0, s0;
	s31 =	sadd.s32 $0x30, s12  }
0x4e4: {  	[hbm4b:s31+s3] =	stream.linear.scatter [tilespmem:s30], [sflag:$0x6], $0x80, $0x38;
	[tilespmem:$0x14E00] =	vst v63  }
0x4e5: {  	s14 =	sadd.s32 $0x12A40, s0;
	s15 =	sadd.s32 $0x40, s12  }
0x4e6: {  	[hbm4b:s15+s3] =	stream.linear.scatter [tilespmem:s14], [sflag:$0x6], $0x80, $0x38;
	[tilespmem:$0x14E00] =	vst v63  }
0x4e7: {  	s16 =	sadd.s32 $0x12AD0, s0;
	s17 =	sadd.s32 $0x50, s12  }
0x4e8: {  	[hbm4b:s17+s3] =	stream.linear.scatter [tilespmem:s16], [sflag:$0x6], $0x80, $0x38;
	[tilespmem:$0x14E00] =	vst v63  }
0x4e9: {  	s30 =	sadd.s32 $0x12B60, s0;
	s31 =	sadd.s32 $0x60, s12  }
0x4ea: {  	[hbm4b:s31+s3] =	stream.linear.scatter [tilespmem:s30], [sflag:$0x6], $0x80, $0x38;
	[tilespmem:$0x14E00] =	vst v63  }
0x4eb: {  	s13 =	sadd.s32 $0x12BF0, s0;
	s14 =	sadd.s32 $0x70, s12;
	s15 =	sshll.u32 s29, $0x5  }
0x4ec: {  	[hbm4b:s14+s3] =	stream.linear.scatter [tilespmem:s13], [sflag:$0x6], $0x80, $0x38;
	[tilespmem:$0x14E00] =	vst v63  }
0x4ed: {  	s12 =	simm.s32 $0x0;
	s0 =	sadd.s32 s6, s15;
	s16 =	simm.s32 $0x14C00  }
0x4ee: {  	[tilespmem:s16], [sflag:$0x1] =	stream.linear.gather [hbm4b:s0+s12], $0x100, $0x38;
	[tilespmem:$0x14E00] =	vst v63  }
0x4ef: {  	_ =	swait.ge [sflag:s19], $0x2000  }
0x4f0: {  	[sflag:s19] =	ssyncset.done $0x0  }
0x4f1: {  	[sflag:s19] =	ssyncadd.s32 $0xFFFFE000  }
0x4f2: {  	_ =	swait.ge [sflag:s19], $0x2000  }
0x4f3: {  	[sflag:s19] =	ssyncset.done $0x0  }
0x4f4: {  	[sflag:s19] =	ssyncadd.s32 $0xFFFFE000  }
0x4f5: {  	s17 =	smin.u32 s28, $0x2E;
	_ =	swait.ge [sflag:s19], $0x2000  }
0x4f6: {  	s28 =	sadd.s32 $0x3, s17;
	[sflag:s19] =	ssyncset.done $0x0  }
0x4f7: {  	s0 =	sshll.u32 s28, $0xE;
	[sflag:s19] =	ssyncadd.s32 $0xFFFFE000  }
0x4f8: {  	s0 =	sor.u32 s7, s0;
	_ =	swait.ge [sflag:s19], $0x2000  }
0x4f9: {  	s0 =	sshrl.u32 s0, $0x3;
	[sflag:s19] =	ssyncset.done $0x0  }
0x4fa: {  	s30 =	simm.s32 $0x200;
	s0 =	sadd.s32 s4, s0;
	[sflag:s19] =	ssyncadd.s32 $0xFFFFE000  }
0x4fb: {  	[tilespmem:s30], [sflag:$0x2] =	stream.strided.gather [hbm4b:s0+s20], $0x200, s23, s20, $0x38;
	[tilespmem:$0x14E00] =	vst v63  }
0x4fc: {  	_ =	swait.ge [sflag:s25], $0x200  }
0x4fd: {  	[sflag:s25] =	ssyncset.done $0x0  }
0x4fe: {  	[sflag:s25] =	ssyncadd.s32 $0xFFFFFE00  }
0x4ff: {  	_ =	swait.ge [sflag:s25], $0x100  }
0x500: {  	[sflag:s25] =	ssyncset.done $0x0  }
0x501: {  	s31 =	simm.s32 $0x400;
	[sflag:s25] =	ssyncadd.s32 $0xFFFFFF00  }
0x502: {  	[tilespmem:s31], [sflag:$0x3] =	stream.indirect.gather [hbm4b:s5+s20], $0x40, s12, s20, $0xb8;
	[tilespmem:$0x14E00] =	vst v63  }
0x503: {  	s13 =	simm.s32 $0x2400  }
0x504: {  	[tilespmem:s13], [sflag:$0x3] =	stream.indirect.gather [hbm4b:s5+s20], $0x40, s20, s20, $0xb8;
	[tilespmem:$0x14E00] =	vst v63  }
0x505: {  	s15 =	simm.s32 $0x4400;
	s14 =	simm.s32 $0x100  }
0x506: {  	[tilespmem:s15], [sflag:$0x3] =	stream.indirect.gather [hbm4b:s5+s20], $0x40, s14, s20, $0xb8;
	[tilespmem:$0x14E00] =	vst v63  }
0x507: {  	s17 =	simm.s32 $0x6400;
	s16 =	simm.s32 $0x180  }
0x508: {  	[tilespmem:s17], [sflag:$0x3] =	stream.indirect.gather [hbm4b:s5+s20], $0x40, s16, s20, $0xb8;
	[tilespmem:$0x14E00] =	vst v63  }
0x509: {  	_ =	swait.ge [sflag:s8], $0x2000  }
0x50a: {  	v48 =	vld [tilespmem:$0x1FF10]  }
0x50b: {  	v27 =	vld [tilespmem:$0x1FE50]  }
0x50c: {  	v49 =	vld [tilespmem:$0x1FE80]  }
0x50d: {  	[sflag:s8] =	ssyncset.done $0x0;
	v53 =	vld [tilespmem:$0x1FE90]  }
0x50e: {  	v0 =	vmov s12;
	s31 =	simm.s32 $0x4;
	s12 =	simm.s32 $0x1;
	v30 =	vld [tilespmem:$0x1FED0];
	[sflag:s8] =	ssyncadd.s32 $0xFFFFE000  }
0x50f: {  	s30 =	simm.s32 $0x7;
	v3 =	vmov s31;
	v4 =	vmov s12;
	v36 =	vld [tilespmem:$0x14D00]  }
0x510: {  	v2 =	vmov s30;
	v3 =	vshrl.u32 v3, $0x3;
	v4 =	vshrl.u32 v4, $0x3;
	s14 =	simm.s32 $0x2;
	v35 =	vld [tilespmem:$0x14D10]  }
0x511: {  	v3 =	vshll.u32 v3, v1;
	v4 =	vshll.u32 v4, v1;
	s15 =	simm.s32 $0x3;
	v5 =	vmov s14;
	v34 =	vld [tilespmem:$0x14D20]  }
0x512: {  	s30 =	simm.s32 $0x8500;
	v44 =	vbroadcast v3, $0x0;
	v3 =	vmov s15;
	v5 =	vshrl.u32 v5, $0x3;
	v33 =	vld [tilespmem:$0x14D30]  }
0x513: {  	v8 =	vbroadcast v4, $0x0;
	v3 =	vshrl.u32 v3, $0x3;
	v5 =	vshll.u32 v5, v1;
	v6 =	vld [tilespmem:s30+$0x0]  }
0x514: {  	v3 =	vshll.u32 v3, v1;
	v37 =	vbroadcast v5, $0x0;
	v7 =	vld [tilespmem:s30+$0xFFFFFF40]  }
0x515: {  	v56 =	vbroadcast v3, $0x0;
	v4 =	vld [tilespmem:s30+$0xFFFFFF80];
	v5 =	vadd.s32 v48, v44;
	v3 =	vadd.s32 v49, v8  }
0x516: {  	v11 =	vld [tilespmem:s30+$0xFFFFFFC0];
	v10 =	vadd.s32 v27, v8;
	[tilespmem:$0x1FC30] =	vst v3  }
0x517: {  	v12 =	vadd.s32 v53, v37;
	v3 =	vld [tilespmem:s30+$0xFFFFFF00]  }
0x518: {  	v14 =	vadd.s32 v30, v56;
	v13 =	vld [tilespmem:s30+$0xC0];
	v6 =	vadd.f32 v6, v36  }
0x519: {  	s16 =	simm.s32 $0x5;
	v15 =	vld [tilespmem:s30+$0x80];
	v7 =	vadd.f32 v7, v36  }
0x51a: {  	v9 =	vmov s16;
	v17 =	vld [tilespmem:s30+$0x40];
	v4 =	vadd.f32 v4, v36;
	[tilespmem:v5+s9+$0x0] =	vst.idx.msk $0xffff, v6  }
0x51b: {  	v5 =	vshrl.u32 v9, $0x3;
	[tilespmem:v10+s9+$0x0] =	vst.idx.msk $0xffff, v7;
	v7 =	vadd.f32 v11, v36;
	v6 =	vld [tilespmem:s30+$0x10]  }
0x51c: {  	[tilespmem:v12+s9+$0x0] =	vst.idx.msk $0xffff, v4;
	v5 =	vshll.u32 v5, v1;
	v9 =	vld [tilespmem:s30+$0xFFFFFF50]  }
0x51d: {  	v4 =	vbroadcast v5, $0x0;
	v5 =	vld [tilespmem:s30+$0xFFFFFF90];
	[tilespmem:v14+s9+$0x0] =	vst.idx.msk $0xffff, v7  }
0x51e: {  	v59 =	vld [tilespmem:$0x1FE60]  }
0x51f: {  	v61 =	vld [tilespmem:$0x1FF80]  }
0x520: {  	v63 =	vld [tilespmem:$0x1FF20]  }
0x521: {  	v10 =	vadd.f32 v13, v36;
	v13 =	vld [tilespmem:s30+$0xFFFFFFD0]  }
0x522: {  	v60 =	vld [tilespmem:$0x1FF50]  }
0x523: {  	v62 =	vld [tilespmem:$0x1FEA0]  }
0x524: {  	v26 =	vld [tilespmem:$0x1FE70]  }
0x525: {  	v0 =	vshrl.u32 v0, $0x3;
	s17 =	simm.s32 $0x6;
	v31 =	vld [tilespmem:$0x1FF60]  }
0x526: {  	v18 =	vshll.u32 v0, v1;
	v16 =	vmov s17;
	v24 =	vld [tilespmem:$0x1FEF0]  }
0x527: {  	v54 =	vbroadcast v18, $0x0;
	v2 =	vshrl.u32 v2, $0x3;
	v0 =	vshrl.u32 v16, $0x3;
	v23 =	vld [tilespmem:$0x1FFB0]  }
0x528: {  	v2 =	vshll.u32 v2, v1;
	v0 =	vshll.u32 v0, v1;
	v50 =	vld [tilespmem:$0x1FF90];
	v18 =	vadd.s32 v62, v37  }
0x529: {  	v52 =	vbroadcast v0, $0x0;
	v0 =	vbroadcast v2, $0x0;
	v51 =	vld [tilespmem:$0x1FEE0];
	v2 =	vadd.s32 v60, v4  }
0x52a: {  	v28 =	vld [tilespmem:$0x1FE20];
	v7 =	vadd.s32 v59, v8;
	v8 =	vadd.s32 v26, v8;
	v26 =	vadd.s32 v31, v4;
	[tilespmem:$0x1FC20] =	vst v2  }
0x52b: {  	v25 =	vld [tilespmem:$0x1FF40];
	v22 =	vadd.f32 v5, v35;
	v2 =	vadd.s32 v24, v56;
	[tilespmem:$0x1FC60] =	vst v26  }
0x52c: {  	v5 =	vld [tilespmem:$0x1FFC0];
	[tilespmem:$0x1FC40] =	vst v2  }
0x52d: {  	v2 =	vld [tilespmem:$0x1FE10];
	[tilespmem:v18+s9+$0x0] =	vst.idx.msk $0xffff, v22  }
0x52e: {  	v32 =	vld [tilespmem:$0x1FFA0];
	_ =	sdelay $0x2  }
0x52f: {  	s29 =	simm.s32 $0x8700  }
0x530: {  	v42 =	vld [tilespmem:s29+$0xFFFFFF40]  }
0x531: {  	v40 =	vld [tilespmem:s30+$0xFFFFFFA0];
	v26 =	vadd.s32 v32, v52  }
0x532: {  	[tilespmem:$0x1FC50] =	vst v26;
	v26 =	vld [tilespmem:$0x1FE30];
	_ =	sdelay $0x1  }
0x533: {  	v11 =	vadd.s32 v61, v52;
	_ =	sdelay $0x1  }
0x534: {  	s13 =	simm.s32 $0xC  }
0x535: {  	v39 =	vmov s13;
	s14 =	simm.s32 $0x9;
	v15 =	vadd.f32 v15, v36;
	v26 =	vadd.s32 v26, v54  }
0x536: {  	v43 =	vmov s14;
	v46 =	vadd.s32 v45, v44;
	v25 =	vadd.s32 v25, v4;
	v22 =	vld [tilespmem:$0x1FEB0];
	[tilespmem:$0x1FC70] =	vst v26  }
0x537: {  	v43 =	vshrl.u32 v43, $0x3;
	v3 =	vadd.f32 v3, v36;
	v12 =	vadd.s32 v63, v44;
	v57 =	vld [tilespmem:$0x1FFD0];
	[tilespmem:v11+s9+$0x0] =	vst.idx.msk $0xffff, v15  }
0x538: {  	v17 =	vadd.f32 v17, v36;
	v9 =	vadd.f32 v9, v35;
	v16 =	vadd.s32 v23, v0;
	v58 =	vld [tilespmem:s30+$0x90]  }
0x539: {  	s15 =	simm.s32 $0xA;
	v6 =	vadd.f32 v6, v35;
	v20 =	vadd.s32 v50, v52;
	v21 =	vadd.s32 v51, v56  }
0x53a: {  	v13 =	vadd.f32 v13, v35;
	v19 =	vadd.s32 v2, v54;
	v11 =	vmov s15;
	[tilespmem:v7+s9+$0x0] =	vst.idx.msk $0xffff, v9  }
0x53b: {  	v22 =	vadd.s32 v22, v37;
	[tilespmem:v25+s9+$0x0] =	vst.idx.msk $0xffff, v17;
	v9 =	vshrl.u32 v11, $0x3;
	v11 =	vshll.u32 v43, v1;
	v25 =	vld [tilespmem:s30+$0xFFFFFF60]  }
0x53c: {  	[tilespmem:v12+s9+$0x0] =	vst.idx.msk $0xffff, v6;
	v9 =	vshll.u32 v9, v1;
	v17 =	vbroadcast v11, $0x0;
	v11 =	vshrl.u32 v39, $0x3  }
0x53d: {  	v15 =	vld [tilespmem:s29+$0xFFFFFF80];
	[tilespmem:v16+s9+$0x0] =	vst.idx.msk $0xffff, v10;
	v39 =	vbroadcast v9, $0x0;
	v9 =	vshll.u32 v11, v1;
	v16 =	vadd.f32 v58, v35  }
0x53e: {  	v47 =	vld [tilespmem:s29+$0x0];
	[tilespmem:v21+s9+$0x0] =	vst.idx.msk $0xffff, v13;
	v11 =	vadd.f32 v40, v34;
	v45 =	vadd.s32 v27, v17;
	v40 =	vbroadcast v9, $0x0  }
0x53f: {  	s17 =	simm.s32 $0xB;
	v21 =	vadd.s32 v53, v39;
	[tilespmem:v20+s9+$0x0] =	vst.idx.msk $0xffff, v16;
	v20 =	vld [tilespmem:s30+$0xD0]  }
0x540: {  	[tilespmem:v19+s9+$0x0] =	vst.idx.msk $0xffff, v3;
	v53 =	vmov s17;
	v10 =	vadd.s32 v48, v40;
	v25 =	vadd.f32 v25, v34  }
0x541: {  	v14 =	vadd.s32 v5, v0;
	[tilespmem:v22+s9+$0x0] =	vst.idx.msk $0xffff, v11;
	v22 =	vshrl.u32 v53, $0x3;
	v53 =	vadd.f32 v42, v36  }
0x542: {  	v3 =	vadd.f32 v15, v36;
	[tilespmem:v8+s9+$0x0] =	vst.idx.msk $0xffff, v25;
	v8 =	vld [tilespmem:s30+$0x20]  }
0x543: {  	v25 =	vadd.f32 v47, v36;
	[tilespmem:v45+s9+$0x0] =	vst.idx.msk $0xffff, v53  }
0x544: {  	[tilespmem:v21+s9+$0x0] =	vst.idx.msk $0xffff, v3;
	v3 =	vadd.f32 v20, v35  }
0x545: {  	v43 =	vld [tilespmem:s29+$0xC0];
	[tilespmem:v10+s9+$0x0] =	vst.idx.msk $0xffff, v25  }
0x546: {  	s12 =	simm.s32 $0xF;
	v9 =	vld [tilespmem:s29+$0xFFFFFF00];
	[tilespmem:v14+s9+$0x0] =	vst.idx.msk $0xffff, v3  }
0x547: {  	s31 =	simm.s32 $0x8;
	v38 =	vmov s12;
	v3 =	vadd.f32 v8, v34;
	v8 =	vld [tilespmem:$0x1FC20]  }
0x548: {  	v41 =	vmov s31;
	s31 =	simm.s32 $0xE;
	v12 =	vshrl.u32 v38, $0x3;
	v6 =	vld [tilespmem:s30+$0x50]  }
0x549: {  	v38 =	vadd.s32 v49, v17;
	v15 =	vshll.u32 v22, v1;
	v16 =	vmov s31  }
0x54a: {  	v58 =	vld [tilespmem:s29+$0xFFFFFFC0];
	v49 =	vadd.f32 v43, v36;
	v43 =	vbroadcast v15, $0x0;
	v16 =	vshrl.u32 v16, $0x3  }
0x54b: {  	v48 =	vadd.f32 v9, v36;
	v9 =	vshll.u32 v16, v1;
	v16 =	vld [tilespmem:s30+$0xFFFFFF10]  }
0x54c: {  	v10 =	vadd.s32 v30, v43  }
0x54d: {  	v29 =	vadd.s32 v28, v54;
	v6 =	vadd.f32 v6, v35  }
0x54e: {  	v12 =	vshll.u32 v12, v1  }
0x54f: {  	v45 =	vbroadcast v12, $0x0;
	v12 =	vadd.f32 v58, v36;
	[tilespmem:v8+s9+$0x0] =	vst.idx.msk $0xffff, v6  }
0x550: {  	v8 =	vadd.f32 v16, v35;
	v26 =	vld [tilespmem:$0x1FF30];
	[tilespmem:v46+s9+$0x0] =	vst.idx.msk $0xffff, v3  }
0x551: {  	[tilespmem:v10+s9+$0x0] =	vst.idx.msk $0xffff, v12  }
0x552: {  	s16 =	simm.s32 $0xD;
	[tilespmem:v29+s9+$0x0] =	vst.idx.msk $0xffff, v8  }
0x553: {  	v7 =	vmov s16;
	v12 =	vld [tilespmem:$0x1FF70]  }
0x554: {  	v7 =	vshrl.u32 v7, $0x3  }
0x555: {  	v7 =	vshll.u32 v7, v1  }
0x556: {  	v42 =	vbroadcast v7, $0x0  }
0x557: {  	v6 =	vld [tilespmem:s30+$0xE0]  }
0x558: {  	v47 =	vadd.s32 v60, v42;
	v60 =	vadd.s32 v12, v4;
	v12 =	vld [tilespmem:$0x1FC30]  }
0x559: {  	v13 =	vshrl.u32 v41, $0x3;
	v41 =	vbroadcast v9, $0x0;
	v9 =	vld [tilespmem:s30+$0xFFFFFF70]  }
0x55a: {  	v18 =	vadd.s32 v57, v0;
	_ =	sdelay $0x1  }
0x55b: {  	v55 =	vld [tilespmem:s29+$0x80]  }
0x55c: {  	v6 =	vadd.f32 v6, v34  }
0x55d: {  	v13 =	vshll.u32 v13, v1;
	v9 =	vadd.f32 v9, v33  }
0x55e: {  	v16 =	vadd.s32 v26, v44;
	v44 =	vbroadcast v13, $0x0;
	[tilespmem:v18+s9+$0x0] =	vst.idx.msk $0xffff, v6  }
0x55f: {  	[tilespmem:v12+s9+$0x0] =	vst.idx.msk $0xffff, v9  }
0x560: {  	v8 =	vadd.f32 v55, v36;
	v55 =	vadd.s32 v2, v44;
	v2 =	vld [tilespmem:$0x1FC40]  }
0x561: {  	v14 =	vld [tilespmem:s30+$0xFFFFFFE0];
	_ =	sdelay $0x4  }
0x562: {  	v9 =	vadd.f32 v14, v34;
	_ =	sdelay $0x1  }
0x563: {  	[tilespmem:v2+s9+$0x0] =	vst.idx.msk $0xffff, v9  }
0x564: {  	v2 =	vld [tilespmem:$0x1FF00];
	_ =	sdelay $0x3  }
0x565: {  	v11 =	vld [tilespmem:s29+$0x40]  }
0x566: {  	v9 =	vadd.s32 v2, v56;
	v2 =	vld [tilespmem:$0x1FC50]  }
0x567: {  	v7 =	vld [tilespmem:s30+$0xA0];
	_ =	sdelay $0x2  }
0x568: {  	v3 =	vadd.s32 v62, v39;
	v62 =	vadd.f32 v11, v36;
	v11 =	vld [tilespmem:s30+$0x30];
	_ =	sdelay $0x1  }
0x569: {  	v7 =	vadd.f32 v7, v34;
	_ =	sdelay $0x1  }
0x56a: {  	[tilespmem:v2+s9+$0x0] =	vst.idx.msk $0xffff, v7  }
0x56b: {  	v7 =	vadd.f32 v11, v33;
	v11 =	vld [tilespmem:$0x1FFE0];
	_ =	sdelay $0x4  }
0x56c: {  	v11 =	vadd.s32 v11, v0;
	v0 =	vld [tilespmem:$0x1FC60]  }
0x56d: {  	v10 =	vld [tilespmem:s30+$0x60];
	_ =	sdelay $0x4  }
0x56e: {  	v10 =	vadd.f32 v10, v34;
	_ =	sdelay $0x1  }
0x56f: {  	[tilespmem:v0+s9+$0x0] =	vst.idx.msk $0xffff, v10  }
0x570: {  	v0 =	vld [tilespmem:$0x1FE00];
	_ =	sdelay $0x4  }
0x571: {  	v10 =	vadd.s32 v0, v52;
	v0 =	vld [tilespmem:$0x1FE40];
	_ =	sdelay $0x3  }
0x572: {  	[tilespmem:v16+s9+$0x0] =	vst.idx.msk $0xffff, v7  }
0x573: {  	v56 =	vadd.s32 v5, v45;
	v5 =	vadd.s32 v0, v54;
	v0 =	vld [tilespmem:$0x1FF40];
	_ =	sdelay $0x1  }
0x574: {  	v15 =	vld [tilespmem:s29+$0x10];
	_ =	sdelay $0x1  }
0x575: {  	v20 =	vadd.s32 v63, v40;
	v2 =	vld [tilespmem:s30+$0xF0]  }
0x576: {  	v29 =	vmovc v28;
	v54 =	vadd.s32 v28, v44;
	v28 =	vmov v0;
	v16 =	vadd.s32 v0, v42;
	v0 =	vld [tilespmem:$0x1FE70];
	_ =	sdelay $0x1  }
0x577: {  	v4 =	vadd.f32 v15, v35;
	_ =	sdelay $0x1  }
0x578: {  	v58 =	vld [tilespmem:s29+$0xFFFFFF50];
	[tilespmem:v20+s9+$0x0] =	vst.idx.msk $0xffff, v4  }
0x579: {  	v22 =	vadd.s32 v59, v17;
	v30 =	vmovc v0;
	v0 =	vadd.s32 v0, v17;
	v17 =	vadd.f32 v2, v33;
	v2 =	vld [tilespmem:$0x1FC70]  }
0x57a: {  	v18 =	vld [tilespmem:s30+$0xFFFFFF20];
	_ =	sdelay $0x3  }
0x57b: {  	v13 =	vadd.f32 v58, v35  }
0x57c: {  	v12 =	vld [tilespmem:s29+$0xFFFFFF90];
	v7 =	vadd.f32 v18, v34  }
0x57d: {  	v19 =	vld [tilespmem:s30+$0xFFFFFFB0];
	[tilespmem:v22+s9+$0x0] =	vst.idx.msk $0xffff, v13  }
0x57e: {  	v6 =	vld [tilespmem:s29+$0xFFFFFFD0];
	[tilespmem:v2+s9+$0x0] =	vst.idx.msk $0xffff, v7  }
0x57f: {  	v4 =	vld [tilespmem:$0x1FEB0]  }
0x580: {  	v15 =	vld [tilespmem:s30+$0xFFFFFFF0]  }
0x581: {  	v53 =	vadd.s32 v23, v45;
	v59 =	vadd.s32 v61, v41;
	v14 =	vadd.f32 v12, v35;
	v12 =	vld [tilespmem:s30+$0xB0]  }
0x582: {  	v27 =	vmovc v32;
	v61 =	vadd.f32 v19, v33;
	v63 =	vadd.s32 v51, v43;
	v51 =	vadd.s32 v32, v41;
	v2 =	vld [tilespmem:s30+$0x70]  }
0x583: {  	v46 =	vadd.s32 v24, v43;
	v58 =	vadd.s32 v50, v41;
	v50 =	vadd.s32 v31, v42;
	v26 =	vmovc v57;
	v13 =	vld [tilespmem:s30+$0xFFFFFF30]  }
0x584: {  	s0 =	simm.s32 $0x10;
	s12 =	simm.s32 $0x8900;
	v6 =	vadd.f32 v6, v35;
	v52 =	vadd.s32 v57, v45;
	v32 =	vld [tilespmem:$0x1FEC0];
	v31 =	vmovc v4;
	v4 =	vadd.s32 v4, v39  }
.LBB2_23:
0x585: {  	_ = 	snop  }
0x586: {  	s14 =	smov.u32 s0;
	[tilespmem:v59+s9+$0x0] =	vst.idx.msk $0xffff, v8  }
0x587: {  	v7 =	vld [tilespmem:$0x1FE30];
	[tilespmem:v3+s9+$0x0] =	vst.idx.msk $0xffff, v14;
	s17 =	sadd.s32 $0x2, s14  }
0x588: {  	[tilespmem:v11+s9+$0x0] =	vst.idx.msk $0xffff, v17;
	v8 =	vld [tilespmem:s12+$0x80];
	v17 =	vmov s17;
	v3 =	vadd.f32 v15, v33  }
0x589: {  	v22 =	vadd.s32 v32, v37;
	[tilespmem:v16+s9+$0x0] =	vst.idx.msk $0xffff, v62;
	v21 =	vld [tilespmem:s29+$0xFFFFFFA0];
	v16 =	vshrl.u32 v17, $0x3;
	v13 =	vadd.f32 v13, v33  }
0x58a: {  	v19 =	vmov s14;
	v12 =	vadd.f32 v12, v33;
	[tilespmem:v9+s9+$0x0] =	vst.idx.msk $0xffff, v3;
	v9 =	vshll.u32 v16, v1;
	v16 =	vld [tilespmem:s29+$0x90]  }
0x58b: {  	[tilespmem:v5+s9+$0x0] =	vst.idx.msk $0xffff, v13;
	v13 =	vshrl.u32 v19, $0x3;
	v19 =	vld [tilespmem:$0x1FE90]  }
0x58c: {  	[tilespmem:v10+s9+$0x0] =	vst.idx.msk $0xffff, v12;
	v12 =	vld [tilespmem:s29+$0xFFFFFF60]  }
0x58d: {  	v18 =	vld [tilespmem:s12+$0xFFFFFF40];
	s15 =	sadd.s32 $0x4, s14;
	v3 =	vadd.f32 v2, v33  }
0x58e: {  	v37 =	vmov v39;
	v14 =	vmov s15;
	v23 =	vld [tilespmem:s12+$0xFFFFFF80];
	[tilespmem:v22+s9+$0x0] =	vst.idx.msk $0xffff, v61;
	v39 =	vbroadcast v9, $0x0  }
0x58f: {  	v17 =	vld [tilespmem:s29+$0x50];
	v10 =	vshrl.u32 v14, $0x3;
	[tilespmem:v60+s9+$0x0] =	vst.idx.msk $0xffff, v3  }
0x590: {  	v24 =	vld [tilespmem:s29+$0x20];
	v3 =	vshll.u32 v10, v1;
	v10 =	vadd.f32 v21, v34;
	v19 =	vadd.s32 v19, v39  }
0x591: {  	v57 =	vadd.s32 v7, v44;
	v7 =	vld [tilespmem:$0x1FFF0];
	[tilespmem:v63+s9+$0x0] =	vst.idx.msk $0xffff, v6;
	v12 =	vadd.f32 v12, v34  }
0x592: {  	v6 =	vld [tilespmem:$0x1FF10];
	[tilespmem:v4+s9+$0x0] =	vst.idx.msk $0xffff, v10  }
0x593: {  	v60 =	vld [tilespmem:s12+$0x0];
	[tilespmem:v0+s9+$0x0] =	vst.idx.msk $0xffff, v12;
	v12 =	vadd.f32 v23, v36  }
0x594: {  	s30 =	sadd.s32 $0x6, s14;
	v0 =	vld [tilespmem:s29+$0xFFFFFFB0]  }
0x595: {  	s13 =	sadd.s32 $0x7, s0;
	s31 =	sadd.s32 $0x1, s14;
	v3 =	vbroadcast v3, $0x0;
	v4 =	vadd.f32 v18, v36;
	v18 =	vmov s30;
	[tilespmem:v19+s9+$0x0] =	vst.idx.msk $0xffff, v12;
	v19 =	vld [tilespmem:$0x1FF80]  }
0x596: {  	v62 =	vld [tilespmem:$0x1FE60];
	v20 =	vmov s13;
	v11 =	vmov s31;
	v18 =	vshrl.u32 v18, $0x3  }
0x597: {  	v25 =	vld [tilespmem:s12+$0xC0];
	v11 =	vshrl.u32 v11, $0x3;
	v6 =	vadd.s32 v6, v3;
	v18 =	vshll.u32 v18, v1  }
0x598: {  	v2 =	vshll.u32 v11, v1;
	v11 =	vshrl.u32 v20, $0x3;
	v14 =	vld [tilespmem:$0x1FE50];
	v18 =	vbroadcast v18, $0x0  }
0x599: {  	v20 =	vld [tilespmem:$0x1FE80];
	v11 =	vshll.u32 v11, v1;
	v7 =	vadd.s32 v7, v40  }
0x59a: {  	v21 =	vadd.f32 v60, v36;
	v59 =	vadd.s32 v19, v18;
	v19 =	vbroadcast v11, $0x0;
	v11 =	vld [tilespmem:$0x1FF20]  }
0x59b: {  	v5 =	vld [tilespmem:s12+$0xFFFFFF00];
	[tilespmem:v55+s9+$0x0] =	vst.idx.msk $0xffff, v48  }
0x59c: {  	v24 =	vadd.f32 v24, v34;
	v2 =	vbroadcast v2, $0x0;
	v55 =	vld [tilespmem:s29+$0xFFFFFF10];
	[tilespmem:v6+s9+$0x0] =	vst.idx.msk $0xffff, v21  }
0x59d: {  	s16 =	sadd.s32 $0x5, s14;
	[tilespmem:v53+s9+$0x0] =	vst.idx.msk $0xffff, v49;
	v12 =	vld [tilespmem:s12+$0x10]  }
0x59e: {  	v15 =	vmov s16;
	v14 =	vadd.s32 v14, v2;
	[tilespmem:v7+s9+$0x0] =	vst.idx.msk $0xffff, v24;
	v24 =	vld [tilespmem:$0x1FF70]  }
0x59f: {  	v49 =	vadd.f32 v25, v36;
	v16 =	vadd.f32 v16, v35;
	v25 =	vadd.s32 v11, v3;
	v11 =	vld [tilespmem:$0x1FF50]  }
0x5a0: {  	v15 =	vshrl.u32 v15, $0x3;
	v9 =	vld [tilespmem:s12+$0x40]  }
0x5a1: {  	v15 =	vshll.u32 v15, v1;
	[tilespmem:v58+s9+$0x0] =	vst.idx.msk $0xffff, v16;
	v16 =	vld [tilespmem:s29+$0xD0]  }
0x5a2: {  	v23 =	vld [tilespmem:s29+$0xFFFFFF70];
	v6 =	vbroadcast v15, $0x0  }
0x5a3: {  	s14 =	sadd.s32 $0x3, s14;
	v17 =	vadd.f32 v17, v35;
	[tilespmem:v14+s9+$0x0] =	vst.idx.msk $0xffff, v4;
	v14 =	vld [tilespmem:$0x1FF30]  }
0x5a4: {  	v61 =	vmov s14;
	v60 =	vadd.s32 v24, v42;
	v42 =	vmovc v6;
	v11 =	vadd.s32 v11, v6;
	v6 =	vld [tilespmem:$0x1FE10]  }
0x5a5: {  	v22 =	vshrl.u32 v61, $0x3;
	v13 =	vshll.u32 v13, v1;
	[tilespmem:v47+s9+$0x0] =	vst.idx.msk $0xffff, v17;
	v5 =	vadd.f32 v5, v36;
	v15 =	vld [tilespmem:s29+$0xA0]  }
0x5a6: {  	v22 =	vshll.u32 v22, v1;
	v13 =	vbroadcast v13, $0x0;
	v7 =	vld [tilespmem:s29+$0x60]  }
0x5a7: {  	v63 =	vld [tilespmem:$0x1FFB0];
	v48 =	vmovc v5;
	v5 =	vbroadcast v22, $0x0;
	v21 =	vadd.s32 v62, v2;
	v16 =	vadd.f32 v16, v35  }
0x5a8: {  	v62 =	vadd.f32 v9, v36;
	v9 =	vadd.f32 v55, v35;
	v22 =	vadd.s32 v14, v40;
	v14 =	vld [tilespmem:s12+$0xFFFFFF50]  }
0x5a9: {  	[tilespmem:v56+s9+$0x0] =	vst.idx.msk $0xffff, v16;
	v40 =	vmov v3;
	v3 =	vld [tilespmem:$0x1FED0];
	v55 =	vadd.s32 v6, v13;
	v6 =	vadd.f32 v23, v33  }
0x5aa: {  	v61 =	vadd.f32 v0, v33;
	v17 =	vld [tilespmem:s29+$0xE0]  }
0x5ab: {  	v0 =	vadd.f32 v15, v34;
	[tilespmem:v38+s9+$0x0] =	vst.idx.msk $0xffff, v6;
	v6 =	vadd.f32 v7, v34;
	v7 =	vld [tilespmem:$0x1FF90]  }
0x5ac: {  	v10 =	vld [tilespmem:s12+$0xFFFFFFC0]  }
0x5ad: {  	[tilespmem:v51+s9+$0x0] =	vst.idx.msk $0xffff, v0;
	v0 =	vld [tilespmem:$0x1FFE0]  }
0x5ae: {  	v16 =	vadd.s32 v3, v5;
	v3 =	vld [tilespmem:$0x1FEF0]  }
0x5af: {  	v47 =	vmov v11;
	v11 =	vld [tilespmem:s29+$0x30]  }
0x5b0: {  	v15 =	vadd.f32 v17, v34;
	v58 =	vadd.s32 v7, v18;
	v7 =	vld [tilespmem:$0x1FF00]  }
0x5b1: {  	v4 =	vadd.f32 v10, v36;
	v10 =	vld [tilespmem:s29+$0xFFFFFFE0]  }
0x5b2: {  	v24 =	vadd.f32 v12, v35;
	v12 =	vld [tilespmem:s12+$0xFFFFFF90];
	[tilespmem:v52+s9+$0x0] =	vst.idx.msk $0xffff, v15  }
0x5b3: {  	v17 =	vld [tilespmem:s29+$0xF0]  }
0x5b4: {  	[tilespmem:v54+s9+$0x0] =	vst.idx.msk $0xffff, v9;
	v56 =	vadd.s32 v3, v5;
	v3 =	vld [tilespmem:$0x1FEA0]  }
0x5b5: {  	v9 =	vadd.s32 v7, v43;
	v7 =	vadd.f32 v11, v33;
	v11 =	vadd.s32 v0, v45;
	v0 =	vld [tilespmem:$0x1FFC0]  }
0x5b6: {  	v10 =	vadd.f32 v10, v34;
	[tilespmem:v16+s9+$0x0] =	vst.idx.msk $0xffff, v4;
	v4 =	vld [tilespmem:s29+$0xFFFFFF20]  }
0x5b7: {  	v23 =	vadd.f32 v14, v35;
	v16 =	vld [tilespmem:s12+$0xFFFFFFD0]  }
0x5b8: {  	v8 =	vadd.f32 v8, v36;
	[tilespmem:v46+s9+$0x0] =	vst.idx.msk $0xffff, v10;
	v43 =	vmov v5;
	v5 =	vld [tilespmem:$0x1FEE0]  }
0x5b9: {  	v20 =	vadd.s32 v20, v2;
	v53 =	vadd.s32 v63, v19;
	[tilespmem:v21+s9+$0x0] =	vst.idx.msk $0xffff, v23;
	v45 =	vmov v19;
	v19 =	vld [tilespmem:$0x1FE00]  }
0x5ba: {  	v17 =	vadd.f32 v17, v33;
	v46 =	vmov v56;
	[tilespmem:v22+s9+$0x0] =	vst.idx.msk $0xffff, v7;
	v56 =	vadd.s32 v0, v45;
	v0 =	vld [tilespmem:$0x1FE40]  }
0x5bb: {  	p0 =	slt.u32 s0, $0x78;
	v14 =	vadd.f32 v12, v35;
	v4 =	vadd.f32 v4, v34;
	[tilespmem:v25+s9+$0x0] =	vst.idx.msk $0xffff, v24;
	v25 =	vld [tilespmem:$0x1FF60]  }
.Ltmp10:
0x5bc: {  	[tilespmem:v50+s9+$0x0] =	vst.idx.msk $0xffff, v6;
	v3 =	vadd.s32 v3, v39;
	v6 =	vadd.f32 v16, v35;
	(pc) =	sbr.rel @p0 .LBB2_23-.Ltmp10, $4  }
0x5bd: {  	v12 =	vld [tilespmem:s29+$0xB0];
	v16 =	vadd.s32 v28, v42;
	[tilespmem:v57+s9+$0x0] =	vst.idx.msk $0xffff, v4;
	v4 =	vadd.s32 v31, v39  }
0x5be: {  	v15 =	vld [tilespmem:s29+$0xFFFFFFF0];
	v52 =	vadd.s32 v26, v45;
	v63 =	vadd.s32 v5, v43;
	v10 =	vadd.s32 v19, v41  }
0x5bf: {  	v41 =	vmovc v18;
	v5 =	vadd.s32 v0, v44;
	v44 =	vmov v13;
	v0 =	vadd.s32 v30, v2;
	v2 =	vld [tilespmem:s29+$0x70]  }
0x5c0: {  	s0 =	sadd.s32 $0x8, s0;
	v38 =	vmovc v20;
	v51 =	vadd.s32 v27, v41;
	v50 =	vadd.s32 v25, v42;
	v13 =	vld [tilespmem:s29+$0xFFFFFF30];
	s29 =	smov.u32 s12;
	s12 =	sadd.s32 $0x200, s12;
	v54 =	vadd.s32 v29, v44  }
0x5c1: {  	_ =	sdelay $0x3  }
0x5c2: {  	[tilespmem:v59+s9+$0x0] =	vst.idx.msk $0xffff, v8  }
0x5c3: {  	[tilespmem:v3+s9+$0x0] =	vst.idx.msk $0xffff, v14  }
0x5c4: {  	[tilespmem:v53+s9+$0x0] =	vst.idx.msk $0xffff, v49  }
0x5c5: {  	[tilespmem:v11+s9+$0x0] =	vst.idx.msk $0xffff, v17  }
0x5c6: {  	[tilespmem:v16+s9+$0x0] =	vst.idx.msk $0xffff, v62;
	v7 =	vld [tilespmem:s29+$0xD0]  }
0x5c7: {  	v18 =	vadd.s32 v32, v37;
	[tilespmem:v55+s9+$0x0] =	vst.idx.msk $0xffff, v48;
	v20 =	vadd.f32 v12, v33  }
0x5c8: {  	[tilespmem:v63+s9+$0x0] =	vst.idx.msk $0xffff, v6;
	v3 =	vadd.f32 v15, v33  }
0x5c9: {  	v2 =	vadd.f32 v2, v33;
	[tilespmem:v10+s9+$0x0] =	vst.idx.msk $0xffff, v20  }
0x5ca: {  	[tilespmem:v9+s9+$0x0] =	vst.idx.msk $0xffff, v3  }
0x5cb: {  	[tilespmem:v60+s9+$0x0] =	vst.idx.msk $0xffff, v2;
	v7 =	vadd.f32 v7, v35  }
0x5cc: {  	v3 =	vld [tilespmem:s29+$0x90];
	[tilespmem:v18+s9+$0x0] =	vst.idx.msk $0xffff, v61  }
0x5cd: {  	v21 =	vld [tilespmem:s29+$0x50];
	[tilespmem:v56+s9+$0x0] =	vst.idx.msk $0xffff, v7  }
0x5ce: {  	v29 =	vld [tilespmem:$0x1FFF0]  }
0x5cf: {  	v22 =	vld [tilespmem:s29+$0xFFFFFF60]  }
0x5d0: {  	v2 =	vld [tilespmem:s29+$0xFFFFFF10]  }
0x5d1: {  	v23 =	vld [tilespmem:s29+$0x20];
	v3 =	vadd.f32 v3, v35  }
0x5d2: {  	v28 =	vadd.f32 v21, v35;
	v7 =	vld [tilespmem:s29+$0xE0]  }
0x5d3: {  	v31 =	vadd.f32 v13, v33;
	[tilespmem:v58+s9+$0x0] =	vst.idx.msk $0xffff, v3;
	v3 =	vld [tilespmem:s29+$0xFFFFFFE0];
	v30 =	vadd.s32 v29, v40  }
0x5d4: {  	v37 =	vadd.f32 v22, v34;
	[tilespmem:v47+s9+$0x0] =	vst.idx.msk $0xffff, v28  }
0x5d5: {  	[tilespmem:v5+s9+$0x0] =	vst.idx.msk $0xffff, v31;
	v2 =	vadd.f32 v2, v35  }
0x5d6: {  	v8 =	vadd.f32 v23, v34;
	[tilespmem:v0+s9+$0x0] =	vst.idx.msk $0xffff, v37  }
0x5d7: {  	v47 =	vld [tilespmem:s29+$0xFFFFFFA0];
	[tilespmem:v54+s9+$0x0] =	vst.idx.msk $0xffff, v2;
	v2 =	vadd.f32 v7, v34  }
0x5d8: {  	v36 =	vld [tilespmem:s29+$0xA0];
	v3 =	vadd.f32 v3, v34;
	[tilespmem:v30+s9+$0x0] =	vst.idx.msk $0xffff, v8  }
0x5d9: {  	v48 =	vld [tilespmem:$0x1FE30];
	[tilespmem:v52+s9+$0x0] =	vst.idx.msk $0xffff, v2  }
0x5da: {  	v6 =	vld [tilespmem:s29+$0x60];
	[tilespmem:v46+s9+$0x0] =	vst.idx.msk $0xffff, v3  }
0x5db: {  	v53 =	vld [tilespmem:$0x1FF30]  }
0x5dc: {  	v0 =	vld [tilespmem:s29+$0xFFFFFF20]  }
0x5dd: {  	v5 =	vld [tilespmem:s29+$0xFFFFFF70]  }
0x5de: {  	v49 =	vadd.f32 v36, v34;
	v8 =	vld [tilespmem:s29+$0x30];
	v7 =	vadd.s32 v48, v44  }
0x5df: {  	v2 =	vadd.f32 v6, v34  }
0x5e0: {  	v52 =	vadd.f32 v47, v34;
	v3 =	vld [tilespmem:s29+$0xF0];
	[tilespmem:v51+s9+$0x0] =	vst.idx.msk $0xffff, v49;
	v10 =	vadd.s32 v53, v40  }
0x5e1: {  	v0 =	vadd.f32 v0, v34;
	v9 =	vld [tilespmem:$0x1FFE0];
	[tilespmem:v50+s9+$0x0] =	vst.idx.msk $0xffff, v2  }
0x5e2: {  	v55 =	vadd.f32 v5, v33;
	v2 =	vld [tilespmem:s29+$0xB0];
	[tilespmem:v4+s9+$0x0] =	vst.idx.msk $0xffff, v52  }
0x5e3: {  	v56 =	vld [tilespmem:$0x1FF00];
	v8 =	vadd.f32 v8, v33;
	[tilespmem:v7+s9+$0x0] =	vst.idx.msk $0xffff, v0  }
0x5e4: {  	v0 =	vld [tilespmem:$0x1FF70];
	[tilespmem:v38+s9+$0x0] =	vst.idx.msk $0xffff, v55  }
0x5e5: {  	v58 =	vld [tilespmem:s29+$0xFFFFFFB0];
	[tilespmem:v10+s9+$0x0] =	vst.idx.msk $0xffff, v8  }
0x5e6: {  	v9 =	vadd.s32 v9, v45;
	v10 =	vld [tilespmem:$0x1FE40]  }
0x5e7: {  	v17 =	vmov v32;
	v59 =	vadd.s32 v19, v41;
	v54 =	vld [tilespmem:s29+$0xFFFFFFF0]  }
0x5e8: {  	v62 =	vadd.s32 v17, v39;
	v57 =	vld [tilespmem:s29+$0x70]  }
0x5e9: {  	v3 =	vadd.f32 v3, v33;
	v5 =	vadd.s32 v56, v43;
	v60 =	vld [tilespmem:s29+$0xFFFFFF30]  }
0x5ea: {  	v2 =	vadd.f32 v2, v33;
	v0 =	vadd.s32 v0, v42  }
0x5eb: {  	v63 =	vadd.f32 v58, v33;
	[tilespmem:v9+s9+$0x0] =	vst.idx.msk $0xffff, v3;
	v10 =	vadd.s32 v10, v44  }
0x5ec: {  	v61 =	vadd.f32 v54, v33;
	[tilespmem:v59+s9+$0x0] =	vst.idx.msk $0xffff, v2  }
0x5ed: {  	v3 =	vadd.f32 v57, v33;
	[tilespmem:v62+s9+$0x0] =	vst.idx.msk $0xffff, v63  }
0x5ee: {  	[tilespmem:v5+s9+$0x0] =	vst.idx.msk $0xffff, v61;
	v2 =	vadd.f32 v60, v33  }
0x5ef: {  	[tilespmem:v0+s9+$0x0] =	vst.idx.msk $0xffff, v3  }
0x5f0: {  	[tilespmem:v10+s9+$0x0] =	vst.idx.msk $0xffff, v2  }
0x5f1: {  	s0 =	rddreg [dreg:$0x9]  }
0x5f2: {  	s17 =	simm.s32 $0x10400;
	s12 =	sadd.s32 s26, s0  }
0x5f3: {  	[hbm4b:s12+s3] =	stream.linear.scatter [tilespmem:s17], [sflag:$0x5], $0x80, $0x38;
	[tilespmem:$0x14E00] =	vst v63  }
0x5f4: {  	s29 =	simm.s32 $0x10490;
	s13 =	sadd.s32 $0x10, s12  }
0x5f5: {  	[hbm4b:s13+s3] =	stream.linear.scatter [tilespmem:s29], [sflag:$0x5], $0x80, $0x38;
	[tilespmem:$0x14E00] =	vst v63  }
0x5f6: {  	s30 =	simm.s32 $0x10520;
	s15 =	simm.s32 $0x10640;
	s31 =	sadd.s32 $0x20, s12  }
0x5f7: {  	[hbm4b:s31+s3] =	stream.linear.scatter [tilespmem:s30], [sflag:$0x5], $0x80, $0x38;
	[tilespmem:$0x14E00] =	vst v63  }
0x5f8: {  	s0 =	simm.s32 $0x480;
	s14 =	sadd.s32 $0x30, s12;
	s13 =	simm.s32 $0x105B0  }
0x5f9: {  	[hbm4b:s14+s3] =	stream.linear.scatter [tilespmem:s13], [sflag:$0x5], $0x80, $0x38;
	[tilespmem:$0x14E00] =	vst v63  }
0x5fa: {  	s16 =	sadd.s32 $0x40, s12;
	s17 =	simm.s32 $0x106D0;
	s29 =	sadd.s32 $0x50, s12  }
0x5fb: {  	[hbm4b:s16+s3] =	stream.linear.scatter [tilespmem:s15], [sflag:$0x5], $0x80, $0x38;
	[tilespmem:$0x14E00] =	vst v63  }
0x5fc: {  	s30 =	simm.s32 $0x10760;
	s31 =	sadd.s32 $0x60, s12;
	s13 =	simm.s32 $0x2400  }
0x5fd: {  	[hbm4b:s29+s3] =	stream.linear.scatter [tilespmem:s17], [sflag:$0x5], $0x80, $0x38;
	[tilespmem:$0x14E00] =	vst v63  }
0x5fe: {  	s14 =	simm.s32 $0x107F0;
	s15 =	sadd.s32 $0x70, s12;
	s12 =	sadd.s32 $0x1000, s12  }
0x5ff: {  	v38 =	vmov v29;
	[hbm4b:s31+s3] =	stream.linear.scatter [tilespmem:s30], [sflag:$0x5], $0x80, $0x38;
	[tilespmem:$0x14E00] =	vst v63  }
.LBB2_25:
0x600: {  	[hbm4b:s15+s3] =	stream.linear.scatter [tilespmem:s14], [sflag:$0x5], $0x80, $0x38;
	[tilespmem:$0x14E00] =	vst v63  }
0x601: {  	s14 =	smov.u32 s0;
	s0 =	smov.u32 s13  }
0x602: {  	s16 =	sadd.s32 $0x1200, s13;
	s0 =	sshra.s32 s0, $0x2;
	s15 =	sadd.s32 $0x10400, s14  }
0x603: {  	[hbm4b:s12+s3] =	stream.linear.scatter [tilespmem:s15], [sflag:$0x5], $0x80, $0x38;
	[tilespmem:$0x14E00] =	vst v63  }
0x604: {  	p0 =	sne.s32 s13, $0x7E00;
	s13 =	sadd.s32 $0x10490, s14;
	s15 =	sadd.s32 $0x10, s12  }
0x605: {  	[hbm4b:s15+s3] =	stream.linear.scatter [tilespmem:s13], [sflag:$0x5], $0x80, $0x38;
	[tilespmem:$0x14E00] =	vst v63  }
0x606: {  	s13 =	sadd.s32 $0x10520, s14;
	s15 =	sadd.s32 $0x20, s12  }
0x607: {  	[hbm4b:s15+s3] =	stream.linear.scatter [tilespmem:s13], [sflag:$0x5], $0x80, $0x38;
	[tilespmem:$0x14E00] =	vst v63  }
0x608: {  	s13 =	sadd.s32 $0x105B0, s14;
	s15 =	sadd.s32 $0x30, s12  }
0x609: {  	[hbm4b:s15+s3] =	stream.linear.scatter [tilespmem:s13], [sflag:$0x5], $0x80, $0x38;
	[tilespmem:$0x14E00] =	vst v63  }
0x60a: {  	s13 =	sadd.s32 $0x10640, s14;
	s15 =	sadd.s32 $0x40, s12  }
0x60b: {  	[hbm4b:s15+s3] =	stream.linear.scatter [tilespmem:s13], [sflag:$0x5], $0x80, $0x38;
	[tilespmem:$0x14E00] =	vst v63  }
.Ltmp11:
0x60c: {  	s13 =	sadd.s32 $0x106D0, s14;
	s15 =	sadd.s32 $0x50, s12;
	(pc) =	sbr.rel @p0 .LBB2_25-.Ltmp11, $4  }
0x60d: {  	[hbm4b:s15+s3] =	stream.linear.scatter [tilespmem:s13], [sflag:$0x5], $0x80, $0x38;
	[tilespmem:$0x14E00] =	vst v63  }
0x60e: {  	s13 =	sadd.s32 $0x10760, s14;
	s15 =	sadd.s32 $0x60, s12;
	s14 =	sadd.s32 $0x107F0, s14  }
0x60f: {  	[hbm4b:s15+s3] =	stream.linear.scatter [tilespmem:s13], [sflag:$0x5], $0x80, $0x38;
	[tilespmem:$0x14E00] =	vst v63  }
0x610: {  	s15 =	sadd.s32 $0x70, s12;
	s12 =	sadd.s32 $0x1000, s12;
	s13 =	smov.u32 s16  }
0x611: {  	[hbm4b:s15+s3] =	stream.linear.scatter [tilespmem:s14], [sflag:$0x5], $0x80, $0x38;
	[tilespmem:$0x14E00] =	vst v63  }
0x612: {  	s13 =	sadd.s32 $0x10400, s0  }
0x613: {  	[hbm4b:s12+s3] =	stream.linear.scatter [tilespmem:s13], [sflag:$0x5], $0x80, $0x38;
	[tilespmem:$0x14E00] =	vst v63  }
0x614: {  	s30 =	sadd.s32 $0x10490, s0;
	s31 =	sadd.s32 $0x10, s12  }
0x615: {  	[hbm4b:s31+s3] =	stream.linear.scatter [tilespmem:s30], [sflag:$0x5], $0x80, $0x38;
	[tilespmem:$0x14E00] =	vst v63  }
0x616: {  	s14 =	sadd.s32 $0x10520, s0;
	s15 =	sadd.s32 $0x20, s12  }
0x617: {  	[hbm4b:s15+s3] =	stream.linear.scatter [tilespmem:s14], [sflag:$0x5], $0x80, $0x38;
	[tilespmem:$0x14E00] =	vst v63  }
0x618: {  	s16 =	sadd.s32 $0x105B0, s0;
	s17 =	sadd.s32 $0x30, s12  }
0x619: {  	[hbm4b:s17+s3] =	stream.linear.scatter [tilespmem:s16], [sflag:$0x5], $0x80, $0x38;
	[tilespmem:$0x14E00] =	vst v63  }
0x61a: {  	s30 =	sadd.s32 $0x10640, s0;
	s31 =	sadd.s32 $0x40, s12  }
0x61b: {  	[hbm4b:s31+s3] =	stream.linear.scatter [tilespmem:s30], [sflag:$0x5], $0x80, $0x38;
	[tilespmem:$0x14E00] =	vst v63  }
0x61c: {  	s15 =	sadd.s32 $0x106D0, s0;
	s16 =	sadd.s32 $0x50, s12  }
0x61d: {  	[hbm4b:s16+s3] =	stream.linear.scatter [tilespmem:s15], [sflag:$0x5], $0x80, $0x38;
	[tilespmem:$0x14E00] =	vst v63  }
0x61e: {  	s17 =	sadd.s32 $0x10760, s0;
	s30 =	sadd.s32 $0x60, s12  }
0x61f: {  	[hbm4b:s30+s3] =	stream.linear.scatter [tilespmem:s17], [sflag:$0x5], $0x80, $0x38;
	[tilespmem:$0x14E00] =	vst v63  }
0x620: {  	s13 =	sadd.s32 $0x70, s12;
	s31 =	sadd.s32 $0x107F0, s0  }
0x621: {  	[hbm4b:s13+s3] =	stream.linear.scatter [tilespmem:s31], [sflag:$0x5], $0x80, $0x38;
	[tilespmem:$0x14E00] =	vst v63  }
0x622: {  	_ =	swait.ge [sflag:s1], $0x2000  }
0x623: {  	v30 =	vld [tilespmem:$0x1FF10]  }
0x624: {  	v32 =	vld [tilespmem:$0x1FE50]  }
0x625: {  	v48 =	vld [tilespmem:$0x1FE80]  }
0x626: {  	[sflag:s1] =	ssyncset.done $0x0;
	v49 =	vld [tilespmem:$0x1FE90]  }
0x627: {  	s30 =	simm.s32 $0x1;
	v61 =	vld [tilespmem:$0x1FED0];
	[sflag:s1] =	ssyncadd.s32 $0xFFFFE000  }
0x628: {  	s16 =	simm.s32 $0x4;
	v5 =	vmov s30;
	v36 =	vld [tilespmem:$0x14D40]  }
0x629: {  	v3 =	vmov s16;
	v5 =	vshrl.u32 v5, $0x3;
	v35 =	vld [tilespmem:$0x14D50]  }
0x62a: {  	v3 =	vshrl.u32 v3, $0x3;
	s31 =	simm.s32 $0x2;
	v5 =	vshll.u32 v5, v1;
	v34 =	vld [tilespmem:$0x14D60]  }
0x62b: {  	s14 =	simm.s32 $0x0;
	s30 =	simm.s32 $0xA5F0;
	v3 =	vshll.u32 v3, v1;
	v6 =	vmov s31;
	v5 =	vbroadcast v5, $0x0;
	v33 =	vld [tilespmem:$0x14D70]  }
0x62c: {  	v0 =	vmov s14;
	s14 =	simm.s32 $0x3;
	v44 =	vbroadcast v3, $0x0;
	v6 =	vshrl.u32 v6, $0x3;
	v7 =	vld [tilespmem:s30+$0xFFFFFF10]  }
0x62d: {  	v3 =	vmov s14;
	v6 =	vshll.u32 v6, v1;
	v8 =	vld [tilespmem:s30+$0xFFFFFE50];
	v11 =	vadd.s32 v48, v5  }
0x62e: {  	v3 =	vshrl.u32 v3, $0x3;
	v9 =	vld [tilespmem:s30+$0xFFFFFE90];
	v37 =	vbroadcast v6, $0x0;
	v6 =	vadd.s32 v30, v44;
	[tilespmem:$0x1FBD0] =	vst v11  }
0x62f: {  	v0 =	vshrl.u32 v0, $0x3;
	s15 =	simm.s32 $0x7;
	v3 =	vshll.u32 v3, v1;
	v10 =	vadd.s32 v32, v5;
	v11 =	vld [tilespmem:s30+$0xFFFFFED0]  }
0x630: {  	v2 =	vmov s15;
	s15 =	simm.s32 $0x6;
	v29 =	vbroadcast v3, $0x0;
	v12 =	vadd.s32 v49, v37;
	v3 =	vld [tilespmem:s30+$0xFFFFFE10]  }
0x631: {  	v17 =	vshll.u32 v0, v1;
	s17 =	simm.s32 $0x5;
	v14 =	vmov s15;
	v13 =	vld [tilespmem:s30+$0xFFFFFFD0];
	v7 =	vadd.f32 v7, v36  }
0x632: {  	v4 =	vmov s17;
	v15 =	vadd.s32 v61, v29;
	v16 =	vld [tilespmem:s30+$0xFFFFFF90];
	v0 =	vadd.f32 v8, v36  }
0x633: {  	v4 =	vshrl.u32 v4, $0x3;
	v8 =	vshrl.u32 v14, $0x3;
	v14 =	vld [tilespmem:s30+$0xFFFFFF50];
	v9 =	vadd.f32 v9, v36;
	[tilespmem:v6+s11+$0x0] =	vst.idx.msk $0xffff, v7  }
0x634: {  	v4 =	vshll.u32 v4, v1;
	[tilespmem:v10+s11+$0x0] =	vst.idx.msk $0xffff, v0;
	v6 =	vld [tilespmem:s30+$0xFFFFFF20]  }
0x635: {  	v55 =	vbroadcast v4, $0x0;
	[tilespmem:v12+s11+$0x0] =	vst.idx.msk $0xffff, v9;
	v4 =	vld [tilespmem:s30+$0xFFFFFE60];
	v7 =	vadd.f32 v11, v36  }
0x636: {  	v27 =	vld [tilespmem:$0x1FE60]  }
0x637: {  	v10 =	vld [tilespmem:s30+$0xFFFFFEA0];
	[tilespmem:v15+s11+$0x0] =	vst.idx.msk $0xffff, v7  }
0x638: {  	v59 =	vld [tilespmem:$0x1FF80]  }
0x639: {  	v62 =	vld [tilespmem:$0x1FF20]  }
0x63a: {  	v8 =	vshll.u32 v8, v1;
	v60 =	vld [tilespmem:$0x1FF50]  }
0x63b: {  	v52 =	vbroadcast v8, $0x0;
	v8 =	vadd.f32 v13, v36;
	v13 =	vld [tilespmem:s30+$0xFFFFFEE0]  }
0x63c: {  	v28 =	vld [tilespmem:$0x1FFB0]  }
0x63d: {  	v31 =	vld [tilespmem:$0x1FEA0]  }
0x63e: {  	v63 =	vld [tilespmem:$0x1FEF0]  }
0x63f: {  	v22 =	vld [tilespmem:$0x1FF90]  }
0x640: {  	v24 =	vld [tilespmem:$0x1FE70]  }
0x641: {  	v2 =	vshrl.u32 v2, $0x3;
	v50 =	vld [tilespmem:$0x1FEE0]  }
0x642: {  	v54 =	vbroadcast v17, $0x0;
	v2 =	vshll.u32 v2, v1;
	v51 =	vld [tilespmem:$0x1FFC0];
	v17 =	vadd.s32 v31, v37  }
0x643: {  	v0 =	vbroadcast v2, $0x0;
	v57 =	vld [tilespmem:$0x1FE20]  }
0x644: {  	v23 =	vld [tilespmem:$0x1FF40];
	v9 =	vadd.s32 v27, v5;
	v19 =	vadd.f32 v4, v35;
	v2 =	vadd.s32 v63, v29  }
0x645: {  	v39 =	vld [tilespmem:$0x1FEB0];
	v4 =	vadd.f32 v10, v35;
	v24 =	vadd.s32 v24, v5;
	v5 =	vadd.s32 v25, v55;
	[tilespmem:$0x1FBE0] =	vst v2  }
0x646: {  	v25 =	vld [tilespmem:$0x1FFD0];
	[tilespmem:$0x1FC00] =	vst v5  }
0x647: {  	v2 =	vld [tilespmem:$0x1FE10];
	[tilespmem:v17+s11+$0x0] =	vst.idx.msk $0xffff, v4  }
0x648: {  	v4 =	vld [tilespmem:$0x1FFA0];
	_ =	sdelay $0x3  }
0x649: {  	s29 =	simm.s32 $0xA7F0  }
0x64a: {  	v42 =	vld [tilespmem:s29+$0xFFFFFE50];
	v4 =	vadd.s32 v4, v52  }
0x64b: {  	[tilespmem:$0x1FBF0] =	vst v4;
	v4 =	vld [tilespmem:$0x1FE30]  }
0x64c: {  	s16 =	simm.s32 $0x8  }
0x64d: {  	v43 =	vmov s16;
	s17 =	simm.s32 $0xF;
	v3 =	vadd.f32 v3, v36;
	v7 =	vadd.s32 v59, v52  }
0x64e: {  	v40 =	vmov s17;
	v14 =	vadd.f32 v14, v36;
	v16 =	vadd.f32 v16, v36  }
0x64f: {  	v6 =	vadd.f32 v6, v35;
	v11 =	vadd.s32 v62, v44;
	v23 =	vadd.s32 v23, v55  }
0x650: {  	v12 =	vadd.s32 v60, v55;
	v15 =	vadd.s32 v28, v0;
	v4 =	vadd.s32 v4, v54  }
0x651: {  	s17 =	simm.s32 $0xB;
	v20 =	vadd.s32 v22, v52;
	v21 =	vadd.s32 v50, v29;
	v10 =	vadd.s32 v51, v0;
	[tilespmem:$0x1FC10] =	vst v4  }
0x652: {  	s31 =	simm.s32 $0x9;
	v58 =	vmov s17;
	v13 =	vadd.f32 v13, v35;
	v41 =	vadd.s32 v39, v37;
	[tilespmem:v7+s11+$0x0] =	vst.idx.msk $0xffff, v16  }
0x653: {  	s15 =	simm.s32 $0xA;
	s14 =	simm.s32 $0xC;
	v53 =	vmov s31;
	v17 =	vadd.s32 v38, v44;
	v18 =	vadd.s32 v2, v54;
	v38 =	vld [tilespmem:s30+$0xFFFFFEB0];
	[tilespmem:v9+s11+$0x0] =	vst.idx.msk $0xffff, v19  }
0x654: {  	v39 =	vshrl.u32 v53, $0x3;
	v7 =	vmov s14;
	v16 =	vmov s15;
	[tilespmem:v23+s11+$0x0] =	vst.idx.msk $0xffff, v14;
	v46 =	vld [tilespmem:s30+$0xFFFFFFA0]  }
0x655: {  	v45 =	vld [tilespmem:s29+$0xFFFFFE90];
	v19 =	vshll.u32 v39, v1;
	[tilespmem:v11+s11+$0x0] =	vst.idx.msk $0xffff, v6;
	v16 =	vshrl.u32 v16, $0x3;
	v7 =	vshrl.u32 v7, $0x3  }
0x656: {  	[tilespmem:v21+s11+$0x0] =	vst.idx.msk $0xffff, v13;
	v19 =	vbroadcast v19, $0x0;
	v14 =	vshll.u32 v16, v1;
	v16 =	vld [tilespmem:s30+$0xFFFFFE70];
	v7 =	vshll.u32 v7, v1  }
0x657: {  	[tilespmem:v15+s11+$0x0] =	vst.idx.msk $0xffff, v8;
	v39 =	vbroadcast v14, $0x0;
	v14 =	vshrl.u32 v40, $0x3;
	v40 =	vbroadcast v7, $0x0;
	v7 =	vld [tilespmem:s29+$0xFFFFFE10]  }
0x658: {  	v26 =	vadd.s32 v57, v54;
	v47 =	vld [tilespmem:s29+$0xFFFFFF10];
	v13 =	vshrl.u32 v43, $0x3;
	[tilespmem:v18+s11+$0x0] =	vst.idx.msk $0xffff, v3;
	v23 =	vadd.s32 v32, v19  }
0x659: {  	v43 =	vld [tilespmem:s29+$0xFFFFFFD0];
	v11 =	vadd.f32 v38, v34;
	v38 =	vadd.s32 v48, v19;
	v15 =	vadd.f32 v46, v35  }
0x65a: {  	s31 =	simm.s32 $0xE;
	v32 =	vld [tilespmem:s30+$0xFFFFFFE0];
	v21 =	vadd.s32 v49, v39;
	v8 =	vadd.s32 v30, v40;
	v3 =	vadd.f32 v45, v36  }
0x65b: {  	v6 =	vld [tilespmem:s30+$0xFFFFFF60];
	v46 =	vadd.f32 v42, v36;
	v16 =	vadd.f32 v16, v34;
	[tilespmem:v20+s11+$0x0] =	vst.idx.msk $0xffff, v15;
	v15 =	vmov s31  }
0x65c: {  	v18 =	vld [tilespmem:s30+$0xFFFFFE20];
	[tilespmem:v41+s11+$0x0] =	vst.idx.msk $0xffff, v11;
	v41 =	vshrl.u32 v58, $0x3;
	v48 =	vadd.f32 v7, v36;
	v15 =	vshrl.u32 v15, $0x3  }
0x65d: {  	[tilespmem:v24+s11+$0x0] =	vst.idx.msk $0xffff, v16;
	v16 =	vld [tilespmem:s30+$0xFFFFFF30];
	v7 =	vshll.u32 v15, v1;
	v15 =	vshll.u32 v41, v1  }
0x65e: {  	v53 =	vld [tilespmem:s29+$0xFFFFFED0];
	v49 =	vadd.f32 v43, v36;
	[tilespmem:v23+s11+$0x0] =	vst.idx.msk $0xffff, v46;
	v24 =	vadd.f32 v47, v36;
	v43 =	vbroadcast v15, $0x0  }
0x65f: {  	[tilespmem:v21+s11+$0x0] =	vst.idx.msk $0xffff, v3;
	v3 =	vadd.f32 v32, v35  }
0x660: {  	v6 =	vadd.f32 v6, v35;
	[tilespmem:v8+s11+$0x0] =	vst.idx.msk $0xffff, v24;
	v8 =	vadd.s32 v61, v43  }
0x661: {  	[tilespmem:v10+s11+$0x0] =	vst.idx.msk $0xffff, v3;
	v10 =	vadd.f32 v18, v35  }
0x662: {  	[tilespmem:v12+s11+$0x0] =	vst.idx.msk $0xffff, v6;
	v3 =	vadd.f32 v16, v34  }
0x663: {  	v12 =	vadd.f32 v53, v36;
	v18 =	vld [tilespmem:$0x1FF30];
	[tilespmem:v26+s11+$0x0] =	vst.idx.msk $0xffff, v10  }
0x664: {  	[tilespmem:v17+s11+$0x0] =	vst.idx.msk $0xffff, v3  }
0x665: {  	v6 =	vld [tilespmem:s30+$0xFFFFFFF0];
	[tilespmem:v8+s11+$0x0] =	vst.idx.msk $0xffff, v12  }
0x666: {  	v4 =	vld [tilespmem:$0x1FBD0]  }
0x667: {  	v41 =	vbroadcast v7, $0x0;
	v7 =	vld [tilespmem:s30+$0xFFFFFE80]  }
0x668: {  	v5 =	vadd.s32 v25, v0  }
0x669: {  	s16 =	simm.s32 $0xD  }
0x66a: {  	v9 =	vmov s16;
	v12 =	vld [tilespmem:$0x1FF70]  }
0x66b: {  	v9 =	vshrl.u32 v9, $0x3;
	v6 =	vadd.f32 v6, v34  }
0x66c: {  	v13 =	vshll.u32 v13, v1;
	v9 =	vshll.u32 v9, v1;
	v7 =	vadd.f32 v7, v33  }
0x66d: {  	v42 =	vbroadcast v9, $0x0;
	v16 =	vadd.s32 v18, v44;
	v44 =	vbroadcast v13, $0x0;
	[tilespmem:v5+s11+$0x0] =	vst.idx.msk $0xffff, v6  }
0x66e: {  	v14 =	vshll.u32 v14, v1;
	[tilespmem:v4+s11+$0x0] =	vst.idx.msk $0xffff, v7  }
0x66f: {  	v47 =	vadd.s32 v60, v42;
	v60 =	vadd.s32 v12, v55;
	v55 =	vadd.s32 v2, v44;
	v2 =	vld [tilespmem:$0x1FBE0]  }
0x670: {  	v45 =	vbroadcast v14, $0x0;
	v14 =	vld [tilespmem:s30+$0xFFFFFEF0];
	_ =	sdelay $0x4  }
0x671: {  	v12 =	vadd.f32 v14, v34;
	_ =	sdelay $0x1  }
0x672: {  	v9 =	vld [tilespmem:s30+$0xFFFFFFB0];
	[tilespmem:v2+s11+$0x0] =	vst.idx.msk $0xffff, v12  }
0x673: {  	v2 =	vld [tilespmem:$0x1FF00];
	_ =	sdelay $0x4  }
0x674: {  	v14 =	vadd.f32 v9, v34;
	v9 =	vadd.s32 v2, v29;
	v2 =	vld [tilespmem:$0x1FBF0];
	_ =	sdelay $0x2  }
0x675: {  	v11 =	vld [tilespmem:s29+$0xFFFFFF50];
	_ =	sdelay $0x4  }
0x676: {  	v20 =	vadd.s32 v62, v40;
	v62 =	vadd.f32 v11, v36;
	v11 =	vld [tilespmem:s30+$0xFFFFFF40];
	[tilespmem:v2+s11+$0x0] =	vst.idx.msk $0xffff, v14  }
0x677: {  	v5 =	vld [tilespmem:$0x1FFE0];
	_ =	sdelay $0x4  }
0x678: {  	v12 =	vadd.f32 v11, v33;
	v11 =	vadd.s32 v5, v0;
	v0 =	vld [tilespmem:$0x1FC00]  }
0x679: {  	v10 =	vld [tilespmem:s30+$0xFFFFFF70];
	_ =	sdelay $0x4  }
0x67a: {  	v10 =	vadd.f32 v10, v34;
	_ =	sdelay $0x1  }
0x67b: {  	[tilespmem:v0+s11+$0x0] =	vst.idx.msk $0xffff, v10  }
0x67c: {  	v0 =	vld [tilespmem:$0x1FE00];
	_ =	sdelay $0x2  }
0x67d: {  	v17 =	vld [tilespmem:s29+$0xFFFFFE60];
	_ =	sdelay $0x1  }
0x67e: {  	v10 =	vadd.s32 v0, v52;
	v0 =	vld [tilespmem:$0x1FE40];
	_ =	sdelay $0x1  }
0x67f: {  	v15 =	vld [tilespmem:s29+$0xFFFFFF20]  }
0x680: {  	v18 =	vadd.f32 v17, v35;
	v17 =	vld [tilespmem:s30+$0xFFFFFE30]  }
0x681: {  	v7 =	vld [tilespmem:s29+$0xFFFFFEA0];
	[tilespmem:v16+s11+$0x0] =	vst.idx.msk $0xffff, v12  }
0x682: {  	v5 =	vadd.s32 v0, v54;
	v0 =	vld [tilespmem:$0x1FF40]  }
0x683: {  	v2 =	vld [tilespmem:s30+$0x0];
	_ =	sdelay $0x1  }
0x684: {  	v13 =	vadd.f32 v15, v35  }
0x685: {  	v53 =	vadd.s32 v28, v45  }
0x686: {  	v14 =	vadd.f32 v7, v35;
	v28 =	vmov v0;
	v16 =	vadd.s32 v0, v42;
	v0 =	vld [tilespmem:$0x1FE70];
	[tilespmem:v20+s11+$0x0] =	vst.idx.msk $0xffff, v13  }
0x687: {  	v7 =	vadd.f32 v17, v34;
	v17 =	vadd.f32 v2, v33;
	v2 =	vld [tilespmem:$0x1FF60];
	_ =	sdelay $0x4  }
0x688: {  	v46 =	vadd.s32 v63, v43;
	v63 =	vadd.s32 v50, v43;
	v50 =	vadd.s32 v2, v42;
	v2 =	vld [tilespmem:$0x1FC10];
	_ =	sdelay $0x1  }
0x689: {  	v24 =	vadd.s32 v27, v19;
	_ =	sdelay $0x3  }
0x68a: {  	v56 =	vld [tilespmem:s29+$0xFFFFFF90]  }
0x68b: {  	v58 =	vld [tilespmem:s30+$0xFFFFFEC0];
	[tilespmem:v24+s11+$0x0] =	vst.idx.msk $0xffff, v18  }
0x68c: {  	v6 =	vld [tilespmem:s29+$0xFFFFFEE0];
	[tilespmem:v2+s11+$0x0] =	vst.idx.msk $0xffff, v7  }
0x68d: {  	v4 =	vld [tilespmem:$0x1FEB0]  }
0x68e: {  	v7 =	vld [tilespmem:$0x1FFA0]  }
0x68f: {  	v59 =	vadd.s32 v59, v41;
	v15 =	vld [tilespmem:s30+$0xFFFFFF00]  }
0x690: {  	v61 =	vadd.f32 v58, v33;
	v58 =	vadd.s32 v22, v41;
	v3 =	vadd.s32 v31, v39;
	v12 =	vld [tilespmem:s30+$0xFFFFFFC0]  }
0x691: {  	v26 =	vmovc v57;
	v8 =	vadd.f32 v56, v36;
	v56 =	vadd.s32 v51, v45;
	v6 =	vadd.f32 v6, v35;
	v2 =	vld [tilespmem:s30+$0xFFFFFF80]  }
0x692: {  	v52 =	vadd.s32 v25, v45;
	v54 =	vadd.s32 v57, v44;
	v32 =	vmovc v0;
	v0 =	vadd.s32 v0, v19;
	v13 =	vld [tilespmem:s30+$0xFFFFFE40]  }
0x693: {  	s0 =	simm.s32 $0x10;
	s12 =	simm.s32 $0xA9F0;
	v31 =	vmovc v25;
	v30 =	vld [tilespmem:$0x1FEC0];
	v27 =	vmovc v4;
	v4 =	vadd.s32 v4, v39;
	v29 =	vmov v7;
	v51 =	vadd.s32 v7, v41  }
.LBB2_27:
0x694: {  	_ = 	snop  }
0x695: {  	s14 =	smov.u32 s0;
	[tilespmem:v59+s11+$0x0] =	vst.idx.msk $0xffff, v8  }
0x696: {  	v7 =	vld [tilespmem:$0x1FE30];
	[tilespmem:v3+s11+$0x0] =	vst.idx.msk $0xffff, v14;
	s17 =	sadd.s32 $0x2, s14  }
0x697: {  	[tilespmem:v11+s11+$0x0] =	vst.idx.msk $0xffff, v17;
	v8 =	vld [tilespmem:s12+$0xFFFFFF90];
	v17 =	vmov s17;
	v3 =	vadd.f32 v15, v33  }
0x698: {  	v22 =	vadd.s32 v30, v37;
	[tilespmem:v16+s11+$0x0] =	vst.idx.msk $0xffff, v62;
	v21 =	vld [tilespmem:s29+$0xFFFFFEB0];
	v16 =	vshrl.u32 v17, $0x3;
	v13 =	vadd.f32 v13, v33  }
0x699: {  	v19 =	vmov s14;
	v12 =	vadd.f32 v12, v33;
	[tilespmem:v9+s11+$0x0] =	vst.idx.msk $0xffff, v3;
	v9 =	vshll.u32 v16, v1;
	v16 =	vld [tilespmem:s29+$0xFFFFFFA0]  }
0x69a: {  	[tilespmem:v5+s11+$0x0] =	vst.idx.msk $0xffff, v13;
	v13 =	vshrl.u32 v19, $0x3;
	v19 =	vld [tilespmem:$0x1FE90]  }
0x69b: {  	[tilespmem:v10+s11+$0x0] =	vst.idx.msk $0xffff, v12;
	v12 =	vld [tilespmem:s29+$0xFFFFFE70]  }
0x69c: {  	v18 =	vld [tilespmem:s12+$0xFFFFFE50];
	s15 =	sadd.s32 $0x4, s14;
	v3 =	vadd.f32 v2, v33  }
0x69d: {  	v37 =	vmov v39;
	v14 =	vmov s15;
	v23 =	vld [tilespmem:s12+$0xFFFFFE90];
	[tilespmem:v22+s11+$0x0] =	vst.idx.msk $0xffff, v61;
	v39 =	vbroadcast v9, $0x0  }
0x69e: {  	v17 =	vld [tilespmem:s29+$0xFFFFFF60];
	v10 =	vshrl.u32 v14, $0x3;
	[tilespmem:v60+s11+$0x0] =	vst.idx.msk $0xffff, v3  }
0x69f: {  	v59 =	vld [tilespmem:$0x1FE80];
	v3 =	vshll.u32 v10, v1;
	v10 =	vadd.f32 v21, v34;
	v19 =	vadd.s32 v19, v39  }
0x6a0: {  	v57 =	vadd.s32 v7, v44;
	v7 =	vld [tilespmem:$0x1FFF0];
	[tilespmem:v63+s11+$0x0] =	vst.idx.msk $0xffff, v6;
	v12 =	vadd.f32 v12, v34  }
0x6a1: {  	s31 =	sadd.s32 $0x1, s14;
	v6 =	vld [tilespmem:$0x1FF10];
	[tilespmem:v4+s11+$0x0] =	vst.idx.msk $0xffff, v10  }
0x6a2: {  	v11 =	vmov s31;
	v60 =	vld [tilespmem:s12+$0xFFFFFF10];
	[tilespmem:v0+s11+$0x0] =	vst.idx.msk $0xffff, v12;
	v12 =	vadd.f32 v23, v36  }
0x6a3: {  	s30 =	sadd.s32 $0x6, s14;
	v11 =	vshrl.u32 v11, $0x3;
	v0 =	vld [tilespmem:s29+$0xFFFFFEC0]  }
0x6a4: {  	s13 =	sadd.s32 $0x7, s0;
	v3 =	vbroadcast v3, $0x0;
	v4 =	vadd.f32 v18, v36;
	v18 =	vmov s30;
	[tilespmem:v19+s11+$0x0] =	vst.idx.msk $0xffff, v12;
	v19 =	vld [tilespmem:$0x1FF80]  }
0x6a5: {  	v24 =	vld [tilespmem:s29+$0xFFFFFF30];
	v20 =	vmov s13;
	v2 =	vshll.u32 v11, v1;
	v18 =	vshrl.u32 v18, $0x3  }
0x6a6: {  	v62 =	vld [tilespmem:$0x1FE60];
	v2 =	vbroadcast v2, $0x0;
	v6 =	vadd.s32 v6, v3;
	v18 =	vshll.u32 v18, v1  }
0x6a7: {  	v25 =	vld [tilespmem:s12+$0xFFFFFFD0];
	v11 =	vshrl.u32 v20, $0x3;
	v18 =	vbroadcast v18, $0x0  }
0x6a8: {  	v14 =	vld [tilespmem:$0x1FE50];
	v11 =	vshll.u32 v11, v1;
	v20 =	vadd.s32 v59, v2;
	v7 =	vadd.s32 v7, v40  }
0x6a9: {  	v21 =	vadd.f32 v60, v36;
	v59 =	vadd.s32 v19, v18;
	v19 =	vbroadcast v11, $0x0;
	v11 =	vld [tilespmem:$0x1FF20]  }
0x6aa: {  	v5 =	vld [tilespmem:s12+$0xFFFFFE10];
	[tilespmem:v55+s11+$0x0] =	vst.idx.msk $0xffff, v48  }
0x6ab: {  	v24 =	vadd.f32 v24, v34;
	v55 =	vld [tilespmem:s29+$0xFFFFFE20];
	[tilespmem:v6+s11+$0x0] =	vst.idx.msk $0xffff, v21  }
0x6ac: {  	s16 =	sadd.s32 $0x5, s14;
	[tilespmem:v53+s11+$0x0] =	vst.idx.msk $0xffff, v49;
	v12 =	vld [tilespmem:s12+$0xFFFFFF20]  }
0x6ad: {  	v15 =	vmov s16;
	v14 =	vadd.s32 v14, v2;
	[tilespmem:v7+s11+$0x0] =	vst.idx.msk $0xffff, v24;
	v24 =	vld [tilespmem:$0x1FF70]  }
0x6ae: {  	v49 =	vadd.f32 v25, v36;
	v16 =	vadd.f32 v16, v35;
	v25 =	vadd.s32 v11, v3;
	v11 =	vld [tilespmem:$0x1FF50]  }
0x6af: {  	v15 =	vshrl.u32 v15, $0x3;
	v9 =	vld [tilespmem:s12+$0xFFFFFF50]  }
0x6b0: {  	v15 =	vshll.u32 v15, v1;
	[tilespmem:v58+s11+$0x0] =	vst.idx.msk $0xffff, v16;
	v16 =	vld [tilespmem:s29+$0xFFFFFFE0]  }
0x6b1: {  	v23 =	vld [tilespmem:s29+$0xFFFFFE80];
	v6 =	vbroadcast v15, $0x0  }
0x6b2: {  	v17 =	vadd.f32 v17, v35;
	[tilespmem:v14+s11+$0x0] =	vst.idx.msk $0xffff, v4;
	v14 =	vld [tilespmem:$0x1FF30]  }
0x6b3: {  	s14 =	sadd.s32 $0x3, s14;
	v60 =	vadd.s32 v24, v42;
	v42 =	vmov v6;
	v11 =	vadd.s32 v11, v6;
	v6 =	vld [tilespmem:$0x1FE10]  }
0x6b4: {  	v61 =	vmov s14;
	[tilespmem:v47+s11+$0x0] =	vst.idx.msk $0xffff, v17;
	v15 =	vld [tilespmem:s29+$0xFFFFFFB0]  }
0x6b5: {  	v22 =	vshrl.u32 v61, $0x3;
	v13 =	vshll.u32 v13, v1;
	v7 =	vld [tilespmem:s29+$0xFFFFFF70]  }
0x6b6: {  	v22 =	vshll.u32 v22, v1;
	v13 =	vbroadcast v13, $0x0;
	v5 =	vadd.f32 v5, v36  }
0x6b7: {  	v21 =	vadd.s32 v62, v2;
	v62 =	vadd.f32 v9, v36;
	v16 =	vadd.f32 v16, v35  }
0x6b8: {  	v10 =	vld [tilespmem:s12+$0xFFFFFED0];
	v48 =	vmovc v5;
	v9 =	vadd.f32 v55, v35;
	v55 =	vadd.s32 v6, v13;
	v6 =	vadd.f32 v23, v33  }
0x6b9: {  	v5 =	vbroadcast v22, $0x0;
	v61 =	vadd.f32 v0, v33;
	[tilespmem:v56+s11+$0x0] =	vst.idx.msk $0xffff, v16;
	v22 =	vadd.s32 v14, v40;
	v14 =	vld [tilespmem:s12+$0xFFFFFE60]  }
0x6ba: {  	v0 =	vadd.f32 v15, v34;
	[tilespmem:v38+s11+$0x0] =	vst.idx.msk $0xffff, v6;
	v6 =	vadd.f32 v7, v34;
	v7 =	vld [tilespmem:$0x1FF90]  }
0x6bb: {  	v17 =	vld [tilespmem:s29+$0xFFFFFFF0]  }
0x6bc: {  	[tilespmem:v51+s11+$0x0] =	vst.idx.msk $0xffff, v0;
	v0 =	vld [tilespmem:$0x1FFE0]  }
0x6bd: {  	v40 =	vmov v3;
	v3 =	vld [tilespmem:$0x1FED0]  }
0x6be: {  	v47 =	vmov v11;
	v11 =	vld [tilespmem:s29+$0xFFFFFF40]  }
0x6bf: {  	v58 =	vadd.s32 v7, v18;
	v7 =	vld [tilespmem:$0x1FF00];
	_ =	sdelay $0x2  }
0x6c0: {  	v4 =	vadd.f32 v10, v36;
	v10 =	vld [tilespmem:s29+$0xFFFFFEF0];
	v16 =	vadd.s32 v3, v5  }
0x6c1: {  	[tilespmem:v54+s11+$0x0] =	vst.idx.msk $0xffff, v9;
	v15 =	vadd.f32 v17, v34;
	v3 =	vld [tilespmem:$0x1FEF0]  }
0x6c2: {  	v9 =	vadd.s32 v7, v43;
	v7 =	vadd.f32 v11, v33;
	v11 =	vadd.s32 v0, v45;
	v0 =	vld [tilespmem:$0x1FFC0]  }
0x6c3: {  	v63 =	vld [tilespmem:$0x1FFB0]  }
0x6c4: {  	v24 =	vadd.f32 v12, v35;
	v12 =	vld [tilespmem:s12+$0xFFFFFEA0];
	[tilespmem:v52+s11+$0x0] =	vst.idx.msk $0xffff, v15  }
0x6c5: {  	v10 =	vadd.f32 v10, v34;
	v17 =	vld [tilespmem:s29+$0x0];
	[tilespmem:v16+s11+$0x0] =	vst.idx.msk $0xffff, v4  }
0x6c6: {  	v56 =	vadd.s32 v3, v5;
	v16 =	vld [tilespmem:s12+$0xFFFFFEE0];
	v45 =	vmov v19  }
0x6c7: {  	[tilespmem:v46+s11+$0x0] =	vst.idx.msk $0xffff, v10;
	v46 =	vmov v56;
	v56 =	vadd.s32 v0, v45;
	v0 =	vld [tilespmem:$0x1FE00]  }
0x6c8: {  	v4 =	vld [tilespmem:s29+$0xFFFFFE30]  }
0x6c9: {  	v3 =	vld [tilespmem:$0x1FEA0];
	v23 =	vadd.f32 v14, v35;
	_ =	sdelay $0x1  }
0x6ca: {  	v8 =	vadd.f32 v8, v36;
	[tilespmem:v21+s11+$0x0] =	vst.idx.msk $0xffff, v23;
	v43 =	vmov v5;
	v5 =	vld [tilespmem:$0x1FEE0]  }
0x6cb: {  	v53 =	vadd.s32 v63, v19;
	[tilespmem:v22+s11+$0x0] =	vst.idx.msk $0xffff, v7;
	v10 =	vadd.s32 v0, v41;
	v0 =	vld [tilespmem:$0x1FE40]  }
0x6cc: {  	p0 =	slt.u32 s0, $0x78;
	v17 =	vadd.f32 v17, v33;
	v4 =	vadd.f32 v4, v34;
	[tilespmem:v25+s11+$0x0] =	vst.idx.msk $0xffff, v24;
	v25 =	vld [tilespmem:$0x1FF60]  }
.Ltmp12:
0x6cd: {  	v14 =	vadd.f32 v12, v35;
	[tilespmem:v50+s11+$0x0] =	vst.idx.msk $0xffff, v6;
	v3 =	vadd.s32 v3, v39;
	(pc) =	sbr.rel @p0 .LBB2_27-.Ltmp12, $4  }
0x6ce: {  	v12 =	vld [tilespmem:s29+$0xFFFFFFC0];
	v6 =	vadd.f32 v16, v35;
	v16 =	vadd.s32 v28, v42;
	[tilespmem:v57+s11+$0x0] =	vst.idx.msk $0xffff, v4  }
0x6cf: {  	v15 =	vld [tilespmem:s29+$0xFFFFFF00];
	v4 =	vadd.s32 v27, v39;
	v52 =	vadd.s32 v31, v45;
	v63 =	vadd.s32 v5, v43  }
0x6d0: {  	v41 =	vmovc v18;
	v5 =	vadd.s32 v0, v44;
	v44 =	vmov v13;
	v0 =	vadd.s32 v32, v2;
	v2 =	vld [tilespmem:s29+$0xFFFFFF80]  }
0x6d1: {  	s0 =	sadd.s32 $0x8, s0;
	v38 =	vmovc v20;
	v50 =	vadd.s32 v25, v42;
	v51 =	vadd.s32 v29, v41;
	v13 =	vld [tilespmem:s29+$0xFFFFFE40];
	s29 =	smov.u32 s12;
	s12 =	sadd.s32 $0x200, s12;
	v54 =	vadd.s32 v26, v44  }
0x6d2: {  	_ =	sdelay $0x3  }
0x6d3: {  	[tilespmem:v59+s11+$0x0] =	vst.idx.msk $0xffff, v8  }
0x6d4: {  	[tilespmem:v3+s11+$0x0] =	vst.idx.msk $0xffff, v14  }
0x6d5: {  	[tilespmem:v53+s11+$0x0] =	vst.idx.msk $0xffff, v49  }
0x6d6: {  	[tilespmem:v11+s11+$0x0] =	vst.idx.msk $0xffff, v17  }
0x6d7: {  	[tilespmem:v16+s11+$0x0] =	vst.idx.msk $0xffff, v62;
	v7 =	vld [tilespmem:s29+$0xFFFFFFE0]  }
0x6d8: {  	v17 =	vadd.s32 v30, v37;
	[tilespmem:v55+s11+$0x0] =	vst.idx.msk $0xffff, v48;
	v18 =	vadd.f32 v12, v33  }
0x6d9: {  	[tilespmem:v63+s11+$0x0] =	vst.idx.msk $0xffff, v6;
	v3 =	vadd.f32 v15, v33  }
0x6da: {  	v2 =	vadd.f32 v2, v33;
	[tilespmem:v10+s11+$0x0] =	vst.idx.msk $0xffff, v18  }
0x6db: {  	[tilespmem:v9+s11+$0x0] =	vst.idx.msk $0xffff, v3  }
0x6dc: {  	[tilespmem:v60+s11+$0x0] =	vst.idx.msk $0xffff, v2;
	v7 =	vadd.f32 v7, v35  }
0x6dd: {  	v3 =	vld [tilespmem:s29+$0xFFFFFFA0];
	[tilespmem:v17+s11+$0x0] =	vst.idx.msk $0xffff, v61  }
0x6de: {  	v19 =	vld [tilespmem:s29+$0xFFFFFF60];
	[tilespmem:v56+s11+$0x0] =	vst.idx.msk $0xffff, v7  }
0x6df: {  	v28 =	vld [tilespmem:$0x1FFF0]  }
0x6e0: {  	v20 =	vld [tilespmem:s29+$0xFFFFFE70]  }
0x6e1: {  	v2 =	vld [tilespmem:s29+$0xFFFFFE20]  }
0x6e2: {  	v21 =	vld [tilespmem:s29+$0xFFFFFF30];
	v3 =	vadd.f32 v3, v35  }
0x6e3: {  	v22 =	vadd.f32 v19, v35;
	v7 =	vld [tilespmem:s29+$0xFFFFFFF0]  }
0x6e4: {  	v32 =	vadd.f32 v13, v33;
	[tilespmem:v58+s11+$0x0] =	vst.idx.msk $0xffff, v3;
	v3 =	vld [tilespmem:s29+$0xFFFFFEF0];
	v23 =	vadd.s32 v28, v40  }
0x6e5: {  	v37 =	vadd.f32 v20, v34;
	[tilespmem:v47+s11+$0x0] =	vst.idx.msk $0xffff, v22  }
0x6e6: {  	[tilespmem:v5+s11+$0x0] =	vst.idx.msk $0xffff, v32;
	v2 =	vadd.f32 v2, v35  }
0x6e7: {  	v8 =	vadd.f32 v21, v34;
	[tilespmem:v0+s11+$0x0] =	vst.idx.msk $0xffff, v37  }
0x6e8: {  	v6 =	vld [tilespmem:s29+$0xFFFFFF70];
	[tilespmem:v54+s11+$0x0] =	vst.idx.msk $0xffff, v2;
	v2 =	vadd.f32 v7, v34  }
0x6e9: {  	v36 =	vld [tilespmem:s29+$0xFFFFFFB0];
	v3 =	vadd.f32 v3, v34;
	[tilespmem:v23+s11+$0x0] =	vst.idx.msk $0xffff, v8  }
0x6ea: {  	v48 =	vld [tilespmem:$0x1FE30];
	[tilespmem:v52+s11+$0x0] =	vst.idx.msk $0xffff, v2  }
0x6eb: {  	v47 =	vld [tilespmem:s29+$0xFFFFFEB0];
	[tilespmem:v46+s11+$0x0] =	vst.idx.msk $0xffff, v3  }
0x6ec: {  	v53 =	vld [tilespmem:$0x1FF30]  }
0x6ed: {  	v0 =	vld [tilespmem:s29+$0xFFFFFE30]  }
0x6ee: {  	v5 =	vld [tilespmem:s29+$0xFFFFFE80];
	v49 =	vadd.f32 v36, v34  }
0x6ef: {  	v8 =	vld [tilespmem:s29+$0xFFFFFF40];
	v2 =	vadd.f32 v6, v34;
	v7 =	vadd.s32 v48, v44  }
0x6f0: {  	v52 =	vadd.f32 v47, v34;
	v3 =	vld [tilespmem:s29+$0x0];
	[tilespmem:v51+s11+$0x0] =	vst.idx.msk $0xffff, v49  }
0x6f1: {  	v9 =	vld [tilespmem:$0x1FFE0];
	[tilespmem:v50+s11+$0x0] =	vst.idx.msk $0xffff, v2;
	v10 =	vadd.s32 v53, v40  }
0x6f2: {  	v0 =	vadd.f32 v0, v34;
	v54 =	vld [tilespmem:s29+$0xFFFFFF00];
	[tilespmem:v4+s11+$0x0] =	vst.idx.msk $0xffff, v52  }
0x6f3: {  	v55 =	vadd.f32 v5, v33;
	v56 =	vld [tilespmem:$0x1FF00]  }
0x6f4: {  	v59 =	vld [tilespmem:$0x1FE00];
	v8 =	vadd.f32 v8, v33;
	[tilespmem:v7+s11+$0x0] =	vst.idx.msk $0xffff, v0  }
0x6f5: {  	v0 =	vld [tilespmem:$0x1FF70];
	[tilespmem:v38+s11+$0x0] =	vst.idx.msk $0xffff, v55  }
0x6f6: {  	v58 =	vld [tilespmem:s29+$0xFFFFFEC0];
	[tilespmem:v10+s11+$0x0] =	vst.idx.msk $0xffff, v8  }
0x6f7: {  	v9 =	vadd.s32 v9, v45;
	v10 =	vld [tilespmem:$0x1FE40]  }
0x6f8: {  	v62 =	vadd.s32 v30, v39;
	v2 =	vld [tilespmem:s29+$0xFFFFFFC0]  }
0x6f9: {  	v57 =	vld [tilespmem:s29+$0xFFFFFF80];
	v5 =	vadd.s32 v56, v43  }
0x6fa: {  	v3 =	vadd.f32 v3, v33;
	v13 =	vadd.s32 v59, v41;
	v60 =	vld [tilespmem:s29+$0xFFFFFE40]  }
0x6fb: {  	v63 =	vadd.f32 v58, v33;
	v0 =	vadd.s32 v0, v42  }
0x6fc: {  	v61 =	vadd.f32 v54, v33;
	[tilespmem:v9+s11+$0x0] =	vst.idx.msk $0xffff, v3;
	v10 =	vadd.s32 v10, v44  }
0x6fd: {  	v2 =	vadd.f32 v2, v33;
	[tilespmem:v62+s11+$0x0] =	vst.idx.msk $0xffff, v63  }
0x6fe: {  	v3 =	vadd.f32 v57, v33;
	[tilespmem:v5+s11+$0x0] =	vst.idx.msk $0xffff, v61  }
0x6ff: {  	[tilespmem:v13+s11+$0x0] =	vst.idx.msk $0xffff, v2;
	v2 =	vadd.f32 v60, v33  }
0x700: {  	[tilespmem:v0+s11+$0x0] =	vst.idx.msk $0xffff, v3  }
0x701: {  	[tilespmem:v10+s11+$0x0] =	vst.idx.msk $0xffff, v2  }
0x702: {  	s0 =	rddreg [dreg:$0xa]  }
0x703: {  	s17 =	simm.s32 $0x12800;
	s12 =	sadd.s32 s26, s0  }
0x704: {  	[hbm4b:s12+s3] =	stream.linear.scatter [tilespmem:s17], [sflag:$0x6], $0x80, $0x38;
	[tilespmem:$0x14E00] =	vst v63  }
0x705: {  	s29 =	simm.s32 $0x12890;
	s13 =	sadd.s32 $0x10, s12  }
0x706: {  	[hbm4b:s13+s3] =	stream.linear.scatter [tilespmem:s29], [sflag:$0x6], $0x80, $0x38;
	[tilespmem:$0x14E00] =	vst v63  }
0x707: {  	s30 =	simm.s32 $0x12920;
	s15 =	simm.s32 $0x12A40;
	s31 =	sadd.s32 $0x20, s12  }
0x708: {  	[hbm4b:s31+s3] =	stream.linear.scatter [tilespmem:s30], [sflag:$0x6], $0x80, $0x38;
	[tilespmem:$0x14E00] =	vst v63  }
0x709: {  	s0 =	simm.s32 $0x480;
	s14 =	sadd.s32 $0x30, s12;
	s13 =	simm.s32 $0x129B0  }
0x70a: {  	[hbm4b:s14+s3] =	stream.linear.scatter [tilespmem:s13], [sflag:$0x6], $0x80, $0x38;
	[tilespmem:$0x14E00] =	vst v63  }
0x70b: {  	s16 =	sadd.s32 $0x40, s12;
	s17 =	simm.s32 $0x12AD0;
	s29 =	sadd.s32 $0x50, s12  }
0x70c: {  	[hbm4b:s16+s3] =	stream.linear.scatter [tilespmem:s15], [sflag:$0x6], $0x80, $0x38;
	[tilespmem:$0x14E00] =	vst v63  }
0x70d: {  	s30 =	simm.s32 $0x12B60;
	s31 =	sadd.s32 $0x60, s12;
	s13 =	simm.s32 $0x2400  }
0x70e: {  	[hbm4b:s29+s3] =	stream.linear.scatter [tilespmem:s17], [sflag:$0x6], $0x80, $0x38;
	[tilespmem:$0x14E00] =	vst v63  }
0x70f: {  	s14 =	simm.s32 $0x12BF0;
	s15 =	sadd.s32 $0x70, s12;
	s12 =	sadd.s32 $0x1000, s12  }
0x710: {  	[hbm4b:s31+s3] =	stream.linear.scatter [tilespmem:s30], [sflag:$0x6], $0x80, $0x38;
	[tilespmem:$0x14E00] =	vst v63  }
.LBB2_29:
0x711: {  	[hbm4b:s15+s3] =	stream.linear.scatter [tilespmem:s14], [sflag:$0x6], $0x80, $0x38;
	[tilespmem:$0x14E00] =	vst v63  }
0x712: {  	s14 =	smov.u32 s0;
	s0 =	smov.u32 s13  }
0x713: {  	s16 =	sadd.s32 $0x1200, s13;
	s0 =	sshra.s32 s0, $0x2;
	s15 =	sadd.s32 $0x12800, s14  }
0x714: {  	[hbm4b:s12+s3] =	stream.linear.scatter [tilespmem:s15], [sflag:$0x6], $0x80, $0x38;
	[tilespmem:$0x14E00] =	vst v63  }
0x715: {  	p0 =	sne.s32 s13, $0x7E00;
	s13 =	sadd.s32 $0x12890, s14;
	s15 =	sadd.s32 $0x10, s12  }
0x716: {  	[hbm4b:s15+s3] =	stream.linear.scatter [tilespmem:s13], [sflag:$0x6], $0x80, $0x38;
	[tilespmem:$0x14E00] =	vst v63  }
0x717: {  	s13 =	sadd.s32 $0x12920, s14;
	s15 =	sadd.s32 $0x20, s12  }
0x718: {  	[hbm4b:s15+s3] =	stream.linear.scatter [tilespmem:s13], [sflag:$0x6], $0x80, $0x38;
	[tilespmem:$0x14E00] =	vst v63  }
0x719: {  	s13 =	sadd.s32 $0x129B0, s14;
	s15 =	sadd.s32 $0x30, s12  }
0x71a: {  	[hbm4b:s15+s3] =	stream.linear.scatter [tilespmem:s13], [sflag:$0x6], $0x80, $0x38;
	[tilespmem:$0x14E00] =	vst v63  }
0x71b: {  	s13 =	sadd.s32 $0x12A40, s14;
	s15 =	sadd.s32 $0x40, s12  }
0x71c: {  	[hbm4b:s15+s3] =	stream.linear.scatter [tilespmem:s13], [sflag:$0x6], $0x80, $0x38;
	[tilespmem:$0x14E00] =	vst v63  }
.Ltmp13:
0x71d: {  	s13 =	sadd.s32 $0x12AD0, s14;
	s15 =	sadd.s32 $0x50, s12;
	(pc) =	sbr.rel @p0 .LBB2_29-.Ltmp13, $4  }
0x71e: {  	[hbm4b:s15+s3] =	stream.linear.scatter [tilespmem:s13], [sflag:$0x6], $0x80, $0x38;
	[tilespmem:$0x14E00] =	vst v63  }
0x71f: {  	s13 =	sadd.s32 $0x12B60, s14;
	s15 =	sadd.s32 $0x60, s12;
	s14 =	sadd.s32 $0x12BF0, s14  }
0x720: {  	[hbm4b:s15+s3] =	stream.linear.scatter [tilespmem:s13], [sflag:$0x6], $0x80, $0x38;
	[tilespmem:$0x14E00] =	vst v63  }
0x721: {  	s15 =	sadd.s32 $0x70, s12;
	s12 =	sadd.s32 $0x1000, s12;
	s13 =	smov.u32 s16  }
0x722: {  	[hbm4b:s15+s3] =	stream.linear.scatter [tilespmem:s14], [sflag:$0x6], $0x80, $0x38;
	[tilespmem:$0x14E00] =	vst v63  }
0x723: {  	s13 =	sadd.s32 $0x12800, s0  }
0x724: {  	[hbm4b:s12+s3] =	stream.linear.scatter [tilespmem:s13], [sflag:$0x6], $0x80, $0x38;
	[tilespmem:$0x14E00] =	vst v63  }
0x725: {  	s30 =	sadd.s32 $0x12890, s0;
	s31 =	sadd.s32 $0x10, s12  }
0x726: {  	[hbm4b:s31+s3] =	stream.linear.scatter [tilespmem:s30], [sflag:$0x6], $0x80, $0x38;
	[tilespmem:$0x14E00] =	vst v63  }
0x727: {  	s14 =	sadd.s32 $0x12920, s0;
	s15 =	sadd.s32 $0x20, s12  }
0x728: {  	[hbm4b:s15+s3] =	stream.linear.scatter [tilespmem:s14], [sflag:$0x6], $0x80, $0x38;
	[tilespmem:$0x14E00] =	vst v63  }
0x729: {  	s16 =	sadd.s32 $0x129B0, s0;
	s17 =	sadd.s32 $0x30, s12  }
0x72a: {  	[hbm4b:s17+s3] =	stream.linear.scatter [tilespmem:s16], [sflag:$0x6], $0x80, $0x38;
	[tilespmem:$0x14E00] =	vst v63  }
0x72b: {  	s30 =	sadd.s32 $0x12A40, s0;
	s31 =	sadd.s32 $0x40, s12  }
0x72c: {  	[hbm4b:s31+s3] =	stream.linear.scatter [tilespmem:s30], [sflag:$0x6], $0x80, $0x38;
	[tilespmem:$0x14E00] =	vst v63  }
0x72d: {  	s15 =	sadd.s32 $0x12AD0, s0;
	s16 =	sadd.s32 $0x50, s12  }
0x72e: {  	[hbm4b:s16+s3] =	stream.linear.scatter [tilespmem:s15], [sflag:$0x6], $0x80, $0x38;
	[tilespmem:$0x14E00] =	vst v63  }
0x72f: {  	s17 =	sadd.s32 $0x12B60, s0;
	s30 =	sadd.s32 $0x60, s12  }
0x730: {  	[hbm4b:s30+s3] =	stream.linear.scatter [tilespmem:s17], [sflag:$0x6], $0x80, $0x38;
	[tilespmem:$0x14E00] =	vst v63  }
0x731: {  	s13 =	sadd.s32 $0x70, s12;
	s31 =	sadd.s32 $0x12BF0, s0  }
0x732: {  	[hbm4b:s13+s3] =	stream.linear.scatter [tilespmem:s31], [sflag:$0x6], $0x80, $0x38;
	[tilespmem:$0x14E00] =	vst v63  }
0x733: {  	_ =	swait.ge [sflag:s8], $0x2000  }
0x734: {  	v32 =	vld [tilespmem:$0x1FF10]  }
0x735: {  	v30 =	vld [tilespmem:$0x1FE50]  }
0x736: {  	v48 =	vld [tilespmem:$0x1FE80]  }
0x737: {  	[sflag:s8] =	ssyncset.done $0x0;
	v49 =	vld [tilespmem:$0x1FE90]  }
0x738: {  	s30 =	simm.s32 $0x1;
	v60 =	vld [tilespmem:$0x1FED0];
	[sflag:s8] =	ssyncadd.s32 $0xFFFFE000  }
0x739: {  	s16 =	simm.s32 $0x4;
	v5 =	vmov s30;
	v36 =	vld [tilespmem:$0x14D80]  }
0x73a: {  	v3 =	vmov s16;
	v5 =	vshrl.u32 v5, $0x3;
	v35 =	vld [tilespmem:$0x14D90]  }
0x73b: {  	v3 =	vshrl.u32 v3, $0x3;
	s31 =	simm.s32 $0x2;
	v5 =	vshll.u32 v5, v1;
	v34 =	vld [tilespmem:$0x14DA0]  }
0x73c: {  	s14 =	simm.s32 $0x0;
	s30 =	simm.s32 $0xC5F0;
	v3 =	vshll.u32 v3, v1;
	v6 =	vmov s31;
	v5 =	vbroadcast v5, $0x0;
	v33 =	vld [tilespmem:$0x14DB0]  }
0x73d: {  	v0 =	vmov s14;
	s14 =	simm.s32 $0x3;
	v44 =	vbroadcast v3, $0x0;
	v6 =	vshrl.u32 v6, $0x3;
	v7 =	vld [tilespmem:s30+$0xFFFFFF10]  }
0x73e: {  	v3 =	vmov s14;
	v6 =	vshll.u32 v6, v1;
	v8 =	vld [tilespmem:s30+$0xFFFFFE50];
	v11 =	vadd.s32 v48, v5  }
0x73f: {  	v3 =	vshrl.u32 v3, $0x3;
	v9 =	vld [tilespmem:s30+$0xFFFFFE90];
	v37 =	vbroadcast v6, $0x0;
	v6 =	vadd.s32 v32, v44;
	[tilespmem:$0x1FB80] =	vst v11  }
0x740: {  	v0 =	vshrl.u32 v0, $0x3;
	s15 =	simm.s32 $0x7;
	v3 =	vshll.u32 v3, v1;
	v10 =	vadd.s32 v30, v5;
	v11 =	vld [tilespmem:s30+$0xFFFFFED0]  }
0x741: {  	v2 =	vmov s15;
	s15 =	simm.s32 $0x6;
	v29 =	vbroadcast v3, $0x0;
	v12 =	vadd.s32 v49, v37;
	v3 =	vld [tilespmem:s30+$0xFFFFFE10]  }
0x742: {  	v17 =	vshll.u32 v0, v1;
	s17 =	simm.s32 $0x5;
	v14 =	vmov s15;
	v13 =	vld [tilespmem:s30+$0xFFFFFFD0];
	v7 =	vadd.f32 v7, v36  }
0x743: {  	v4 =	vmov s17;
	v15 =	vadd.s32 v60, v29;
	v16 =	vld [tilespmem:s30+$0xFFFFFF90];
	v0 =	vadd.f32 v8, v36  }
0x744: {  	v4 =	vshrl.u32 v4, $0x3;
	v8 =	vshrl.u32 v14, $0x3;
	v14 =	vld [tilespmem:s30+$0xFFFFFF50];
	v9 =	vadd.f32 v9, v36;
	[tilespmem:v6+s9+$0x0] =	vst.idx.msk $0xffff, v7  }
0x745: {  	v4 =	vshll.u32 v4, v1;
	[tilespmem:v10+s9+$0x0] =	vst.idx.msk $0xffff, v0;
	v6 =	vld [tilespmem:s30+$0xFFFFFF20]  }
0x746: {  	v55 =	vbroadcast v4, $0x0;
	[tilespmem:v12+s9+$0x0] =	vst.idx.msk $0xffff, v9;
	v4 =	vld [tilespmem:s30+$0xFFFFFE60];
	v7 =	vadd.f32 v11, v36  }
0x747: {  	v27 =	vld [tilespmem:$0x1FE60]  }
0x748: {  	v10 =	vld [tilespmem:s30+$0xFFFFFEA0];
	[tilespmem:v15+s9+$0x0] =	vst.idx.msk $0xffff, v7  }
0x749: {  	v59 =	vld [tilespmem:$0x1FF80]  }
0x74a: {  	v61 =	vld [tilespmem:$0x1FF20]  }
0x74b: {  	v8 =	vshll.u32 v8, v1;
	v62 =	vld [tilespmem:$0x1FF50]  }
0x74c: {  	v52 =	vbroadcast v8, $0x0;
	v8 =	vadd.f32 v13, v36;
	v13 =	vld [tilespmem:s30+$0xFFFFFEE0]  }
0x74d: {  	v63 =	vld [tilespmem:$0x1FFB0]  }
0x74e: {  	v22 =	vld [tilespmem:$0x1FEA0]  }
0x74f: {  	v31 =	vld [tilespmem:$0x1FEF0]  }
0x750: {  	v50 =	vld [tilespmem:$0x1FF90]  }
0x751: {  	v24 =	vld [tilespmem:$0x1FE70]  }
0x752: {  	v2 =	vshrl.u32 v2, $0x3;
	v51 =	vld [tilespmem:$0x1FEE0]  }
0x753: {  	v54 =	vbroadcast v17, $0x0;
	v2 =	vshll.u32 v2, v1;
	v56 =	vld [tilespmem:$0x1FFC0];
	v17 =	vadd.s32 v22, v37  }
0x754: {  	v0 =	vbroadcast v2, $0x0;
	v57 =	vld [tilespmem:$0x1FE20]  }
0x755: {  	v23 =	vld [tilespmem:$0x1FF40];
	v9 =	vadd.s32 v27, v5;
	v19 =	vadd.f32 v4, v35;
	v2 =	vadd.s32 v31, v29  }
0x756: {  	v38 =	vld [tilespmem:$0x1FEB0];
	v4 =	vadd.f32 v10, v35;
	v24 =	vadd.s32 v24, v5;
	v5 =	vadd.s32 v25, v55;
	[tilespmem:$0x1FB90] =	vst v2  }
0x757: {  	v25 =	vld [tilespmem:$0x1FFD0];
	[tilespmem:$0x1FBB0] =	vst v5  }
0x758: {  	v2 =	vld [tilespmem:$0x1FE10];
	[tilespmem:v17+s9+$0x0] =	vst.idx.msk $0xffff, v4  }
0x759: {  	v4 =	vld [tilespmem:$0x1FFA0];
	_ =	sdelay $0x3  }
0x75a: {  	s29 =	simm.s32 $0xC7F0  }
0x75b: {  	v42 =	vld [tilespmem:s29+$0xFFFFFE50];
	v4 =	vadd.s32 v4, v52  }
0x75c: {  	[tilespmem:$0x1FBA0] =	vst v4;
	v4 =	vld [tilespmem:$0x1FE30]  }
0x75d: {  	s17 =	simm.s32 $0xF  }
0x75e: {  	s16 =	simm.s32 $0x8;
	v40 =	vmov s17;
	s17 =	simm.s32 $0xB;
	v7 =	vadd.s32 v59, v52  }
0x75f: {  	v43 =	vmov s16;
	v58 =	vmov s17;
	v3 =	vadd.f32 v3, v36  }
0x760: {  	v14 =	vadd.f32 v14, v36;
	v16 =	vadd.f32 v16, v36;
	v23 =	vadd.s32 v23, v55  }
0x761: {  	v6 =	vadd.f32 v6, v35;
	v11 =	vadd.s32 v61, v44;
	v4 =	vadd.s32 v4, v54  }
0x762: {  	s31 =	simm.s32 $0x9;
	v12 =	vadd.s32 v62, v55;
	v15 =	vadd.s32 v63, v0;
	v21 =	vadd.s32 v51, v29;
	[tilespmem:$0x1FBC0] =	vst v4  }
0x763: {  	v39 =	vmov s31;
	v20 =	vadd.s32 v50, v52;
	v10 =	vadd.s32 v56, v0;
	[tilespmem:v7+s9+$0x0] =	vst.idx.msk $0xffff, v16  }
0x764: {  	s15 =	simm.s32 $0xA;
	s14 =	simm.s32 $0xC;
	v39 =	vshrl.u32 v39, $0x3;
	v13 =	vadd.f32 v13, v35;
	v18 =	vadd.s32 v2, v54;
	v53 =	vld [tilespmem:s30+$0xFFFFFEB0];
	[tilespmem:v9+s9+$0x0] =	vst.idx.msk $0xffff, v19  }
0x765: {  	v41 =	vadd.s32 v38, v37;
	v7 =	vmov s14;
	v16 =	vmov s15;
	[tilespmem:v23+s9+$0x0] =	vst.idx.msk $0xffff, v14;
	v46 =	vld [tilespmem:s30+$0xFFFFFFA0]  }
0x766: {  	v45 =	vld [tilespmem:s29+$0xFFFFFE90];
	v19 =	vshll.u32 v39, v1;
	[tilespmem:v11+s9+$0x0] =	vst.idx.msk $0xffff, v6;
	v16 =	vshrl.u32 v16, $0x3;
	v7 =	vshrl.u32 v7, $0x3  }
0x767: {  	[tilespmem:v21+s9+$0x0] =	vst.idx.msk $0xffff, v13;
	v19 =	vbroadcast v19, $0x0;
	v14 =	vshll.u32 v16, v1;
	v16 =	vld [tilespmem:s30+$0xFFFFFE70];
	v7 =	vshll.u32 v7, v1  }
0x768: {  	[tilespmem:v15+s9+$0x0] =	vst.idx.msk $0xffff, v8;
	v39 =	vbroadcast v14, $0x0;
	v14 =	vshrl.u32 v40, $0x3;
	v40 =	vbroadcast v7, $0x0;
	v7 =	vld [tilespmem:s29+$0xFFFFFE10]  }
0x769: {  	v26 =	vadd.s32 v57, v54;
	v47 =	vld [tilespmem:s29+$0xFFFFFF10];
	v13 =	vshrl.u32 v43, $0x3;
	[tilespmem:v18+s9+$0x0] =	vst.idx.msk $0xffff, v3;
	v23 =	vadd.s32 v30, v19  }
0x76a: {  	v43 =	vld [tilespmem:s29+$0xFFFFFFD0];
	v38 =	vadd.s32 v48, v19;
	v11 =	vadd.f32 v53, v34;
	v15 =	vadd.f32 v46, v35  }
0x76b: {  	s31 =	simm.s32 $0xE;
	v21 =	vadd.s32 v49, v39;
	v8 =	vadd.s32 v32, v40;
	v32 =	vld [tilespmem:s30+$0xFFFFFFE0];
	v3 =	vadd.f32 v45, v36  }
0x76c: {  	v6 =	vld [tilespmem:s30+$0xFFFFFF60];
	v46 =	vadd.f32 v42, v36;
	v16 =	vadd.f32 v16, v34;
	[tilespmem:v20+s9+$0x0] =	vst.idx.msk $0xffff, v15;
	v15 =	vmov s31  }
0x76d: {  	v18 =	vld [tilespmem:s30+$0xFFFFFE20];
	[tilespmem:v41+s9+$0x0] =	vst.idx.msk $0xffff, v11;
	v41 =	vshrl.u32 v58, $0x3;
	v48 =	vadd.f32 v7, v36;
	v15 =	vshrl.u32 v15, $0x3  }
0x76e: {  	[tilespmem:v24+s9+$0x0] =	vst.idx.msk $0xffff, v16;
	v16 =	vld [tilespmem:s30+$0xFFFFFF30];
	v7 =	vshll.u32 v15, v1;
	v15 =	vshll.u32 v41, v1  }
0x76f: {  	v53 =	vld [tilespmem:s29+$0xFFFFFED0];
	v49 =	vadd.f32 v43, v36;
	[tilespmem:v23+s9+$0x0] =	vst.idx.msk $0xffff, v46;
	v24 =	vadd.f32 v47, v36;
	v43 =	vbroadcast v15, $0x0  }
0x770: {  	v17 =	vadd.s32 v28, v44;
	[tilespmem:v21+s9+$0x0] =	vst.idx.msk $0xffff, v3;
	v3 =	vadd.f32 v32, v35  }
0x771: {  	v6 =	vadd.f32 v6, v35;
	[tilespmem:v8+s9+$0x0] =	vst.idx.msk $0xffff, v24;
	v8 =	vadd.s32 v60, v43  }
0x772: {  	v4 =	vld [tilespmem:s29+$0xFFFFFF90];
	[tilespmem:v10+s9+$0x0] =	vst.idx.msk $0xffff, v3;
	v10 =	vadd.f32 v18, v35  }
0x773: {  	[tilespmem:v12+s9+$0x0] =	vst.idx.msk $0xffff, v6;
	v3 =	vadd.f32 v16, v34  }
0x774: {  	v12 =	vadd.f32 v53, v36;
	v18 =	vld [tilespmem:$0x1FF30];
	[tilespmem:v26+s9+$0x0] =	vst.idx.msk $0xffff, v10  }
0x775: {  	[tilespmem:v17+s9+$0x0] =	vst.idx.msk $0xffff, v3  }
0x776: {  	v6 =	vld [tilespmem:s30+$0xFFFFFFF0];
	[tilespmem:v8+s9+$0x0] =	vst.idx.msk $0xffff, v12  }
0x777: {  	v8 =	vadd.f32 v4, v36;
	v4 =	vld [tilespmem:$0x1FB80]  }
0x778: {  	v41 =	vbroadcast v7, $0x0;
	v7 =	vld [tilespmem:s30+$0xFFFFFE80]  }
0x779: {  	v5 =	vadd.s32 v25, v0;
	_ =	sdelay $0x1  }
0x77a: {  	v12 =	vld [tilespmem:$0x1FF70]  }
0x77b: {  	v6 =	vadd.f32 v6, v34  }
0x77c: {  	v13 =	vshll.u32 v13, v1;
	v7 =	vadd.f32 v7, v33  }
0x77d: {  	v16 =	vadd.s32 v18, v44;
	v44 =	vbroadcast v13, $0x0;
	[tilespmem:v5+s9+$0x0] =	vst.idx.msk $0xffff, v6  }
0x77e: {  	[tilespmem:v4+s9+$0x0] =	vst.idx.msk $0xffff, v7  }
0x77f: {  	v14 =	vshll.u32 v14, v1;
	v60 =	vadd.s32 v12, v55;
	v55 =	vadd.s32 v2, v44;
	v2 =	vld [tilespmem:$0x1FB90]  }
0x780: {  	v45 =	vbroadcast v14, $0x0;
	v14 =	vld [tilespmem:s30+$0xFFFFFEF0];
	_ =	sdelay $0x2  }
0x781: {  	s16 =	simm.s32 $0xD  }
0x782: {  	v9 =	vmov s16  }
0x783: {  	v9 =	vshrl.u32 v9, $0x3;
	v12 =	vadd.f32 v14, v34  }
0x784: {  	v9 =	vshll.u32 v9, v1  }
0x785: {  	v42 =	vbroadcast v9, $0x0;
	v9 =	vld [tilespmem:s30+$0xFFFFFFB0];
	[tilespmem:v2+s9+$0x0] =	vst.idx.msk $0xffff, v12  }
0x786: {  	v2 =	vld [tilespmem:$0x1FF00];
	_ =	sdelay $0x4  }
0x787: {  	v14 =	vadd.f32 v9, v34;
	v9 =	vadd.s32 v2, v29;
	v2 =	vld [tilespmem:$0x1FBA0];
	_ =	sdelay $0x2  }
0x788: {  	v11 =	vld [tilespmem:s29+$0xFFFFFF50];
	_ =	sdelay $0x4  }
0x789: {  	v47 =	vadd.s32 v62, v42;
	v62 =	vadd.f32 v11, v36;
	v11 =	vld [tilespmem:s30+$0xFFFFFF40];
	[tilespmem:v2+s9+$0x0] =	vst.idx.msk $0xffff, v14  }
0x78a: {  	v5 =	vld [tilespmem:$0x1FFE0];
	_ =	sdelay $0x4  }
0x78b: {  	v12 =	vadd.f32 v11, v33;
	v11 =	vadd.s32 v5, v0;
	v0 =	vld [tilespmem:$0x1FBB0]  }
0x78c: {  	v10 =	vld [tilespmem:s30+$0xFFFFFF70];
	_ =	sdelay $0x4  }
0x78d: {  	v10 =	vadd.f32 v10, v34;
	_ =	sdelay $0x1  }
0x78e: {  	[tilespmem:v0+s9+$0x0] =	vst.idx.msk $0xffff, v10  }
0x78f: {  	v0 =	vld [tilespmem:$0x1FE00];
	_ =	sdelay $0x2  }
0x790: {  	v17 =	vld [tilespmem:s29+$0xFFFFFE60];
	_ =	sdelay $0x1  }
0x791: {  	v10 =	vadd.s32 v0, v52;
	v0 =	vld [tilespmem:$0x1FE40];
	_ =	sdelay $0x1  }
0x792: {  	v15 =	vld [tilespmem:s29+$0xFFFFFF20]  }
0x793: {  	v18 =	vadd.f32 v17, v35;
	v17 =	vld [tilespmem:s30+$0xFFFFFE30]  }
0x794: {  	v7 =	vld [tilespmem:s29+$0xFFFFFEA0];
	[tilespmem:v16+s9+$0x0] =	vst.idx.msk $0xffff, v12  }
0x795: {  	v20 =	vadd.s32 v61, v40;
	v5 =	vadd.s32 v0, v54;
	v0 =	vld [tilespmem:$0x1FF40]  }
0x796: {  	v2 =	vld [tilespmem:s30+$0x0];
	_ =	sdelay $0x1  }
0x797: {  	v13 =	vadd.f32 v15, v35  }
0x798: {  	v58 =	vld [tilespmem:s30+$0xFFFFFEC0]  }
0x799: {  	v14 =	vadd.f32 v7, v35;
	v26 =	vmov v0;
	v16 =	vadd.s32 v0, v42;
	v0 =	vld [tilespmem:$0x1FE70];
	[tilespmem:v20+s9+$0x0] =	vst.idx.msk $0xffff, v13  }
0x79a: {  	v7 =	vadd.f32 v17, v34;
	v17 =	vadd.f32 v2, v33;
	v2 =	vld [tilespmem:$0x1FF60];
	_ =	sdelay $0x4  }
0x79b: {  	v61 =	vadd.f32 v58, v33;
	v58 =	vadd.s32 v50, v41;
	v50 =	vadd.s32 v2, v42;
	v2 =	vld [tilespmem:$0x1FBC0];
	_ =	sdelay $0x1  }
0x79c: {  	v24 =	vadd.s32 v27, v19;
	_ =	sdelay $0x4  }
0x79d: {  	[tilespmem:v24+s9+$0x0] =	vst.idx.msk $0xffff, v18  }
0x79e: {  	v6 =	vld [tilespmem:s29+$0xFFFFFEE0];
	[tilespmem:v2+s9+$0x0] =	vst.idx.msk $0xffff, v7  }
0x79f: {  	v4 =	vld [tilespmem:$0x1FEB0]  }
0x7a0: {  	v7 =	vld [tilespmem:$0x1FFA0]  }
0x7a1: {  	v56 =	vadd.s32 v56, v45;
	v15 =	vld [tilespmem:s30+$0xFFFFFF00]  }
0x7a2: {  	v53 =	vadd.s32 v63, v45;
	v59 =	vadd.s32 v59, v41;
	v46 =	vadd.s32 v31, v43;
	v12 =	vld [tilespmem:s30+$0xFFFFFFC0]  }
0x7a3: {  	v32 =	vmovc v57;
	v63 =	vadd.s32 v51, v43;
	v3 =	vadd.s32 v22, v39;
	v6 =	vadd.f32 v6, v35;
	v2 =	vld [tilespmem:s30+$0xFFFFFF80]  }
0x7a4: {  	v52 =	vadd.s32 v25, v45;
	v54 =	vadd.s32 v57, v44;
	v30 =	vmovc v0;
	v0 =	vadd.s32 v0, v19;
	v13 =	vld [tilespmem:s30+$0xFFFFFE40]  }
0x7a5: {  	s0 =	simm.s32 $0x10;
	s12 =	simm.s32 $0xC9F0;
	v31 =	vmovc v25;
	v28 =	vld [tilespmem:$0x1FEC0];
	v27 =	vmovc v4;
	v4 =	vadd.s32 v4, v39;
	v29 =	vmov v7;
	v51 =	vadd.s32 v7, v41  }
.LBB2_31:
0x7a6: {  	_ = 	snop  }
0x7a7: {  	s14 =	smov.u32 s0;
	[tilespmem:v59+s9+$0x0] =	vst.idx.msk $0xffff, v8  }
0x7a8: {  	v7 =	vld [tilespmem:$0x1FE30];
	[tilespmem:v3+s9+$0x0] =	vst.idx.msk $0xffff, v14;
	s17 =	sadd.s32 $0x2, s14  }
0x7a9: {  	[tilespmem:v11+s9+$0x0] =	vst.idx.msk $0xffff, v17;
	v8 =	vld [tilespmem:s12+$0xFFFFFF90];
	v17 =	vmov s17;
	v3 =	vadd.f32 v15, v33  }
0x7aa: {  	v22 =	vadd.s32 v28, v37;
	[tilespmem:v16+s9+$0x0] =	vst.idx.msk $0xffff, v62;
	v21 =	vld [tilespmem:s29+$0xFFFFFEB0];
	v16 =	vshrl.u32 v17, $0x3;
	v13 =	vadd.f32 v13, v33  }
0x7ab: {  	v19 =	vmov s14;
	v12 =	vadd.f32 v12, v33;
	[tilespmem:v9+s9+$0x0] =	vst.idx.msk $0xffff, v3;
	v9 =	vshll.u32 v16, v1;
	v16 =	vld [tilespmem:s29+$0xFFFFFFA0]  }
0x7ac: {  	[tilespmem:v5+s9+$0x0] =	vst.idx.msk $0xffff, v13;
	v13 =	vshrl.u32 v19, $0x3;
	v19 =	vld [tilespmem:$0x1FE90]  }
0x7ad: {  	[tilespmem:v10+s9+$0x0] =	vst.idx.msk $0xffff, v12;
	v12 =	vld [tilespmem:s29+$0xFFFFFE70]  }
0x7ae: {  	v18 =	vld [tilespmem:s12+$0xFFFFFE50];
	s15 =	sadd.s32 $0x4, s14;
	v3 =	vadd.f32 v2, v33  }
0x7af: {  	v37 =	vmov v39;
	v14 =	vmov s15;
	v23 =	vld [tilespmem:s12+$0xFFFFFE90];
	[tilespmem:v22+s9+$0x0] =	vst.idx.msk $0xffff, v61;
	v39 =	vbroadcast v9, $0x0  }
0x7b0: {  	v17 =	vld [tilespmem:s29+$0xFFFFFF60];
	v10 =	vshrl.u32 v14, $0x3;
	[tilespmem:v60+s9+$0x0] =	vst.idx.msk $0xffff, v3  }
0x7b1: {  	v59 =	vld [tilespmem:$0x1FE80];
	v3 =	vshll.u32 v10, v1;
	v10 =	vadd.f32 v21, v34;
	v19 =	vadd.s32 v19, v39  }
0x7b2: {  	v57 =	vadd.s32 v7, v44;
	v7 =	vld [tilespmem:$0x1FFF0];
	[tilespmem:v63+s9+$0x0] =	vst.idx.msk $0xffff, v6;
	v12 =	vadd.f32 v12, v34  }
0x7b3: {  	s31 =	sadd.s32 $0x1, s14;
	v6 =	vld [tilespmem:$0x1FF10];
	[tilespmem:v4+s9+$0x0] =	vst.idx.msk $0xffff, v10  }
0x7b4: {  	v11 =	vmov s31;
	v60 =	vld [tilespmem:s12+$0xFFFFFF10];
	[tilespmem:v0+s9+$0x0] =	vst.idx.msk $0xffff, v12;
	v12 =	vadd.f32 v23, v36  }
0x7b5: {  	s30 =	sadd.s32 $0x6, s14;
	v11 =	vshrl.u32 v11, $0x3;
	v0 =	vld [tilespmem:s29+$0xFFFFFEC0]  }
0x7b6: {  	s13 =	sadd.s32 $0x7, s0;
	v3 =	vbroadcast v3, $0x0;
	v4 =	vadd.f32 v18, v36;
	v18 =	vmov s30;
	[tilespmem:v19+s9+$0x0] =	vst.idx.msk $0xffff, v12;
	v19 =	vld [tilespmem:$0x1FF80]  }
0x7b7: {  	v24 =	vld [tilespmem:s29+$0xFFFFFF30];
	v20 =	vmov s13;
	v2 =	vshll.u32 v11, v1;
	v18 =	vshrl.u32 v18, $0x3  }
0x7b8: {  	v62 =	vld [tilespmem:$0x1FE60];
	v2 =	vbroadcast v2, $0x0;
	v6 =	vadd.s32 v6, v3;
	v18 =	vshll.u32 v18, v1  }
0x7b9: {  	v25 =	vld [tilespmem:s12+$0xFFFFFFD0];
	v11 =	vshrl.u32 v20, $0x3;
	v18 =	vbroadcast v18, $0x0  }
0x7ba: {  	v14 =	vld [tilespmem:$0x1FE50];
	v11 =	vshll.u32 v11, v1;
	v20 =	vadd.s32 v59, v2;
	v7 =	vadd.s32 v7, v40  }
0x7bb: {  	v21 =	vadd.f32 v60, v36;
	v59 =	vadd.s32 v19, v18;
	v19 =	vbroadcast v11, $0x0;
	v11 =	vld [tilespmem:$0x1FF20]  }
0x7bc: {  	v5 =	vld [tilespmem:s12+$0xFFFFFE10];
	[tilespmem:v55+s9+$0x0] =	vst.idx.msk $0xffff, v48  }
0x7bd: {  	v24 =	vadd.f32 v24, v34;
	v55 =	vld [tilespmem:s29+$0xFFFFFE20];
	[tilespmem:v6+s9+$0x0] =	vst.idx.msk $0xffff, v21  }
0x7be: {  	s16 =	sadd.s32 $0x5, s14;
	[tilespmem:v53+s9+$0x0] =	vst.idx.msk $0xffff, v49;
	v12 =	vld [tilespmem:s12+$0xFFFFFF20]  }
0x7bf: {  	v15 =	vmov s16;
	v14 =	vadd.s32 v14, v2;
	[tilespmem:v7+s9+$0x0] =	vst.idx.msk $0xffff, v24;
	v24 =	vld [tilespmem:$0x1FF70]  }
0x7c0: {  	v49 =	vadd.f32 v25, v36;
	v16 =	vadd.f32 v16, v35;
	v25 =	vadd.s32 v11, v3;
	v11 =	vld [tilespmem:$0x1FF50]  }
0x7c1: {  	v15 =	vshrl.u32 v15, $0x3;
	v9 =	vld [tilespmem:s12+$0xFFFFFF50]  }
0x7c2: {  	v15 =	vshll.u32 v15, v1;
	[tilespmem:v58+s9+$0x0] =	vst.idx.msk $0xffff, v16;
	v16 =	vld [tilespmem:s29+$0xFFFFFFE0]  }
0x7c3: {  	v23 =	vld [tilespmem:s29+$0xFFFFFE80];
	v6 =	vbroadcast v15, $0x0  }
0x7c4: {  	v17 =	vadd.f32 v17, v35;
	[tilespmem:v14+s9+$0x0] =	vst.idx.msk $0xffff, v4;
	v14 =	vld [tilespmem:$0x1FF30]  }
0x7c5: {  	s14 =	sadd.s32 $0x3, s14;
	v60 =	vadd.s32 v24, v42;
	v42 =	vmov v6;
	v11 =	vadd.s32 v11, v6;
	v6 =	vld [tilespmem:$0x1FE10]  }
0x7c6: {  	v61 =	vmov s14;
	[tilespmem:v47+s9+$0x0] =	vst.idx.msk $0xffff, v17;
	v15 =	vld [tilespmem:s29+$0xFFFFFFB0]  }
0x7c7: {  	v22 =	vshrl.u32 v61, $0x3;
	v13 =	vshll.u32 v13, v1;
	v7 =	vld [tilespmem:s29+$0xFFFFFF70]  }
0x7c8: {  	v22 =	vshll.u32 v22, v1;
	v13 =	vbroadcast v13, $0x0;
	v5 =	vadd.f32 v5, v36  }
0x7c9: {  	v21 =	vadd.s32 v62, v2;
	v62 =	vadd.f32 v9, v36;
	v16 =	vadd.f32 v16, v35  }
0x7ca: {  	v10 =	vld [tilespmem:s12+$0xFFFFFED0];
	v48 =	vmovc v5;
	v9 =	vadd.f32 v55, v35;
	v55 =	vadd.s32 v6, v13;
	v6 =	vadd.f32 v23, v33  }
0x7cb: {  	v5 =	vbroadcast v22, $0x0;
	v61 =	vadd.f32 v0, v33;
	[tilespmem:v56+s9+$0x0] =	vst.idx.msk $0xffff, v16;
	v22 =	vadd.s32 v14, v40;
	v14 =	vld [tilespmem:s12+$0xFFFFFE60]  }
0x7cc: {  	v0 =	vadd.f32 v15, v34;
	[tilespmem:v38+s9+$0x0] =	vst.idx.msk $0xffff, v6;
	v6 =	vadd.f32 v7, v34;
	v7 =	vld [tilespmem:$0x1FF90]  }
0x7cd: {  	v17 =	vld [tilespmem:s29+$0xFFFFFFF0]  }
0x7ce: {  	[tilespmem:v51+s9+$0x0] =	vst.idx.msk $0xffff, v0;
	v0 =	vld [tilespmem:$0x1FFE0]  }
0x7cf: {  	v40 =	vmov v3;
	v3 =	vld [tilespmem:$0x1FED0]  }
0x7d0: {  	v47 =	vmov v11;
	v11 =	vld [tilespmem:s29+$0xFFFFFF40]  }
0x7d1: {  	v58 =	vadd.s32 v7, v18;
	v7 =	vld [tilespmem:$0x1FF00];
	_ =	sdelay $0x2  }
0x7d2: {  	v4 =	vadd.f32 v10, v36;
	v10 =	vld [tilespmem:s29+$0xFFFFFEF0];
	v16 =	vadd.s32 v3, v5  }
0x7d3: {  	[tilespmem:v54+s9+$0x0] =	vst.idx.msk $0xffff, v9;
	v15 =	vadd.f32 v17, v34;
	v3 =	vld [tilespmem:$0x1FEF0]  }
0x7d4: {  	v9 =	vadd.s32 v7, v43;
	v7 =	vadd.f32 v11, v33;
	v11 =	vadd.s32 v0, v45;
	v0 =	vld [tilespmem:$0x1FFC0]  }
0x7d5: {  	v63 =	vld [tilespmem:$0x1FFB0]  }
0x7d6: {  	v24 =	vadd.f32 v12, v35;
	v12 =	vld [tilespmem:s12+$0xFFFFFEA0];
	[tilespmem:v52+s9+$0x0] =	vst.idx.msk $0xffff, v15  }
0x7d7: {  	v10 =	vadd.f32 v10, v34;
	v17 =	vld [tilespmem:s29+$0x0];
	[tilespmem:v16+s9+$0x0] =	vst.idx.msk $0xffff, v4  }
0x7d8: {  	v56 =	vadd.s32 v3, v5;
	v16 =	vld [tilespmem:s12+$0xFFFFFEE0];
	v45 =	vmov v19  }
0x7d9: {  	[tilespmem:v46+s9+$0x0] =	vst.idx.msk $0xffff, v10;
	v46 =	vmov v56;
	v56 =	vadd.s32 v0, v45;
	v0 =	vld [tilespmem:$0x1FE00]  }
0x7da: {  	v4 =	vld [tilespmem:s29+$0xFFFFFE30]  }
0x7db: {  	v3 =	vld [tilespmem:$0x1FEA0];
	v23 =	vadd.f32 v14, v35;
	_ =	sdelay $0x1  }
0x7dc: {  	v8 =	vadd.f32 v8, v36;
	[tilespmem:v21+s9+$0x0] =	vst.idx.msk $0xffff, v23;
	v43 =	vmov v5;
	v5 =	vld [tilespmem:$0x1FEE0]  }
0x7dd: {  	v53 =	vadd.s32 v63, v19;
	[tilespmem:v22+s9+$0x0] =	vst.idx.msk $0xffff, v7;
	v10 =	vadd.s32 v0, v41;
	v0 =	vld [tilespmem:$0x1FE40]  }
0x7de: {  	p0 =	slt.u32 s0, $0x78;
	v17 =	vadd.f32 v17, v33;
	v4 =	vadd.f32 v4, v34;
	[tilespmem:v25+s9+$0x0] =	vst.idx.msk $0xffff, v24;
	v25 =	vld [tilespmem:$0x1FF60]  }
.Ltmp14:
0x7df: {  	v14 =	vadd.f32 v12, v35;
	[tilespmem:v50+s9+$0x0] =	vst.idx.msk $0xffff, v6;
	v3 =	vadd.s32 v3, v39;
	(pc) =	sbr.rel @p0 .LBB2_31-.Ltmp14, $4  }
0x7e0: {  	v12 =	vld [tilespmem:s29+$0xFFFFFFC0];
	v6 =	vadd.f32 v16, v35;
	v16 =	vadd.s32 v26, v42;
	[tilespmem:v57+s9+$0x0] =	vst.idx.msk $0xffff, v4  }
0x7e1: {  	v15 =	vld [tilespmem:s29+$0xFFFFFF00];
	v4 =	vadd.s32 v27, v39;
	v52 =	vadd.s32 v31, v45;
	v63 =	vadd.s32 v5, v43  }
0x7e2: {  	v41 =	vmovc v18;
	v5 =	vadd.s32 v0, v44;
	v44 =	vmov v13;
	v0 =	vadd.s32 v30, v2;
	v2 =	vld [tilespmem:s29+$0xFFFFFF80]  }
0x7e3: {  	s0 =	sadd.s32 $0x8, s0;
	v38 =	vmovc v20;
	v50 =	vadd.s32 v25, v42;
	v51 =	vadd.s32 v29, v41;
	v13 =	vld [tilespmem:s29+$0xFFFFFE40];
	s29 =	smov.u32 s12;
	s12 =	sadd.s32 $0x200, s12;
	v54 =	vadd.s32 v32, v44  }
0x7e4: {  	_ =	sdelay $0x3  }
0x7e5: {  	[tilespmem:v59+s9+$0x0] =	vst.idx.msk $0xffff, v8  }
0x7e6: {  	[tilespmem:v3+s9+$0x0] =	vst.idx.msk $0xffff, v14  }
0x7e7: {  	[tilespmem:v53+s9+$0x0] =	vst.idx.msk $0xffff, v49  }
0x7e8: {  	[tilespmem:v11+s9+$0x0] =	vst.idx.msk $0xffff, v17  }
0x7e9: {  	[tilespmem:v16+s9+$0x0] =	vst.idx.msk $0xffff, v62;
	v7 =	vld [tilespmem:s29+$0xFFFFFFE0]  }
0x7ea: {  	v18 =	vadd.s32 v28, v37;
	[tilespmem:v55+s9+$0x0] =	vst.idx.msk $0xffff, v48;
	v19 =	vadd.f32 v12, v33  }
0x7eb: {  	[tilespmem:v63+s9+$0x0] =	vst.idx.msk $0xffff, v6;
	v3 =	vadd.f32 v15, v33  }
0x7ec: {  	v2 =	vadd.f32 v2, v33;
	[tilespmem:v10+s9+$0x0] =	vst.idx.msk $0xffff, v19  }
0x7ed: {  	[tilespmem:v9+s9+$0x0] =	vst.idx.msk $0xffff, v3  }
0x7ee: {  	[tilespmem:v60+s9+$0x0] =	vst.idx.msk $0xffff, v2;
	v7 =	vadd.f32 v7, v35  }
0x7ef: {  	v3 =	vld [tilespmem:s29+$0xFFFFFFA0];
	[tilespmem:v18+s9+$0x0] =	vst.idx.msk $0xffff, v61  }
0x7f0: {  	v20 =	vld [tilespmem:s29+$0xFFFFFF60];
	[tilespmem:v56+s9+$0x0] =	vst.idx.msk $0xffff, v7  }
0x7f1: {  	v30 =	vld [tilespmem:$0x1FFF0]  }
0x7f2: {  	v21 =	vld [tilespmem:s29+$0xFFFFFE70]  }
0x7f3: {  	v2 =	vld [tilespmem:s29+$0xFFFFFE20]  }
0x7f4: {  	v22 =	vld [tilespmem:s29+$0xFFFFFF30];
	v3 =	vadd.f32 v3, v35  }
0x7f5: {  	v23 =	vadd.f32 v20, v35;
	v7 =	vld [tilespmem:s29+$0xFFFFFFF0]  }
0x7f6: {  	v32 =	vadd.f32 v13, v33;
	[tilespmem:v58+s9+$0x0] =	vst.idx.msk $0xffff, v3;
	v3 =	vld [tilespmem:s29+$0xFFFFFEF0];
	v31 =	vadd.s32 v30, v40  }
0x7f7: {  	v37 =	vadd.f32 v21, v34;
	[tilespmem:v47+s9+$0x0] =	vst.idx.msk $0xffff, v23  }
0x7f8: {  	[tilespmem:v5+s9+$0x0] =	vst.idx.msk $0xffff, v32;
	v2 =	vadd.f32 v2, v35  }
0x7f9: {  	v8 =	vadd.f32 v22, v34;
	[tilespmem:v0+s9+$0x0] =	vst.idx.msk $0xffff, v37  }
0x7fa: {  	v6 =	vld [tilespmem:s29+$0xFFFFFF70];
	[tilespmem:v54+s9+$0x0] =	vst.idx.msk $0xffff, v2;
	v2 =	vadd.f32 v7, v34  }
0x7fb: {  	v36 =	vld [tilespmem:s29+$0xFFFFFFB0];
	v3 =	vadd.f32 v3, v34;
	[tilespmem:v31+s9+$0x0] =	vst.idx.msk $0xffff, v8  }
0x7fc: {  	v48 =	vld [tilespmem:$0x1FE30];
	[tilespmem:v52+s9+$0x0] =	vst.idx.msk $0xffff, v2  }
0x7fd: {  	v47 =	vld [tilespmem:s29+$0xFFFFFEB0];
	[tilespmem:v46+s9+$0x0] =	vst.idx.msk $0xffff, v3  }
0x7fe: {  	v53 =	vld [tilespmem:$0x1FF30]  }
0x7ff: {  	v0 =	vld [tilespmem:s29+$0xFFFFFE30]  }
0x800: {  	v5 =	vld [tilespmem:s29+$0xFFFFFE80];
	v49 =	vadd.f32 v36, v34  }
0x801: {  	v8 =	vld [tilespmem:s29+$0xFFFFFF40];
	v2 =	vadd.f32 v6, v34;
	v7 =	vadd.s32 v48, v44  }
0x802: {  	v52 =	vadd.f32 v47, v34;
	v3 =	vld [tilespmem:s29+$0x0];
	[tilespmem:v51+s9+$0x0] =	vst.idx.msk $0xffff, v49  }
0x803: {  	v9 =	vld [tilespmem:$0x1FFE0];
	[tilespmem:v50+s9+$0x0] =	vst.idx.msk $0xffff, v2;
	v10 =	vadd.s32 v53, v40  }
0x804: {  	v0 =	vadd.f32 v0, v34;
	v54 =	vld [tilespmem:s29+$0xFFFFFF00];
	[tilespmem:v4+s9+$0x0] =	vst.idx.msk $0xffff, v52  }
0x805: {  	v55 =	vadd.f32 v5, v33;
	v56 =	vld [tilespmem:$0x1FF00]  }
0x806: {  	v59 =	vld [tilespmem:$0x1FE00];
	v8 =	vadd.f32 v8, v33;
	[tilespmem:v7+s9+$0x0] =	vst.idx.msk $0xffff, v0  }
0x807: {  	v0 =	vld [tilespmem:$0x1FF70];
	[tilespmem:v38+s9+$0x0] =	vst.idx.msk $0xffff, v55  }
0x808: {  	v58 =	vld [tilespmem:s29+$0xFFFFFEC0];
	[tilespmem:v10+s9+$0x0] =	vst.idx.msk $0xffff, v8  }
0x809: {  	v9 =	vadd.s32 v9, v45;
	v10 =	vld [tilespmem:$0x1FE40]  }
0x80a: {  	v62 =	vadd.s32 v28, v39;
	v2 =	vld [tilespmem:s29+$0xFFFFFFC0]  }
0x80b: {  	v57 =	vld [tilespmem:s29+$0xFFFFFF80];
	v5 =	vadd.s32 v56, v43  }
0x80c: {  	v3 =	vadd.f32 v3, v33;
	v13 =	vadd.s32 v59, v41;
	v60 =	vld [tilespmem:s29+$0xFFFFFE40]  }
0x80d: {  	v63 =	vadd.f32 v58, v33;
	v0 =	vadd.s32 v0, v42  }
0x80e: {  	v61 =	vadd.f32 v54, v33;
	[tilespmem:v9+s9+$0x0] =	vst.idx.msk $0xffff, v3;
	v10 =	vadd.s32 v10, v44  }
0x80f: {  	v2 =	vadd.f32 v2, v33;
	[tilespmem:v62+s9+$0x0] =	vst.idx.msk $0xffff, v63  }
0x810: {  	v3 =	vadd.f32 v57, v33;
	[tilespmem:v5+s9+$0x0] =	vst.idx.msk $0xffff, v61  }
0x811: {  	[tilespmem:v13+s9+$0x0] =	vst.idx.msk $0xffff, v2;
	v2 =	vadd.f32 v60, v33  }
0x812: {  	[tilespmem:v0+s9+$0x0] =	vst.idx.msk $0xffff, v3  }
0x813: {  	[tilespmem:v10+s9+$0x0] =	vst.idx.msk $0xffff, v2  }
0x814: {  	s0 =	rddreg [dreg:$0xb]  }
0x815: {  	s17 =	simm.s32 $0x10400;
	s12 =	sadd.s32 s26, s0  }
0x816: {  	[hbm4b:s12+s3] =	stream.linear.scatter [tilespmem:s17], [sflag:$0x5], $0x80, $0x38;
	[tilespmem:$0x14E00] =	vst v63  }
0x817: {  	s29 =	simm.s32 $0x10490;
	s13 =	sadd.s32 $0x10, s12  }
0x818: {  	[hbm4b:s13+s3] =	stream.linear.scatter [tilespmem:s29], [sflag:$0x5], $0x80, $0x38;
	[tilespmem:$0x14E00] =	vst v63  }
0x819: {  	s30 =	simm.s32 $0x10520;
	s15 =	simm.s32 $0x10640;
	s31 =	sadd.s32 $0x20, s12  }
0x81a: {  	[hbm4b:s31+s3] =	stream.linear.scatter [tilespmem:s30], [sflag:$0x5], $0x80, $0x38;
	[tilespmem:$0x14E00] =	vst v63  }
0x81b: {  	s0 =	simm.s32 $0x480;
	s14 =	sadd.s32 $0x30, s12;
	s13 =	simm.s32 $0x105B0  }
0x81c: {  	[hbm4b:s14+s3] =	stream.linear.scatter [tilespmem:s13], [sflag:$0x5], $0x80, $0x38;
	[tilespmem:$0x14E00] =	vst v63  }
0x81d: {  	s16 =	sadd.s32 $0x40, s12;
	s17 =	simm.s32 $0x106D0;
	s29 =	sadd.s32 $0x50, s12  }
0x81e: {  	[hbm4b:s16+s3] =	stream.linear.scatter [tilespmem:s15], [sflag:$0x5], $0x80, $0x38;
	[tilespmem:$0x14E00] =	vst v63  }
0x81f: {  	s30 =	simm.s32 $0x10760;
	s31 =	sadd.s32 $0x60, s12;
	s13 =	simm.s32 $0x2400  }
0x820: {  	[hbm4b:s29+s3] =	stream.linear.scatter [tilespmem:s17], [sflag:$0x5], $0x80, $0x38;
	[tilespmem:$0x14E00] =	vst v63  }
0x821: {  	s14 =	simm.s32 $0x107F0;
	s15 =	sadd.s32 $0x70, s12;
	s12 =	sadd.s32 $0x1000, s12  }
0x822: {  	v38 =	vmov v30;
	[hbm4b:s31+s3] =	stream.linear.scatter [tilespmem:s30], [sflag:$0x5], $0x80, $0x38;
	[tilespmem:$0x14E00] =	vst v63  }
.LBB2_33:
0x823: {  	[hbm4b:s15+s3] =	stream.linear.scatter [tilespmem:s14], [sflag:$0x5], $0x80, $0x38;
	[tilespmem:$0x14E00] =	vst v63  }
0x824: {  	s14 =	smov.u32 s0;
	s0 =	smov.u32 s13  }
0x825: {  	s16 =	sadd.s32 $0x1200, s13;
	s0 =	sshra.s32 s0, $0x2;
	s15 =	sadd.s32 $0x10400, s14  }
0x826: {  	[hbm4b:s12+s3] =	stream.linear.scatter [tilespmem:s15], [sflag:$0x5], $0x80, $0x38;
	[tilespmem:$0x14E00] =	vst v63  }
0x827: {  	p0 =	sne.s32 s13, $0x7E00;
	s13 =	sadd.s32 $0x10490, s14;
	s15 =	sadd.s32 $0x10, s12  }
0x828: {  	[hbm4b:s15+s3] =	stream.linear.scatter [tilespmem:s13], [sflag:$0x5], $0x80, $0x38;
	[tilespmem:$0x14E00] =	vst v63  }
0x829: {  	s13 =	sadd.s32 $0x10520, s14;
	s15 =	sadd.s32 $0x20, s12  }
0x82a: {  	[hbm4b:s15+s3] =	stream.linear.scatter [tilespmem:s13], [sflag:$0x5], $0x80, $0x38;
	[tilespmem:$0x14E00] =	vst v63  }
0x82b: {  	s13 =	sadd.s32 $0x105B0, s14;
	s15 =	sadd.s32 $0x30, s12  }
0x82c: {  	[hbm4b:s15+s3] =	stream.linear.scatter [tilespmem:s13], [sflag:$0x5], $0x80, $0x38;
	[tilespmem:$0x14E00] =	vst v63  }
0x82d: {  	s13 =	sadd.s32 $0x10640, s14;
	s15 =	sadd.s32 $0x40, s12  }
0x82e: {  	[hbm4b:s15+s3] =	stream.linear.scatter [tilespmem:s13], [sflag:$0x5], $0x80, $0x38;
	[tilespmem:$0x14E00] =	vst v63  }
.Ltmp15:
0x82f: {  	s13 =	sadd.s32 $0x106D0, s14;
	s15 =	sadd.s32 $0x50, s12;
	(pc) =	sbr.rel @p0 .LBB2_33-.Ltmp15, $4  }
0x830: {  	[hbm4b:s15+s3] =	stream.linear.scatter [tilespmem:s13], [sflag:$0x5], $0x80, $0x38;
	[tilespmem:$0x14E00] =	vst v63  }
0x831: {  	s13 =	sadd.s32 $0x10760, s14;
	s15 =	sadd.s32 $0x60, s12;
	s14 =	sadd.s32 $0x107F0, s14  }
0x832: {  	[hbm4b:s15+s3] =	stream.linear.scatter [tilespmem:s13], [sflag:$0x5], $0x80, $0x38;
	[tilespmem:$0x14E00] =	vst v63  }
0x833: {  	s15 =	sadd.s32 $0x70, s12;
	s12 =	sadd.s32 $0x1000, s12;
	s13 =	smov.u32 s16  }
0x834: {  	[hbm4b:s15+s3] =	stream.linear.scatter [tilespmem:s14], [sflag:$0x5], $0x80, $0x38;
	[tilespmem:$0x14E00] =	vst v63  }
0x835: {  	s13 =	sadd.s32 $0x10400, s0  }
0x836: {  	[hbm4b:s12+s3] =	stream.linear.scatter [tilespmem:s13], [sflag:$0x5], $0x80, $0x38;
	[tilespmem:$0x14E00] =	vst v63  }
0x837: {  	s30 =	sadd.s32 $0x10490, s0;
	s31 =	sadd.s32 $0x10, s12  }
0x838: {  	[hbm4b:s31+s3] =	stream.linear.scatter [tilespmem:s30], [sflag:$0x5], $0x80, $0x38;
	[tilespmem:$0x14E00] =	vst v63  }
0x839: {  	s14 =	sadd.s32 $0x10520, s0;
	s15 =	sadd.s32 $0x20, s12  }
0x83a: {  	[hbm4b:s15+s3] =	stream.linear.scatter [tilespmem:s14], [sflag:$0x5], $0x80, $0x38;
	[tilespmem:$0x14E00] =	vst v63  }
0x83b: {  	s16 =	sadd.s32 $0x105B0, s0;
	s17 =	sadd.s32 $0x30, s12  }
0x83c: {  	[hbm4b:s17+s3] =	stream.linear.scatter [tilespmem:s16], [sflag:$0x5], $0x80, $0x38;
	[tilespmem:$0x14E00] =	vst v63  }
0x83d: {  	s30 =	sadd.s32 $0x10640, s0;
	s31 =	sadd.s32 $0x40, s12  }
0x83e: {  	[hbm4b:s31+s3] =	stream.linear.scatter [tilespmem:s30], [sflag:$0x5], $0x80, $0x38;
	[tilespmem:$0x14E00] =	vst v63  }
0x83f: {  	s15 =	sadd.s32 $0x106D0, s0;
	s16 =	sadd.s32 $0x50, s12  }
0x840: {  	[hbm4b:s16+s3] =	stream.linear.scatter [tilespmem:s15], [sflag:$0x5], $0x80, $0x38;
	[tilespmem:$0x14E00] =	vst v63  }
0x841: {  	s17 =	sadd.s32 $0x10760, s0;
	s30 =	sadd.s32 $0x60, s12  }
0x842: {  	[hbm4b:s30+s3] =	stream.linear.scatter [tilespmem:s17], [sflag:$0x5], $0x80, $0x38;
	[tilespmem:$0x14E00] =	vst v63  }
0x843: {  	s13 =	sadd.s32 $0x70, s12;
	s31 =	sadd.s32 $0x107F0, s0  }
0x844: {  	[hbm4b:s13+s3] =	stream.linear.scatter [tilespmem:s31], [sflag:$0x5], $0x80, $0x38;
	[tilespmem:$0x14E00] =	vst v63  }
0x845: {  	_ =	swait.ge [sflag:s1], $0x2000  }
0x846: {  	v31 =	vld [tilespmem:$0x1FF10]  }
0x847: {  	v27 =	vld [tilespmem:$0x1FE50]  }
0x848: {  	v32 =	vld [tilespmem:$0x1FE80]  }
0x849: {  	[sflag:s1] =	ssyncset.done $0x0;
	v48 =	vld [tilespmem:$0x1FE90]  }
0x84a: {  	s30 =	simm.s32 $0x1;
	v28 =	vld [tilespmem:$0x1FED0];
	[sflag:s1] =	ssyncadd.s32 $0xFFFFE000  }
0x84b: {  	s16 =	simm.s32 $0x4;
	v5 =	vmov s30;
	v36 =	vld [tilespmem:$0x14DC0]  }
0x84c: {  	s14 =	simm.s32 $0x0;
	v3 =	vmov s16;
	v5 =	vshrl.u32 v5, $0x3;
	v35 =	vld [tilespmem:$0x14DD0]  }
0x84d: {  	v0 =	vmov s14;
	v3 =	vshrl.u32 v3, $0x3;
	s31 =	simm.s32 $0x2;
	v5 =	vshll.u32 v5, v1;
	v34 =	vld [tilespmem:$0x14DE0]  }
0x84e: {  	s14 =	simm.s32 $0x3;
	s30 =	simm.s32 $0xE5F0;
	v3 =	vshll.u32 v3, v1;
	v6 =	vmov s31;
	v5 =	vbroadcast v5, $0x0;
	v33 =	vld [tilespmem:$0x14DF0]  }
0x84f: {  	v44 =	vbroadcast v3, $0x0;
	v3 =	vmov s14;
	v6 =	vshrl.u32 v6, $0x3;
	v7 =	vld [tilespmem:s30+$0xFFFFFF10]  }
0x850: {  	v3 =	vshrl.u32 v3, $0x3;
	v6 =	vshll.u32 v6, v1;
	v8 =	vld [tilespmem:s30+$0xFFFFFE50];
	v11 =	vadd.s32 v32, v5  }
0x851: {  	v3 =	vshll.u32 v3, v1;
	v9 =	vld [tilespmem:s30+$0xFFFFFE90];
	v37 =	vbroadcast v6, $0x0;
	v6 =	vadd.s32 v31, v44;
	[tilespmem:$0x1FB20] =	vst v11  }
0x852: {  	v0 =	vshrl.u32 v0, $0x3;
	v30 =	vbroadcast v3, $0x0;
	v10 =	vadd.s32 v27, v5;
	v11 =	vld [tilespmem:s30+$0xFFFFFED0]  }
0x853: {  	v17 =	vshll.u32 v0, v1;
	s15 =	simm.s32 $0x7;
	v12 =	vadd.s32 v48, v37;
	v3 =	vld [tilespmem:s30+$0xFFFFFE10]  }
0x854: {  	v2 =	vmov s15;
	s15 =	simm.s32 $0x6;
	s17 =	simm.s32 $0x5;
	v15 =	vadd.s32 v28, v30;
	v13 =	vld [tilespmem:s30+$0xFFFFFFD0];
	v7 =	vadd.f32 v7, v36  }
0x855: {  	v14 =	vmov s15;
	v4 =	vmov s17;
	v16 =	vld [tilespmem:s30+$0xFFFFFF90];
	v0 =	vadd.f32 v8, v36  }
0x856: {  	v4 =	vshrl.u32 v4, $0x3;
	v8 =	vshrl.u32 v14, $0x3;
	v14 =	vld [tilespmem:s30+$0xFFFFFF50];
	v9 =	vadd.f32 v9, v36;
	[tilespmem:v6+s11+$0x0] =	vst.idx.msk $0xffff, v7  }
0x857: {  	v4 =	vshll.u32 v4, v1;
	[tilespmem:v10+s11+$0x0] =	vst.idx.msk $0xffff, v0;
	v6 =	vld [tilespmem:s30+$0xFFFFFF20];
	v7 =	vadd.f32 v11, v36  }
0x858: {  	v55 =	vbroadcast v4, $0x0;
	[tilespmem:v12+s11+$0x0] =	vst.idx.msk $0xffff, v9;
	v4 =	vld [tilespmem:s30+$0xFFFFFE60]  }
0x859: {  	v59 =	vld [tilespmem:$0x1FE60];
	[tilespmem:v15+s11+$0x0] =	vst.idx.msk $0xffff, v7  }
0x85a: {  	v60 =	vld [tilespmem:$0x1FEF0]  }
0x85b: {  	v10 =	vld [tilespmem:s30+$0xFFFFFEA0]  }
0x85c: {  	v61 =	vld [tilespmem:$0x1FF80]  }
0x85d: {  	v62 =	vld [tilespmem:$0x1FF20]  }
0x85e: {  	v8 =	vshll.u32 v8, v1;
	v29 =	vld [tilespmem:$0x1FE70]  }
0x85f: {  	v52 =	vbroadcast v8, $0x0;
	v8 =	vadd.f32 v13, v36;
	v13 =	vld [tilespmem:s30+$0xFFFFFEE0];
	v0 =	vadd.s32 v60, v30  }
0x860: {  	[tilespmem:$0x1FB40] =	vst v0;
	v0 =	vld [tilespmem:$0x1FEA0]  }
0x861: {  	v57 =	vld [tilespmem:$0x1FE20]  }
0x862: {  	v2 =	vshrl.u32 v2, $0x3;
	v26 =	vld [tilespmem:$0x1FF50]  }
0x863: {  	v9 =	vadd.s32 v59, v5;
	v24 =	vadd.s32 v29, v5;
	v5 =	vadd.s32 v25, v55;
	v25 =	vld [tilespmem:$0x1FFD0]  }
0x864: {  	v54 =	vbroadcast v17, $0x0;
	v2 =	vshll.u32 v2, v1;
	v63 =	vld [tilespmem:$0x1FFB0]  }
0x865: {  	v22 =	vbroadcast v2, $0x0;
	v2 =	vld [tilespmem:$0x1FE10];
	v17 =	vadd.s32 v0, v37  }
0x866: {  	v50 =	vld [tilespmem:$0x1FF90];
	v23 =	vadd.s32 v57, v54  }
0x867: {  	v51 =	vld [tilespmem:$0x1FEE0];
	[tilespmem:$0x1FB10] =	vst v23  }
0x868: {  	v56 =	vld [tilespmem:$0x1FFC0];
	v19 =	vadd.f32 v4, v35;
	v4 =	vadd.f32 v10, v35;
	[tilespmem:$0x1FB60] =	vst v5;
	v5 =	vadd.s32 v25, v22  }
0x869: {  	v49 =	vld [tilespmem:$0x1FF40];
	[tilespmem:$0x1FB30] =	vst v5  }
0x86a: {  	v5 =	vld [tilespmem:$0x1FEB0];
	[tilespmem:v17+s11+$0x0] =	vst.idx.msk $0xffff, v4  }
0x86b: {  	v4 =	vld [tilespmem:$0x1FFA0];
	_ =	sdelay $0x3  }
0x86c: {  	s29 =	simm.s32 $0xE7F0  }
0x86d: {  	v42 =	vld [tilespmem:s29+$0xFFFFFE50];
	v4 =	vadd.s32 v4, v52  }
0x86e: {  	[tilespmem:$0x1FB50] =	vst v4;
	v4 =	vld [tilespmem:$0x1FE30];
	_ =	sdelay $0x1  }
0x86f: {  	v7 =	vadd.s32 v61, v52;
	_ =	sdelay $0x1  }
0x870: {  	v23 =	vadd.s32 v49, v55  }
0x871: {  	v16 =	vadd.f32 v16, v36;
	v11 =	vadd.s32 v62, v44;
	v4 =	vadd.s32 v4, v54  }
0x872: {  	s31 =	simm.s32 $0x9;
	v21 =	vadd.s32 v51, v30;
	[tilespmem:$0x1FB70] =	vst v4  }
0x873: {  	s15 =	simm.s32 $0xA;
	v39 =	vmov s31;
	v14 =	vadd.f32 v14, v36;
	v15 =	vadd.s32 v63, v22;
	[tilespmem:v7+s11+$0x0] =	vst.idx.msk $0xffff, v16  }
0x874: {  	v6 =	vadd.f32 v6, v35;
	v18 =	vadd.s32 v2, v54;
	v16 =	vmov s15;
	[tilespmem:v9+s11+$0x0] =	vst.idx.msk $0xffff, v19  }
0x875: {  	v3 =	vadd.f32 v3, v36;
	v13 =	vadd.f32 v13, v35;
	v53 =	vld [tilespmem:s30+$0xFFFFFEB0];
	[tilespmem:v23+s11+$0x0] =	vst.idx.msk $0xffff, v14;
	v16 =	vshrl.u32 v16, $0x3  }
0x876: {  	s17 =	simm.s32 $0xF;
	v39 =	vshrl.u32 v39, $0x3;
	v12 =	vadd.s32 v26, v55;
	[tilespmem:v11+s11+$0x0] =	vst.idx.msk $0xffff, v6;
	v14 =	vshll.u32 v16, v1;
	v16 =	vld [tilespmem:s30+$0xFFFFFE70]  }
0x877: {  	s14 =	simm.s32 $0xC;
	v40 =	vmov s17;
	v41 =	vadd.s32 v5, v37;
	v19 =	vshll.u32 v39, v1;
	[tilespmem:v21+s11+$0x0] =	vst.idx.msk $0xffff, v13;
	v46 =	vld [tilespmem:s30+$0xFFFFFFA0]  }
0x878: {  	v20 =	vadd.s32 v50, v52;
	v7 =	vmov s14;
	[tilespmem:v15+s11+$0x0] =	vst.idx.msk $0xffff, v8;
	v19 =	vbroadcast v19, $0x0  }
0x879: {  	v17 =	vadd.s32 v38, v44;
	v45 =	vld [tilespmem:s29+$0xFFFFFE90];
	[tilespmem:v18+s11+$0x0] =	vst.idx.msk $0xffff, v3;
	v7 =	vshrl.u32 v7, $0x3;
	v39 =	vbroadcast v14, $0x0  }
0x87a: {  	v6 =	vld [tilespmem:s30+$0xFFFFFF60];
	v7 =	vshll.u32 v7, v1;
	v23 =	vadd.s32 v27, v19;
	v11 =	vadd.f32 v53, v34  }
0x87b: {  	v38 =	vadd.s32 v32, v19;
	v32 =	vld [tilespmem:s30+$0xFFFFFFE0];
	v21 =	vadd.s32 v48, v39;
	v16 =	vadd.f32 v16, v34  }
0x87c: {  	v47 =	vld [tilespmem:s29+$0xFFFFFF10];
	v14 =	vshrl.u32 v40, $0x3;
	v40 =	vbroadcast v7, $0x0;
	v15 =	vadd.f32 v46, v35;
	[tilespmem:v41+s11+$0x0] =	vst.idx.msk $0xffff, v11  }
0x87d: {  	v10 =	vadd.s32 v56, v22;
	v46 =	vadd.f32 v42, v36;
	[tilespmem:v24+s11+$0x0] =	vst.idx.msk $0xffff, v16;
	v16 =	vld [tilespmem:s30+$0xFFFFFF30]  }
0x87e: {  	s16 =	simm.s32 $0x8;
	v7 =	vld [tilespmem:s29+$0xFFFFFE10];
	v8 =	vadd.s32 v31, v40;
	v3 =	vadd.f32 v45, v36;
	[tilespmem:v20+s11+$0x0] =	vst.idx.msk $0xffff, v15  }
0x87f: {  	v43 =	vmov s16;
	v18 =	vld [tilespmem:s30+$0xFFFFFE20];
	v6 =	vadd.f32 v6, v35;
	[tilespmem:v23+s11+$0x0] =	vst.idx.msk $0xffff, v46  }
0x880: {  	s31 =	simm.s32 $0xE;
	v13 =	vshrl.u32 v43, $0x3;
	v43 =	vld [tilespmem:s29+$0xFFFFFFD0];
	[tilespmem:v21+s11+$0x0] =	vst.idx.msk $0xffff, v3;
	v3 =	vadd.f32 v32, v35  }
0x881: {  	s17 =	simm.s32 $0xB;
	v15 =	vmov s31;
	[tilespmem:v12+s11+$0x0] =	vst.idx.msk $0xffff, v6;
	v24 =	vadd.f32 v47, v36  }
0x882: {  	v58 =	vmov s17;
	v15 =	vshrl.u32 v15, $0x3;
	[tilespmem:v10+s11+$0x0] =	vst.idx.msk $0xffff, v3;
	v3 =	vadd.f32 v16, v34  }
0x883: {  	v53 =	vld [tilespmem:s29+$0xFFFFFED0];
	v41 =	vshrl.u32 v58, $0x3;
	v48 =	vadd.f32 v7, v36;
	v7 =	vshll.u32 v15, v1;
	[tilespmem:v8+s11+$0x0] =	vst.idx.msk $0xffff, v24  }
0x884: {  	v15 =	vshll.u32 v41, v1;
	v10 =	vadd.f32 v18, v35;
	v18 =	vld [tilespmem:$0x1FF30];
	[tilespmem:v17+s11+$0x0] =	vst.idx.msk $0xffff, v3  }
0x885: {  	v49 =	vadd.f32 v43, v36;
	v43 =	vbroadcast v15, $0x0;
	v3 =	vld [tilespmem:$0x1FB10];
	_ =	sdelay $0x1  }
0x886: {  	v8 =	vadd.s32 v28, v43;
	_ =	sdelay $0x2  }
0x887: {  	v12 =	vadd.f32 v53, v36;
	_ =	sdelay $0x1  }
0x888: {  	[tilespmem:v8+s11+$0x0] =	vst.idx.msk $0xffff, v12  }
0x889: {  	[tilespmem:v3+s11+$0x0] =	vst.idx.msk $0xffff, v10  }
0x88a: {  	v3 =	vadd.s32 v0, v39;
	v0 =	vld [tilespmem:$0x1FF70];
	_ =	sdelay $0x4  }
0x88b: {  	v46 =	vadd.s32 v60, v43;
	v60 =	vadd.s32 v0, v55;
	v0 =	vld [tilespmem:$0x1FB20]  }
0x88c: {  	v41 =	vbroadcast v7, $0x0;
	v7 =	vld [tilespmem:s30+$0xFFFFFE80];
	_ =	sdelay $0x4  }
0x88d: {  	v7 =	vadd.f32 v7, v33;
	_ =	sdelay $0x1  }
0x88e: {  	[tilespmem:v0+s11+$0x0] =	vst.idx.msk $0xffff, v7  }
0x88f: {  	v0 =	vld [tilespmem:$0x1FB30]  }
0x890: {  	v6 =	vld [tilespmem:s30+$0xFFFFFFF0];
	_ =	sdelay $0x4  }
0x891: {  	v6 =	vadd.f32 v6, v34;
	_ =	sdelay $0x1  }
0x892: {  	[tilespmem:v0+s11+$0x0] =	vst.idx.msk $0xffff, v6  }
0x893: {  	v14 =	vshll.u32 v14, v1;
	v0 =	vld [tilespmem:$0x1FB40]  }
0x894: {  	v45 =	vbroadcast v14, $0x0;
	v14 =	vld [tilespmem:s30+$0xFFFFFEF0];
	_ =	sdelay $0x2  }
0x895: {  	s16 =	simm.s32 $0xD  }
0x896: {  	v9 =	vmov s16  }
0x897: {  	v9 =	vshrl.u32 v9, $0x3;
	v12 =	vadd.f32 v14, v34  }
0x898: {  	v9 =	vshll.u32 v9, v1  }
0x899: {  	v42 =	vbroadcast v9, $0x0;
	v9 =	vld [tilespmem:s30+$0xFFFFFFB0];
	[tilespmem:v0+s11+$0x0] =	vst.idx.msk $0xffff, v12  }
0x89a: {  	v0 =	vld [tilespmem:$0x1FF00];
	_ =	sdelay $0x4  }
0x89b: {  	v14 =	vadd.f32 v9, v34;
	v9 =	vadd.s32 v0, v30;
	v0 =	vld [tilespmem:$0x1FB50];
	_ =	sdelay $0x2  }
0x89c: {  	v11 =	vld [tilespmem:s29+$0xFFFFFF50];
	_ =	sdelay $0x4  }
0x89d: {  	v20 =	vadd.s32 v62, v40;
	v62 =	vadd.f32 v11, v36;
	v11 =	vld [tilespmem:s30+$0xFFFFFF40];
	[tilespmem:v0+s11+$0x0] =	vst.idx.msk $0xffff, v14  }
0x89e: {  	v0 =	vld [tilespmem:$0x1FFE0];
	_ =	sdelay $0x4  }
0x89f: {  	v12 =	vadd.f32 v11, v33;
	v11 =	vadd.s32 v0, v22;
	v0 =	vld [tilespmem:$0x1FB60]  }
0x8a0: {  	v10 =	vld [tilespmem:s30+$0xFFFFFF70];
	_ =	sdelay $0x4  }
0x8a1: {  	v10 =	vadd.f32 v10, v34  }
0x8a2: {  	v17 =	vld [tilespmem:s29+$0xFFFFFE60]  }
0x8a3: {  	[tilespmem:v0+s11+$0x0] =	vst.idx.msk $0xffff, v10  }
0x8a4: {  	v0 =	vld [tilespmem:$0x1FE00]  }
0x8a5: {  	v5 =	vld [tilespmem:s29+$0xFFFFFF90]  }
0x8a6: {  	v15 =	vld [tilespmem:s29+$0xFFFFFF20]  }
0x8a7: {  	v13 =	vshll.u32 v13, v1;
	v16 =	vadd.s32 v18, v44;
	v18 =	vadd.f32 v17, v35;
	v17 =	vld [tilespmem:s30+$0xFFFFFE30]  }
0x8a8: {  	v44 =	vbroadcast v13, $0x0;
	v7 =	vld [tilespmem:s29+$0xFFFFFEA0]  }
0x8a9: {  	v10 =	vadd.s32 v0, v52;
	v0 =	vld [tilespmem:$0x1FE40]  }
0x8aa: {  	v55 =	vadd.s32 v2, v44;
	v2 =	vld [tilespmem:s30+$0x0];
	_ =	sdelay $0x1  }
0x8ab: {  	v13 =	vadd.f32 v15, v35  }
0x8ac: {  	v58 =	vld [tilespmem:s30+$0xFFFFFEC0];
	v8 =	vadd.f32 v5, v36;
	[tilespmem:v16+s11+$0x0] =	vst.idx.msk $0xffff, v12  }
0x8ad: {  	v14 =	vadd.f32 v7, v35;
	v5 =	vadd.s32 v0, v54;
	v0 =	vld [tilespmem:$0x1FF40];
	[tilespmem:v20+s11+$0x0] =	vst.idx.msk $0xffff, v13  }
0x8ae: {  	v7 =	vadd.f32 v17, v34;
	v17 =	vadd.f32 v2, v33;
	v2 =	vld [tilespmem:$0x1FF60];
	_ =	sdelay $0x3  }
0x8af: {  	v24 =	vadd.s32 v59, v19;
	v59 =	vadd.s32 v61, v41  }
0x8b0: {  	v61 =	vadd.f32 v58, v33;
	v58 =	vadd.s32 v50, v41;
	v50 =	vadd.s32 v2, v42;
	v2 =	vld [tilespmem:$0x1FB70];
	_ =	sdelay $0x6  }
0x8b1: {  	[tilespmem:v24+s11+$0x0] =	vst.idx.msk $0xffff, v18  }
0x8b2: {  	v6 =	vld [tilespmem:s29+$0xFFFFFEE0];
	[tilespmem:v2+s11+$0x0] =	vst.idx.msk $0xffff, v7  }
0x8b3: {  	v4 =	vld [tilespmem:$0x1FEB0]  }
0x8b4: {  	v7 =	vld [tilespmem:$0x1FFA0]  }
0x8b5: {  	v15 =	vld [tilespmem:s30+$0xFFFFFF00]  }
0x8b6: {  	v31 =	vmovc v29;
	v56 =	vadd.s32 v56, v45;
	v47 =	vadd.s32 v26, v42;
	v53 =	vadd.s32 v63, v45;
	v12 =	vld [tilespmem:s30+$0xFFFFFFC0]  }
0x8b7: {  	v26 =	vmovc v57;
	v63 =	vadd.s32 v51, v43;
	v6 =	vadd.f32 v6, v35;
	v52 =	vadd.s32 v25, v45;
	v2 =	vld [tilespmem:s30+$0xFFFFFF80]  }
0x8b8: {  	v54 =	vadd.s32 v57, v44;
	v32 =	vmovc v0;
	v16 =	vadd.s32 v0, v42;
	v0 =	vadd.s32 v29, v19;
	v13 =	vld [tilespmem:s30+$0xFFFFFE40]  }
0x8b9: {  	s0 =	simm.s32 $0x10;
	s12 =	simm.s32 $0xE9F0;
	v29 =	vmovc v25;
	v30 =	vld [tilespmem:$0x1FEC0];
	v27 =	vmovc v4;
	v4 =	vadd.s32 v4, v39;
	v28 =	vmov v7;
	v51 =	vadd.s32 v7, v41  }
.LBB2_35:
0x8ba: {  	_ = 	snop  }
0x8bb: {  	s14 =	smov.u32 s0;
	[tilespmem:v59+s11+$0x0] =	vst.idx.msk $0xffff, v8  }
0x8bc: {  	v7 =	vld [tilespmem:$0x1FE30];
	[tilespmem:v3+s11+$0x0] =	vst.idx.msk $0xffff, v14;
	s17 =	sadd.s32 $0x2, s14  }
0x8bd: {  	[tilespmem:v11+s11+$0x0] =	vst.idx.msk $0xffff, v17;
	v8 =	vld [tilespmem:s12+$0xFFFFFF90];
	v17 =	vmov s17;
	v3 =	vadd.f32 v15, v33  }
0x8be: {  	v22 =	vadd.s32 v30, v37;
	[tilespmem:v16+s11+$0x0] =	vst.idx.msk $0xffff, v62;
	v21 =	vld [tilespmem:s29+$0xFFFFFEB0];
	v16 =	vshrl.u32 v17, $0x3;
	v13 =	vadd.f32 v13, v33  }
0x8bf: {  	v19 =	vmov s14;
	v12 =	vadd.f32 v12, v33;
	[tilespmem:v9+s11+$0x0] =	vst.idx.msk $0xffff, v3;
	v9 =	vshll.u32 v16, v1;
	v16 =	vld [tilespmem:s29+$0xFFFFFFA0]  }
0x8c0: {  	[tilespmem:v5+s11+$0x0] =	vst.idx.msk $0xffff, v13;
	v13 =	vshrl.u32 v19, $0x3;
	v19 =	vld [tilespmem:$0x1FE90]  }
0x8c1: {  	[tilespmem:v10+s11+$0x0] =	vst.idx.msk $0xffff, v12;
	v12 =	vld [tilespmem:s29+$0xFFFFFE70]  }
0x8c2: {  	v18 =	vld [tilespmem:s12+$0xFFFFFE50];
	s15 =	sadd.s32 $0x4, s14;
	v3 =	vadd.f32 v2, v33  }
0x8c3: {  	v37 =	vmov v39;
	v14 =	vmov s15;
	v23 =	vld [tilespmem:s12+$0xFFFFFE90];
	[tilespmem:v22+s11+$0x0] =	vst.idx.msk $0xffff, v61;
	v39 =	vbroadcast v9, $0x0  }
0x8c4: {  	v17 =	vld [tilespmem:s29+$0xFFFFFF60];
	v10 =	vshrl.u32 v14, $0x3;
	[tilespmem:v60+s11+$0x0] =	vst.idx.msk $0xffff, v3  }
0x8c5: {  	v59 =	vld [tilespmem:$0x1FE80];
	v3 =	vshll.u32 v10, v1;
	v10 =	vadd.f32 v21, v34;
	v19 =	vadd.s32 v19, v39  }
0x8c6: {  	v57 =	vadd.s32 v7, v44;
	v7 =	vld [tilespmem:$0x1FFF0];
	[tilespmem:v63+s11+$0x0] =	vst.idx.msk $0xffff, v6;
	v12 =	vadd.f32 v12, v34  }
0x8c7: {  	s31 =	sadd.s32 $0x1, s14;
	v6 =	vld [tilespmem:$0x1FF10];
	[tilespmem:v4+s11+$0x0] =	vst.idx.msk $0xffff, v10  }
0x8c8: {  	v11 =	vmov s31;
	v60 =	vld [tilespmem:s12+$0xFFFFFF10];
	[tilespmem:v0+s11+$0x0] =	vst.idx.msk $0xffff, v12;
	v12 =	vadd.f32 v23, v36  }
0x8c9: {  	s30 =	sadd.s32 $0x6, s14;
	v11 =	vshrl.u32 v11, $0x3;
	v0 =	vld [tilespmem:s29+$0xFFFFFEC0]  }
0x8ca: {  	s13 =	sadd.s32 $0x7, s0;
	v3 =	vbroadcast v3, $0x0;
	v4 =	vadd.f32 v18, v36;
	v18 =	vmov s30;
	[tilespmem:v19+s11+$0x0] =	vst.idx.msk $0xffff, v12;
	v19 =	vld [tilespmem:$0x1FF80]  }
0x8cb: {  	v24 =	vld [tilespmem:s29+$0xFFFFFF30];
	v20 =	vmov s13;
	v2 =	vshll.u32 v11, v1;
	v18 =	vshrl.u32 v18, $0x3  }
0x8cc: {  	v62 =	vld [tilespmem:$0x1FE60];
	v2 =	vbroadcast v2, $0x0;
	v6 =	vadd.s32 v6, v3;
	v18 =	vshll.u32 v18, v1  }
0x8cd: {  	v25 =	vld [tilespmem:s12+$0xFFFFFFD0];
	v11 =	vshrl.u32 v20, $0x3;
	v18 =	vbroadcast v18, $0x0  }
0x8ce: {  	v14 =	vld [tilespmem:$0x1FE50];
	v11 =	vshll.u32 v11, v1;
	v20 =	vadd.s32 v59, v2;
	v7 =	vadd.s32 v7, v40  }
0x8cf: {  	v21 =	vadd.f32 v60, v36;
	v59 =	vadd.s32 v19, v18;
	v19 =	vbroadcast v11, $0x0;
	v11 =	vld [tilespmem:$0x1FF20]  }
0x8d0: {  	v5 =	vld [tilespmem:s12+$0xFFFFFE10];
	[tilespmem:v55+s11+$0x0] =	vst.idx.msk $0xffff, v48  }
0x8d1: {  	v24 =	vadd.f32 v24, v34;
	v55 =	vld [tilespmem:s29+$0xFFFFFE20];
	[tilespmem:v6+s11+$0x0] =	vst.idx.msk $0xffff, v21  }
0x8d2: {  	s16 =	sadd.s32 $0x5, s14;
	[tilespmem:v53+s11+$0x0] =	vst.idx.msk $0xffff, v49;
	v12 =	vld [tilespmem:s12+$0xFFFFFF20]  }
0x8d3: {  	v15 =	vmov s16;
	v14 =	vadd.s32 v14, v2;
	[tilespmem:v7+s11+$0x0] =	vst.idx.msk $0xffff, v24;
	v24 =	vld [tilespmem:$0x1FF70]  }
0x8d4: {  	v49 =	vadd.f32 v25, v36;
	v16 =	vadd.f32 v16, v35;
	v25 =	vadd.s32 v11, v3;
	v11 =	vld [tilespmem:$0x1FF50]  }
0x8d5: {  	v15 =	vshrl.u32 v15, $0x3;
	v9 =	vld [tilespmem:s12+$0xFFFFFF50]  }
0x8d6: {  	v15 =	vshll.u32 v15, v1;
	[tilespmem:v58+s11+$0x0] =	vst.idx.msk $0xffff, v16;
	v16 =	vld [tilespmem:s29+$0xFFFFFFE0]  }
0x8d7: {  	v23 =	vld [tilespmem:s29+$0xFFFFFE80];
	v6 =	vbroadcast v15, $0x0  }
0x8d8: {  	v17 =	vadd.f32 v17, v35;
	[tilespmem:v14+s11+$0x0] =	vst.idx.msk $0xffff, v4;
	v14 =	vld [tilespmem:$0x1FF30]  }
0x8d9: {  	s14 =	sadd.s32 $0x3, s14;
	v60 =	vadd.s32 v24, v42;
	v42 =	vmov v6;
	v11 =	vadd.s32 v11, v6;
	v6 =	vld [tilespmem:$0x1FE10]  }
0x8da: {  	v61 =	vmov s14;
	[tilespmem:v47+s11+$0x0] =	vst.idx.msk $0xffff, v17;
	v15 =	vld [tilespmem:s29+$0xFFFFFFB0]  }
0x8db: {  	v22 =	vshrl.u32 v61, $0x3;
	v13 =	vshll.u32 v13, v1;
	v7 =	vld [tilespmem:s29+$0xFFFFFF70]  }
0x8dc: {  	v22 =	vshll.u32 v22, v1;
	v13 =	vbroadcast v13, $0x0;
	v5 =	vadd.f32 v5, v36  }
0x8dd: {  	v21 =	vadd.s32 v62, v2;
	v62 =	vadd.f32 v9, v36;
	v16 =	vadd.f32 v16, v35  }
0x8de: {  	v10 =	vld [tilespmem:s12+$0xFFFFFED0];
	v48 =	vmovc v5;
	v9 =	vadd.f32 v55, v35;
	v55 =	vadd.s32 v6, v13;
	v6 =	vadd.f32 v23, v33  }
0x8df: {  	v5 =	vbroadcast v22, $0x0;
	v61 =	vadd.f32 v0, v33;
	[tilespmem:v56+s11+$0x0] =	vst.idx.msk $0xffff, v16;
	v22 =	vadd.s32 v14, v40;
	v14 =	vld [tilespmem:s12+$0xFFFFFE60]  }
0x8e0: {  	v0 =	vadd.f32 v15, v34;
	[tilespmem:v38+s11+$0x0] =	vst.idx.msk $0xffff, v6;
	v6 =	vadd.f32 v7, v34;
	v7 =	vld [tilespmem:$0x1FF90]  }
0x8e1: {  	v17 =	vld [tilespmem:s29+$0xFFFFFFF0]  }
0x8e2: {  	[tilespmem:v51+s11+$0x0] =	vst.idx.msk $0xffff, v0;
	v0 =	vld [tilespmem:$0x1FFE0]  }
0x8e3: {  	v40 =	vmov v3;
	v3 =	vld [tilespmem:$0x1FED0]  }
0x8e4: {  	v47 =	vmov v11;
	v11 =	vld [tilespmem:s29+$0xFFFFFF40]  }
0x8e5: {  	v58 =	vadd.s32 v7, v18;
	v7 =	vld [tilespmem:$0x1FF00];
	_ =	sdelay $0x2  }
0x8e6: {  	v4 =	vadd.f32 v10, v36;
	v10 =	vld [tilespmem:s29+$0xFFFFFEF0];
	v16 =	vadd.s32 v3, v5  }
0x8e7: {  	[tilespmem:v54+s11+$0x0] =	vst.idx.msk $0xffff, v9;
	v15 =	vadd.f32 v17, v34;
	v3 =	vld [tilespmem:$0x1FEF0]  }
0x8e8: {  	v9 =	vadd.s32 v7, v43;
	v7 =	vadd.f32 v11, v33;
	v11 =	vadd.s32 v0, v45;
	v0 =	vld [tilespmem:$0x1FFC0]  }
0x8e9: {  	v63 =	vld [tilespmem:$0x1FFB0]  }
0x8ea: {  	v24 =	vadd.f32 v12, v35;
	v12 =	vld [tilespmem:s12+$0xFFFFFEA0];
	[tilespmem:v52+s11+$0x0] =	vst.idx.msk $0xffff, v15  }
0x8eb: {  	v10 =	vadd.f32 v10, v34;
	v17 =	vld [tilespmem:s29+$0x0];
	[tilespmem:v16+s11+$0x0] =	vst.idx.msk $0xffff, v4  }
0x8ec: {  	v56 =	vadd.s32 v3, v5;
	v16 =	vld [tilespmem:s12+$0xFFFFFEE0];
	v45 =	vmov v19  }
0x8ed: {  	[tilespmem:v46+s11+$0x0] =	vst.idx.msk $0xffff, v10;
	v46 =	vmov v56;
	v56 =	vadd.s32 v0, v45;
	v0 =	vld [tilespmem:$0x1FE00]  }
0x8ee: {  	v4 =	vld [tilespmem:s29+$0xFFFFFE30]  }
0x8ef: {  	v3 =	vld [tilespmem:$0x1FEA0];
	v23 =	vadd.f32 v14, v35;
	_ =	sdelay $0x1  }
0x8f0: {  	v8 =	vadd.f32 v8, v36;
	[tilespmem:v21+s11+$0x0] =	vst.idx.msk $0xffff, v23;
	v43 =	vmov v5;
	v5 =	vld [tilespmem:$0x1FEE0]  }
0x8f1: {  	v53 =	vadd.s32 v63, v19;
	[tilespmem:v22+s11+$0x0] =	vst.idx.msk $0xffff, v7;
	v10 =	vadd.s32 v0, v41;
	v0 =	vld [tilespmem:$0x1FE40]  }
0x8f2: {  	p0 =	slt.u32 s0, $0x78;
	v17 =	vadd.f32 v17, v33;
	v4 =	vadd.f32 v4, v34;
	[tilespmem:v25+s11+$0x0] =	vst.idx.msk $0xffff, v24;
	v25 =	vld [tilespmem:$0x1FF60]  }
.Ltmp16:
0x8f3: {  	v14 =	vadd.f32 v12, v35;
	[tilespmem:v50+s11+$0x0] =	vst.idx.msk $0xffff, v6;
	v3 =	vadd.s32 v3, v39;
	(pc) =	sbr.rel @p0 .LBB2_35-.Ltmp16, $4  }
0x8f4: {  	v12 =	vld [tilespmem:s29+$0xFFFFFFC0];
	v6 =	vadd.f32 v16, v35;
	v16 =	vadd.s32 v32, v42;
	[tilespmem:v57+s11+$0x0] =	vst.idx.msk $0xffff, v4  }
0x8f5: {  	v15 =	vld [tilespmem:s29+$0xFFFFFF00];
	v4 =	vadd.s32 v27, v39;
	v52 =	vadd.s32 v29, v45;
	v63 =	vadd.s32 v5, v43  }
0x8f6: {  	v41 =	vmovc v18;
	v5 =	vadd.s32 v0, v44;
	v44 =	vmov v13;
	v0 =	vadd.s32 v31, v2;
	v2 =	vld [tilespmem:s29+$0xFFFFFF80]  }
0x8f7: {  	s0 =	sadd.s32 $0x8, s0;
	v38 =	vmovc v20;
	v50 =	vadd.s32 v25, v42;
	v51 =	vadd.s32 v28, v41;
	v13 =	vld [tilespmem:s29+$0xFFFFFE40];
	s29 =	smov.u32 s12;
	s12 =	sadd.s32 $0x200, s12;
	v54 =	vadd.s32 v26, v44  }
0x8f8: {  	_ =	sdelay $0x3  }
0x8f9: {  	[tilespmem:v59+s11+$0x0] =	vst.idx.msk $0xffff, v8  }
0x8fa: {  	[tilespmem:v3+s11+$0x0] =	vst.idx.msk $0xffff, v14  }
0x8fb: {  	[tilespmem:v53+s11+$0x0] =	vst.idx.msk $0xffff, v49  }
0x8fc: {  	[tilespmem:v11+s11+$0x0] =	vst.idx.msk $0xffff, v17  }
0x8fd: {  	[tilespmem:v16+s11+$0x0] =	vst.idx.msk $0xffff, v62;
	v7 =	vld [tilespmem:s29+$0xFFFFFFE0]  }
0x8fe: {  	v18 =	vadd.s32 v30, v37;
	[tilespmem:v55+s11+$0x0] =	vst.idx.msk $0xffff, v48;
	v19 =	vadd.f32 v12, v33  }
0x8ff: {  	[tilespmem:v63+s11+$0x0] =	vst.idx.msk $0xffff, v6;
	v3 =	vadd.f32 v15, v33  }
0x900: {  	v2 =	vadd.f32 v2, v33;
	[tilespmem:v10+s11+$0x0] =	vst.idx.msk $0xffff, v19  }
0x901: {  	[tilespmem:v9+s11+$0x0] =	vst.idx.msk $0xffff, v3  }
0x902: {  	[tilespmem:v60+s11+$0x0] =	vst.idx.msk $0xffff, v2;
	v7 =	vadd.f32 v7, v35  }
0x903: {  	v3 =	vld [tilespmem:s29+$0xFFFFFFA0];
	[tilespmem:v18+s11+$0x0] =	vst.idx.msk $0xffff, v61  }
0x904: {  	v20 =	vld [tilespmem:s29+$0xFFFFFF60];
	[tilespmem:v56+s11+$0x0] =	vst.idx.msk $0xffff, v7  }
0x905: {  	v28 =	vld [tilespmem:$0x1FFF0]  }
0x906: {  	v21 =	vld [tilespmem:s29+$0xFFFFFE70]  }
0x907: {  	v2 =	vld [tilespmem:s29+$0xFFFFFE20]  }
0x908: {  	v22 =	vld [tilespmem:s29+$0xFFFFFF30];
	v3 =	vadd.f32 v3, v35  }
0x909: {  	v23 =	vadd.f32 v20, v35;
	v7 =	vld [tilespmem:s29+$0xFFFFFFF0]  }
0x90a: {  	v31 =	vadd.f32 v13, v33;
	[tilespmem:v58+s11+$0x0] =	vst.idx.msk $0xffff, v3;
	v3 =	vld [tilespmem:s29+$0xFFFFFEF0];
	v29 =	vadd.s32 v28, v40  }
0x90b: {  	v36 =	vadd.f32 v21, v34;
	[tilespmem:v47+s11+$0x0] =	vst.idx.msk $0xffff, v23  }
0x90c: {  	[tilespmem:v5+s11+$0x0] =	vst.idx.msk $0xffff, v31;
	v2 =	vadd.f32 v2, v35  }
0x90d: {  	v8 =	vadd.f32 v22, v34;
	[tilespmem:v0+s11+$0x0] =	vst.idx.msk $0xffff, v36  }
0x90e: {  	v6 =	vld [tilespmem:s29+$0xFFFFFF70];
	[tilespmem:v54+s11+$0x0] =	vst.idx.msk $0xffff, v2;
	v2 =	vadd.f32 v7, v34  }
0x90f: {  	v32 =	vld [tilespmem:s29+$0xFFFFFFB0];
	v3 =	vadd.f32 v3, v34;
	[tilespmem:v29+s11+$0x0] =	vst.idx.msk $0xffff, v8  }
0x910: {  	v59 =	vld [tilespmem:$0x1FE30];
	[tilespmem:v52+s11+$0x0] =	vst.idx.msk $0xffff, v2  }
0x911: {  	v37 =	vld [tilespmem:s29+$0xFFFFFEB0];
	[tilespmem:v46+s11+$0x0] =	vst.idx.msk $0xffff, v3  }
0x912: {  	v52 =	vld [tilespmem:$0x1FF30]  }
0x913: {  	v0 =	vld [tilespmem:s29+$0xFFFFFE30]  }
0x914: {  	v5 =	vld [tilespmem:s29+$0xFFFFFE80];
	v48 =	vadd.f32 v32, v34  }
0x915: {  	v8 =	vld [tilespmem:s29+$0xFFFFFF40];
	v2 =	vadd.f32 v6, v34;
	v47 =	vadd.s32 v59, v44  }
0x916: {  	v49 =	vadd.f32 v37, v34;
	v3 =	vld [tilespmem:s29+$0x0];
	[tilespmem:v51+s11+$0x0] =	vst.idx.msk $0xffff, v48  }
0x917: {  	v9 =	vld [tilespmem:$0x1FFE0];
	[tilespmem:v50+s11+$0x0] =	vst.idx.msk $0xffff, v2;
	v10 =	vadd.s32 v52, v40  }
0x918: {  	v0 =	vadd.f32 v0, v34;
	v53 =	vld [tilespmem:s29+$0xFFFFFF00];
	[tilespmem:v4+s11+$0x0] =	vst.idx.msk $0xffff, v49  }
0x919: {  	v54 =	vadd.f32 v5, v33;
	v55 =	vld [tilespmem:$0x1FF00]  }
0x91a: {  	v58 =	vld [tilespmem:$0x1FE00];
	v8 =	vadd.f32 v8, v33;
	[tilespmem:v47+s11+$0x0] =	vst.idx.msk $0xffff, v0  }
0x91b: {  	v0 =	vld [tilespmem:$0x1FF70];
	[tilespmem:v38+s11+$0x0] =	vst.idx.msk $0xffff, v54  }
0x91c: {  	v57 =	vld [tilespmem:s29+$0xFFFFFEC0];
	[tilespmem:v10+s11+$0x0] =	vst.idx.msk $0xffff, v8  }
0x91d: {  	v9 =	vadd.s32 v9, v45;
	v10 =	vld [tilespmem:$0x1FE40]  }
0x91e: {  	v62 =	vadd.s32 v30, v39;
	v2 =	vld [tilespmem:s29+$0xFFFFFFC0]  }
0x91f: {  	v56 =	vld [tilespmem:s29+$0xFFFFFF80];
	v5 =	vadd.s32 v55, v43  }
0x920: {  	v3 =	vadd.f32 v3, v33;
	v13 =	vadd.s32 v58, v41;
	v60 =	vld [tilespmem:s29+$0xFFFFFE40]  }
0x921: {  	v63 =	vadd.f32 v57, v33;
	v0 =	vadd.s32 v0, v42  }
0x922: {  	v61 =	vadd.f32 v53, v33;
	[tilespmem:v9+s11+$0x0] =	vst.idx.msk $0xffff, v3;
	v10 =	vadd.s32 v10, v44  }
0x923: {  	v2 =	vadd.f32 v2, v33;
	[tilespmem:v62+s11+$0x0] =	vst.idx.msk $0xffff, v63  }
0x924: {  	v3 =	vadd.f32 v56, v33;
	[tilespmem:v5+s11+$0x0] =	vst.idx.msk $0xffff, v61  }
0x925: {  	[tilespmem:v13+s11+$0x0] =	vst.idx.msk $0xffff, v2;
	v2 =	vadd.f32 v60, v33  }
0x926: {  	[tilespmem:v0+s11+$0x0] =	vst.idx.msk $0xffff, v3  }
0x927: {  	[tilespmem:v10+s11+$0x0] =	vst.idx.msk $0xffff, v2  }
0x928: {  	s0 =	rddreg [dreg:$0xc]  }
0x929: {  	s12 =	sadd.s32 s26, s0;
	s26 =	simm.s32 $0x12800  }
0x92a: {  	[hbm4b:s12+s3] =	stream.linear.scatter [tilespmem:s26], [sflag:$0x6], $0x80, $0x38;
	[tilespmem:$0x14E00] =	vst v63  }
0x92b: {  	s29 =	simm.s32 $0x12890;
	s13 =	sadd.s32 $0x10, s12  }
0x92c: {  	[hbm4b:s13+s3] =	stream.linear.scatter [tilespmem:s29], [sflag:$0x6], $0x80, $0x38;
	[tilespmem:$0x14E00] =	vst v63  }
0x92d: {  	s30 =	simm.s32 $0x12920;
	s14 =	simm.s32 $0x129B0;
	s31 =	sadd.s32 $0x20, s12  }
0x92e: {  	[hbm4b:s31+s3] =	stream.linear.scatter [tilespmem:s30], [sflag:$0x6], $0x80, $0x38;
	[tilespmem:$0x14E00] =	vst v63  }
0x92f: {  	s16 =	simm.s32 $0x12A40;
	s0 =	simm.s32 $0x480;
	s15 =	sadd.s32 $0x30, s12  }
0x930: {  	[hbm4b:s15+s3] =	stream.linear.scatter [tilespmem:s14], [sflag:$0x6], $0x80, $0x38;
	[tilespmem:$0x14E00] =	vst v63  }
0x931: {  	s17 =	sadd.s32 $0x40, s12;
	s26 =	simm.s32 $0x12AD0;
	s29 =	sadd.s32 $0x50, s12  }
0x932: {  	[hbm4b:s17+s3] =	stream.linear.scatter [tilespmem:s16], [sflag:$0x6], $0x80, $0x38;
	[tilespmem:$0x14E00] =	vst v63  }
0x933: {  	s13 =	simm.s32 $0x2400;
	s30 =	simm.s32 $0x12B60;
	s31 =	sadd.s32 $0x60, s12  }
0x934: {  	[hbm4b:s29+s3] =	stream.linear.scatter [tilespmem:s26], [sflag:$0x6], $0x80, $0x38;
	[tilespmem:$0x14E00] =	vst v63  }
0x935: {  	s14 =	simm.s32 $0x12BF0;
	s15 =	sadd.s32 $0x70, s12;
	s12 =	sadd.s32 $0x1000, s12  }
0x936: {  	v50 =	vmov v28;
	[hbm4b:s31+s3] =	stream.linear.scatter [tilespmem:s30], [sflag:$0x6], $0x80, $0x38;
	[tilespmem:$0x14E00] =	vst v63  }
.LBB2_37:
0x937: {  	[hbm4b:s15+s3] =	stream.linear.scatter [tilespmem:s14], [sflag:$0x6], $0x80, $0x38;
	[tilespmem:$0x14E00] =	vst v63  }
0x938: {  	s14 =	smov.u32 s0;
	s0 =	smov.u32 s13  }
0x939: {  	s16 =	sadd.s32 $0x1200, s13;
	s0 =	sshra.s32 s0, $0x2;
	s15 =	sadd.s32 $0x12800, s14  }
0x93a: {  	[hbm4b:s12+s3] =	stream.linear.scatter [tilespmem:s15], [sflag:$0x6], $0x80, $0x38;
	[tilespmem:$0x14E00] =	vst v63  }
0x93b: {  	p0 =	sne.s32 s13, $0x7E00;
	s13 =	sadd.s32 $0x12890, s14;
	s15 =	sadd.s32 $0x10, s12  }
0x93c: {  	[hbm4b:s15+s3] =	stream.linear.scatter [tilespmem:s13], [sflag:$0x6], $0x80, $0x38;
	[tilespmem:$0x14E00] =	vst v63  }
0x93d: {  	s13 =	sadd.s32 $0x12920, s14;
	s15 =	sadd.s32 $0x20, s12  }
0x93e: {  	[hbm4b:s15+s3] =	stream.linear.scatter [tilespmem:s13], [sflag:$0x6], $0x80, $0x38;
	[tilespmem:$0x14E00] =	vst v63  }
0x93f: {  	s13 =	sadd.s32 $0x129B0, s14;
	s15 =	sadd.s32 $0x30, s12  }
0x940: {  	[hbm4b:s15+s3] =	stream.linear.scatter [tilespmem:s13], [sflag:$0x6], $0x80, $0x38;
	[tilespmem:$0x14E00] =	vst v63  }
0x941: {  	s13 =	sadd.s32 $0x12A40, s14;
	s15 =	sadd.s32 $0x40, s12  }
0x942: {  	[hbm4b:s15+s3] =	stream.linear.scatter [tilespmem:s13], [sflag:$0x6], $0x80, $0x38;
	[tilespmem:$0x14E00] =	vst v63  }
.Ltmp17:
0x943: {  	s13 =	sadd.s32 $0x12AD0, s14;
	s15 =	sadd.s32 $0x50, s12;
	(pc) =	sbr.rel @p0 .LBB2_37-.Ltmp17, $4  }
0x944: {  	[hbm4b:s15+s3] =	stream.linear.scatter [tilespmem:s13], [sflag:$0x6], $0x80, $0x38;
	[tilespmem:$0x14E00] =	vst v63  }
0x945: {  	s13 =	sadd.s32 $0x12B60, s14;
	s15 =	sadd.s32 $0x60, s12;
	s14 =	sadd.s32 $0x12BF0, s14  }
0x946: {  	[hbm4b:s15+s3] =	stream.linear.scatter [tilespmem:s13], [sflag:$0x6], $0x80, $0x38;
	[tilespmem:$0x14E00] =	vst v63  }
0x947: {  	s15 =	sadd.s32 $0x70, s12;
	s12 =	sadd.s32 $0x1000, s12;
	s13 =	smov.u32 s16  }
0x948: {  	[hbm4b:s15+s3] =	stream.linear.scatter [tilespmem:s14], [sflag:$0x6], $0x80, $0x38;
	[tilespmem:$0x14E00] =	vst v63  }
0x949: {  	s13 =	sadd.s32 $0x12800, s0  }
0x94a: {  	[hbm4b:s12+s3] =	stream.linear.scatter [tilespmem:s13], [sflag:$0x6], $0x80, $0x38;
	[tilespmem:$0x14E00] =	vst v63  }
0x94b: {  	s14 =	sadd.s32 $0x12890, s0;
	s15 =	sadd.s32 $0x10, s12  }
0x94c: {  	[hbm4b:s15+s3] =	stream.linear.scatter [tilespmem:s14], [sflag:$0x6], $0x80, $0x38;
	[tilespmem:$0x14E00] =	vst v63  }
0x94d: {  	s16 =	sadd.s32 $0x12920, s0;
	s17 =	sadd.s32 $0x20, s12  }
0x94e: {  	[hbm4b:s17+s3] =	stream.linear.scatter [tilespmem:s16], [sflag:$0x6], $0x80, $0x38;
	[tilespmem:$0x14E00] =	vst v63  }
0x94f: {  	s26 =	sadd.s32 $0x129B0, s0;
	s29 =	sadd.s32 $0x30, s12  }
0x950: {  	[hbm4b:s29+s3] =	stream.linear.scatter [tilespmem:s26], [sflag:$0x6], $0x80, $0x38;
	[tilespmem:$0x14E00] =	vst v63  }
0x951: {  	s30 =	sadd.s32 $0x12A40, s0;
	s31 =	sadd.s32 $0x40, s12  }
0x952: {  	v18 =	vld [tilespmem:$0x1FE20];
	[hbm4b:s31+s3] =	stream.linear.scatter [tilespmem:s30], [sflag:$0x6], $0x80, $0x38  }
0x953: {  	s24 =	sadd.s32 $0x1, s24;
	v19 =	vld [tilespmem:$0x1FE50];
	s14 =	sadd.s32 $0x12AD0, s0;
	s15 =	sadd.s32 $0x50, s12  }
0x954: {  	v32 =	vld [tilespmem:$0x1FE60];
	[hbm4b:s15+s3] =	stream.linear.scatter [tilespmem:s14], [sflag:$0x6], $0x80, $0x38  }
0x955: {  	v48 =	vld [tilespmem:$0x1FE70];
	p0 =	sne.s32 s24, $0x19;
	s16 =	sadd.s32 $0x12B60, s0;
	s17 =	sadd.s32 $0x60, s12  }
0x956: {  	v20 =	vld [tilespmem:$0x1FE80];
	[hbm4b:s17+s3] =	stream.linear.scatter [tilespmem:s16], [sflag:$0x6], $0x80, $0x38  }
.Ltmp18:
0x957: {  	v23 =	vld [tilespmem:$0x1FE90];
	(pc) =	sbr.rel @p0 .LBB2_6-.Ltmp18, $4  }
0x958: {  	v28 =	vld [tilespmem:$0x1FED0];
	s26 =	sadd.s32 $0x12BF0, s0;
	s29 =	sadd.s32 $0x70, s12;
	s30 =	sshll.u32 s28, $0x5  }
0x959: {  	v30 =	vld [tilespmem:$0x1FF10];
	[hbm4b:s29+s3] =	stream.linear.scatter [tilespmem:s26], [sflag:$0x6], $0x80, $0x38  }
0x95a: {  	v31 =	vld [tilespmem:$0x1FF20];
	s31 =	simm.s32 $0x14D00;
	s0 =	sadd.s32 s6, s30  }
0x95b: {  	v29 =	vld [tilespmem:$0x1FF80];
	[tilespmem:s31], [sflag:$0x2] =	stream.linear.gather [hbm4b:s0+s3], $0x100, $0x38  }
0x95c: {  	_ =	swait.ge [sflag:s10], $0x200  }
0x95d: {  	[sflag:s10] =	ssyncset.done $0x0  }
0x95e: {  	[sflag:s10] =	ssyncadd.s32 $0xFFFFFE00  }
0x95f: {  	_ =	swait.ge [sflag:s10], $0x100  }
0x960: {  	[sflag:s10] =	ssyncset.done $0x0  }
0x961: {  	[sflag:s10] =	ssyncadd.s32 $0xFFFFFF00  }
0x962: {  	_ =	swait.ge [sflag:s2], $0x2000  }
0x963: {  	[sflag:s2] =	ssyncset.done $0x0  }
0x964: {  	[sflag:s2] =	ssyncadd.s32 $0xFFFFE000  }
0x965: {  	_ =	swait.ge [sflag:s2], $0x2000  }
0x966: {  	[sflag:s2] =	ssyncset.done $0x0  }
0x967: {  	[sflag:s2] =	ssyncadd.s32 $0xFFFFE000  }
0x968: {  	_ =	swait.ge [sflag:s2], $0x2000  }
0x969: {  	[sflag:s2] =	ssyncset.done $0x0  }
0x96a: {  	[sflag:s2] =	ssyncadd.s32 $0xFFFFE000  }
0x96b: {  	_ =	swait.ge [sflag:s2], $0x2000  }
0x96c: {  	[sflag:s2] =	ssyncset.done $0x0  }
0x96d: {  	[sflag:s2] =	ssyncadd.s32 $0xFFFFE000  }
0x96e: {  	_ =	swait.ge [sflag:s8], $0x2000  }
0x96f: {  	[sflag:s8] =	ssyncset.done $0x0  }
0x970: {  	[sflag:s8] =	ssyncadd.s32 $0xFFFFE000  }
0x971: {  	_ =	swait.ge [sflag:s1], $0x2000  }
0x972: {  	s12 =	rddreg [dreg:$0xe]  }
0x973: {  	s0 =	rddreg [dreg:$0xd];
	s12 =	sadd.s32 $0x1, s12  }
0x974: {  	p0 =	sne.s32 s12, s0  }
.Ltmp19:
0x975: {  	_ = 	snop;
	(pc) =	sbr.rel @p0 .LBB2_1-.Ltmp19, $3  }
0x976: {  	_ =	sdelay $0x1  }
0x977: {  	[sflag:s1] =	ssyncset.done $0x0  }
0x978: {  	s16 =	rddreg [dreg:$0xf];
	[sflag:s1] =	ssyncadd.s32 $0xFFFFE000  }
0x979: {  	_ =	sfence.sel $0x180000  }
0x97a: {  	[bflag:$0x0] =	sbarrier.arrive $0xFFFF  }
0x97b: {  	_ =	strace $0x90000047  }
0x97c: {  	s0 =	stileid.u32;
	[bflag:$0x2] =	sbarrier.arrive $0xFFFF  }
0x97d: {  	p0 =	sne.s32 s0, $0x0;
	s0 =	rddreg [dreg:$0x2]  }
0x97e: {  	s0 =	sadd.s32 @!p0 $0x100000, s0  }
0x97f: {  	[sflag:s0] =	ssyncadd.tile.s32 @!p0 $0x1;
	_ =	shalt  }
.Lfunc_end2:
_tile_overlayer_lowered:
.L_overlay_start_2:
0x980: {  	(tag) =	ssettag $0x2  }
0x981: {  	s0 =	rddreg [dreg:$0x0];
	s2 =	stileid.u32  }
0x982: {  	s1 =	rddreg [dreg:$0x1];
	p0 =	sne.s32 s2, $0x0  }
0x983: {  	s3 =	rddreg [dreg:$0x2];
	[bflag:$0x3] =	sbarrier.arrive $0xFFFF;
	s2 =	simm.s32 @!p0 $0x1C07  }
0x984: {  	[timem:s3], [sflag:s2] =	dma.local @!p0 [hbm:s0], s1  }
0x985: {  	s0 =	simm.s32 @!p0 $0x7  }
0x986: {  	_ =	swait.ge @!p0 [sflag:s0], s1  }
0x987: {  	s1 =	ssub.s32 @!p0 $0x0, s1;
	[sflag:s0] =	ssyncset.done @!p0 $0x0  }
0x988: {  	[sflag:s0] =	ssyncadd.s32 @!p0 s1  }
0x989: {  	[bflag:$0x3] =	sbarrier.arrive $0xFFFF  }
0x98a: {  	_ =	shalt  }

</sc_bundles>
